<compile_context>
chip_gen: v7x
topology: tpu7x:2x2x1
jax: 0.10.2.dev20260603
libtpu: 0.0.44.dev20260713+nightly
codegen_flags: <defaults>
</compile_context>

<pallas_src>
import functools

import jax
import jax.numpy as jnp
from jax import lax
from jax.experimental import pallas as pl
from jax.experimental.pallas import tpu as pltpu
from jax.experimental.pallas import tpu_sc as plsc

B, T_IN, N, C_IN = 32, 40, 50, 1
HID, OUT, K, E = 32, 64, 3, 800
NG = B * (T_IN - 2)
T1 = T_IN - 2
T2 = T_IN - 4
T3 = T_IN - 6
NP = 56
APAD = NP * NP
GPW = NG // 32
F = N * OUT
TROW = T2 * NP



def _sc_body(ei_hbm, out_hbm, ei_a, ei_b, slot_a, slot_b, sem_in, sem_oa,
             sem_ob):
    cid = lax.axis_index("c")
    sid = lax.axis_index("s")
    wid = sid * 2 + cid
    g0 = wid * GPW
    zf = jnp.zeros((16,), jnp.float32)
    ones = jnp.full((16,), 1.0, jnp.float32)
    pltpu.async_copy(ei_hbm.at[g0], ei_a, sem_in)

    def one(g, ei_v, ei_nxt, slot_v, sem_out, first):
        pltpu.make_async_copy(ei_hbm.at[g], ei_v, sem_in).wait()

        @pl.when(g + 1 < g0 + GPW)
        def _():
            pltpu.async_copy(ei_hbm.at[g + 1], ei_nxt, sem_in)

        @pl.when(jnp.logical_not(first))
        def _():
            pltpu.make_async_copy(slot_v, out_hbm.at[g], sem_out).wait()
        for i in range(APAD // 16):
            slot_v[pl.ds(i * 16, 16)] = zf
        for i in range(E // 16):
            r = ei_v[0, pl.ds(i * 16, 16)]
            c = ei_v[1, pl.ds(i * 16, 16)]
            flat = r * NP + c
            ew = jnp.where(r != c, ones, zf)
            plsc.addupdate_scatter(slot_v, [flat], ew)
        pltpu.async_copy(slot_v, out_hbm.at[g], sem_out)

    def body(j, carry):
        g = g0 + 2 * j
        one(g, ei_a, ei_b, slot_a, sem_oa, j == 0)
        one(g + 1, ei_b, ei_a, slot_b, sem_ob, j == 0)
        return carry

    lax.fori_loop(0, GPW // 2, body, 0)
    pltpu.make_async_copy(slot_a, out_hbm.at[g0], sem_oa).wait()
    pltpu.make_async_copy(slot_b, out_hbm.at[g0], sem_ob).wait()


@functools.lru_cache(maxsize=1)
def _get_sc_kernel():
    mesh = plsc.VectorSubcoreMesh(core_axis_name="c", subcore_axis_name="s")
    return pl.kernel(
        _sc_body,
        mesh=mesh,
        compiler_params=pltpu.CompilerParams(needs_layout_passes=False),
        out_type=jax.ShapeDtypeStruct((NG, APAD), jnp.float32),
        scratch_types=[
            pltpu.VMEM((2, E), jnp.int32),
            pltpu.VMEM((2, E), jnp.int32),
            pltpu.VMEM((APAD,), jnp.float32),
            pltpu.VMEM((APAD,), jnp.float32),
            pltpu.SemaphoreType.DMA,
            pltpu.SemaphoreType.DMA,
            pltpu.SemaphoreType.DMA,
        ],
    )



def _tc1_body(x_ref, w_ref, b_ref, o_ref):
    x = x_ref[0]
    a = [x[k:k + T1][:, :, None] for k in range(3)]

    def conv(j):
        acc = b_ref[j][None, None, :]
        for k in range(3):
            acc = acc + a[k] * w_ref[j, k][None, None, :]
        return acc

    P = conv(0)
    Q = conv(1)
    R = conv(2)
    H = P * (1.0 / (1.0 + jnp.exp(-Q))) + R
    o_ref[0] = jnp.maximum(H, 0.0)



def _cheb_tc2_body(a_ref, t_ref, cw_ref, cb_ref, w0_ref,
                   b_ref, st_ref, v_ref, s_ref):
    W0 = cw_ref[0]
    W1 = cw_ref[1]
    W2 = cw_ref[2]
    cb = cb_ref[...]
    X_all = t_ref[0]
    A_all = a_ref[0].reshape(T1 * NP, NP)
    deg = jnp.sum(A_all, axis=1, keepdims=True)
    safe = jnp.where(deg > 0, deg, 1.0)
    dis = jnp.where(deg > 0, lax.rsqrt(safe), 0.0)
    ndis = -dis
    dx = dis * X_all
    t1 = [jnp.dot(a_ref[0, i], dx[i * NP:(i + 1) * NP],
                  preferred_element_type=jnp.float32) for i in range(T1)]
    Tx1 = ndis * jnp.concatenate(t1, axis=0)
    dt = dis * Tx1
    t2 = [jnp.dot(a_ref[0, i], dt[i * NP:(i + 1) * NP],
                  preferred_element_type=jnp.float32) for i in range(T1)]
    Tx2 = 2.0 * (ndis * jnp.concatenate(t2, axis=0)) - X_all
    Tg = (jnp.dot(X_all, W0, preferred_element_type=jnp.float32)
          + jnp.dot(Tx1, W1, preferred_element_type=jnp.float32)
          + jnp.dot(Tx2, W2, preferred_element_type=jnp.float32) + cb)
    Tb = jnp.maximum(Tg, 0.0)

    bb = b_ref[...]
    ST = st_ref[...]
    x3 = jnp.concatenate([Tb[0:TROW], Tb[NP:NP + TROW],
                          Tb[2 * NP:2 * NP + TROW]], axis=1)
    Y = jnp.dot(x3, w0_ref[...],
                preferred_element_type=jnp.float32) + bb
    P = Y[:, 0:OUT]
    Q = Y[:, OUT:2 * OUT]
    R = Y[:, 2 * OUT:3 * OUT]
    H = jnp.maximum(P * (1.0 / (1.0 + jnp.exp(-Q))) + R, 0.0)
    HH = jnp.concatenate([H, H * H], axis=1)
    VS = jnp.dot(ST, HH, preferred_element_type=jnp.float32)
    Vf = VS[:, 0:OUT]
    S2 = VS[:, OUT:2 * OUT]
    h0 = H[0:NP]
    h1 = H[NP:2 * NP]
    h34 = H[(T2 - 2) * NP:(T2 - 1) * NP]
    h35 = H[(T2 - 1) * NP:T2 * NP]
    v_ref[0, 0] = Vf - h34 - h35
    v_ref[0, 1] = Vf - h0 - h35
    v_ref[0, 2] = Vf - h0 - h1
    s1 = jnp.sum(Vf, axis=1, keepdims=True)
    s2 = jnp.sum(S2, axis=1, keepdims=True)
    snew = jnp.concatenate([s1, s2], axis=1)
    b = pl.program_id(0)

    @pl.when(b == 0)
    def _():
        s_ref[...] = snew

    @pl.when(b > 0)
    def _():
        s_ref[...] = s_ref[...] + snew



def _final_body(v_ref, af_ref, df_ref, w3_ref, b3_ref, f1w_ref, f1b_ref,
                o_ref):
    af = af_ref[...]
    df = df_ref[...]
    acc = None
    for k in range(3):
        Vk = v_ref[:, k, :]
        U = Vk * af + float(T3) * df
        d = jnp.dot(U, w3_ref[k], preferred_element_type=jnp.float32)
        acc = d if acc is None else acc + d
    pooled = acc * (1.0 / float(T3)) + b3_ref[...]
    o_ref[...] = (jnp.dot(pooled, f1w_ref[...],
                          preferred_element_type=jnp.float32) + f1b_ref[...])



def kernel(X, edge_index, tc1_w1, tc1_b1, tc1_w2, tc1_b2, tc1_w3, tc1_b3,
           cheb_W, cheb_b, tc2_w1, tc2_b1, tc2_w2, tc2_b2, tc2_w3, tc2_b3,
           bn_gamma, bn_beta, conv3_w, conv3_b, f1_w, f1_b):
    f32 = jnp.float32
    ei = edge_index.reshape(NG, 2, E)
    A0 = _get_sc_kernel()(ei).reshape(NG, NP, NP)

    Xs = jnp.pad(X[..., 0], ((0, 0), (0, 0), (0, NP - N)))
    w1s = jnp.stack([tc1_w1[:, 0, 0, :].T, tc1_w2[:, 0, 0, :].T,
                     tc1_w3[:, 0, 0, :].T])
    b1s = jnp.stack([tc1_b1, tc1_b2, tc1_b3])
    T0 = pl.pallas_call(
        _tc1_body,
        grid=(B,),
        in_specs=[
            pl.BlockSpec((1, T_IN, NP), lambda b: (b, 0, 0)),
            pl.BlockSpec((3, 3, HID), lambda b: (0, 0, 0)),
            pl.BlockSpec((3, HID), lambda b: (0, 0)),
        ],
        out_specs=pl.BlockSpec((1, T1, NP, HID), lambda b: (b, 0, 0, 0)),
        out_shape=jax.ShapeDtypeStruct((B, T1, NP, HID), f32),
    )(Xs, w1s, b1s)

    def wcat(w):
        return jnp.transpose(w[:, :, 0, :], (2, 1, 0)).reshape(3 * HID, OUT)

    W2all = jnp.concatenate([wcat(tc2_w1), wcat(tc2_w2), wcat(tc2_w3)],
                            axis=1)
    b2all = jnp.concatenate([tc2_b1, tc2_b2, tc2_b3]).reshape(1, 3 * OUT)
    ii = jnp.arange(TROW, dtype=jnp.int32) % NP
    ST = (ii[None, :] == jnp.arange(NP, dtype=jnp.int32)[:, None]).astype(f32)
    V, S = pl.pallas_call(
        _cheb_tc2_body,
        grid=(B,),
        in_specs=[
            pl.BlockSpec((1, T1, NP, NP), lambda b: (b, 0, 0, 0)),
            pl.BlockSpec((1, T1 * NP, HID), lambda b: (b, 0, 0)),
            pl.BlockSpec((K, HID, HID), lambda b: (0, 0, 0)),
            pl.BlockSpec((1, HID), lambda b: (0, 0)),
            pl.BlockSpec((3 * HID, 3 * OUT), lambda b: (0, 0)),
            pl.BlockSpec((1, 3 * OUT), lambda b: (0, 0)),
            pl.BlockSpec((NP, TROW), lambda b: (0, 0)),
        ],
        out_specs=[
            pl.BlockSpec((1, 3, NP, OUT), lambda b: (b, 0, 0, 0)),
            pl.BlockSpec((NP, 2), lambda b: (0, 0)),
        ],
        out_shape=[
            jax.ShapeDtypeStruct((B, 3, NP, OUT), f32),
            jax.ShapeDtypeStruct((NP, 2), f32),
        ],
    )(A0.reshape(B, T1, NP, NP), T0.reshape(B, T1 * NP, HID), cheb_W,
      cheb_b.reshape(1, HID), W2all, b2all, ST)

    cnt = float(B * T2 * OUT)
    mu = S[:N, 0] / cnt
    var = S[:N, 1] / cnt - mu * mu
    sinv = lax.rsqrt(var + 1e-5)
    a = bn_gamma * sinv
    d = bn_beta - mu * a
    af = jnp.repeat(a, OUT).reshape(1, F)
    df = jnp.repeat(d, OUT).reshape(1, F)

    W3 = jnp.transpose(conv3_w[:, 0, :, :], (1, 2, 0))
    out = pl.pallas_call(
        _final_body,
        in_specs=[
            pl.BlockSpec((B, 3, F), lambda: (0, 0, 0)),
            pl.BlockSpec((1, F), lambda: (0, 0)),
            pl.BlockSpec((1, F), lambda: (0, 0)),
            pl.BlockSpec((3, F, 128), lambda: (0, 0, 0)),
            pl.BlockSpec((1, 128), lambda: (0, 0)),
            pl.BlockSpec((128, F), lambda: (0, 0)),
            pl.BlockSpec((1, F), lambda: (0, 0)),
        ],
        out_specs=pl.BlockSpec((B, F), lambda: (0, 0)),
        out_shape=jax.ShapeDtypeStruct((B, F), f32),
    )(V[:, :, :N, :].reshape(B, 3, F), af, df, W3, conv3_b.reshape(1, 128),
      f1_w, f1_b.reshape(1, F))
    return out

# --- scband reference (transcript-rebuilt; emitter-appended) ---
"""Pipeline reference for scband-stconv-18176301597614 (READ-ONLY COPY).

The authoritative reference and input builder live on the scoring server;
editing this copy changes nothing except your own understanding.
"""

import jax, jax.numpy as jnp
import numpy as np
from jax import lax

B, T_IN, N, C_IN = 32, 40, 50, 1
HID, OUT, K, E = 32, 64, 3, 800


def setup_inputs(seed: int = 0):
    key = jax.random.key(seed)
    ks = jax.random.split(key, 24)
    inp = {}
    inp["X"] = jax.random.normal(ks[0], (B, T_IN, N, C_IN), dtype=jnp.float32)
    inp["edge_index"] = jax.random.randint(ks[1], (B, T_IN - 2, 2, E), 0, N, dtype=jnp.int32)
    inp["tc1_w1"] = 0.3 * jax.random.normal(ks[2], (HID, C_IN, 1, 3), dtype=jnp.float32)
    inp["tc1_b1"] = 0.05 * jax.random.normal(ks[3], (HID,), dtype=jnp.float32)
    inp["tc1_w2"] = 0.3 * jax.random.normal(ks[4], (HID, C_IN, 1, 3), dtype=jnp.float32)
    inp["tc1_b2"] = 0.05 * jax.random.normal(ks[5], (HID,), dtype=jnp.float32)
    inp["tc1_w3"] = 0.3 * jax.random.normal(ks[6], (HID, C_IN, 1, 3), dtype=jnp.float32)
    inp["tc1_b3"] = 0.05 * jax.random.normal(ks[7], (HID,), dtype=jnp.float32)
    inp["cheb_W"] = (1.0 / np.sqrt(HID)) * jax.random.normal(ks[8], (K, HID, HID), dtype=jnp.float32)
    inp["cheb_b"] = 0.05 * jax.random.normal(ks[9], (HID,), dtype=jnp.float32)
    inp["tc2_w1"] = (1.0 / np.sqrt(3 * HID)) * jax.random.normal(ks[10], (OUT, HID, 1, 3), dtype=jnp.float32)
    inp["tc2_b1"] = 0.05 * jax.random.normal(ks[11], (OUT,), dtype=jnp.float32)
    inp["tc2_w2"] = (1.0 / np.sqrt(3 * HID)) * jax.random.normal(ks[12], (OUT, HID, 1, 3), dtype=jnp.float32)
    inp["tc2_b2"] = 0.05 * jax.random.normal(ks[13], (OUT,), dtype=jnp.float32)
    inp["tc2_w3"] = (1.0 / np.sqrt(3 * HID)) * jax.random.normal(ks[14], (OUT, HID, 1, 3), dtype=jnp.float32)
    inp["tc2_b3"] = 0.05 * jax.random.normal(ks[15], (OUT,), dtype=jnp.float32)
    inp["bn_gamma"] = 1.0 + 0.1 * jax.random.normal(ks[16], (N,), dtype=jnp.float32)
    inp["bn_beta"] = 0.1 * jax.random.normal(ks[17], (N,), dtype=jnp.float32)
    inp["conv3_w"] = (1.0 / np.sqrt(3 * N * OUT)) * jax.random.normal(ks[18], (128, 1, 3, N * OUT), dtype=jnp.float32)
    inp["conv3_b"] = 0.05 * jax.random.normal(ks[19], (128,), dtype=jnp.float32)
    inp["f1_w"] = (1.0 / np.sqrt(128.0)) * jax.random.normal(ks[20], (128, N * OUT), dtype=jnp.float32)
    inp["f1_b"] = 0.05 * jax.random.normal(ks[21], (N * OUT,), dtype=jnp.float32)
    return inp


def _conv2d(x, w, b):
    y = lax.conv_general_dilated(x, w, (1, 1), 'VALID', dimension_numbers=('NCHW', 'OIHW', 'NCHW'))
    return y + b[None, :, None, None]


def _temporal_conv(X, w1, b1, w2, b2, w3, b3):
    Xp = jnp.transpose(X, (0, 3, 2, 1))
    P = _conv2d(Xp, w1, b1)
    Q = jax.nn.sigmoid(_conv2d(Xp, w2, b2))
    H = jax.nn.relu(P * Q + _conv2d(Xp, w3, b3))
    return jnp.transpose(H, (0, 3, 2, 1))


def _cheb(x, ei, W, b):
    n = x.shape[0]
    row, col = ei[0], ei[1]
    ew = (row != col).astype(x.dtype)  # remove_self_loops
    deg = jnp.zeros((n,), x.dtype).at[row].add(ew)
    dis = jnp.where(deg > 0, lax.rsqrt(jnp.where(deg > 0, deg, 1.0)), 0.0)
    norm = -dis[row] * ew * dis[col]  # L_hat = L - I (sym norm, lambda_max=2): diag cancels

    def prop(t):
        return jnp.zeros_like(t).at[row].add(norm[:, None] * t[col])

    Tx0 = x
    out = Tx0 @ W[0]
    Tx1 = prop(Tx0)
    out = out + Tx1 @ W[1]
    for k in range(2, W.shape[0]):
        Tx2 = 2.0 * prop(Tx1) - Tx0
        out = out + Tx2 @ W[k]
        Tx0, Tx1 = Tx1, Tx2
    return out + b


def _forward(X, edge_index, tc1_w1, tc1_b1, tc1_w2, tc1_b2, tc1_w3, tc1_b3, cheb_W, cheb_b,
             tc2_w1, tc2_b1, tc2_w2, tc2_b2, tc2_w3, tc2_b3, bn_gamma, bn_beta,
             conv3_w, conv3_b, f1_w, f1_b):
    T0 = _temporal_conv(X, tc1_w1, tc1_b1, tc1_w2, tc1_b2, tc1_w3, tc1_b3)
    Bs, Tt, n, c = T0.shape
    Tf = T0.reshape(Bs * Tt, n, c)
    ei = edge_index.reshape(Bs * Tt, 2, -1)
    Tg = jax.vmap(_cheb, in_axes=(0, 0, None, None))(Tf, ei, cheb_W, cheb_b)
    T = jax.nn.relu(Tg.reshape(Bs, Tt, n, c))
    T = _temporal_conv(T, tc2_w1, tc2_b1, tc2_w2, tc2_b2, tc2_w3, tc2_b3)
    T = jnp.transpose(T, (0, 2, 1, 3))
    mean = T.mean(axis=(0, 2, 3), keepdims=True)
    var = T.var(axis=(0, 2, 3), keepdims=True)
    T = (T - mean) / jnp.sqrt(var + 1e-5)
    T = T * bn_gamma[None, :, None, None] + bn_beta[None, :, None, None]
    T = jnp.transpose(T, (0, 2, 1, 3))
    T = T.reshape(T.shape[0], T.shape[1], -1)
    T = T[:, None, :, :]
    T = _conv2d(T, conv3_w, conv3_b)
    T = jnp.squeeze(T, 3)
    T = T.mean(axis=2)  # AvgPool1d over full length then squeeze
    T = T @ f1_w + f1_b
    return T


def reference(X, edge_index, tc1_w1, tc1_b1, tc1_w2, tc1_b2, tc1_w3, tc1_b3, cheb_W, cheb_b,
              tc2_w1, tc2_b1, tc2_w2, tc2_b2, tc2_w3, tc2_b3, bn_gamma, bn_beta,
              conv3_w, conv3_b, f1_w, f1_b):
    return _forward(X, edge_index, tc1_w1, tc1_b1, tc1_w2, tc1_b2, tc1_w3, tc1_b3, cheb_W, cheb_b,
                    tc2_w1, tc2_b1, tc2_w2, tc2_b2, tc2_w3, tc2_b3, bn_gamma, bn_beta,
                    conv3_w, conv3_b, f1_w, f1_b)

if __name__ == "__main__":
    import jax
    _d = setup_inputs()
    print(jax.jit(kernel)(*tuple(_d.values())))

</pallas_src>

<mosaic_0001>
#map = affine_map<(d0, d1) -> (0, 0, 0)>
#map1 = affine_map<(d0, d1) -> (0, 0)>
module attributes {stable_mosaic.version = 14 : i64} {
  func.func @_sc_body(%arg0: i32, %arg1: i32, %arg2: memref<1216x2x800xi32, #tpu.memory_space<hbm>>, %arg3: memref<1216x3136xf32, #tpu.memory_space<hbm>>, %arg4: memref<2x800xi32, #tpu.memory_space<vmem>>, %arg5: memref<2x800xi32, #tpu.memory_space<vmem>>, %arg6: memref<3136xf32, #tpu.memory_space<vmem>>, %arg7: memref<3136xf32, #tpu.memory_space<vmem>>, %arg8: memref<!tpu.dma_semaphore, #tpu.memory_space<semaphore_mem>>, %arg9: memref<!tpu.dma_semaphore, #tpu.memory_space<semaphore_mem>>, %arg10: memref<!tpu.dma_semaphore, #tpu.memory_space<semaphore_mem>>) attributes {dimension_semantics = [#tpu.dimension_semantics<core_parallel>, #tpu.dimension_semantics<subcore_parallel>], iteration_bounds = array<i64: 2, 16>, scalar_prefetch = 0 : i64, scratch_operands = 7 : i64, tpu.core_type = #tpu.core_type<sc_vector_subcore>, window_params = [{transform_indices = #map}, {transform_indices = #map1}]} {
    %mul3A = arith.constant 2 : i32
    %mul3A_0 = arith.muli %arg1, %mul3A : i32
    %add3A = arith.addi %mul3A_0, %arg0 : i32
    %mul3A_1 = arith.constant 38 : i32
    %mul3A_2 = arith.muli %add3A, %mul3A_1 : i32
    %broadcast_in_dim3A = arith.constant 0.000000e+00 : f32
    %broadcast_in_dim3A_3 = vector.broadcast %broadcast_in_dim3A : f32 to vector<16xf32>
    %broadcast_in_dim3A_4 = arith.constant 1.000000e+00 : f32
    %broadcast_in_dim3A_5 = vector.broadcast %broadcast_in_dim3A_4 : f32 to vector<16xf32>
    %dma_start3A = arith.constant 0 : i32
    %dma_start3A_6 = arith.constant 0 : i32
    %dma_start3A_7 = tpu.memref_slice %arg2[%mul3A_2, %dma_start3A, %dma_start3A_6] : memref<1216x2x800xi32, #tpu.memory_space<hbm>> -> memref<1x2x800xi32, #tpu.memory_space<hbm>>
    %dma_start3A_8 = tpu.memref_squeeze %dma_start3A_7 : memref<1x2x800xi32, #tpu.memory_space<hbm>> -> memref<2x800xi32, #tpu.memory_space<hbm>>
    %dma_start3A_9 = arith.constant 0 : i32
    %dma_start3A_10 = arith.constant 0 : i32
    %dma_start3A_11 = tpu.memref_slice %arg2[%mul3A_2, %dma_start3A_9, %dma_start3A_10] : memref<1216x2x800xi32, #tpu.memory_space<hbm>> -> memref<1x2x800xi32, #tpu.memory_space<hbm>>
    %dma_start3A_12 = tpu.memref_squeeze %dma_start3A_11 : memref<1x2x800xi32, #tpu.memory_space<hbm>> -> memref<2x800xi32, #tpu.memory_space<hbm>>
    tpu.enqueue_dma source(%dma_start3A_12 : memref<2x800xi32, #tpu.memory_space<hbm>>) target(%arg4 : memref<2x800xi32, #tpu.memory_space<vmem>>) target_semaphore(%arg8 : memref<!tpu.dma_semaphore, #tpu.memory_space<semaphore_mem>>)
    %scan3A = arith.constant 0 : i32
    %scan3A_13 = arith.constant 0 : i32
    %scan3A_14 = arith.constant 19 : i32
    %scan3A_15 = arith.addi %scan3A_13, %scan3A_14 : i32
    %scan3A_16 = arith.constant 1 : i32
    scf.for %scan3A_29 = %scan3A_13 to %scan3A_15 step %scan3A_16  : i32 {
      %mul3A_30 = arith.constant 2 : i32
      %mul3A_31 = arith.muli %mul3A_30, %scan3A_29 : i32
      %add3A_32 = arith.addi %mul3A_2, %mul3A_31 : i32
      %eq3A = arith.constant 0 : i32
      %eq3A_33 = arith.cmpi eq, %scan3A_29, %eq3A : i32
      %dma_wait3A_34 = arith.constant 0 : i32
      %dma_wait3A_35 = arith.constant 0 : i32
      %dma_wait3A_36 = tpu.memref_slice %arg2[%add3A_32, %dma_wait3A_34, %dma_wait3A_35] : memref<1216x2x800xi32, #tpu.memory_space<hbm>> -> memref<1x2x800xi32, #tpu.memory_space<hbm>>
      %dma_wait3A_37 = tpu.memref_squeeze %dma_wait3A_36 : memref<1x2x800xi32, #tpu.memory_space<hbm>> -> memref<2x800xi32, #tpu.memory_space<hbm>>
      %dma_wait3A_38 = arith.constant 0 : i32
      %dma_wait3A_39 = arith.constant 0 : i32
      %dma_wait3A_40 = tpu.memref_slice %arg2[%add3A_32, %dma_wait3A_38, %dma_wait3A_39] : memref<1216x2x800xi32, #tpu.memory_space<hbm>> -> memref<1x2x800xi32, #tpu.memory_space<hbm>>
      %dma_wait3A_41 = tpu.memref_squeeze %dma_wait3A_40 : memref<1x2x800xi32, #tpu.memory_space<hbm>> -> memref<2x800xi32, #tpu.memory_space<hbm>>
      tpu.wait_dma2 semaphore(%arg8 : memref<!tpu.dma_semaphore, #tpu.memory_space<semaphore_mem>>) src(%dma_wait3A_41 : memref<2x800xi32, #tpu.memory_space<hbm>>) dst(%arg4 : memref<2x800xi32, #tpu.memory_space<vmem>>)
      %add3A_42 = arith.constant 1 : i32
      %add3A_43 = arith.addi %add3A_32, %add3A_42 : i32
      %add3A_44 = arith.constant 38 : i32
      %add3A_45 = arith.addi %mul3A_2, %add3A_44 : i32
      %lt3A = arith.cmpi slt, %add3A_43, %add3A_45 : i32
      %convert_element_type3A = arith.extui %lt3A : i1 to i32
      %cond3A = arith.constant 0 : i32
      %cond3A_46 = arith.cmpi ne, %convert_element_type3A, %cond3A : i32
      scf.if %cond3A_46 {
        %add3A_2268 = arith.constant 1 : i32
        %add3A_2269 = arith.addi %add3A_32, %add3A_2268 : i32
        %dma_start3A_2270 = arith.constant 0 : i32
        %dma_start3A_2271 = arith.constant 0 : i32
        %dma_start3A_2272 = tpu.memref_slice %arg2[%add3A_2269, %dma_start3A_2270, %dma_start3A_2271] : memref<1216x2x800xi32, #tpu.memory_space<hbm>> -> memref<1x2x800xi32, #tpu.memory_space<hbm>>
        %dma_start3A_2273 = tpu.memref_squeeze %dma_start3A_2272 : memref<1x2x800xi32, #tpu.memory_space<hbm>> -> memref<2x800xi32, #tpu.memory_space<hbm>>
        %dma_start3A_2274 = arith.constant 0 : i32
        %dma_start3A_2275 = arith.constant 0 : i32
        %dma_start3A_2276 = tpu.memref_slice %arg2[%add3A_2269, %dma_start3A_2274, %dma_start3A_2275] : memref<1216x2x800xi32, #tpu.memory_space<hbm>> -> memref<1x2x800xi32, #tpu.memory_space<hbm>>
        %dma_start3A_2277 = tpu.memref_squeeze %dma_start3A_2276 : memref<1x2x800xi32, #tpu.memory_space<hbm>> -> memref<2x800xi32, #tpu.memory_space<hbm>>
        tpu.enqueue_dma source(%dma_start3A_2277 : memref<2x800xi32, #tpu.memory_space<hbm>>) target(%arg5 : memref<2x800xi32, #tpu.memory_space<vmem>>) target_semaphore(%arg8 : memref<!tpu.dma_semaphore, #tpu.memory_space<semaphore_mem>>)
      } else {
      }
      %not3A = arith.constant true
      %not3A_47 = arith.xori %eq3A_33, %not3A : i1
      %convert_element_type3A_48 = arith.extui %not3A_47 : i1 to i32
      %cond3A_49 = arith.constant 0 : i32
      %cond3A_50 = arith.cmpi ne, %convert_element_type3A_48, %cond3A_49 : i32
      scf.if %cond3A_50 {
        %dma_wait3A_2268 = arith.constant 0 : i32
        %dma_wait3A_2269 = tpu.memref_slice %arg3[%add3A_32, %dma_wait3A_2268] : memref<1216x3136xf32, #tpu.memory_space<hbm>> -> memref<1x3136xf32, #tpu.memory_space<hbm>>
        %dma_wait3A_2270 = tpu.memref_squeeze %dma_wait3A_2269 : memref<1x3136xf32, #tpu.memory_space<hbm>> -> memref<3136xf32, #tpu.memory_space<hbm>>
        %dma_wait3A_2271 = arith.constant 0 : i32
        %dma_wait3A_2272 = tpu.memref_slice %arg3[%add3A_32, %dma_wait3A_2271] : memref<1216x3136xf32, #tpu.memory_space<hbm>> -> memref<1x3136xf32, #tpu.memory_space<hbm>>
        %dma_wait3A_2273 = tpu.memref_squeeze %dma_wait3A_2272 : memref<1x3136xf32, #tpu.memory_space<hbm>> -> memref<3136xf32, #tpu.memory_space<hbm>>
        tpu.wait_dma2 semaphore(%arg9 : memref<!tpu.dma_semaphore, #tpu.memory_space<semaphore_mem>>) src(%arg6 : memref<3136xf32, #tpu.memory_space<vmem>>) dst(%dma_wait3A_2273 : memref<3136xf32, #tpu.memory_space<hbm>>)
      } else {
      }
      %swap3A = arith.constant 0 : index
      %swap3A_51 = tpu.vector_load %arg6[%swap3A] {strides = array<i32>} : memref<3136xf32, #tpu.memory_space<vmem>>, vector<16xf32>,
      tpu.vector_store %arg6[%swap3A], %broadcast_in_dim3A_3 {strides = array<i32>} : memref<3136xf32, #tpu.memory_space<vmem>>, vector<16xf32>,
      %swap3A_52 = arith.constant 16 : index
      %swap3A_53 = tpu.vector_load %arg6[%swap3A_52] {strides = array<i32>} : memref<3136xf32, #tpu.memory_space<vmem>>, vector<16xf32>,
      tpu.vector_store %arg6[%swap3A_52], %broadcast_in_dim3A_3 {strides = array<i32>} : memref<3136xf32, #tpu.memory_space<vmem>>, vector<16xf32>,
      %swap3A_54 = arith.constant 32 : index
      %swap3A_55 = tpu.vector_load %arg6[%swap3A_54] {strides = array<i32>} : memref<3136xf32, #tpu.memory_space<vmem>>, vector<16xf32>,
      tpu.vector_store %arg6[%swap3A_54], %broadcast_in_dim3A_3 {strides = array<i32>} : memref<3136xf32, #tpu.memory_space<vmem>>, vector<16xf32>,
      %swap3A_56 = arith.constant 48 : index
      %swap3A_57 = tpu.vector_load %arg6[%swap3A_56] {strides = array<i32>} : memref<3136xf32, #tpu.memory_space<vmem>>, vector<16xf32>,
      tpu.vector_store %arg6[%swap3A_56], %broadcast_in_dim3A_3 {strides = array<i32>} : memref<3136xf32, #tpu.memory_space<vmem>>, vector<16xf32>,
      %swap3A_58 = arith.constant 64 : index
      %swap3A_59 = tpu.vector_load %arg6[%swap3A_58] {strides = array<i32>} : memref<3136xf32, #tpu.memory_space<vmem>>, vector<16xf32>,
      tpu.vector_store %arg6[%swap3A_58], %broadcast_in_dim3A_3 {strides = array<i32>} : memref<3136xf32, #tpu.memory_space<vmem>>, vector<16xf32>,
      %swap3A_60 = arith.constant 80 : index
      %swap3A_61 = tpu.vector_load %arg6[%swap3A_60] {strides = array<i32>} : memref<3136xf32, #tpu.memory_space<vmem>>, vector<16xf32>,
      tpu.vector_store %arg6[%swap3A_60], %broadcast_in_dim3A_3 {strides = array<i32>} : memref<3136xf32, #tpu.memory_space<vmem>>, vector<16xf32>,
      %swap3A_62 = arith.constant 96 : index
      %swap3A_63 = tpu.vector_load %arg6[%swap3A_62] {strides = array<i32>} : memref<3136xf32, #tpu.memory_space<vmem>>, vector<16xf32>,
      tpu.vector_store %arg6[%swap3A_62], %broadcast_in_dim3A_3 {strides = array<i32>} : memref<3136xf32, #tpu.memory_space<vmem>>, vector<16xf32>,
      %swap3A_64 = arith.constant 112 : index
      %swap3A_65 = tpu.vector_load %arg6[%swap3A_64] {strides = array<i32>} : memref<3136xf32, #tpu.memory_space<vmem>>, vector<16xf32>,
      tpu.vector_store %arg6[%swap3A_64], %broadcast_in_dim3A_3 {strides = array<i32>} : memref<3136xf32, #tpu.memory_space<vmem>>, vector<16xf32>,
      %swap3A_66 = arith.constant 128 : index
      %swap3A_67 = tpu.vector_load %arg6[%swap3A_66] {strides = array<i32>} : memref<3136xf32, #tpu.memory_space<vmem>>, vector<16xf32>,
      tpu.vector_store %arg6[%swap3A_66], %broadcast_in_dim3A_3 {strides = array<i32>} : memref<3136xf32, #tpu.memory_space<vmem>>, vector<16xf32>,
      %swap3A_68 = arith.constant 144 : index
      %swap3A_69 = tpu.vector_load %arg6[%swap3A_68] {strides = array<i32>} : memref<3136xf32, #tpu.memory_space<vmem>>, vector<16xf32>,
      tpu.vector_store %arg6[%swap3A_68], %broadcast_in_dim3A_3 {strides = array<i32>} : memref<3136xf32, #tpu.memory_space<vmem>>, vector<16xf32>,
      %swap3A_70 = arith.constant 160 : index
      %swap3A_71 = tpu.vector_load %arg6[%swap3A_70] {strides = array<i32>} : memref<3136xf32, #tpu.memory_space<vmem>>, vector<16xf32>,
      tpu.vector_store %arg6[%swap3A_70], %broadcast_in_dim3A_3 {strides = array<i32>} : memref<3136xf32, #tpu.memory_space<vmem>>, vector<16xf32>,
      %swap3A_72 = arith.constant 176 : index
      %swap3A_73 = tpu.vector_load %arg6[%swap3A_72] {strides = array<i32>} : memref<3136xf32, #tpu.memory_space<vmem>>, vector<16xf32>,
      tpu.vector_store %arg6[%swap3A_72], %broadcast_in_dim3A_3 {strides = array<i32>} : memref<3136xf32, #tpu.memory_space<vmem>>, vector<16xf32>,
      %swap3A_74 = arith.constant 192 : index
      %swap3A_75 = tpu.vector_load %arg6[%swap3A_74] {strides = array<i32>} : memref<3136xf32, #tpu.memory_space<vmem>>, vector<16xf32>,
      tpu.vector_store %arg6[%swap3A_74], %broadcast_in_dim3A_3 {strides = array<i32>} : memref<3136xf32, #tpu.memory_space<vmem>>, vector<16xf32>,
      %swap3A_76 = arith.constant 208 : index
      %swap3A_77 = tpu.vector_load %arg6[%swap3A_76] {strides = array<i32>} : memref<3136xf32, #tpu.memory_space<vmem>>, vector<16xf32>,
      tpu.vector_store %arg6[%swap3A_76], %broadcast_in_dim3A_3 {strides = array<i32>} : memref<3136xf32, #tpu.memory_space<vmem>>, vector<16xf32>,
      %swap3A_78 = arith.constant 224 : index
      %swap3A_79 = tpu.vector_load %arg6[%swap3A_78] {strides = array<i32>} : memref<3136xf32, #tpu.memory_space<vmem>>, vector<16xf32>,
      tpu.vector_store %arg6[%swap3A_78], %broadcast_in_dim3A_3 {strides = array<i32>} : memref<3136xf32, #tpu.memory_space<vmem>>, vector<16xf32>,
      %swap3A_80 = arith.constant 240 : index
      %swap3A_81 = tpu.vector_load %arg6[%swap3A_80] {strides = array<i32>} : memref<3136xf32, #tpu.memory_space<vmem>>, vector<16xf32>,
      tpu.vector_store %arg6[%swap3A_80], %broadcast_in_dim3A_3 {strides = array<i32>} : memref<3136xf32, #tpu.memory_space<vmem>>, vector<16xf32>,
      %swap3A_82 = arith.constant 256 : index
      %swap3A_83 = tpu.vector_load %arg6[%swap3A_82] {strides = array<i32>} : memref<3136xf32, #tpu.memory_space<vmem>>, vector<16xf32>,
      tpu.vector_store %arg6[%swap3A_82], %broadcast_in_dim3A_3 {strides = array<i32>} : memref<3136xf32, #tpu.memory_space<vmem>>, vector<16xf32>,
      %swap3A_84 = arith.constant 272 : index
      %swap3A_85 = tpu.vector_load %arg6[%swap3A_84] {strides = array<i32>} : memref<3136xf32, #tpu.memory_space<vmem>>, vector<16xf32>,
      tpu.vector_store %arg6[%swap3A_84], %broadcast_in_dim3A_3 {strides = array<i32>} : memref<3136xf32, #tpu.memory_space<vmem>>, vector<16xf32>,
      %swap3A_86 = arith.constant 288 : index
      %swap3A_87 = tpu.vector_load %arg6[%swap3A_86] {strides = array<i32>} : memref<3136xf32, #tpu.memory_space<vmem>>, vector<16xf32>,
      tpu.vector_store %arg6[%swap3A_86], %broadcast_in_dim3A_3 {strides = array<i32>} : memref<3136xf32, #tpu.memory_space<vmem>>, vector<16xf32>,
      %swap3A_88 = arith.constant 304 : index
      %swap3A_89 = tpu.vector_load %arg6[%swap3A_88] {strides = array<i32>} : memref<3136xf32, #tpu.memory_space<vmem>>, vector<16xf32>,
      tpu.vector_store %arg6[%swap3A_88], %broadcast_in_dim3A_3 {strides = array<i32>} : memref<3136xf32, #tpu.memory_space<vmem>>, vector<16xf32>,
      %swap3A_90 = arith.constant 320 : index
      %swap3A_91 = tpu.vector_load %arg6[%swap3A_90] {strides = array<i32>} : memref<3136xf32, #tpu.memory_space<vmem>>, vector<16xf32>,
      tpu.vector_store %arg6[%swap3A_90], %broadcast_in_dim3A_3 {strides = array<i32>} : memref<3136xf32, #tpu.memory_space<vmem>>, vector<16xf32>,
      %swap3A_92 = arith.constant 336 : index
      %swap3A_93 = tpu.vector_load %arg6[%swap3A_92] {strides = array<i32>} : memref<3136xf32, #tpu.memory_space<vmem>>, vector<16xf32>,
      tpu.vector_store %arg6[%swap3A_92], %broadcast_in_dim3A_3 {strides = array<i32>} : memref<3136xf32, #tpu.memory_space<vmem>>, vector<16xf32>,
      %swap3A_94 = arith.constant 352 : index
      %swap3A_95 = tpu.vector_load %arg6[%swap3A_94] {strides = array<i32>} : memref<3136xf32, #tpu.memory_space<vmem>>, vector<16xf32>,
      tpu.vector_store %arg6[%swap3A_94], %broadcast_in_dim3A_3 {strides = array<i32>} : memref<3136xf32, #tpu.memory_space<vmem>>, vector<16xf32>,
      %swap3A_96 = arith.constant 368 : index
      %swap3A_97 = tpu.vector_load %arg6[%swap3A_96] {strides = array<i32>} : memref<3136xf32, #tpu.memory_space<vmem>>, vector<16xf32>,
      tpu.vector_store %arg6[%swap3A_96], %broadcast_in_dim3A_3 {strides = array<i32>} : memref<3136xf32, #tpu.memory_space<vmem>>, vector<16xf32>,
      %swap3A_98 = arith.constant 384 : index
      %swap3A_99 = tpu.vector_load %arg6[%swap3A_98] {strides = array<i32>} : memref<3136xf32, #tpu.memory_space<vmem>>, vector<16xf32>,
      tpu.vector_store %arg6[%swap3A_98], %broadcast_in_dim3A_3 {strides = array<i32>} : memref<3136xf32, #tpu.memory_space<vmem>>, vector<16xf32>,
      %swap3A_100 = arith.constant 400 : index
      %swap3A_101 = tpu.vector_load %arg6[%swap3A_100] {strides = array<i32>} : memref<3136xf32, #tpu.memory_space<vmem>>, vector<16xf32>,
      tpu.vector_store %arg6[%swap3A_100], %broadcast_in_dim3A_3 {strides = array<i32>} : memref<3136xf32, #tpu.memory_space<vmem>>, vector<16xf32>,
      %swap3A_102 = arith.constant 416 : index
      %swap3A_103 = tpu.vector_load %arg6[%swap3A_102] {strides = array<i32>} : memref<3136xf32, #tpu.memory_space<vmem>>, vector<16xf32>,
      tpu.vector_store %arg6[%swap3A_102], %broadcast_in_dim3A_3 {strides = array<i32>} : memref<3136xf32, #tpu.memory_space<vmem>>, vector<16xf32>,
      %swap3A_104 = arith.constant 432 : index
      %swap3A_105 = tpu.vector_load %arg6[%swap3A_104] {strides = array<i32>} : memref<3136xf32, #tpu.memory_space<vmem>>, vector<16xf32>,
      tpu.vector_store %arg6[%swap3A_104], %broadcast_in_dim3A_3 {strides = array<i32>} : memref<3136xf32, #tpu.memory_space<vmem>>, vector<16xf32>,
      %swap3A_106 = arith.constant 448 : index
      %swap3A_107 = tpu.vector_load %arg6[%swap3A_106] {strides = array<i32>} : memref<3136xf32, #tpu.memory_space<vmem>>, vector<16xf32>,
      tpu.vector_store %arg6[%swap3A_106], %broadcast_in_dim3A_3 {strides = array<i32>} : memref<3136xf32, #tpu.memory_space<vmem>>, vector<16xf32>,
      %swap3A_108 = arith.constant 464 : index
      %swap3A_109 = tpu.vector_load %arg6[%swap3A_108] {strides = array<i32>} : memref<3136xf32, #tpu.memory_space<vmem>>, vector<16xf32>,
      tpu.vector_store %arg6[%swap3A_108], %broadcast_in_dim3A_3 {strides = array<i32>} : memref<3136xf32, #tpu.memory_space<vmem>>, vector<16xf32>,
      %swap3A_110 = arith.constant 480 : index
      %swap3A_111 = tpu.vector_load %arg6[%swap3A_110] {strides = array<i32>} : memref<3136xf32, #tpu.memory_space<vmem>>, vector<16xf32>,
      tpu.vector_store %arg6[%swap3A_110], %broadcast_in_dim3A_3 {strides = array<i32>} : memref<3136xf32, #tpu.memory_space<vmem>>, vector<16xf32>,
      %swap3A_112 = arith.constant 496 : index
      %swap3A_113 = tpu.vector_load %arg6[%swap3A_112] {strides = array<i32>} : memref<3136xf32, #tpu.memory_space<vmem>>, vector<16xf32>,
      tpu.vector_store %arg6[%swap3A_112], %broadcast_in_dim3A_3 {strides = array<i32>} : memref<3136xf32, #tpu.memory_space<vmem>>, vector<16xf32>,
      %swap3A_114 = arith.constant 512 : index
      %swap3A_115 = tpu.vector_load %arg6[%swap3A_114] {strides = array<i32>} : memref<3136xf32, #tpu.memory_space<vmem>>, vector<16xf32>,
      tpu.vector_store %arg6[%swap3A_114], %broadcast_in_dim3A_3 {strides = array<i32>} : memref<3136xf32, #tpu.memory_space<vmem>>, vector<16xf32>,
      %swap3A_116 = arith.constant 528 : index
      %swap3A_117 = tpu.vector_load %arg6[%swap3A_116] {strides = array<i32>} : memref<3136xf32, #tpu.memory_space<vmem>>, vector<16xf32>,
      tpu.vector_store %arg6[%swap3A_116], %broadcast_in_dim3A_3 {strides = array<i32>} : memref<3136xf32, #tpu.memory_space<vmem>>, vector<16xf32>,
      %swap3A_118 = arith.constant 544 : index
      %swap3A_119 = tpu.vector_load %arg6[%swap3A_118] {strides = array<i32>} : memref<3136xf32, #tpu.memory_space<vmem>>, vector<16xf32>,
      tpu.vector_store %arg6[%swap3A_118], %broadcast_in_dim3A_3 {strides = array<i32>} : memref<3136xf32, #tpu.memory_space<vmem>>, vector<16xf32>,
      %swap3A_120 = arith.constant 560 : index
      %swap3A_121 = tpu.vector_load %arg6[%swap3A_120] {strides = array<i32>} : memref<3136xf32, #tpu.memory_space<vmem>>, vector<16xf32>,
      tpu.vector_store %arg6[%swap3A_120], %broadcast_in_dim3A_3 {strides = array<i32>} : memref<3136xf32, #tpu.memory_space<vmem>>, vector<16xf32>,
      %swap3A_122 = arith.constant 576 : index
      %swap3A_123 = tpu.vector_load %arg6[%swap3A_122] {strides = array<i32>} : memref<3136xf32, #tpu.memory_space<vmem>>, vector<16xf32>,
      tpu.vector_store %arg6[%swap3A_122], %broadcast_in_dim3A_3 {strides = array<i32>} : memref<3136xf32, #tpu.memory_space<vmem>>, vector<16xf32>,
      %swap3A_124 = arith.constant 592 : index
      %swap3A_125 = tpu.vector_load %arg6[%swap3A_124] {strides = array<i32>} : memref<3136xf32, #tpu.memory_space<vmem>>, vector<16xf32>,
      tpu.vector_store %arg6[%swap3A_124], %broadcast_in_dim3A_3 {strides = array<i32>} : memref<3136xf32, #tpu.memory_space<vmem>>, vector<16xf32>,
      %swap3A_126 = arith.constant 608 : index
      %swap3A_127 = tpu.vector_load %arg6[%swap3A_126] {strides = array<i32>} : memref<3136xf32, #tpu.memory_space<vmem>>, vector<16xf32>,
      tpu.vector_store %arg6[%swap3A_126], %broadcast_in_dim3A_3 {strides = array<i32>} : memref<3136xf32, #tpu.memory_space<vmem>>, vector<16xf32>,
      %swap3A_128 = arith.constant 624 : index
      %swap3A_129 = tpu.vector_load %arg6[%swap3A_128] {strides = array<i32>} : memref<3136xf32, #tpu.memory_space<vmem>>, vector<16xf32>,
      tpu.vector_store %arg6[%swap3A_128], %broadcast_in_dim3A_3 {strides = array<i32>} : memref<3136xf32, #tpu.memory_space<vmem>>, vector<16xf32>,
      %swap3A_130 = arith.constant 640 : index
      %swap3A_131 = tpu.vector_load %arg6[%swap3A_130] {strides = array<i32>} : memref<3136xf32, #tpu.memory_space<vmem>>, vector<16xf32>,
      tpu.vector_store %arg6[%swap3A_130], %broadcast_in_dim3A_3 {strides = array<i32>} : memref<3136xf32, #tpu.memory_space<vmem>>, vector<16xf32>,
      %swap3A_132 = arith.constant 656 : index
      %swap3A_133 = tpu.vector_load %arg6[%swap3A_132] {strides = array<i32>} : memref<3136xf32, #tpu.memory_space<vmem>>, vector<16xf32>,
      tpu.vector_store %arg6[%swap3A_132], %broadcast_in_dim3A_3 {strides = array<i32>} : memref<3136xf32, #tpu.memory_space<vmem>>, vector<16xf32>,
      %swap3A_134 = arith.constant 672 : index
      %swap3A_135 = tpu.vector_load %arg6[%swap3A_134] {strides = array<i32>} : memref<3136xf32, #tpu.memory_space<vmem>>, vector<16xf32>,
      tpu.vector_store %arg6[%swap3A_134], %broadcast_in_dim3A_3 {strides = array<i32>} : memref<3136xf32, #tpu.memory_space<vmem>>, vector<16xf32>,
      %swap3A_136 = arith.constant 688 : index
      %swap3A_137 = tpu.vector_load %arg6[%swap3A_136] {strides = array<i32>} : memref<3136xf32, #tpu.memory_space<vmem>>, vector<16xf32>,
      tpu.vector_store %arg6[%swap3A_136], %broadcast_in_dim3A_3 {strides = array<i32>} : memref<3136xf32, #tpu.memory_space<vmem>>, vector<16xf32>,
      %swap3A_138 = arith.constant 704 : index
      %swap3A_139 = tpu.vector_load %arg6[%swap3A_138] {strides = array<i32>} : memref<3136xf32, #tpu.memory_space<vmem>>, vector<16xf32>,
      tpu.vector_store %arg6[%swap3A_138], %broadcast_in_dim3A_3 {strides = array<i32>} : memref<3136xf32, #tpu.memory_space<vmem>>, vector<16xf32>,
      %swap3A_140 = arith.constant 720 : index
      %swap3A_141 = tpu.vector_load %arg6[%swap3A_140] {strides = array<i32>} : memref<3136xf32, #tpu.memory_space<vmem>>, vector<16xf32>,
      tpu.vector_store %arg6[%swap3A_140], %broadcast_in_dim3A_3 {strides = array<i32>} : memref<3136xf32, #tpu.memory_space<vmem>>, vector<16xf32>,
      %swap3A_142 = arith.constant 736 : index
      %swap3A_143 = tpu.vector_load %arg6[%swap3A_142] {strides = array<i32>} : memref<3136xf32, #tpu.memory_space<vmem>>, vector<16xf32>,
      tpu.vector_store %arg6[%swap3A_142], %broadcast_in_dim3A_3 {strides = array<i32>} : memref<3136xf32, #tpu.memory_space<vmem>>, vector<16xf32>,
      %swap3A_144 = arith.constant 752 : index
      %swap3A_145 = tpu.vector_load %arg6[%swap3A_144] {strides = array<i32>} : memref<3136xf32, #tpu.memory_space<vmem>>, vector<16xf32>,
      tpu.vector_store %arg6[%swap3A_144], %broadcast_in_dim3A_3 {strides = array<i32>} : memref<3136xf32, #tpu.memory_space<vmem>>, vector<16xf32>,
      %swap3A_146 = arith.constant 768 : index
      %swap3A_147 = tpu.vector_load %arg6[%swap3A_146] {strides = array<i32>} : memref<3136xf32, #tpu.memory_space<vmem>>, vector<16xf32>,
      tpu.vector_store %arg6[%swap3A_146], %broadcast_in_dim3A_3 {strides = array<i32>} : memref<3136xf32, #tpu.memory_space<vmem>>, vector<16xf32>,
      %swap3A_148 = arith.constant 784 : index
      %swap3A_149 = tpu.vector_load %arg6[%swap3A_148] {strides = array<i32>} : memref<3136xf32, #tpu.memory_space<vmem>>, vector<16xf32>,
      tpu.vector_store %arg6[%swap3A_148], %broadcast_in_dim3A_3 {strides = array<i32>} : memref<3136xf32, #tpu.memory_space<vmem>>, vector<16xf32>,
      %swap3A_150 = arith.constant 800 : index
      %swap3A_151 = tpu.vector_load %arg6[%swap3A_150] {strides = array<i32>} : memref<3136xf32, #tpu.memory_space<vmem>>, vector<16xf32>,
      tpu.vector_store %arg6[%swap3A_150], %broadcast_in_dim3A_3 {strides = array<i32>} : memref<3136xf32, #tpu.memory_space<vmem>>, vector<16xf32>,
      %swap3A_152 = arith.constant 816 : index
      %swap3A_153 = tpu.vector_load %arg6[%swap3A_152] {strides = array<i32>} : memref<3136xf32, #tpu.memory_space<vmem>>, vector<16xf32>,
      tpu.vector_store %arg6[%swap3A_152], %broadcast_in_dim3A_3 {strides = array<i32>} : memref<3136xf32, #tpu.memory_space<vmem>>, vector<16xf32>,
      %swap3A_154 = arith.constant 832 : index
      %swap3A_155 = tpu.vector_load %arg6[%swap3A_154] {strides = array<i32>} : memref<3136xf32, #tpu.memory_space<vmem>>, vector<16xf32>,
      tpu.vector_store %arg6[%swap3A_154], %broadcast_in_dim3A_3 {strides = array<i32>} : memref<3136xf32, #tpu.memory_space<vmem>>, vector<16xf32>,
      %swap3A_156 = arith.constant 848 : index
      %swap3A_157 = tpu.vector_load %arg6[%swap3A_156] {strides = array<i32>} : memref<3136xf32, #tpu.memory_space<vmem>>, vector<16xf32>,
      tpu.vector_store %arg6[%swap3A_156], %broadcast_in_dim3A_3 {strides = array<i32>} : memref<3136xf32, #tpu.memory_space<vmem>>, vector<16xf32>,
      %swap3A_158 = arith.constant 864 : index
      %swap3A_159 = tpu.vector_load %arg6[%swap3A_158] {strides = array<i32>} : memref<3136xf32, #tpu.memory_space<vmem>>, vector<16xf32>,
      tpu.vector_store %arg6[%swap3A_158], %broadcast_in_dim3A_3 {strides = array<i32>} : memref<3136xf32, #tpu.memory_space<vmem>>, vector<16xf32>,
      %swap3A_160 = arith.constant 880 : index
      %swap3A_161 = tpu.vector_load %arg6[%swap3A_160] {strides = array<i32>} : memref<3136xf32, #tpu.memory_space<vmem>>, vector<16xf32>,
      tpu.vector_store %arg6[%swap3A_160], %broadcast_in_dim3A_3 {strides = array<i32>} : memref<3136xf32, #tpu.memory_space<vmem>>, vector<16xf32>,
      %swap3A_162 = arith.constant 896 : index
      %swap3A_163 = tpu.vector_load %arg6[%swap3A_162] {strides = array<i32>} : memref<3136xf32, #tpu.memory_space<vmem>>, vector<16xf32>,
      tpu.vector_store %arg6[%swap3A_162], %broadcast_in_dim3A_3 {strides = array<i32>} : memref<3136xf32, #tpu.memory_space<vmem>>, vector<16xf32>,
      %swap3A_164 = arith.constant 912 : index
      %swap3A_165 = tpu.vector_load %arg6[%swap3A_164] {strides = array<i32>} : memref<3136xf32, #tpu.memory_space<vmem>>, vector<16xf32>,
      tpu.vector_store %arg6[%swap3A_164], %broadcast_in_dim3A_3 {strides = array<i32>} : memref<3136xf32, #tpu.memory_space<vmem>>, vector<16xf32>,
      %swap3A_166 = arith.constant 928 : index
      %swap3A_167 = tpu.vector_load %arg6[%swap3A_166] {strides = array<i32>} : memref<3136xf32, #tpu.memory_space<vmem>>, vector<16xf32>,
      tpu.vector_store %arg6[%swap3A_166], %broadcast_in_dim3A_3 {strides = array<i32>} : memref<3136xf32, #tpu.memory_space<vmem>>, vector<16xf32>,
      %swap3A_168 = arith.constant 944 : index
      %swap3A_169 = tpu.vector_load %arg6[%swap3A_168] {strides = array<i32>} : memref<3136xf32, #tpu.memory_space<vmem>>, vector<16xf32>,
      tpu.vector_store %arg6[%swap3A_168], %broadcast_in_dim3A_3 {strides = array<i32>} : memref<3136xf32, #tpu.memory_space<vmem>>, vector<16xf32>,
      %swap3A_170 = arith.constant 960 : index
      %swap3A_171 = tpu.vector_load %arg6[%swap3A_170] {strides = array<i32>} : memref<3136xf32, #tpu.memory_space<vmem>>, vector<16xf32>,
      tpu.vector_store %arg6[%swap3A_170], %broadcast_in_dim3A_3 {strides = array<i32>} : memref<3136xf32, #tpu.memory_space<vmem>>, vector<16xf32>,
      %swap3A_172 = arith.constant 976 : index
      %swap3A_173 = tpu.vector_load %arg6[%swap3A_172] {strides = array<i32>} : memref<3136xf32, #tpu.memory_space<vmem>>, vector<16xf32>,
      tpu.vector_store %arg6[%swap3A_172], %broadcast_in_dim3A_3 {strides = array<i32>} : memref<3136xf32, #tpu.memory_space<vmem>>, vector<16xf32>,
      %swap3A_174 = arith.constant 992 : index
      %swap3A_175 = tpu.vector_load %arg6[%swap3A_174] {strides = array<i32>} : memref<3136xf32, #tpu.memory_space<vmem>>, vector<16xf32>,
      tpu.vector_store %arg6[%swap3A_174], %broadcast_in_dim3A_3 {strides = array<i32>} : memref<3136xf32, #tpu.memory_space<vmem>>, vector<16xf32>,
      %swap3A_176 = arith.constant 1008 : index
      %swap3A_177 = tpu.vector_load %arg6[%swap3A_176] {strides = array<i32>} : memref<3136xf32, #tpu.memory_space<vmem>>, vector<16xf32>,
      tpu.vector_store %arg6[%swap3A_176], %broadcast_in_dim3A_3 {strides = array<i32>} : memref<3136xf32, #tpu.memory_space<vmem>>, vector<16xf32>,
      %swap3A_178 = arith.constant 1024 : index
      %swap3A_179 = tpu.vector_load %arg6[%swap3A_178] {strides = array<i32>} : memref<3136xf32, #tpu.memory_space<vmem>>, vector<16xf32>,
      tpu.vector_store %arg6[%swap3A_178], %broadcast_in_dim3A_3 {strides = array<i32>} : memref<3136xf32, #tpu.memory_space<vmem>>, vector<16xf32>,
      %swap3A_180 = arith.constant 1040 : index
      %swap3A_181 = tpu.vector_load %arg6[%swap3A_180] {strides = array<i32>} : memref<3136xf32, #tpu.memory_space<vmem>>, vector<16xf32>,
      tpu.vector_store %arg6[%swap3A_180], %broadcast_in_dim3A_3 {strides = array<i32>} : memref<3136xf32, #tpu.memory_space<vmem>>, vector<16xf32>,
      %swap3A_182 = arith.constant 1056 : index
      %swap3A_183 = tpu.vector_load %arg6[%swap3A_182] {strides = array<i32>} : memref<3136xf32, #tpu.memory_space<vmem>>, vector<16xf32>,
      tpu.vector_store %arg6[%swap3A_182], %broadcast_in_dim3A_3 {strides = array<i32>} : memref<3136xf32, #tpu.memory_space<vmem>>, vector<16xf32>,
      %swap3A_184 = arith.constant 1072 : index
      %swap3A_185 = tpu.vector_load %arg6[%swap3A_184] {strides = array<i32>} : memref<3136xf32, #tpu.memory_space<vmem>>, vector<16xf32>,
      tpu.vector_store %arg6[%swap3A_184], %broadcast_in_dim3A_3 {strides = array<i32>} : memref<3136xf32, #tpu.memory_space<vmem>>, vector<16xf32>,
      %swap3A_186 = arith.constant 1088 : index
      %swap3A_187 = tpu.vector_load %arg6[%swap3A_186] {strides = array<i32>} : memref<3136xf32, #tpu.memory_space<vmem>>, vector<16xf32>,
      tpu.vector_store %arg6[%swap3A_186], %broadcast_in_dim3A_3 {strides = array<i32>} : memref<3136xf32, #tpu.memory_space<vmem>>, vector<16xf32>,
      %swap3A_188 = arith.constant 1104 : index
      %swap3A_189 = tpu.vector_load %arg6[%swap3A_188] {strides = array<i32>} : memref<3136xf32, #tpu.memory_space<vmem>>, vector<16xf32>,
      tpu.vector_store %arg6[%swap3A_188], %broadcast_in_dim3A_3 {strides = array<i32>} : memref<3136xf32, #tpu.memory_space<vmem>>, vector<16xf32>,
      %swap3A_190 = arith.constant 1120 : index
      %swap3A_191 = tpu.vector_load %arg6[%swap3A_190] {strides = array<i32>} : memref<3136xf32, #tpu.memory_space<vmem>>, vector<16xf32>,
      tpu.vector_store %arg6[%swap3A_190], %broadcast_in_dim3A_3 {strides = array<i32>} : memref<3136xf32, #tpu.memory_space<vmem>>, vector<16xf32>,
      %swap3A_192 = arith.constant 1136 : index
      %swap3A_193 = tpu.vector_load %arg6[%swap3A_192] {strides = array<i32>} : memref<3136xf32, #tpu.memory_space<vmem>>, vector<16xf32>,
      tpu.vector_store %arg6[%swap3A_192], %broadcast_in_dim3A_3 {strides = array<i32>} : memref<3136xf32, #tpu.memory_space<vmem>>, vector<16xf32>,
      %swap3A_194 = arith.constant 1152 : index
      %swap3A_195 = tpu.vector_load %arg6[%swap3A_194] {strides = array<i32>} : memref<3136xf32, #tpu.memory_space<vmem>>, vector<16xf32>,
      tpu.vector_store %arg6[%swap3A_194], %broadcast_in_dim3A_3 {strides = array<i32>} : memref<3136xf32, #tpu.memory_space<vmem>>, vector<16xf32>,
      %swap3A_196 = arith.constant 1168 : index
      %swap3A_197 = tpu.vector_load %arg6[%swap3A_196] {strides = array<i32>} : memref<3136xf32, #tpu.memory_space<vmem>>, vector<16xf32>,
      tpu.vector_store %arg6[%swap3A_196], %broadcast_in_dim3A_3 {strides = array<i32>} : memref<3136xf32, #tpu.memory_space<vmem>>, vector<16xf32>,
      %swap3A_198 = arith.constant 1184 : index
      %swap3A_199 = tpu.vector_load %arg6[%swap3A_198] {strides = array<i32>} : memref<3136xf32, #tpu.memory_space<vmem>>, vector<16xf32>,
      tpu.vector_store %arg6[%swap3A_198], %broadcast_in_dim3A_3 {strides = array<i32>} : memref<3136xf32, #tpu.memory_space<vmem>>, vector<16xf32>,
      %swap3A_200 = arith.constant 1200 : index
      %swap3A_201 = tpu.vector_load %arg6[%swap3A_200] {strides = array<i32>} : memref<3136xf32, #tpu.memory_space<vmem>>, vector<16xf32>,
      tpu.vector_store %arg6[%swap3A_200], %broadcast_in_dim3A_3 {strides = array<i32>} : memref<3136xf32, #tpu.memory_space<vmem>>, vector<16xf32>,
      %swap3A_202 = arith.constant 1216 : index
      %swap3A_203 = tpu.vector_load %arg6[%swap3A_202] {strides = array<i32>} : memref<3136xf32, #tpu.memory_space<vmem>>, vector<16xf32>,
      tpu.vector_store %arg6[%swap3A_202], %broadcast_in_dim3A_3 {strides = array<i32>} : memref<3136xf32, #tpu.memory_space<vmem>>, vector<16xf32>,
      %swap3A_204 = arith.constant 1232 : index
      %swap3A_205 = tpu.vector_load %arg6[%swap3A_204] {strides = array<i32>} : memref<3136xf32, #tpu.memory_space<vmem>>, vector<16xf32>,
      tpu.vector_store %arg6[%swap3A_204], %broadcast_in_dim3A_3 {strides = array<i32>} : memref<3136xf32, #tpu.memory_space<vmem>>, vector<16xf32>,
      %swap3A_206 = arith.constant 1248 : index
      %swap3A_207 = tpu.vector_load %arg6[%swap3A_206] {strides = array<i32>} : memref<3136xf32, #tpu.memory_space<vmem>>, vector<16xf32>,
      tpu.vector_store %arg6[%swap3A_206], %broadcast_in_dim3A_3 {strides = array<i32>} : memref<3136xf32, #tpu.memory_space<vmem>>, vector<16xf32>,
      %swap3A_208 = arith.constant 1264 : index
      %swap3A_209 = tpu.vector_load %arg6[%swap3A_208] {strides = array<i32>} : memref<3136xf32, #tpu.memory_space<vmem>>, vector<16xf32>,
      tpu.vector_store %arg6[%swap3A_208], %broadcast_in_dim3A_3 {strides = array<i32>} : memref<3136xf32, #tpu.memory_space<vmem>>, vector<16xf32>,
      %swap3A_210 = arith.constant 1280 : index
      %swap3A_211 = tpu.vector_load %arg6[%swap3A_210] {strides = array<i32>} : memref<3136xf32, #tpu.memory_space<vmem>>, vector<16xf32>,
      tpu.vector_store %arg6[%swap3A_210], %broadcast_in_dim3A_3 {strides = array<i32>} : memref<3136xf32, #tpu.memory_space<vmem>>, vector<16xf32>,
      %swap3A_212 = arith.constant 1296 : index
      %swap3A_213 = tpu.vector_load %arg6[%swap3A_212] {strides = array<i32>} : memref<3136xf32, #tpu.memory_space<vmem>>, vector<16xf32>,
      tpu.vector_store %arg6[%swap3A_212], %broadcast_in_dim3A_3 {strides = array<i32>} : memref<3136xf32, #tpu.memory_space<vmem>>, vector<16xf32>,
      %swap3A_214 = arith.constant 1312 : index
      %swap3A_215 = tpu.vector_load %arg6[%swap3A_214] {strides = array<i32>} : memref<3136xf32, #tpu.memory_space<vmem>>, vector<16xf32>,
      tpu.vector_store %arg6[%swap3A_214], %broadcast_in_dim3A_3 {strides = array<i32>} : memref<3136xf32, #tpu.memory_space<vmem>>, vector<16xf32>,
      %swap3A_216 = arith.constant 1328 : index
      %swap3A_217 = tpu.vector_load %arg6[%swap3A_216] {strides = array<i32>} : memref<3136xf32, #tpu.memory_space<vmem>>, vector<16xf32>,
      tpu.vector_store %arg6[%swap3A_216], %broadcast_in_dim3A_3 {strides = array<i32>} : memref<3136xf32, #tpu.memory_space<vmem>>, vector<16xf32>,
      %swap3A_218 = arith.constant 1344 : index
      %swap3A_219 = tpu.vector_load %arg6[%swap3A_218] {strides = array<i32>} : memref<3136xf32, #tpu.memory_space<vmem>>, vector<16xf32>,
      tpu.vector_store %arg6[%swap3A_218], %broadcast_in_dim3A_3 {strides = array<i32>} : memref<3136xf32, #tpu.memory_space<vmem>>, vector<16xf32>,
      %swap3A_220 = arith.constant 1360 : index
      %swap3A_221 = tpu.vector_load %arg6[%swap3A_220] {strides = array<i32>} : memref<3136xf32, #tpu.memory_space<vmem>>, vector<16xf32>,
      tpu.vector_store %arg6[%swap3A_220], %broadcast_in_dim3A_3 {strides = array<i32>} : memref<3136xf32, #tpu.memory_space<vmem>>, vector<16xf32>,
      %swap3A_222 = arith.constant 1376 : index
      %swap3A_223 = tpu.vector_load %arg6[%swap3A_222] {strides = array<i32>} : memref<3136xf32, #tpu.memory_space<vmem>>, vector<16xf32>,
      tpu.vector_store %arg6[%swap3A_222], %broadcast_in_dim3A_3 {strides = array<i32>} : memref<3136xf32, #tpu.memory_space<vmem>>, vector<16xf32>,
      %swap3A_224 = arith.constant 1392 : index
      %swap3A_225 = tpu.vector_load %arg6[%swap3A_224] {strides = array<i32>} : memref<3136xf32, #tpu.memory_space<vmem>>, vector<16xf32>,
      tpu.vector_store %arg6[%swap3A_224], %broadcast_in_dim3A_3 {strides = array<i32>} : memref<3136xf32, #tpu.memory_space<vmem>>, vector<16xf32>,
      %swap3A_226 = arith.constant 1408 : index
      %swap3A_227 = tpu.vector_load %arg6[%swap3A_226] {strides = array<i32>} : memref<3136xf32, #tpu.memory_space<vmem>>, vector<16xf32>,
      tpu.vector_store %arg6[%swap3A_226], %broadcast_in_dim3A_3 {strides = array<i32>} : memref<3136xf32, #tpu.memory_space<vmem>>, vector<16xf32>,
      %swap3A_228 = arith.constant 1424 : index
      %swap3A_229 = tpu.vector_load %arg6[%swap3A_228] {strides = array<i32>} : memref<3136xf32, #tpu.memory_space<vmem>>, vector<16xf32>,
      tpu.vector_store %arg6[%swap3A_228], %broadcast_in_dim3A_3 {strides = array<i32>} : memref<3136xf32, #tpu.memory_space<vmem>>, vector<16xf32>,
      %swap3A_230 = arith.constant 1440 : index
      %swap3A_231 = tpu.vector_load %arg6[%swap3A_230] {strides = array<i32>} : memref<3136xf32, #tpu.memory_space<vmem>>, vector<16xf32>,
      tpu.vector_store %arg6[%swap3A_230], %broadcast_in_dim3A_3 {strides = array<i32>} : memref<3136xf32, #tpu.memory_space<vmem>>, vector<16xf32>,
      %swap3A_232 = arith.constant 1456 : index
      %swap3A_233 = tpu.vector_load %arg6[%swap3A_232] {strides = array<i32>} : memref<3136xf32, #tpu.memory_space<vmem>>, vector<16xf32>,
      tpu.vector_store %arg6[%swap3A_232], %broadcast_in_dim3A_3 {strides = array<i32>} : memref<3136xf32, #tpu.memory_space<vmem>>, vector<16xf32>,
      %swap3A_234 = arith.constant 1472 : index
      %swap3A_235 = tpu.vector_load %arg6[%swap3A_234] {strides = array<i32>} : memref<3136xf32, #tpu.memory_space<vmem>>, vector<16xf32>,
      tpu.vector_store %arg6[%swap3A_234], %broadcast_in_dim3A_3 {strides = array<i32>} : memref<3136xf32, #tpu.memory_space<vmem>>, vector<16xf32>,
      %swap3A_236 = arith.constant 1488 : index
      %swap3A_237 = tpu.vector_load %arg6[%swap3A_236] {strides = array<i32>} : memref<3136xf32, #tpu.memory_space<vmem>>, vector<16xf32>,
      tpu.vector_store %arg6[%swap3A_236], %broadcast_in_dim3A_3 {strides = array<i32>} : memref<3136xf32, #tpu.memory_space<vmem>>, vector<16xf32>,
      %swap3A_238 = arith.constant 1504 : index
      %swap3A_239 = tpu.vector_load %arg6[%swap3A_238] {strides = array<i32>} : memref<3136xf32, #tpu.memory_space<vmem>>, vector<16xf32>,
      tpu.vector_store %arg6[%swap3A_238], %broadcast_in_dim3A_3 {strides = array<i32>} : memref<3136xf32, #tpu.memory_space<vmem>>, vector<16xf32>,
      %swap3A_240 = arith.constant 1520 : index
      %swap3A_241 = tpu.vector_load %arg6[%swap3A_240] {strides = array<i32>} : memref<3136xf32, #tpu.memory_space<vmem>>, vector<16xf32>,
      tpu.vector_store %arg6[%swap3A_240], %broadcast_in_dim3A_3 {strides = array<i32>} : memref<3136xf32, #tpu.memory_space<vmem>>, vector<16xf32>,
      %swap3A_242 = arith.constant 1536 : index
      %swap3A_243 = tpu.vector_load %arg6[%swap3A_242] {strides = array<i32>} : memref<3136xf32, #tpu.memory_space<vmem>>, vector<16xf32>,
      tpu.vector_store %arg6[%swap3A_242], %broadcast_in_dim3A_3 {strides = array<i32>} : memref<3136xf32, #tpu.memory_space<vmem>>, vector<16xf32>,
      %swap3A_244 = arith.constant 1552 : index
      %swap3A_245 = tpu.vector_load %arg6[%swap3A_244] {strides = array<i32>} : memref<3136xf32, #tpu.memory_space<vmem>>, vector<16xf32>,
      tpu.vector_store %arg6[%swap3A_244], %broadcast_in_dim3A_3 {strides = array<i32>} : memref<3136xf32, #tpu.memory_space<vmem>>, vector<16xf32>,
      %swap3A_246 = arith.constant 1568 : index
      %swap3A_247 = tpu.vector_load %arg6[%swap3A_246] {strides = array<i32>} : memref<3136xf32, #tpu.memory_space<vmem>>, vector<16xf32>,
      tpu.vector_store %arg6[%swap3A_246], %broadcast_in_dim3A_3 {strides = array<i32>} : memref<3136xf32, #tpu.memory_space<vmem>>, vector<16xf32>,
      %swap3A_248 = arith.constant 1584 : index
      %swap3A_249 = tpu.vector_load %arg6[%swap3A_248] {strides = array<i32>} : memref<3136xf32, #tpu.memory_space<vmem>>, vector<16xf32>,
      tpu.vector_store %arg6[%swap3A_248], %broadcast_in_dim3A_3 {strides = array<i32>} : memref<3136xf32, #tpu.memory_space<vmem>>, vector<16xf32>,
      %swap3A_250 = arith.constant 1600 : index
      %swap3A_251 = tpu.vector_load %arg6[%swap3A_250] {strides = array<i32>} : memref<3136xf32, #tpu.memory_space<vmem>>, vector<16xf32>,
      tpu.vector_store %arg6[%swap3A_250], %broadcast_in_dim3A_3 {strides = array<i32>} : memref<3136xf32, #tpu.memory_space<vmem>>, vector<16xf32>,
      %swap3A_252 = arith.constant 1616 : index
      %swap3A_253 = tpu.vector_load %arg6[%swap3A_252] {strides = array<i32>} : memref<3136xf32, #tpu.memory_space<vmem>>, vector<16xf32>,
      tpu.vector_store %arg6[%swap3A_252], %broadcast_in_dim3A_3 {strides = array<i32>} : memref<3136xf32, #tpu.memory_space<vmem>>, vector<16xf32>,
      %swap3A_254 = arith.constant 1632 : index
      %swap3A_255 = tpu.vector_load %arg6[%swap3A_254] {strides = array<i32>} : memref<3136xf32, #tpu.memory_space<vmem>>, vector<16xf32>,
      tpu.vector_store %arg6[%swap3A_254], %broadcast_in_dim3A_3 {strides = array<i32>} : memref<3136xf32, #tpu.memory_space<vmem>>, vector<16xf32>,
      %swap3A_256 = arith.constant 1648 : index
      %swap3A_257 = tpu.vector_load %arg6[%swap3A_256] {strides = array<i32>} : memref<3136xf32, #tpu.memory_space<vmem>>, vector<16xf32>,
      tpu.vector_store %arg6[%swap3A_256], %broadcast_in_dim3A_3 {strides = array<i32>} : memref<3136xf32, #tpu.memory_space<vmem>>, vector<16xf32>,
      %swap3A_258 = arith.constant 1664 : index
      %swap3A_259 = tpu.vector_load %arg6[%swap3A_258] {strides = array<i32>} : memref<3136xf32, #tpu.memory_space<vmem>>, vector<16xf32>,
      tpu.vector_store %arg6[%swap3A_258], %broadcast_in_dim3A_3 {strides = array<i32>} : memref<3136xf32, #tpu.memory_space<vmem>>, vector<16xf32>,
      %swap3A_260 = arith.constant 1680 : index
      %swap3A_261 = tpu.vector_load %arg6[%swap3A_260] {strides = array<i32>} : memref<3136xf32, #tpu.memory_space<vmem>>, vector<16xf32>,
      tpu.vector_store %arg6[%swap3A_260], %broadcast_in_dim3A_3 {strides = array<i32>} : memref<3136xf32, #tpu.memory_space<vmem>>, vector<16xf32>,
      %swap3A_262 = arith.constant 1696 : index
      %swap3A_263 = tpu.vector_load %arg6[%swap3A_262] {strides = array<i32>} : memref<3136xf32, #tpu.memory_space<vmem>>, vector<16xf32>,
      tpu.vector_store %arg6[%swap3A_262], %broadcast_in_dim3A_3 {strides = array<i32>} : memref<3136xf32, #tpu.memory_space<vmem>>, vector<16xf32>,
      %swap3A_264 = arith.constant 1712 : index
      %swap3A_265 = tpu.vector_load %arg6[%swap3A_264] {strides = array<i32>} : memref<3136xf32, #tpu.memory_space<vmem>>, vector<16xf32>,
      tpu.vector_store %arg6[%swap3A_264], %broadcast_in_dim3A_3 {strides = array<i32>} : memref<3136xf32, #tpu.memory_space<vmem>>, vector<16xf32>,
      %swap3A_266 = arith.constant 1728 : index
      %swap3A_267 = tpu.vector_load %arg6[%swap3A_266] {strides = array<i32>} : memref<3136xf32, #tpu.memory_space<vmem>>, vector<16xf32>,
      tpu.vector_store %arg6[%swap3A_266], %broadcast_in_dim3A_3 {strides = array<i32>} : memref<3136xf32, #tpu.memory_space<vmem>>, vector<16xf32>,
      %swap3A_268 = arith.constant 1744 : index
      %swap3A_269 = tpu.vector_load %arg6[%swap3A_268] {strides = array<i32>} : memref<3136xf32, #tpu.memory_space<vmem>>, vector<16xf32>,
      tpu.vector_store %arg6[%swap3A_268], %broadcast_in_dim3A_3 {strides = array<i32>} : memref<3136xf32, #tpu.memory_space<vmem>>, vector<16xf32>,
      %swap3A_270 = arith.constant 1760 : index
      %swap3A_271 = tpu.vector_load %arg6[%swap3A_270] {strides = array<i32>} : memref<3136xf32, #tpu.memory_space<vmem>>, vector<16xf32>,
      tpu.vector_store %arg6[%swap3A_270], %broadcast_in_dim3A_3 {strides = array<i32>} : memref<3136xf32, #tpu.memory_space<vmem>>, vector<16xf32>,
      %swap3A_272 = arith.constant 1776 : index
      %swap3A_273 = tpu.vector_load %arg6[%swap3A_272] {strides = array<i32>} : memref<3136xf32, #tpu.memory_space<vmem>>, vector<16xf32>,
      tpu.vector_store %arg6[%swap3A_272], %broadcast_in_dim3A_3 {strides = array<i32>} : memref<3136xf32, #tpu.memory_space<vmem>>, vector<16xf32>,
      %swap3A_274 = arith.constant 1792 : index
      %swap3A_275 = tpu.vector_load %arg6[%swap3A_274] {strides = array<i32>} : memref<3136xf32, #tpu.memory_space<vmem>>, vector<16xf32>,
      tpu.vector_store %arg6[%swap3A_274], %broadcast_in_dim3A_3 {strides = array<i32>} : memref<3136xf32, #tpu.memory_space<vmem>>, vector<16xf32>,
      %swap3A_276 = arith.constant 1808 : index
      %swap3A_277 = tpu.vector_load %arg6[%swap3A_276] {strides = array<i32>} : memref<3136xf32, #tpu.memory_space<vmem>>, vector<16xf32>,
      tpu.vector_store %arg6[%swap3A_276], %broadcast_in_dim3A_3 {strides = array<i32>} : memref<3136xf32, #tpu.memory_space<vmem>>, vector<16xf32>,
      %swap3A_278 = arith.constant 1824 : index
      %swap3A_279 = tpu.vector_load %arg6[%swap3A_278] {strides = array<i32>} : memref<3136xf32, #tpu.memory_space<vmem>>, vector<16xf32>,
      tpu.vector_store %arg6[%swap3A_278], %broadcast_in_dim3A_3 {strides = array<i32>} : memref<3136xf32, #tpu.memory_space<vmem>>, vector<16xf32>,
      %swap3A_280 = arith.constant 1840 : index
      %swap3A_281 = tpu.vector_load %arg6[%swap3A_280] {strides = array<i32>} : memref<3136xf32, #tpu.memory_space<vmem>>, vector<16xf32>,
      tpu.vector_store %arg6[%swap3A_280], %broadcast_in_dim3A_3 {strides = array<i32>} : memref<3136xf32, #tpu.memory_space<vmem>>, vector<16xf32>,
      %swap3A_282 = arith.constant 1856 : index
      %swap3A_283 = tpu.vector_load %arg6[%swap3A_282] {strides = array<i32>} : memref<3136xf32, #tpu.memory_space<vmem>>, vector<16xf32>,
      tpu.vector_store %arg6[%swap3A_282], %broadcast_in_dim3A_3 {strides = array<i32>} : memref<3136xf32, #tpu.memory_space<vmem>>, vector<16xf32>,
      %swap3A_284 = arith.constant 1872 : index
      %swap3A_285 = tpu.vector_load %arg6[%swap3A_284] {strides = array<i32>} : memref<3136xf32, #tpu.memory_space<vmem>>, vector<16xf32>,
      tpu.vector_store %arg6[%swap3A_284], %broadcast_in_dim3A_3 {strides = array<i32>} : memref<3136xf32, #tpu.memory_space<vmem>>, vector<16xf32>,
      %swap3A_286 = arith.constant 1888 : index
      %swap3A_287 = tpu.vector_load %arg6[%swap3A_286] {strides = array<i32>} : memref<3136xf32, #tpu.memory_space<vmem>>, vector<16xf32>,
      tpu.vector_store %arg6[%swap3A_286], %broadcast_in_dim3A_3 {strides = array<i32>} : memref<3136xf32, #tpu.memory_space<vmem>>, vector<16xf32>,
      %swap3A_288 = arith.constant 1904 : index
      %swap3A_289 = tpu.vector_load %arg6[%swap3A_288] {strides = array<i32>} : memref<3136xf32, #tpu.memory_space<vmem>>, vector<16xf32>,
      tpu.vector_store %arg6[%swap3A_288], %broadcast_in_dim3A_3 {strides = array<i32>} : memref<3136xf32, #tpu.memory_space<vmem>>, vector<16xf32>,
      %swap3A_290 = arith.constant 1920 : index
      %swap3A_291 = tpu.vector_load %arg6[%swap3A_290] {strides = array<i32>} : memref<3136xf32, #tpu.memory_space<vmem>>, vector<16xf32>,
      tpu.vector_store %arg6[%swap3A_290], %broadcast_in_dim3A_3 {strides = array<i32>} : memref<3136xf32, #tpu.memory_space<vmem>>, vector<16xf32>,
      %swap3A_292 = arith.constant 1936 : index
      %swap3A_293 = tpu.vector_load %arg6[%swap3A_292] {strides = array<i32>} : memref<3136xf32, #tpu.memory_space<vmem>>, vector<16xf32>,
      tpu.vector_store %arg6[%swap3A_292], %broadcast_in_dim3A_3 {strides = array<i32>} : memref<3136xf32, #tpu.memory_space<vmem>>, vector<16xf32>,
      %swap3A_294 = arith.constant 1952 : index
      %swap3A_295 = tpu.vector_load %arg6[%swap3A_294] {strides = array<i32>} : memref<3136xf32, #tpu.memory_space<vmem>>, vector<16xf32>,
      tpu.vector_store %arg6[%swap3A_294], %broadcast_in_dim3A_3 {strides = array<i32>} : memref<3136xf32, #tpu.memory_space<vmem>>, vector<16xf32>,
      %swap3A_296 = arith.constant 1968 : index
      %swap3A_297 = tpu.vector_load %arg6[%swap3A_296] {strides = array<i32>} : memref<3136xf32, #tpu.memory_space<vmem>>, vector<16xf32>,
      tpu.vector_store %arg6[%swap3A_296], %broadcast_in_dim3A_3 {strides = array<i32>} : memref<3136xf32, #tpu.memory_space<vmem>>, vector<16xf32>,
      %swap3A_298 = arith.constant 1984 : index
      %swap3A_299 = tpu.vector_load %arg6[%swap3A_298] {strides = array<i32>} : memref<3136xf32, #tpu.memory_space<vmem>>, vector<16xf32>,
      tpu.vector_store %arg6[%swap3A_298], %broadcast_in_dim3A_3 {strides = array<i32>} : memref<3136xf32, #tpu.memory_space<vmem>>, vector<16xf32>,
      %swap3A_300 = arith.constant 2000 : index
      %swap3A_301 = tpu.vector_load %arg6[%swap3A_300] {strides = array<i32>} : memref<3136xf32, #tpu.memory_space<vmem>>, vector<16xf32>,
      tpu.vector_store %arg6[%swap3A_300], %broadcast_in_dim3A_3 {strides = array<i32>} : memref<3136xf32, #tpu.memory_space<vmem>>, vector<16xf32>,
      %swap3A_302 = arith.constant 2016 : index
      %swap3A_303 = tpu.vector_load %arg6[%swap3A_302] {strides = array<i32>} : memref<3136xf32, #tpu.memory_space<vmem>>, vector<16xf32>,
      tpu.vector_store %arg6[%swap3A_302], %broadcast_in_dim3A_3 {strides = array<i32>} : memref<3136xf32, #tpu.memory_space<vmem>>, vector<16xf32>,
      %swap3A_304 = arith.constant 2032 : index
      %swap3A_305 = tpu.vector_load %arg6[%swap3A_304] {strides = array<i32>} : memref<3136xf32, #tpu.memory_space<vmem>>, vector<16xf32>,
      tpu.vector_store %arg6[%swap3A_304], %broadcast_in_dim3A_3 {strides = array<i32>} : memref<3136xf32, #tpu.memory_space<vmem>>, vector<16xf32>,
      %swap3A_306 = arith.constant 2048 : index
      %swap3A_307 = tpu.vector_load %arg6[%swap3A_306] {strides = array<i32>} : memref<3136xf32, #tpu.memory_space<vmem>>, vector<16xf32>,
      tpu.vector_store %arg6[%swap3A_306], %broadcast_in_dim3A_3 {strides = array<i32>} : memref<3136xf32, #tpu.memory_space<vmem>>, vector<16xf32>,
      %swap3A_308 = arith.constant 2064 : index
      %swap3A_309 = tpu.vector_load %arg6[%swap3A_308] {strides = array<i32>} : memref<3136xf32, #tpu.memory_space<vmem>>, vector<16xf32>,
      tpu.vector_store %arg6[%swap3A_308], %broadcast_in_dim3A_3 {strides = array<i32>} : memref<3136xf32, #tpu.memory_space<vmem>>, vector<16xf32>,
      %swap3A_310 = arith.constant 2080 : index
      %swap3A_311 = tpu.vector_load %arg6[%swap3A_310] {strides = array<i32>} : memref<3136xf32, #tpu.memory_space<vmem>>, vector<16xf32>,
      tpu.vector_store %arg6[%swap3A_310], %broadcast_in_dim3A_3 {strides = array<i32>} : memref<3136xf32, #tpu.memory_space<vmem>>, vector<16xf32>,
      %swap3A_312 = arith.constant 2096 : index
      %swap3A_313 = tpu.vector_load %arg6[%swap3A_312] {strides = array<i32>} : memref<3136xf32, #tpu.memory_space<vmem>>, vector<16xf32>,
      tpu.vector_store %arg6[%swap3A_312], %broadcast_in_dim3A_3 {strides = array<i32>} : memref<3136xf32, #tpu.memory_space<vmem>>, vector<16xf32>,
      %swap3A_314 = arith.constant 2112 : index
      %swap3A_315 = tpu.vector_load %arg6[%swap3A_314] {strides = array<i32>} : memref<3136xf32, #tpu.memory_space<vmem>>, vector<16xf32>,
      tpu.vector_store %arg6[%swap3A_314], %broadcast_in_dim3A_3 {strides = array<i32>} : memref<3136xf32, #tpu.memory_space<vmem>>, vector<16xf32>,
      %swap3A_316 = arith.constant 2128 : index
      %swap3A_317 = tpu.vector_load %arg6[%swap3A_316] {strides = array<i32>} : memref<3136xf32, #tpu.memory_space<vmem>>, vector<16xf32>,
      tpu.vector_store %arg6[%swap3A_316], %broadcast_in_dim3A_3 {strides = array<i32>} : memref<3136xf32, #tpu.memory_space<vmem>>, vector<16xf32>,
      %swap3A_318 = arith.constant 2144 : index
      %swap3A_319 = tpu.vector_load %arg6[%swap3A_318] {strides = array<i32>} : memref<3136xf32, #tpu.memory_space<vmem>>, vector<16xf32>,
      tpu.vector_store %arg6[%swap3A_318], %broadcast_in_dim3A_3 {strides = array<i32>} : memref<3136xf32, #tpu.memory_space<vmem>>, vector<16xf32>,
      %swap3A_320 = arith.constant 2160 : index
      %swap3A_321 = tpu.vector_load %arg6[%swap3A_320] {strides = array<i32>} : memref<3136xf32, #tpu.memory_space<vmem>>, vector<16xf32>,
      tpu.vector_store %arg6[%swap3A_320], %broadcast_in_dim3A_3 {strides = array<i32>} : memref<3136xf32, #tpu.memory_space<vmem>>, vector<16xf32>,
      %swap3A_322 = arith.constant 2176 : index
      %swap3A_323 = tpu.vector_load %arg6[%swap3A_322] {strides = array<i32>} : memref<3136xf32, #tpu.memory_space<vmem>>, vector<16xf32>,
      tpu.vector_store %arg6[%swap3A_322], %broadcast_in_dim3A_3 {strides = array<i32>} : memref<3136xf32, #tpu.memory_space<vmem>>, vector<16xf32>,
      %swap3A_324 = arith.constant 2192 : index
      %swap3A_325 = tpu.vector_load %arg6[%swap3A_324] {strides = array<i32>} : memref<3136xf32, #tpu.memory_space<vmem>>, vector<16xf32>,
      tpu.vector_store %arg6[%swap3A_324], %broadcast_in_dim3A_3 {strides = array<i32>} : memref<3136xf32, #tpu.memory_space<vmem>>, vector<16xf32>,
      %swap3A_326 = arith.constant 2208 : index
      %swap3A_327 = tpu.vector_load %arg6[%swap3A_326] {strides = array<i32>} : memref<3136xf32, #tpu.memory_space<vmem>>, vector<16xf32>,
      tpu.vector_store %arg6[%swap3A_326], %broadcast_in_dim3A_3 {strides = array<i32>} : memref<3136xf32, #tpu.memory_space<vmem>>, vector<16xf32>,
      %swap3A_328 = arith.constant 2224 : index
      %swap3A_329 = tpu.vector_load %arg6[%swap3A_328] {strides = array<i32>} : memref<3136xf32, #tpu.memory_space<vmem>>, vector<16xf32>,
      tpu.vector_store %arg6[%swap3A_328], %broadcast_in_dim3A_3 {strides = array<i32>} : memref<3136xf32, #tpu.memory_space<vmem>>, vector<16xf32>,
      %swap3A_330 = arith.constant 2240 : index
      %swap3A_331 = tpu.vector_load %arg6[%swap3A_330] {strides = array<i32>} : memref<3136xf32, #tpu.memory_space<vmem>>, vector<16xf32>,
      tpu.vector_store %arg6[%swap3A_330], %broadcast_in_dim3A_3 {strides = array<i32>} : memref<3136xf32, #tpu.memory_space<vmem>>, vector<16xf32>,
      %swap3A_332 = arith.constant 2256 : index
      %swap3A_333 = tpu.vector_load %arg6[%swap3A_332] {strides = array<i32>} : memref<3136xf32, #tpu.memory_space<vmem>>, vector<16xf32>,
      tpu.vector_store %arg6[%swap3A_332], %broadcast_in_dim3A_3 {strides = array<i32>} : memref<3136xf32, #tpu.memory_space<vmem>>, vector<16xf32>,
      %swap3A_334 = arith.constant 2272 : index
      %swap3A_335 = tpu.vector_load %arg6[%swap3A_334] {strides = array<i32>} : memref<3136xf32, #tpu.memory_space<vmem>>, vector<16xf32>,
      tpu.vector_store %arg6[%swap3A_334], %broadcast_in_dim3A_3 {strides = array<i32>} : memref<3136xf32, #tpu.memory_space<vmem>>, vector<16xf32>,
      %swap3A_336 = arith.constant 2288 : index
      %swap3A_337 = tpu.vector_load %arg6[%swap3A_336] {strides = array<i32>} : memref<3136xf32, #tpu.memory_space<vmem>>, vector<16xf32>,
      tpu.vector_store %arg6[%swap3A_336], %broadcast_in_dim3A_3 {strides = array<i32>} : memref<3136xf32, #tpu.memory_space<vmem>>, vector<16xf32>,
      %swap3A_338 = arith.constant 2304 : index
      %swap3A_339 = tpu.vector_load %arg6[%swap3A_338] {strides = array<i32>} : memref<3136xf32, #tpu.memory_space<vmem>>, vector<16xf32>,
      tpu.vector_store %arg6[%swap3A_338], %broadcast_in_dim3A_3 {strides = array<i32>} : memref<3136xf32, #tpu.memory_space<vmem>>, vector<16xf32>,
      %swap3A_340 = arith.constant 2320 : index
      %swap3A_341 = tpu.vector_load %arg6[%swap3A_340] {strides = array<i32>} : memref<3136xf32, #tpu.memory_space<vmem>>, vector<16xf32>,
      tpu.vector_store %arg6[%swap3A_340], %broadcast_in_dim3A_3 {strides = array<i32>} : memref<3136xf32, #tpu.memory_space<vmem>>, vector<16xf32>,
      %swap3A_342 = arith.constant 2336 : index
      %swap3A_343 = tpu.vector_load %arg6[%swap3A_342] {strides = array<i32>} : memref<3136xf32, #tpu.memory_space<vmem>>, vector<16xf32>,
      tpu.vector_store %arg6[%swap3A_342], %broadcast_in_dim3A_3 {strides = array<i32>} : memref<3136xf32, #tpu.memory_space<vmem>>, vector<16xf32>,
      %swap3A_344 = arith.constant 2352 : index
      %swap3A_345 = tpu.vector_load %arg6[%swap3A_344] {strides = array<i32>} : memref<3136xf32, #tpu.memory_space<vmem>>, vector<16xf32>,
      tpu.vector_store %arg6[%swap3A_344], %broadcast_in_dim3A_3 {strides = array<i32>} : memref<3136xf32, #tpu.memory_space<vmem>>, vector<16xf32>,
      %swap3A_346 = arith.constant 2368 : index
      %swap3A_347 = tpu.vector_load %arg6[%swap3A_346] {strides = array<i32>} : memref<3136xf32, #tpu.memory_space<vmem>>, vector<16xf32>,
      tpu.vector_store %arg6[%swap3A_346], %broadcast_in_dim3A_3 {strides = array<i32>} : memref<3136xf32, #tpu.memory_space<vmem>>, vector<16xf32>,
      %swap3A_348 = arith.constant 2384 : index
      %swap3A_349 = tpu.vector_load %arg6[%swap3A_348] {strides = array<i32>} : memref<3136xf32, #tpu.memory_space<vmem>>, vector<16xf32>,
      tpu.vector_store %arg6[%swap3A_348], %broadcast_in_dim3A_3 {strides = array<i32>} : memref<3136xf32, #tpu.memory_space<vmem>>, vector<16xf32>,
      %swap3A_350 = arith.constant 2400 : index
      %swap3A_351 = tpu.vector_load %arg6[%swap3A_350] {strides = array<i32>} : memref<3136xf32, #tpu.memory_space<vmem>>, vector<16xf32>,
      tpu.vector_store %arg6[%swap3A_350], %broadcast_in_dim3A_3 {strides = array<i32>} : memref<3136xf32, #tpu.memory_space<vmem>>, vector<16xf32>,
      %swap3A_352 = arith.constant 2416 : index
      %swap3A_353 = tpu.vector_load %arg6[%swap3A_352] {strides = array<i32>} : memref<3136xf32, #tpu.memory_space<vmem>>, vector<16xf32>,
      tpu.vector_store %arg6[%swap3A_352], %broadcast_in_dim3A_3 {strides = array<i32>} : memref<3136xf32, #tpu.memory_space<vmem>>, vector<16xf32>,
      %swap3A_354 = arith.constant 2432 : index
      %swap3A_355 = tpu.vector_load %arg6[%swap3A_354] {strides = array<i32>} : memref<3136xf32, #tpu.memory_space<vmem>>, vector<16xf32>,
      tpu.vector_store %arg6[%swap3A_354], %broadcast_in_dim3A_3 {strides = array<i32>} : memref<3136xf32, #tpu.memory_space<vmem>>, vector<16xf32>,
      %swap3A_356 = arith.constant 2448 : index
      %swap3A_357 = tpu.vector_load %arg6[%swap3A_356] {strides = array<i32>} : memref<3136xf32, #tpu.memory_space<vmem>>, vector<16xf32>,
      tpu.vector_store %arg6[%swap3A_356], %broadcast_in_dim3A_3 {strides = array<i32>} : memref<3136xf32, #tpu.memory_space<vmem>>, vector<16xf32>,
      %swap3A_358 = arith.constant 2464 : index
      %swap3A_359 = tpu.vector_load %arg6[%swap3A_358] {strides = array<i32>} : memref<3136xf32, #tpu.memory_space<vmem>>, vector<16xf32>,
      tpu.vector_store %arg6[%swap3A_358], %broadcast_in_dim3A_3 {strides = array<i32>} : memref<3136xf32, #tpu.memory_space<vmem>>, vector<16xf32>,
      %swap3A_360 = arith.constant 2480 : index
      %swap3A_361 = tpu.vector_load %arg6[%swap3A_360] {strides = array<i32>} : memref<3136xf32, #tpu.memory_space<vmem>>, vector<16xf32>,
      tpu.vector_store %arg6[%swap3A_360], %broadcast_in_dim3A_3 {strides = array<i32>} : memref<3136xf32, #tpu.memory_space<vmem>>, vector<16xf32>,
      %swap3A_362 = arith.constant 2496 : index
      %swap3A_363 = tpu.vector_load %arg6[%swap3A_362] {strides = array<i32>} : memref<3136xf32, #tpu.memory_space<vmem>>, vector<16xf32>,
      tpu.vector_store %arg6[%swap3A_362], %broadcast_in_dim3A_3 {strides = array<i32>} : memref<3136xf32, #tpu.memory_space<vmem>>, vector<16xf32>,
      %swap3A_364 = arith.constant 2512 : index
      %swap3A_365 = tpu.vector_load %arg6[%swap3A_364] {strides = array<i32>} : memref<3136xf32, #tpu.memory_space<vmem>>, vector<16xf32>,
      tpu.vector_store %arg6[%swap3A_364], %broadcast_in_dim3A_3 {strides = array<i32>} : memref<3136xf32, #tpu.memory_space<vmem>>, vector<16xf32>,
      %swap3A_366 = arith.constant 2528 : index
      %swap3A_367 = tpu.vector_load %arg6[%swap3A_366] {strides = array<i32>} : memref<3136xf32, #tpu.memory_space<vmem>>, vector<16xf32>,
      tpu.vector_store %arg6[%swap3A_366], %broadcast_in_dim3A_3 {strides = array<i32>} : memref<3136xf32, #tpu.memory_space<vmem>>, vector<16xf32>,
      %swap3A_368 = arith.constant 2544 : index
      %swap3A_369 = tpu.vector_load %arg6[%swap3A_368] {strides = array<i32>} : memref<3136xf32, #tpu.memory_space<vmem>>, vector<16xf32>,
      tpu.vector_store %arg6[%swap3A_368], %broadcast_in_dim3A_3 {strides = array<i32>} : memref<3136xf32, #tpu.memory_space<vmem>>, vector<16xf32>,
      %swap3A_370 = arith.constant 2560 : index
      %swap3A_371 = tpu.vector_load %arg6[%swap3A_370] {strides = array<i32>} : memref<3136xf32, #tpu.memory_space<vmem>>, vector<16xf32>,
      tpu.vector_store %arg6[%swap3A_370], %broadcast_in_dim3A_3 {strides = array<i32>} : memref<3136xf32, #tpu.memory_space<vmem>>, vector<16xf32>,
      %swap3A_372 = arith.constant 2576 : index
      %swap3A_373 = tpu.vector_load %arg6[%swap3A_372] {strides = array<i32>} : memref<3136xf32, #tpu.memory_space<vmem>>, vector<16xf32>,
      tpu.vector_store %arg6[%swap3A_372], %broadcast_in_dim3A_3 {strides = array<i32>} : memref<3136xf32, #tpu.memory_space<vmem>>, vector<16xf32>,
      %swap3A_374 = arith.constant 2592 : index
      %swap3A_375 = tpu.vector_load %arg6[%swap3A_374] {strides = array<i32>} : memref<3136xf32, #tpu.memory_space<vmem>>, vector<16xf32>,
      tpu.vector_store %arg6[%swap3A_374], %broadcast_in_dim3A_3 {strides = array<i32>} : memref<3136xf32, #tpu.memory_space<vmem>>, vector<16xf32>,
      %swap3A_376 = arith.constant 2608 : index
      %swap3A_377 = tpu.vector_load %arg6[%swap3A_376] {strides = array<i32>} : memref<3136xf32, #tpu.memory_space<vmem>>, vector<16xf32>,
      tpu.vector_store %arg6[%swap3A_376], %broadcast_in_dim3A_3 {strides = array<i32>} : memref<3136xf32, #tpu.memory_space<vmem>>, vector<16xf32>,
      %swap3A_378 = arith.constant 2624 : index
      %swap3A_379 = tpu.vector_load %arg6[%swap3A_378] {strides = array<i32>} : memref<3136xf32, #tpu.memory_space<vmem>>, vector<16xf32>,
      tpu.vector_store %arg6[%swap3A_378], %broadcast_in_dim3A_3 {strides = array<i32>} : memref<3136xf32, #tpu.memory_space<vmem>>, vector<16xf32>,
      %swap3A_380 = arith.constant 2640 : index
      %swap3A_381 = tpu.vector_load %arg6[%swap3A_380] {strides = array<i32>} : memref<3136xf32, #tpu.memory_space<vmem>>, vector<16xf32>,
      tpu.vector_store %arg6[%swap3A_380], %broadcast_in_dim3A_3 {strides = array<i32>} : memref<3136xf32, #tpu.memory_space<vmem>>, vector<16xf32>,
      %swap3A_382 = arith.constant 2656 : index
      %swap3A_383 = tpu.vector_load %arg6[%swap3A_382] {strides = array<i32>} : memref<3136xf32, #tpu.memory_space<vmem>>, vector<16xf32>,
      tpu.vector_store %arg6[%swap3A_382], %broadcast_in_dim3A_3 {strides = array<i32>} : memref<3136xf32, #tpu.memory_space<vmem>>, vector<16xf32>,
      %swap3A_384 = arith.constant 2672 : index
      %swap3A_385 = tpu.vector_load %arg6[%swap3A_384] {strides = array<i32>} : memref<3136xf32, #tpu.memory_space<vmem>>, vector<16xf32>,
      tpu.vector_store %arg6[%swap3A_384], %broadcast_in_dim3A_3 {strides = array<i32>} : memref<3136xf32, #tpu.memory_space<vmem>>, vector<16xf32>,
      %swap3A_386 = arith.constant 2688 : index
      %swap3A_387 = tpu.vector_load %arg6[%swap3A_386] {strides = array<i32>} : memref<3136xf32, #tpu.memory_space<vmem>>, vector<16xf32>,
      tpu.vector_store %arg6[%swap3A_386], %broadcast_in_dim3A_3 {strides = array<i32>} : memref<3136xf32, #tpu.memory_space<vmem>>, vector<16xf32>,
      %swap3A_388 = arith.constant 2704 : index
      %swap3A_389 = tpu.vector_load %arg6[%swap3A_388] {strides = array<i32>} : memref<3136xf32, #tpu.memory_space<vmem>>, vector<16xf32>,
      tpu.vector_store %arg6[%swap3A_388], %broadcast_in_dim3A_3 {strides = array<i32>} : memref<3136xf32, #tpu.memory_space<vmem>>, vector<16xf32>,
      %swap3A_390 = arith.constant 2720 : index
      %swap3A_391 = tpu.vector_load %arg6[%swap3A_390] {strides = array<i32>} : memref<3136xf32, #tpu.memory_space<vmem>>, vector<16xf32>,
      tpu.vector_store %arg6[%swap3A_390], %broadcast_in_dim3A_3 {strides = array<i32>} : memref<3136xf32, #tpu.memory_space<vmem>>, vector<16xf32>,
      %swap3A_392 = arith.constant 2736 : index
      %swap3A_393 = tpu.vector_load %arg6[%swap3A_392] {strides = array<i32>} : memref<3136xf32, #tpu.memory_space<vmem>>, vector<16xf32>,
      tpu.vector_store %arg6[%swap3A_392], %broadcast_in_dim3A_3 {strides = array<i32>} : memref<3136xf32, #tpu.memory_space<vmem>>, vector<16xf32>,
      %swap3A_394 = arith.constant 2752 : index
      %swap3A_395 = tpu.vector_load %arg6[%swap3A_394] {strides = array<i32>} : memref<3136xf32, #tpu.memory_space<vmem>>, vector<16xf32>,
      tpu.vector_store %arg6[%swap3A_394], %broadcast_in_dim3A_3 {strides = array<i32>} : memref<3136xf32, #tpu.memory_space<vmem>>, vector<16xf32>,
      %swap3A_396 = arith.constant 2768 : index
      %swap3A_397 = tpu.vector_load %arg6[%swap3A_396] {strides = array<i32>} : memref<3136xf32, #tpu.memory_space<vmem>>, vector<16xf32>,
      tpu.vector_store %arg6[%swap3A_396], %broadcast_in_dim3A_3 {strides = array<i32>} : memref<3136xf32, #tpu.memory_space<vmem>>, vector<16xf32>,
      %swap3A_398 = arith.constant 2784 : index
      %swap3A_399 = tpu.vector_load %arg6[%swap3A_398] {strides = array<i32>} : memref<3136xf32, #tpu.memory_space<vmem>>, vector<16xf32>,
      tpu.vector_store %arg6[%swap3A_398], %broadcast_in_dim3A_3 {strides = array<i32>} : memref<3136xf32, #tpu.memory_space<vmem>>, vector<16xf32>,
      %swap3A_400 = arith.constant 2800 : index
      %swap3A_401 = tpu.vector_load %arg6[%swap3A_400] {strides = array<i32>} : memref<3136xf32, #tpu.memory_space<vmem>>, vector<16xf32>,
      tpu.vector_store %arg6[%swap3A_400], %broadcast_in_dim3A_3 {strides = array<i32>} : memref<3136xf32, #tpu.memory_space<vmem>>, vector<16xf32>,
      %swap3A_402 = arith.constant 2816 : index
      %swap3A_403 = tpu.vector_load %arg6[%swap3A_402] {strides = array<i32>} : memref<3136xf32, #tpu.memory_space<vmem>>, vector<16xf32>,
      tpu.vector_store %arg6[%swap3A_402], %broadcast_in_dim3A_3 {strides = array<i32>} : memref<3136xf32, #tpu.memory_space<vmem>>, vector<16xf32>,
      %swap3A_404 = arith.constant 2832 : index
      %swap3A_405 = tpu.vector_load %arg6[%swap3A_404] {strides = array<i32>} : memref<3136xf32, #tpu.memory_space<vmem>>, vector<16xf32>,
      tpu.vector_store %arg6[%swap3A_404], %broadcast_in_dim3A_3 {strides = array<i32>} : memref<3136xf32, #tpu.memory_space<vmem>>, vector<16xf32>,
      %swap3A_406 = arith.constant 2848 : index
      %swap3A_407 = tpu.vector_load %arg6[%swap3A_406] {strides = array<i32>} : memref<3136xf32, #tpu.memory_space<vmem>>, vector<16xf32>,
      tpu.vector_store %arg6[%swap3A_406], %broadcast_in_dim3A_3 {strides = array<i32>} : memref<3136xf32, #tpu.memory_space<vmem>>, vector<16xf32>,
      %swap3A_408 = arith.constant 2864 : index
      %swap3A_409 = tpu.vector_load %arg6[%swap3A_408] {strides = array<i32>} : memref<3136xf32, #tpu.memory_space<vmem>>, vector<16xf32>,
      tpu.vector_store %arg6[%swap3A_408], %broadcast_in_dim3A_3 {strides = array<i32>} : memref<3136xf32, #tpu.memory_space<vmem>>, vector<16xf32>,
      %swap3A_410 = arith.constant 2880 : index
      %swap3A_411 = tpu.vector_load %arg6[%swap3A_410] {strides = array<i32>} : memref<3136xf32, #tpu.memory_space<vmem>>, vector<16xf32>,
      tpu.vector_store %arg6[%swap3A_410], %broadcast_in_dim3A_3 {strides = array<i32>} : memref<3136xf32, #tpu.memory_space<vmem>>, vector<16xf32>,
      %swap3A_412 = arith.constant 2896 : index
      %swap3A_413 = tpu.vector_load %arg6[%swap3A_412] {strides = array<i32>} : memref<3136xf32, #tpu.memory_space<vmem>>, vector<16xf32>,
      tpu.vector_store %arg6[%swap3A_412], %broadcast_in_dim3A_3 {strides = array<i32>} : memref<3136xf32, #tpu.memory_space<vmem>>, vector<16xf32>,
      %swap3A_414 = arith.constant 2912 : index
      %swap3A_415 = tpu.vector_load %arg6[%swap3A_414] {strides = array<i32>} : memref<3136xf32, #tpu.memory_space<vmem>>, vector<16xf32>,
      tpu.vector_store %arg6[%swap3A_414], %broadcast_in_dim3A_3 {strides = array<i32>} : memref<3136xf32, #tpu.memory_space<vmem>>, vector<16xf32>,
      %swap3A_416 = arith.constant 2928 : index
      %swap3A_417 = tpu.vector_load %arg6[%swap3A_416] {strides = array<i32>} : memref<3136xf32, #tpu.memory_space<vmem>>, vector<16xf32>,
      tpu.vector_store %arg6[%swap3A_416], %broadcast_in_dim3A_3 {strides = array<i32>} : memref<3136xf32, #tpu.memory_space<vmem>>, vector<16xf32>,
      %swap3A_418 = arith.constant 2944 : index
      %swap3A_419 = tpu.vector_load %arg6[%swap3A_418] {strides = array<i32>} : memref<3136xf32, #tpu.memory_space<vmem>>, vector<16xf32>,
      tpu.vector_store %arg6[%swap3A_418], %broadcast_in_dim3A_3 {strides = array<i32>} : memref<3136xf32, #tpu.memory_space<vmem>>, vector<16xf32>,
      %swap3A_420 = arith.constant 2960 : index
      %swap3A_421 = tpu.vector_load %arg6[%swap3A_420] {strides = array<i32>} : memref<3136xf32, #tpu.memory_space<vmem>>, vector<16xf32>,
      tpu.vector_store %arg6[%swap3A_420], %broadcast_in_dim3A_3 {strides = array<i32>} : memref<3136xf32, #tpu.memory_space<vmem>>, vector<16xf32>,
      %swap3A_422 = arith.constant 2976 : index
      %swap3A_423 = tpu.vector_load %arg6[%swap3A_422] {strides = array<i32>} : memref<3136xf32, #tpu.memory_space<vmem>>, vector<16xf32>,
      tpu.vector_store %arg6[%swap3A_422], %broadcast_in_dim3A_3 {strides = array<i32>} : memref<3136xf32, #tpu.memory_space<vmem>>, vector<16xf32>,
      %swap3A_424 = arith.constant 2992 : index
      %swap3A_425 = tpu.vector_load %arg6[%swap3A_424] {strides = array<i32>} : memref<3136xf32, #tpu.memory_space<vmem>>, vector<16xf32>,
      tpu.vector_store %arg6[%swap3A_424], %broadcast_in_dim3A_3 {strides = array<i32>} : memref<3136xf32, #tpu.memory_space<vmem>>, vector<16xf32>,
      %swap3A_426 = arith.constant 3008 : index
      %swap3A_427 = tpu.vector_load %arg6[%swap3A_426] {strides = array<i32>} : memref<3136xf32, #tpu.memory_space<vmem>>, vector<16xf32>,
      tpu.vector_store %arg6[%swap3A_426], %broadcast_in_dim3A_3 {strides = array<i32>} : memref<3136xf32, #tpu.memory_space<vmem>>, vector<16xf32>,
      %swap3A_428 = arith.constant 3024 : index
      %swap3A_429 = tpu.vector_load %arg6[%swap3A_428] {strides = array<i32>} : memref<3136xf32, #tpu.memory_space<vmem>>, vector<16xf32>,
      tpu.vector_store %arg6[%swap3A_428], %broadcast_in_dim3A_3 {strides = array<i32>} : memref<3136xf32, #tpu.memory_space<vmem>>, vector<16xf32>,
      %swap3A_430 = arith.constant 3040 : index
      %swap3A_431 = tpu.vector_load %arg6[%swap3A_430] {strides = array<i32>} : memref<3136xf32, #tpu.memory_space<vmem>>, vector<16xf32>,
      tpu.vector_store %arg6[%swap3A_430], %broadcast_in_dim3A_3 {strides = array<i32>} : memref<3136xf32, #tpu.memory_space<vmem>>, vector<16xf32>,
      %swap3A_432 = arith.constant 3056 : index
      %swap3A_433 = tpu.vector_load %arg6[%swap3A_432] {strides = array<i32>} : memref<3136xf32, #tpu.memory_space<vmem>>, vector<16xf32>,
      tpu.vector_store %arg6[%swap3A_432], %broadcast_in_dim3A_3 {strides = array<i32>} : memref<3136xf32, #tpu.memory_space<vmem>>, vector<16xf32>,
      %swap3A_434 = arith.constant 3072 : index
      %swap3A_435 = tpu.vector_load %arg6[%swap3A_434] {strides = array<i32>} : memref<3136xf32, #tpu.memory_space<vmem>>, vector<16xf32>,
      tpu.vector_store %arg6[%swap3A_434], %broadcast_in_dim3A_3 {strides = array<i32>} : memref<3136xf32, #tpu.memory_space<vmem>>, vector<16xf32>,
      %swap3A_436 = arith.constant 3088 : index
      %swap3A_437 = tpu.vector_load %arg6[%swap3A_436] {strides = array<i32>} : memref<3136xf32, #tpu.memory_space<vmem>>, vector<16xf32>,
      tpu.vector_store %arg6[%swap3A_436], %broadcast_in_dim3A_3 {strides = array<i32>} : memref<3136xf32, #tpu.memory_space<vmem>>, vector<16xf32>,
      %swap3A_438 = arith.constant 3104 : index
      %swap3A_439 = tpu.vector_load %arg6[%swap3A_438] {strides = array<i32>} : memref<3136xf32, #tpu.memory_space<vmem>>, vector<16xf32>,
      tpu.vector_store %arg6[%swap3A_438], %broadcast_in_dim3A_3 {strides = array<i32>} : memref<3136xf32, #tpu.memory_space<vmem>>, vector<16xf32>,
      %swap3A_440 = arith.constant 3120 : index
      %swap3A_441 = tpu.vector_load %arg6[%swap3A_440] {strides = array<i32>} : memref<3136xf32, #tpu.memory_space<vmem>>, vector<16xf32>,
      tpu.vector_store %arg6[%swap3A_440], %broadcast_in_dim3A_3 {strides = array<i32>} : memref<3136xf32, #tpu.memory_space<vmem>>, vector<16xf32>,
      %get3A = arith.constant 0 : i32
      %get3A_442 = arith.index_cast %get3A : i32 to index
      %get3A_443 = arith.constant 0 : index
      %get3A_444 = tpu.vector_load %arg4[%get3A_442, %get3A_443] {strides = array<i32>} : memref<2x800xi32, #tpu.memory_space<vmem>>, vector<16xi32>,
      %get3A_445 = arith.constant 1 : i32
      %get3A_446 = arith.index_cast %get3A_445 : i32 to index
      %get3A_447 = arith.constant 0 : index
      %get3A_448 = tpu.vector_load %arg4[%get3A_446, %get3A_447] {strides = array<i32>} : memref<2x800xi32, #tpu.memory_space<vmem>>, vector<16xi32>,
      %mul3A_449 = arith.constant 56 : i32
      %mul3A_450 = vector.broadcast %mul3A_449 : i32 to vector<16xi32>
      %mul3A_451 = arith.muli %get3A_444, %mul3A_450 : vector<16xi32>
      %add3A_452 = arith.addi %mul3A_451, %get3A_448 : vector<16xi32>
      %ne3A = arith.cmpi ne, %get3A_444, %get3A_448 : vector<16xi32>
      %select_n3A = arith.select %ne3A, %broadcast_in_dim3A_5, %broadcast_in_dim3A_3 : vector<16xi1>, vector<16xf32>
      tpu.vector_store_idx %arg6[%add3A_452], %select_n3A {add = true} : memref<3136xf32, #tpu.memory_space<vmem>>[vector<16xi32>], vector<16xf32>,
      %get3A_453 = arith.constant 0 : i32
      %get3A_454 = arith.index_cast %get3A_453 : i32 to index
      %get3A_455 = arith.constant 16 : index
      %get3A_456 = tpu.vector_load %arg4[%get3A_454, %get3A_455] {strides = array<i32>} : memref<2x800xi32, #tpu.memory_space<vmem>>, vector<16xi32>,
      %get3A_457 = arith.constant 1 : i32
      %get3A_458 = arith.index_cast %get3A_457 : i32 to index
      %get3A_459 = arith.constant 16 : index
      %get3A_460 = tpu.vector_load %arg4[%get3A_458, %get3A_459] {strides = array<i32>} : memref<2x800xi32, #tpu.memory_space<vmem>>, vector<16xi32>,
      %mul3A_461 = arith.constant 56 : i32
      %mul3A_462 = vector.broadcast %mul3A_461 : i32 to vector<16xi32>
      %mul3A_463 = arith.muli %get3A_456, %mul3A_462 : vector<16xi32>
      %add3A_464 = arith.addi %mul3A_463, %get3A_460 : vector<16xi32>
      %ne3A_465 = arith.cmpi ne, %get3A_456, %get3A_460 : vector<16xi32>
      %select_n3A_466 = arith.select %ne3A_465, %broadcast_in_dim3A_5, %broadcast_in_dim3A_3 : vector<16xi1>, vector<16xf32>
      tpu.vector_store_idx %arg6[%add3A_464], %select_n3A_466 {add = true} : memref<3136xf32, #tpu.memory_space<vmem>>[vector<16xi32>], vector<16xf32>,
      %get3A_467 = arith.constant 0 : i32
      %get3A_468 = arith.index_cast %get3A_467 : i32 to index
      %get3A_469 = arith.constant 32 : index
      %get3A_470 = tpu.vector_load %arg4[%get3A_468, %get3A_469] {strides = array<i32>} : memref<2x800xi32, #tpu.memory_space<vmem>>, vector<16xi32>,
      %get3A_471 = arith.constant 1 : i32
      %get3A_472 = arith.index_cast %get3A_471 : i32 to index
      %get3A_473 = arith.constant 32 : index
      %get3A_474 = tpu.vector_load %arg4[%get3A_472, %get3A_473] {strides = array<i32>} : memref<2x800xi32, #tpu.memory_space<vmem>>, vector<16xi32>,
      %mul3A_475 = arith.constant 56 : i32
      %mul3A_476 = vector.broadcast %mul3A_475 : i32 to vector<16xi32>
      %mul3A_477 = arith.muli %get3A_470, %mul3A_476 : vector<16xi32>
      %add3A_478 = arith.addi %mul3A_477, %get3A_474 : vector<16xi32>
      %ne3A_479 = arith.cmpi ne, %get3A_470, %get3A_474 : vector<16xi32>
      %select_n3A_480 = arith.select %ne3A_479, %broadcast_in_dim3A_5, %broadcast_in_dim3A_3 : vector<16xi1>, vector<16xf32>
      tpu.vector_store_idx %arg6[%add3A_478], %select_n3A_480 {add = true} : memref<3136xf32, #tpu.memory_space<vmem>>[vector<16xi32>], vector<16xf32>,
      %get3A_481 = arith.constant 0 : i32
      %get3A_482 = arith.index_cast %get3A_481 : i32 to index
      %get3A_483 = arith.constant 48 : index
      %get3A_484 = tpu.vector_load %arg4[%get3A_482, %get3A_483] {strides = array<i32>} : memref<2x800xi32, #tpu.memory_space<vmem>>, vector<16xi32>,
      %get3A_485 = arith.constant 1 : i32
      %get3A_486 = arith.index_cast %get3A_485 : i32 to index
      %get3A_487 = arith.constant 48 : index
      %get3A_488 = tpu.vector_load %arg4[%get3A_486, %get3A_487] {strides = array<i32>} : memref<2x800xi32, #tpu.memory_space<vmem>>, vector<16xi32>,
      %mul3A_489 = arith.constant 56 : i32
      %mul3A_490 = vector.broadcast %mul3A_489 : i32 to vector<16xi32>
      %mul3A_491 = arith.muli %get3A_484, %mul3A_490 : vector<16xi32>
      %add3A_492 = arith.addi %mul3A_491, %get3A_488 : vector<16xi32>
      %ne3A_493 = arith.cmpi ne, %get3A_484, %get3A_488 : vector<16xi32>
      %select_n3A_494 = arith.select %ne3A_493, %broadcast_in_dim3A_5, %broadcast_in_dim3A_3 : vector<16xi1>, vector<16xf32>
      tpu.vector_store_idx %arg6[%add3A_492], %select_n3A_494 {add = true} : memref<3136xf32, #tpu.memory_space<vmem>>[vector<16xi32>], vector<16xf32>,
      %get3A_495 = arith.constant 0 : i32
      %get3A_496 = arith.index_cast %get3A_495 : i32 to index
      %get3A_497 = arith.constant 64 : index
      %get3A_498 = tpu.vector_load %arg4[%get3A_496, %get3A_497] {strides = array<i32>} : memref<2x800xi32, #tpu.memory_space<vmem>>, vector<16xi32>,
      %get3A_499 = arith.constant 1 : i32
      %get3A_500 = arith.index_cast %get3A_499 : i32 to index
      %get3A_501 = arith.constant 64 : index
      %get3A_502 = tpu.vector_load %arg4[%get3A_500, %get3A_501] {strides = array<i32>} : memref<2x800xi32, #tpu.memory_space<vmem>>, vector<16xi32>,
      %mul3A_503 = arith.constant 56 : i32
      %mul3A_504 = vector.broadcast %mul3A_503 : i32 to vector<16xi32>
      %mul3A_505 = arith.muli %get3A_498, %mul3A_504 : vector<16xi32>
      %add3A_506 = arith.addi %mul3A_505, %get3A_502 : vector<16xi32>
      %ne3A_507 = arith.cmpi ne, %get3A_498, %get3A_502 : vector<16xi32>
      %select_n3A_508 = arith.select %ne3A_507, %broadcast_in_dim3A_5, %broadcast_in_dim3A_3 : vector<16xi1>, vector<16xf32>
      tpu.vector_store_idx %arg6[%add3A_506], %select_n3A_508 {add = true} : memref<3136xf32, #tpu.memory_space<vmem>>[vector<16xi32>], vector<16xf32>,
      %get3A_509 = arith.constant 0 : i32
      %get3A_510 = arith.index_cast %get3A_509 : i32 to index
      %get3A_511 = arith.constant 80 : index
      %get3A_512 = tpu.vector_load %arg4[%get3A_510, %get3A_511] {strides = array<i32>} : memref<2x800xi32, #tpu.memory_space<vmem>>, vector<16xi32>,
      %get3A_513 = arith.constant 1 : i32
      %get3A_514 = arith.index_cast %get3A_513 : i32 to index
      %get3A_515 = arith.constant 80 : index
      %get3A_516 = tpu.vector_load %arg4[%get3A_514, %get3A_515] {strides = array<i32>} : memref<2x800xi32, #tpu.memory_space<vmem>>, vector<16xi32>,
      %mul3A_517 = arith.constant 56 : i32
      %mul3A_518 = vector.broadcast %mul3A_517 : i32 to vector<16xi32>
      %mul3A_519 = arith.muli %get3A_512, %mul3A_518 : vector<16xi32>
      %add3A_520 = arith.addi %mul3A_519, %get3A_516 : vector<16xi32>
      %ne3A_521 = arith.cmpi ne, %get3A_512, %get3A_516 : vector<16xi32>
      %select_n3A_522 = arith.select %ne3A_521, %broadcast_in_dim3A_5, %broadcast_in_dim3A_3 : vector<16xi1>, vector<16xf32>
      tpu.vector_store_idx %arg6[%add3A_520], %select_n3A_522 {add = true} : memref<3136xf32, #tpu.memory_space<vmem>>[vector<16xi32>], vector<16xf32>,
      %get3A_523 = arith.constant 0 : i32
      %get3A_524 = arith.index_cast %get3A_523 : i32 to index
      %get3A_525 = arith.constant 96 : index
      %get3A_526 = tpu.vector_load %arg4[%get3A_524, %get3A_525] {strides = array<i32>} : memref<2x800xi32, #tpu.memory_space<vmem>>, vector<16xi32>,
      %get3A_527 = arith.constant 1 : i32
      %get3A_528 = arith.index_cast %get3A_527 : i32 to index
      %get3A_529 = arith.constant 96 : index
      %get3A_530 = tpu.vector_load %arg4[%get3A_528, %get3A_529] {strides = array<i32>} : memref<2x800xi32, #tpu.memory_space<vmem>>, vector<16xi32>,
      %mul3A_531 = arith.constant 56 : i32
      %mul3A_532 = vector.broadcast %mul3A_531 : i32 to vector<16xi32>
      %mul3A_533 = arith.muli %get3A_526, %mul3A_532 : vector<16xi32>
      %add3A_534 = arith.addi %mul3A_533, %get3A_530 : vector<16xi32>
      %ne3A_535 = arith.cmpi ne, %get3A_526, %get3A_530 : vector<16xi32>
      %select_n3A_536 = arith.select %ne3A_535, %broadcast_in_dim3A_5, %broadcast_in_dim3A_3 : vector<16xi1>, vector<16xf32>
      tpu.vector_store_idx %arg6[%add3A_534], %select_n3A_536 {add = true} : memref<3136xf32, #tpu.memory_space<vmem>>[vector<16xi32>], vector<16xf32>,
      %get3A_537 = arith.constant 0 : i32
      %get3A_538 = arith.index_cast %get3A_537 : i32 to index
      %get3A_539 = arith.constant 112 : index
      %get3A_540 = tpu.vector_load %arg4[%get3A_538, %get3A_539] {strides = array<i32>} : memref<2x800xi32, #tpu.memory_space<vmem>>, vector<16xi32>,
      %get3A_541 = arith.constant 1 : i32
      %get3A_542 = arith.index_cast %get3A_541 : i32 to index
      %get3A_543 = arith.constant 112 : index
      %get3A_544 = tpu.vector_load %arg4[%get3A_542, %get3A_543] {strides = array<i32>} : memref<2x800xi32, #tpu.memory_space<vmem>>, vector<16xi32>,
      %mul3A_545 = arith.constant 56 : i32
      %mul3A_546 = vector.broadcast %mul3A_545 : i32 to vector<16xi32>
      %mul3A_547 = arith.muli %get3A_540, %mul3A_546 : vector<16xi32>
      %add3A_548 = arith.addi %mul3A_547, %get3A_544 : vector<16xi32>
      %ne3A_549 = arith.cmpi ne, %get3A_540, %get3A_544 : vector<16xi32>
      %select_n3A_550 = arith.select %ne3A_549, %broadcast_in_dim3A_5, %broadcast_in_dim3A_3 : vector<16xi1>, vector<16xf32>
      tpu.vector_store_idx %arg6[%add3A_548], %select_n3A_550 {add = true} : memref<3136xf32, #tpu.memory_space<vmem>>[vector<16xi32>], vector<16xf32>,
      %get3A_551 = arith.constant 0 : i32
      %get3A_552 = arith.index_cast %get3A_551 : i32 to index
      %get3A_553 = arith.constant 128 : index
      %get3A_554 = tpu.vector_load %arg4[%get3A_552, %get3A_553] {strides = array<i32>} : memref<2x800xi32, #tpu.memory_space<vmem>>, vector<16xi32>,
      %get3A_555 = arith.constant 1 : i32
      %get3A_556 = arith.index_cast %get3A_555 : i32 to index
      %get3A_557 = arith.constant 128 : index
      %get3A_558 = tpu.vector_load %arg4[%get3A_556, %get3A_557] {strides = array<i32>} : memref<2x800xi32, #tpu.memory_space<vmem>>, vector<16xi32>,
      %mul3A_559 = arith.constant 56 : i32
      %mul3A_560 = vector.broadcast %mul3A_559 : i32 to vector<16xi32>
      %mul3A_561 = arith.muli %get3A_554, %mul3A_560 : vector<16xi32>
      %add3A_562 = arith.addi %mul3A_561, %get3A_558 : vector<16xi32>
      %ne3A_563 = arith.cmpi ne, %get3A_554, %get3A_558 : vector<16xi32>
      %select_n3A_564 = arith.select %ne3A_563, %broadcast_in_dim3A_5, %broadcast_in_dim3A_3 : vector<16xi1>, vector<16xf32>
      tpu.vector_store_idx %arg6[%add3A_562], %select_n3A_564 {add = true} : memref<3136xf32, #tpu.memory_space<vmem>>[vector<16xi32>], vector<16xf32>,
      %get3A_565 = arith.constant 0 : i32
      %get3A_566 = arith.index_cast %get3A_565 : i32 to index
      %get3A_567 = arith.constant 144 : index
      %get3A_568 = tpu.vector_load %arg4[%get3A_566, %get3A_567] {strides = array<i32>} : memref<2x800xi32, #tpu.memory_space<vmem>>, vector<16xi32>,
      %get3A_569 = arith.constant 1 : i32
      %get3A_570 = arith.index_cast %get3A_569 : i32 to index
      %get3A_571 = arith.constant 144 : index
      %get3A_572 = tpu.vector_load %arg4[%get3A_570, %get3A_571] {strides = array<i32>} : memref<2x800xi32, #tpu.memory_space<vmem>>, vector<16xi32>,
      %mul3A_573 = arith.constant 56 : i32
      %mul3A_574 = vector.broadcast %mul3A_573 : i32 to vector<16xi32>
      %mul3A_575 = arith.muli %get3A_568, %mul3A_574 : vector<16xi32>
      %add3A_576 = arith.addi %mul3A_575, %get3A_572 : vector<16xi32>
      %ne3A_577 = arith.cmpi ne, %get3A_568, %get3A_572 : vector<16xi32>
      %select_n3A_578 = arith.select %ne3A_577, %broadcast_in_dim3A_5, %broadcast_in_dim3A_3 : vector<16xi1>, vector<16xf32>
      tpu.vector_store_idx %arg6[%add3A_576], %select_n3A_578 {add = true} : memref<3136xf32, #tpu.memory_space<vmem>>[vector<16xi32>], vector<16xf32>,
      %get3A_579 = arith.constant 0 : i32
      %get3A_580 = arith.index_cast %get3A_579 : i32 to index
      %get3A_581 = arith.constant 160 : index
      %get3A_582 = tpu.vector_load %arg4[%get3A_580, %get3A_581] {strides = array<i32>} : memref<2x800xi32, #tpu.memory_space<vmem>>, vector<16xi32>,
      %get3A_583 = arith.constant 1 : i32
      %get3A_584 = arith.index_cast %get3A_583 : i32 to index
      %get3A_585 = arith.constant 160 : index
      %get3A_586 = tpu.vector_load %arg4[%get3A_584, %get3A_585] {strides = array<i32>} : memref<2x800xi32, #tpu.memory_space<vmem>>, vector<16xi32>,
      %mul3A_587 = arith.constant 56 : i32
      %mul3A_588 = vector.broadcast %mul3A_587 : i32 to vector<16xi32>
      %mul3A_589 = arith.muli %get3A_582, %mul3A_588 : vector<16xi32>
      %add3A_590 = arith.addi %mul3A_589, %get3A_586 : vector<16xi32>
      %ne3A_591 = arith.cmpi ne, %get3A_582, %get3A_586 : vector<16xi32>
      %select_n3A_592 = arith.select %ne3A_591, %broadcast_in_dim3A_5, %broadcast_in_dim3A_3 : vector<16xi1>, vector<16xf32>
      tpu.vector_store_idx %arg6[%add3A_590], %select_n3A_592 {add = true} : memref<3136xf32, #tpu.memory_space<vmem>>[vector<16xi32>], vector<16xf32>,
      %get3A_593 = arith.constant 0 : i32
      %get3A_594 = arith.index_cast %get3A_593 : i32 to index
      %get3A_595 = arith.constant 176 : index
      %get3A_596 = tpu.vector_load %arg4[%get3A_594, %get3A_595] {strides = array<i32>} : memref<2x800xi32, #tpu.memory_space<vmem>>, vector<16xi32>,
      %get3A_597 = arith.constant 1 : i32
      %get3A_598 = arith.index_cast %get3A_597 : i32 to index
      %get3A_599 = arith.constant 176 : index
      %get3A_600 = tpu.vector_load %arg4[%get3A_598, %get3A_599] {strides = array<i32>} : memref<2x800xi32, #tpu.memory_space<vmem>>, vector<16xi32>,
      %mul3A_601 = arith.constant 56 : i32
      %mul3A_602 = vector.broadcast %mul3A_601 : i32 to vector<16xi32>
      %mul3A_603 = arith.muli %get3A_596, %mul3A_602 : vector<16xi32>
      %add3A_604 = arith.addi %mul3A_603, %get3A_600 : vector<16xi32>
      %ne3A_605 = arith.cmpi ne, %get3A_596, %get3A_600 : vector<16xi32>
      %select_n3A_606 = arith.select %ne3A_605, %broadcast_in_dim3A_5, %broadcast_in_dim3A_3 : vector<16xi1>, vector<16xf32>
      tpu.vector_store_idx %arg6[%add3A_604], %select_n3A_606 {add = true} : memref<3136xf32, #tpu.memory_space<vmem>>[vector<16xi32>], vector<16xf32>,
      %get3A_607 = arith.constant 0 : i32
      %get3A_608 = arith.index_cast %get3A_607 : i32 to index
      %get3A_609 = arith.constant 192 : index
      %get3A_610 = tpu.vector_load %arg4[%get3A_608, %get3A_609] {strides = array<i32>} : memref<2x800xi32, #tpu.memory_space<vmem>>, vector<16xi32>,
      %get3A_611 = arith.constant 1 : i32
      %get3A_612 = arith.index_cast %get3A_611 : i32 to index
      %get3A_613 = arith.constant 192 : index
      %get3A_614 = tpu.vector_load %arg4[%get3A_612, %get3A_613] {strides = array<i32>} : memref<2x800xi32, #tpu.memory_space<vmem>>, vector<16xi32>,
      %mul3A_615 = arith.constant 56 : i32
      %mul3A_616 = vector.broadcast %mul3A_615 : i32 to vector<16xi32>
      %mul3A_617 = arith.muli %get3A_610, %mul3A_616 : vector<16xi32>
      %add3A_618 = arith.addi %mul3A_617, %get3A_614 : vector<16xi32>
      %ne3A_619 = arith.cmpi ne, %get3A_610, %get3A_614 : vector<16xi32>
      %select_n3A_620 = arith.select %ne3A_619, %broadcast_in_dim3A_5, %broadcast_in_dim3A_3 : vector<16xi1>, vector<16xf32>
      tpu.vector_store_idx %arg6[%add3A_618], %select_n3A_620 {add = true} : memref<3136xf32, #tpu.memory_space<vmem>>[vector<16xi32>], vector<16xf32>,
      %get3A_621 = arith.constant 0 : i32
      %get3A_622 = arith.index_cast %get3A_621 : i32 to index
      %get3A_623 = arith.constant 208 : index
      %get3A_624 = tpu.vector_load %arg4[%get3A_622, %get3A_623] {strides = array<i32>} : memref<2x800xi32, #tpu.memory_space<vmem>>, vector<16xi32>,
      %get3A_625 = arith.constant 1 : i32
      %get3A_626 = arith.index_cast %get3A_625 : i32 to index
      %get3A_627 = arith.constant 208 : index
      %get3A_628 = tpu.vector_load %arg4[%get3A_626, %get3A_627] {strides = array<i32>} : memref<2x800xi32, #tpu.memory_space<vmem>>, vector<16xi32>,
      %mul3A_629 = arith.constant 56 : i32
      %mul3A_630 = vector.broadcast %mul3A_629 : i32 to vector<16xi32>
      %mul3A_631 = arith.muli %get3A_624, %mul3A_630 : vector<16xi32>
      %add3A_632 = arith.addi %mul3A_631, %get3A_628 : vector<16xi32>
      %ne3A_633 = arith.cmpi ne, %get3A_624, %get3A_628 : vector<16xi32>
      %select_n3A_634 = arith.select %ne3A_633, %broadcast_in_dim3A_5, %broadcast_in_dim3A_3 : vector<16xi1>, vector<16xf32>
      tpu.vector_store_idx %arg6[%add3A_632], %select_n3A_634 {add = true} : memref<3136xf32, #tpu.memory_space<vmem>>[vector<16xi32>], vector<16xf32>,
      %get3A_635 = arith.constant 0 : i32
      %get3A_636 = arith.index_cast %get3A_635 : i32 to index
      %get3A_637 = arith.constant 224 : index
      %get3A_638 = tpu.vector_load %arg4[%get3A_636, %get3A_637] {strides = array<i32>} : memref<2x800xi32, #tpu.memory_space<vmem>>, vector<16xi32>,
      %get3A_639 = arith.constant 1 : i32
      %get3A_640 = arith.index_cast %get3A_639 : i32 to index
      %get3A_641 = arith.constant 224 : index
      %get3A_642 = tpu.vector_load %arg4[%get3A_640, %get3A_641] {strides = array<i32>} : memref<2x800xi32, #tpu.memory_space<vmem>>, vector<16xi32>,
      %mul3A_643 = arith.constant 56 : i32
      %mul3A_644 = vector.broadcast %mul3A_643 : i32 to vector<16xi32>
      %mul3A_645 = arith.muli %get3A_638, %mul3A_644 : vector<16xi32>
      %add3A_646 = arith.addi %mul3A_645, %get3A_642 : vector<16xi32>
      %ne3A_647 = arith.cmpi ne, %get3A_638, %get3A_642 : vector<16xi32>
      %select_n3A_648 = arith.select %ne3A_647, %broadcast_in_dim3A_5, %broadcast_in_dim3A_3 : vector<16xi1>, vector<16xf32>
      tpu.vector_store_idx %arg6[%add3A_646], %select_n3A_648 {add = true} : memref<3136xf32, #tpu.memory_space<vmem>>[vector<16xi32>], vector<16xf32>,
      %get3A_649 = arith.constant 0 : i32
      %get3A_650 = arith.index_cast %get3A_649 : i32 to index
      %get3A_651 = arith.constant 240 : index
      %get3A_652 = tpu.vector_load %arg4[%get3A_650, %get3A_651] {strides = array<i32>} : memref<2x800xi32, #tpu.memory_space<vmem>>, vector<16xi32>,
      %get3A_653 = arith.constant 1 : i32
      %get3A_654 = arith.index_cast %get3A_653 : i32 to index
      %get3A_655 = arith.constant 240 : index
      %get3A_656 = tpu.vector_load %arg4[%get3A_654, %get3A_655] {strides = array<i32>} : memref<2x800xi32, #tpu.memory_space<vmem>>, vector<16xi32>,
      %mul3A_657 = arith.constant 56 : i32
      %mul3A_658 = vector.broadcast %mul3A_657 : i32 to vector<16xi32>
      %mul3A_659 = arith.muli %get3A_652, %mul3A_658 : vector<16xi32>
      %add3A_660 = arith.addi %mul3A_659, %get3A_656 : vector<16xi32>
      %ne3A_661 = arith.cmpi ne, %get3A_652, %get3A_656 : vector<16xi32>
      %select_n3A_662 = arith.select %ne3A_661, %broadcast_in_dim3A_5, %broadcast_in_dim3A_3 : vector<16xi1>, vector<16xf32>
      tpu.vector_store_idx %arg6[%add3A_660], %select_n3A_662 {add = true} : memref<3136xf32, #tpu.memory_space<vmem>>[vector<16xi32>], vector<16xf32>,
      %get3A_663 = arith.constant 0 : i32
      %get3A_664 = arith.index_cast %get3A_663 : i32 to index
      %get3A_665 = arith.constant 256 : index
      %get3A_666 = tpu.vector_load %arg4[%get3A_664, %get3A_665] {strides = array<i32>} : memref<2x800xi32, #tpu.memory_space<vmem>>, vector<16xi32>,
      %get3A_667 = arith.constant 1 : i32
      %get3A_668 = arith.index_cast %get3A_667 : i32 to index
      %get3A_669 = arith.constant 256 : index
      %get3A_670 = tpu.vector_load %arg4[%get3A_668, %get3A_669] {strides = array<i32>} : memref<2x800xi32, #tpu.memory_space<vmem>>, vector<16xi32>,
      %mul3A_671 = arith.constant 56 : i32
      %mul3A_672 = vector.broadcast %mul3A_671 : i32 to vector<16xi32>
      %mul3A_673 = arith.muli %get3A_666, %mul3A_672 : vector<16xi32>
      %add3A_674 = arith.addi %mul3A_673, %get3A_670 : vector<16xi32>
      %ne3A_675 = arith.cmpi ne, %get3A_666, %get3A_670 : vector<16xi32>
      %select_n3A_676 = arith.select %ne3A_675, %broadcast_in_dim3A_5, %broadcast_in_dim3A_3 : vector<16xi1>, vector<16xf32>
      tpu.vector_store_idx %arg6[%add3A_674], %select_n3A_676 {add = true} : memref<3136xf32, #tpu.memory_space<vmem>>[vector<16xi32>], vector<16xf32>,
      %get3A_677 = arith.constant 0 : i32
      %get3A_678 = arith.index_cast %get3A_677 : i32 to index
      %get3A_679 = arith.constant 272 : index
      %get3A_680 = tpu.vector_load %arg4[%get3A_678, %get3A_679] {strides = array<i32>} : memref<2x800xi32, #tpu.memory_space<vmem>>, vector<16xi32>,
      %get3A_681 = arith.constant 1 : i32
      %get3A_682 = arith.index_cast %get3A_681 : i32 to index
      %get3A_683 = arith.constant 272 : index
      %get3A_684 = tpu.vector_load %arg4[%get3A_682, %get3A_683] {strides = array<i32>} : memref<2x800xi32, #tpu.memory_space<vmem>>, vector<16xi32>,
      %mul3A_685 = arith.constant 56 : i32
      %mul3A_686 = vector.broadcast %mul3A_685 : i32 to vector<16xi32>
      %mul3A_687 = arith.muli %get3A_680, %mul3A_686 : vector<16xi32>
      %add3A_688 = arith.addi %mul3A_687, %get3A_684 : vector<16xi32>
      %ne3A_689 = arith.cmpi ne, %get3A_680, %get3A_684 : vector<16xi32>
      %select_n3A_690 = arith.select %ne3A_689, %broadcast_in_dim3A_5, %broadcast_in_dim3A_3 : vector<16xi1>, vector<16xf32>
      tpu.vector_store_idx %arg6[%add3A_688], %select_n3A_690 {add = true} : memref<3136xf32, #tpu.memory_space<vmem>>[vector<16xi32>], vector<16xf32>,
      %get3A_691 = arith.constant 0 : i32
      %get3A_692 = arith.index_cast %get3A_691 : i32 to index
      %get3A_693 = arith.constant 288 : index
      %get3A_694 = tpu.vector_load %arg4[%get3A_692, %get3A_693] {strides = array<i32>} : memref<2x800xi32, #tpu.memory_space<vmem>>, vector<16xi32>,
      %get3A_695 = arith.constant 1 : i32
      %get3A_696 = arith.index_cast %get3A_695 : i32 to index
      %get3A_697 = arith.constant 288 : index
      %get3A_698 = tpu.vector_load %arg4[%get3A_696, %get3A_697] {strides = array<i32>} : memref<2x800xi32, #tpu.memory_space<vmem>>, vector<16xi32>,
      %mul3A_699 = arith.constant 56 : i32
      %mul3A_700 = vector.broadcast %mul3A_699 : i32 to vector<16xi32>
      %mul3A_701 = arith.muli %get3A_694, %mul3A_700 : vector<16xi32>
      %add3A_702 = arith.addi %mul3A_701, %get3A_698 : vector<16xi32>
      %ne3A_703 = arith.cmpi ne, %get3A_694, %get3A_698 : vector<16xi32>
      %select_n3A_704 = arith.select %ne3A_703, %broadcast_in_dim3A_5, %broadcast_in_dim3A_3 : vector<16xi1>, vector<16xf32>
      tpu.vector_store_idx %arg6[%add3A_702], %select_n3A_704 {add = true} : memref<3136xf32, #tpu.memory_space<vmem>>[vector<16xi32>], vector<16xf32>,
      %get3A_705 = arith.constant 0 : i32
      %get3A_706 = arith.index_cast %get3A_705 : i32 to index
      %get3A_707 = arith.constant 304 : index
      %get3A_708 = tpu.vector_load %arg4[%get3A_706, %get3A_707] {strides = array<i32>} : memref<2x800xi32, #tpu.memory_space<vmem>>, vector<16xi32>,
      %get3A_709 = arith.constant 1 : i32
      %get3A_710 = arith.index_cast %get3A_709 : i32 to index
      %get3A_711 = arith.constant 304 : index
      %get3A_712 = tpu.vector_load %arg4[%get3A_710, %get3A_711] {strides = array<i32>} : memref<2x800xi32, #tpu.memory_space<vmem>>, vector<16xi32>,
      %mul3A_713 = arith.constant 56 : i32
      %mul3A_714 = vector.broadcast %mul3A_713 : i32 to vector<16xi32>
      %mul3A_715 = arith.muli %get3A_708, %mul3A_714 : vector<16xi32>
      %add3A_716 = arith.addi %mul3A_715, %get3A_712 : vector<16xi32>
      %ne3A_717 = arith.cmpi ne, %get3A_708, %get3A_712 : vector<16xi32>
      %select_n3A_718 = arith.select %ne3A_717, %broadcast_in_dim3A_5, %broadcast_in_dim3A_3 : vector<16xi1>, vector<16xf32>
      tpu.vector_store_idx %arg6[%add3A_716], %select_n3A_718 {add = true} : memref<3136xf32, #tpu.memory_space<vmem>>[vector<16xi32>], vector<16xf32>,
      %get3A_719 = arith.constant 0 : i32
      %get3A_720 = arith.index_cast %get3A_719 : i32 to index
      %get3A_721 = arith.constant 320 : index
      %get3A_722 = tpu.vector_load %arg4[%get3A_720, %get3A_721] {strides = array<i32>} : memref<2x800xi32, #tpu.memory_space<vmem>>, vector<16xi32>,
      %get3A_723 = arith.constant 1 : i32
      %get3A_724 = arith.index_cast %get3A_723 : i32 to index
      %get3A_725 = arith.constant 320 : index
      %get3A_726 = tpu.vector_load %arg4[%get3A_724, %get3A_725] {strides = array<i32>} : memref<2x800xi32, #tpu.memory_space<vmem>>, vector<16xi32>,
      %mul3A_727 = arith.constant 56 : i32
      %mul3A_728 = vector.broadcast %mul3A_727 : i32 to vector<16xi32>
      %mul3A_729 = arith.muli %get3A_722, %mul3A_728 : vector<16xi32>
      %add3A_730 = arith.addi %mul3A_729, %get3A_726 : vector<16xi32>
      %ne3A_731 = arith.cmpi ne, %get3A_722, %get3A_726 : vector<16xi32>
      %select_n3A_732 = arith.select %ne3A_731, %broadcast_in_dim3A_5, %broadcast_in_dim3A_3 : vector<16xi1>, vector<16xf32>
      tpu.vector_store_idx %arg6[%add3A_730], %select_n3A_732 {add = true} : memref<3136xf32, #tpu.memory_space<vmem>>[vector<16xi32>], vector<16xf32>,
      %get3A_733 = arith.constant 0 : i32
      %get3A_734 = arith.index_cast %get3A_733 : i32 to index
      %get3A_735 = arith.constant 336 : index
      %get3A_736 = tpu.vector_load %arg4[%get3A_734, %get3A_735] {strides = array<i32>} : memref<2x800xi32, #tpu.memory_space<vmem>>, vector<16xi32>,
      %get3A_737 = arith.constant 1 : i32
      %get3A_738 = arith.index_cast %get3A_737 : i32 to index
      %get3A_739 = arith.constant 336 : index
      %get3A_740 = tpu.vector_load %arg4[%get3A_738, %get3A_739] {strides = array<i32>} : memref<2x800xi32, #tpu.memory_space<vmem>>, vector<16xi32>,
      %mul3A_741 = arith.constant 56 : i32
      %mul3A_742 = vector.broadcast %mul3A_741 : i32 to vector<16xi32>
      %mul3A_743 = arith.muli %get3A_736, %mul3A_742 : vector<16xi32>
      %add3A_744 = arith.addi %mul3A_743, %get3A_740 : vector<16xi32>
      %ne3A_745 = arith.cmpi ne, %get3A_736, %get3A_740 : vector<16xi32>
      %select_n3A_746 = arith.select %ne3A_745, %broadcast_in_dim3A_5, %broadcast_in_dim3A_3 : vector<16xi1>, vector<16xf32>
      tpu.vector_store_idx %arg6[%add3A_744], %select_n3A_746 {add = true} : memref<3136xf32, #tpu.memory_space<vmem>>[vector<16xi32>], vector<16xf32>,
      %get3A_747 = arith.constant 0 : i32
      %get3A_748 = arith.index_cast %get3A_747 : i32 to index
      %get3A_749 = arith.constant 352 : index
      %get3A_750 = tpu.vector_load %arg4[%get3A_748, %get3A_749] {strides = array<i32>} : memref<2x800xi32, #tpu.memory_space<vmem>>, vector<16xi32>,
      %get3A_751 = arith.constant 1 : i32
      %get3A_752 = arith.index_cast %get3A_751 : i32 to index
      %get3A_753 = arith.constant 352 : index
      %get3A_754 = tpu.vector_load %arg4[%get3A_752, %get3A_753] {strides = array<i32>} : memref<2x800xi32, #tpu.memory_space<vmem>>, vector<16xi32>,
      %mul3A_755 = arith.constant 56 : i32
      %mul3A_756 = vector.broadcast %mul3A_755 : i32 to vector<16xi32>
      %mul3A_757 = arith.muli %get3A_750, %mul3A_756 : vector<16xi32>
      %add3A_758 = arith.addi %mul3A_757, %get3A_754 : vector<16xi32>
      %ne3A_759 = arith.cmpi ne, %get3A_750, %get3A_754 : vector<16xi32>
      %select_n3A_760 = arith.select %ne3A_759, %broadcast_in_dim3A_5, %broadcast_in_dim3A_3 : vector<16xi1>, vector<16xf32>
      tpu.vector_store_idx %arg6[%add3A_758], %select_n3A_760 {add = true} : memref<3136xf32, #tpu.memory_space<vmem>>[vector<16xi32>], vector<16xf32>,
      %get3A_761 = arith.constant 0 : i32
      %get3A_762 = arith.index_cast %get3A_761 : i32 to index
      %get3A_763 = arith.constant 368 : index
      %get3A_764 = tpu.vector_load %arg4[%get3A_762, %get3A_763] {strides = array<i32>} : memref<2x800xi32, #tpu.memory_space<vmem>>, vector<16xi32>,
      %get3A_765 = arith.constant 1 : i32
      %get3A_766 = arith.index_cast %get3A_765 : i32 to index
      %get3A_767 = arith.constant 368 : index
      %get3A_768 = tpu.vector_load %arg4[%get3A_766, %get3A_767] {strides = array<i32>} : memref<2x800xi32, #tpu.memory_space<vmem>>, vector<16xi32>,
      %mul3A_769 = arith.constant 56 : i32
      %mul3A_770 = vector.broadcast %mul3A_769 : i32 to vector<16xi32>
      %mul3A_771 = arith.muli %get3A_764, %mul3A_770 : vector<16xi32>
      %add3A_772 = arith.addi %mul3A_771, %get3A_768 : vector<16xi32>
      %ne3A_773 = arith.cmpi ne, %get3A_764, %get3A_768 : vector<16xi32>
      %select_n3A_774 = arith.select %ne3A_773, %broadcast_in_dim3A_5, %broadcast_in_dim3A_3 : vector<16xi1>, vector<16xf32>
      tpu.vector_store_idx %arg6[%add3A_772], %select_n3A_774 {add = true} : memref<3136xf32, #tpu.memory_space<vmem>>[vector<16xi32>], vector<16xf32>,
      %get3A_775 = arith.constant 0 : i32
      %get3A_776 = arith.index_cast %get3A_775 : i32 to index
      %get3A_777 = arith.constant 384 : index
      %get3A_778 = tpu.vector_load %arg4[%get3A_776, %get3A_777] {strides = array<i32>} : memref<2x800xi32, #tpu.memory_space<vmem>>, vector<16xi32>,
      %get3A_779 = arith.constant 1 : i32
      %get3A_780 = arith.index_cast %get3A_779 : i32 to index
      %get3A_781 = arith.constant 384 : index
      %get3A_782 = tpu.vector_load %arg4[%get3A_780, %get3A_781] {strides = array<i32>} : memref<2x800xi32, #tpu.memory_space<vmem>>, vector<16xi32>,
      %mul3A_783 = arith.constant 56 : i32
      %mul3A_784 = vector.broadcast %mul3A_783 : i32 to vector<16xi32>
      %mul3A_785 = arith.muli %get3A_778, %mul3A_784 : vector<16xi32>
      %add3A_786 = arith.addi %mul3A_785, %get3A_782 : vector<16xi32>
      %ne3A_787 = arith.cmpi ne, %get3A_778, %get3A_782 : vector<16xi32>
      %select_n3A_788 = arith.select %ne3A_787, %broadcast_in_dim3A_5, %broadcast_in_dim3A_3 : vector<16xi1>, vector<16xf32>
      tpu.vector_store_idx %arg6[%add3A_786], %select_n3A_788 {add = true} : memref<3136xf32, #tpu.memory_space<vmem>>[vector<16xi32>], vector<16xf32>,
      %get3A_789 = arith.constant 0 : i32
      %get3A_790 = arith.index_cast %get3A_789 : i32 to index
      %get3A_791 = arith.constant 400 : index
      %get3A_792 = tpu.vector_load %arg4[%get3A_790, %get3A_791] {strides = array<i32>} : memref<2x800xi32, #tpu.memory_space<vmem>>, vector<16xi32>,
      %get3A_793 = arith.constant 1 : i32
      %get3A_794 = arith.index_cast %get3A_793 : i32 to index
      %get3A_795 = arith.constant 400 : index
      %get3A_796 = tpu.vector_load %arg4[%get3A_794, %get3A_795] {strides = array<i32>} : memref<2x800xi32, #tpu.memory_space<vmem>>, vector<16xi32>,
      %mul3A_797 = arith.constant 56 : i32
      %mul3A_798 = vector.broadcast %mul3A_797 : i32 to vector<16xi32>
      %mul3A_799 = arith.muli %get3A_792, %mul3A_798 : vector<16xi32>
      %add3A_800 = arith.addi %mul3A_799, %get3A_796 : vector<16xi32>
      %ne3A_801 = arith.cmpi ne, %get3A_792, %get3A_796 : vector<16xi32>
      %select_n3A_802 = arith.select %ne3A_801, %broadcast_in_dim3A_5, %broadcast_in_dim3A_3 : vector<16xi1>, vector<16xf32>
      tpu.vector_store_idx %arg6[%add3A_800], %select_n3A_802 {add = true} : memref<3136xf32, #tpu.memory_space<vmem>>[vector<16xi32>], vector<16xf32>,
      %get3A_803 = arith.constant 0 : i32
      %get3A_804 = arith.index_cast %get3A_803 : i32 to index
      %get3A_805 = arith.constant 416 : index
      %get3A_806 = tpu.vector_load %arg4[%get3A_804, %get3A_805] {strides = array<i32>} : memref<2x800xi32, #tpu.memory_space<vmem>>, vector<16xi32>,
      %get3A_807 = arith.constant 1 : i32
      %get3A_808 = arith.index_cast %get3A_807 : i32 to index
      %get3A_809 = arith.constant 416 : index
      %get3A_810 = tpu.vector_load %arg4[%get3A_808, %get3A_809] {strides = array<i32>} : memref<2x800xi32, #tpu.memory_space<vmem>>, vector<16xi32>,
      %mul3A_811 = arith.constant 56 : i32
      %mul3A_812 = vector.broadcast %mul3A_811 : i32 to vector<16xi32>
      %mul3A_813 = arith.muli %get3A_806, %mul3A_812 : vector<16xi32>
      %add3A_814 = arith.addi %mul3A_813, %get3A_810 : vector<16xi32>
      %ne3A_815 = arith.cmpi ne, %get3A_806, %get3A_810 : vector<16xi32>
      %select_n3A_816 = arith.select %ne3A_815, %broadcast_in_dim3A_5, %broadcast_in_dim3A_3 : vector<16xi1>, vector<16xf32>
      tpu.vector_store_idx %arg6[%add3A_814], %select_n3A_816 {add = true} : memref<3136xf32, #tpu.memory_space<vmem>>[vector<16xi32>], vector<16xf32>,
      %get3A_817 = arith.constant 0 : i32
      %get3A_818 = arith.index_cast %get3A_817 : i32 to index
      %get3A_819 = arith.constant 432 : index
      %get3A_820 = tpu.vector_load %arg4[%get3A_818, %get3A_819] {strides = array<i32>} : memref<2x800xi32, #tpu.memory_space<vmem>>, vector<16xi32>,
      %get3A_821 = arith.constant 1 : i32
      %get3A_822 = arith.index_cast %get3A_821 : i32 to index
      %get3A_823 = arith.constant 432 : index
      %get3A_824 = tpu.vector_load %arg4[%get3A_822, %get3A_823] {strides = array<i32>} : memref<2x800xi32, #tpu.memory_space<vmem>>, vector<16xi32>,
      %mul3A_825 = arith.constant 56 : i32
      %mul3A_826 = vector.broadcast %mul3A_825 : i32 to vector<16xi32>
      %mul3A_827 = arith.muli %get3A_820, %mul3A_826 : vector<16xi32>
      %add3A_828 = arith.addi %mul3A_827, %get3A_824 : vector<16xi32>
      %ne3A_829 = arith.cmpi ne, %get3A_820, %get3A_824 : vector<16xi32>
      %select_n3A_830 = arith.select %ne3A_829, %broadcast_in_dim3A_5, %broadcast_in_dim3A_3 : vector<16xi1>, vector<16xf32>
      tpu.vector_store_idx %arg6[%add3A_828], %select_n3A_830 {add = true} : memref<3136xf32, #tpu.memory_space<vmem>>[vector<16xi32>], vector<16xf32>,
      %get3A_831 = arith.constant 0 : i32
      %get3A_832 = arith.index_cast %get3A_831 : i32 to index
      %get3A_833 = arith.constant 448 : index
      %get3A_834 = tpu.vector_load %arg4[%get3A_832, %get3A_833] {strides = array<i32>} : memref<2x800xi32, #tpu.memory_space<vmem>>, vector<16xi32>,
      %get3A_835 = arith.constant 1 : i32
      %get3A_836 = arith.index_cast %get3A_835 : i32 to index
      %get3A_837 = arith.constant 448 : index
      %get3A_838 = tpu.vector_load %arg4[%get3A_836, %get3A_837] {strides = array<i32>} : memref<2x800xi32, #tpu.memory_space<vmem>>, vector<16xi32>,
      %mul3A_839 = arith.constant 56 : i32
      %mul3A_840 = vector.broadcast %mul3A_839 : i32 to vector<16xi32>
      %mul3A_841 = arith.muli %get3A_834, %mul3A_840 : vector<16xi32>
      %add3A_842 = arith.addi %mul3A_841, %get3A_838 : vector<16xi32>
      %ne3A_843 = arith.cmpi ne, %get3A_834, %get3A_838 : vector<16xi32>
      %select_n3A_844 = arith.select %ne3A_843, %broadcast_in_dim3A_5, %broadcast_in_dim3A_3 : vector<16xi1>, vector<16xf32>
      tpu.vector_store_idx %arg6[%add3A_842], %select_n3A_844 {add = true} : memref<3136xf32, #tpu.memory_space<vmem>>[vector<16xi32>], vector<16xf32>,
      %get3A_845 = arith.constant 0 : i32
      %get3A_846 = arith.index_cast %get3A_845 : i32 to index
      %get3A_847 = arith.constant 464 : index
      %get3A_848 = tpu.vector_load %arg4[%get3A_846, %get3A_847] {strides = array<i32>} : memref<2x800xi32, #tpu.memory_space<vmem>>, vector<16xi32>,
      %get3A_849 = arith.constant 1 : i32
      %get3A_850 = arith.index_cast %get3A_849 : i32 to index
      %get3A_851 = arith.constant 464 : index
      %get3A_852 = tpu.vector_load %arg4[%get3A_850, %get3A_851] {strides = array<i32>} : memref<2x800xi32, #tpu.memory_space<vmem>>, vector<16xi32>,
      %mul3A_853 = arith.constant 56 : i32
      %mul3A_854 = vector.broadcast %mul3A_853 : i32 to vector<16xi32>
      %mul3A_855 = arith.muli %get3A_848, %mul3A_854 : vector<16xi32>
      %add3A_856 = arith.addi %mul3A_855, %get3A_852 : vector<16xi32>
      %ne3A_857 = arith.cmpi ne, %get3A_848, %get3A_852 : vector<16xi32>
      %select_n3A_858 = arith.select %ne3A_857, %broadcast_in_dim3A_5, %broadcast_in_dim3A_3 : vector<16xi1>, vector<16xf32>
      tpu.vector_store_idx %arg6[%add3A_856], %select_n3A_858 {add = true} : memref<3136xf32, #tpu.memory_space<vmem>>[vector<16xi32>], vector<16xf32>,
      %get3A_859 = arith.constant 0 : i32
      %get3A_860 = arith.index_cast %get3A_859 : i32 to index
      %get3A_861 = arith.constant 480 : index
      %get3A_862 = tpu.vector_load %arg4[%get3A_860, %get3A_861] {strides = array<i32>} : memref<2x800xi32, #tpu.memory_space<vmem>>, vector<16xi32>,
      %get3A_863 = arith.constant 1 : i32
      %get3A_864 = arith.index_cast %get3A_863 : i32 to index
      %get3A_865 = arith.constant 480 : index
      %get3A_866 = tpu.vector_load %arg4[%get3A_864, %get3A_865] {strides = array<i32>} : memref<2x800xi32, #tpu.memory_space<vmem>>, vector<16xi32>,
      %mul3A_867 = arith.constant 56 : i32
      %mul3A_868 = vector.broadcast %mul3A_867 : i32 to vector<16xi32>
      %mul3A_869 = arith.muli %get3A_862, %mul3A_868 : vector<16xi32>
      %add3A_870 = arith.addi %mul3A_869, %get3A_866 : vector<16xi32>
      %ne3A_871 = arith.cmpi ne, %get3A_862, %get3A_866 : vector<16xi32>
      %select_n3A_872 = arith.select %ne3A_871, %broadcast_in_dim3A_5, %broadcast_in_dim3A_3 : vector<16xi1>, vector<16xf32>
      tpu.vector_store_idx %arg6[%add3A_870], %select_n3A_872 {add = true} : memref<3136xf32, #tpu.memory_space<vmem>>[vector<16xi32>], vector<16xf32>,
      %get3A_873 = arith.constant 0 : i32
      %get3A_874 = arith.index_cast %get3A_873 : i32 to index
      %get3A_875 = arith.constant 496 : index
      %get3A_876 = tpu.vector_load %arg4[%get3A_874, %get3A_875] {strides = array<i32>} : memref<2x800xi32, #tpu.memory_space<vmem>>, vector<16xi32>,
      %get3A_877 = arith.constant 1 : i32
      %get3A_878 = arith.index_cast %get3A_877 : i32 to index
      %get3A_879 = arith.constant 496 : index
      %get3A_880 = tpu.vector_load %arg4[%get3A_878, %get3A_879] {strides = array<i32>} : memref<2x800xi32, #tpu.memory_space<vmem>>, vector<16xi32>,
      %mul3A_881 = arith.constant 56 : i32
      %mul3A_882 = vector.broadcast %mul3A_881 : i32 to vector<16xi32>
      %mul3A_883 = arith.muli %get3A_876, %mul3A_882 : vector<16xi32>
      %add3A_884 = arith.addi %mul3A_883, %get3A_880 : vector<16xi32>
      %ne3A_885 = arith.cmpi ne, %get3A_876, %get3A_880 : vector<16xi32>
      %select_n3A_886 = arith.select %ne3A_885, %broadcast_in_dim3A_5, %broadcast_in_dim3A_3 : vector<16xi1>, vector<16xf32>
      tpu.vector_store_idx %arg6[%add3A_884], %select_n3A_886 {add = true} : memref<3136xf32, #tpu.memory_space<vmem>>[vector<16xi32>], vector<16xf32>,
      %get3A_887 = arith.constant 0 : i32
      %get3A_888 = arith.index_cast %get3A_887 : i32 to index
      %get3A_889 = arith.constant 512 : index
      %get3A_890 = tpu.vector_load %arg4[%get3A_888, %get3A_889] {strides = array<i32>} : memref<2x800xi32, #tpu.memory_space<vmem>>, vector<16xi32>,
      %get3A_891 = arith.constant 1 : i32
      %get3A_892 = arith.index_cast %get3A_891 : i32 to index
      %get3A_893 = arith.constant 512 : index
      %get3A_894 = tpu.vector_load %arg4[%get3A_892, %get3A_893] {strides = array<i32>} : memref<2x800xi32, #tpu.memory_space<vmem>>, vector<16xi32>,
      %mul3A_895 = arith.constant 56 : i32
      %mul3A_896 = vector.broadcast %mul3A_895 : i32 to vector<16xi32>
      %mul3A_897 = arith.muli %get3A_890, %mul3A_896 : vector<16xi32>
      %add3A_898 = arith.addi %mul3A_897, %get3A_894 : vector<16xi32>
      %ne3A_899 = arith.cmpi ne, %get3A_890, %get3A_894 : vector<16xi32>
      %select_n3A_900 = arith.select %ne3A_899, %broadcast_in_dim3A_5, %broadcast_in_dim3A_3 : vector<16xi1>, vector<16xf32>
      tpu.vector_store_idx %arg6[%add3A_898], %select_n3A_900 {add = true} : memref<3136xf32, #tpu.memory_space<vmem>>[vector<16xi32>], vector<16xf32>,
      %get3A_901 = arith.constant 0 : i32
      %get3A_902 = arith.index_cast %get3A_901 : i32 to index
      %get3A_903 = arith.constant 528 : index
      %get3A_904 = tpu.vector_load %arg4[%get3A_902, %get3A_903] {strides = array<i32>} : memref<2x800xi32, #tpu.memory_space<vmem>>, vector<16xi32>,
      %get3A_905 = arith.constant 1 : i32
      %get3A_906 = arith.index_cast %get3A_905 : i32 to index
      %get3A_907 = arith.constant 528 : index
      %get3A_908 = tpu.vector_load %arg4[%get3A_906, %get3A_907] {strides = array<i32>} : memref<2x800xi32, #tpu.memory_space<vmem>>, vector<16xi32>,
      %mul3A_909 = arith.constant 56 : i32
      %mul3A_910 = vector.broadcast %mul3A_909 : i32 to vector<16xi32>
      %mul3A_911 = arith.muli %get3A_904, %mul3A_910 : vector<16xi32>
      %add3A_912 = arith.addi %mul3A_911, %get3A_908 : vector<16xi32>
      %ne3A_913 = arith.cmpi ne, %get3A_904, %get3A_908 : vector<16xi32>
      %select_n3A_914 = arith.select %ne3A_913, %broadcast_in_dim3A_5, %broadcast_in_dim3A_3 : vector<16xi1>, vector<16xf32>
      tpu.vector_store_idx %arg6[%add3A_912], %select_n3A_914 {add = true} : memref<3136xf32, #tpu.memory_space<vmem>>[vector<16xi32>], vector<16xf32>,
      %get3A_915 = arith.constant 0 : i32
      %get3A_916 = arith.index_cast %get3A_915 : i32 to index
      %get3A_917 = arith.constant 544 : index
      %get3A_918 = tpu.vector_load %arg4[%get3A_916, %get3A_917] {strides = array<i32>} : memref<2x800xi32, #tpu.memory_space<vmem>>, vector<16xi32>,
      %get3A_919 = arith.constant 1 : i32
      %get3A_920 = arith.index_cast %get3A_919 : i32 to index
      %get3A_921 = arith.constant 544 : index
      %get3A_922 = tpu.vector_load %arg4[%get3A_920, %get3A_921] {strides = array<i32>} : memref<2x800xi32, #tpu.memory_space<vmem>>, vector<16xi32>,
      %mul3A_923 = arith.constant 56 : i32
      %mul3A_924 = vector.broadcast %mul3A_923 : i32 to vector<16xi32>
      %mul3A_925 = arith.muli %get3A_918, %mul3A_924 : vector<16xi32>
      %add3A_926 = arith.addi %mul3A_925, %get3A_922 : vector<16xi32>
      %ne3A_927 = arith.cmpi ne, %get3A_918, %get3A_922 : vector<16xi32>
      %select_n3A_928 = arith.select %ne3A_927, %broadcast_in_dim3A_5, %broadcast_in_dim3A_3 : vector<16xi1>, vector<16xf32>
      tpu.vector_store_idx %arg6[%add3A_926], %select_n3A_928 {add = true} : memref<3136xf32, #tpu.memory_space<vmem>>[vector<16xi32>], vector<16xf32>,
      %get3A_929 = arith.constant 0 : i32
      %get3A_930 = arith.index_cast %get3A_929 : i32 to index
      %get3A_931 = arith.constant 560 : index
      %get3A_932 = tpu.vector_load %arg4[%get3A_930, %get3A_931] {strides = array<i32>} : memref<2x800xi32, #tpu.memory_space<vmem>>, vector<16xi32>,
      %get3A_933 = arith.constant 1 : i32
      %get3A_934 = arith.index_cast %get3A_933 : i32 to index
      %get3A_935 = arith.constant 560 : index
      %get3A_936 = tpu.vector_load %arg4[%get3A_934, %get3A_935] {strides = array<i32>} : memref<2x800xi32, #tpu.memory_space<vmem>>, vector<16xi32>,
      %mul3A_937 = arith.constant 56 : i32
      %mul3A_938 = vector.broadcast %mul3A_937 : i32 to vector<16xi32>
      %mul3A_939 = arith.muli %get3A_932, %mul3A_938 : vector<16xi32>
      %add3A_940 = arith.addi %mul3A_939, %get3A_936 : vector<16xi32>
      %ne3A_941 = arith.cmpi ne, %get3A_932, %get3A_936 : vector<16xi32>
      %select_n3A_942 = arith.select %ne3A_941, %broadcast_in_dim3A_5, %broadcast_in_dim3A_3 : vector<16xi1>, vector<16xf32>
      tpu.vector_store_idx %arg6[%add3A_940], %select_n3A_942 {add = true} : memref<3136xf32, #tpu.memory_space<vmem>>[vector<16xi32>], vector<16xf32>,
      %get3A_943 = arith.constant 0 : i32
      %get3A_944 = arith.index_cast %get3A_943 : i32 to index
      %get3A_945 = arith.constant 576 : index
      %get3A_946 = tpu.vector_load %arg4[%get3A_944, %get3A_945] {strides = array<i32>} : memref<2x800xi32, #tpu.memory_space<vmem>>, vector<16xi32>,
      %get3A_947 = arith.constant 1 : i32
      %get3A_948 = arith.index_cast %get3A_947 : i32 to index
      %get3A_949 = arith.constant 576 : index
      %get3A_950 = tpu.vector_load %arg4[%get3A_948, %get3A_949] {strides = array<i32>} : memref<2x800xi32, #tpu.memory_space<vmem>>, vector<16xi32>,
      %mul3A_951 = arith.constant 56 : i32
      %mul3A_952 = vector.broadcast %mul3A_951 : i32 to vector<16xi32>
      %mul3A_953 = arith.muli %get3A_946, %mul3A_952 : vector<16xi32>
      %add3A_954 = arith.addi %mul3A_953, %get3A_950 : vector<16xi32>
      %ne3A_955 = arith.cmpi ne, %get3A_946, %get3A_950 : vector<16xi32>
      %select_n3A_956 = arith.select %ne3A_955, %broadcast_in_dim3A_5, %broadcast_in_dim3A_3 : vector<16xi1>, vector<16xf32>
      tpu.vector_store_idx %arg6[%add3A_954], %select_n3A_956 {add = true} : memref<3136xf32, #tpu.memory_space<vmem>>[vector<16xi32>], vector<16xf32>,
      %get3A_957 = arith.constant 0 : i32
      %get3A_958 = arith.index_cast %get3A_957 : i32 to index
      %get3A_959 = arith.constant 592 : index
      %get3A_960 = tpu.vector_load %arg4[%get3A_958, %get3A_959] {strides = array<i32>} : memref<2x800xi32, #tpu.memory_space<vmem>>, vector<16xi32>,
      %get3A_961 = arith.constant 1 : i32
      %get3A_962 = arith.index_cast %get3A_961 : i32 to index
      %get3A_963 = arith.constant 592 : index
      %get3A_964 = tpu.vector_load %arg4[%get3A_962, %get3A_963] {strides = array<i32>} : memref<2x800xi32, #tpu.memory_space<vmem>>, vector<16xi32>,
      %mul3A_965 = arith.constant 56 : i32
      %mul3A_966 = vector.broadcast %mul3A_965 : i32 to vector<16xi32>
      %mul3A_967 = arith.muli %get3A_960, %mul3A_966 : vector<16xi32>
      %add3A_968 = arith.addi %mul3A_967, %get3A_964 : vector<16xi32>
      %ne3A_969 = arith.cmpi ne, %get3A_960, %get3A_964 : vector<16xi32>
      %select_n3A_970 = arith.select %ne3A_969, %broadcast_in_dim3A_5, %broadcast_in_dim3A_3 : vector<16xi1>, vector<16xf32>
      tpu.vector_store_idx %arg6[%add3A_968], %select_n3A_970 {add = true} : memref<3136xf32, #tpu.memory_space<vmem>>[vector<16xi32>], vector<16xf32>,
      %get3A_971 = arith.constant 0 : i32
      %get3A_972 = arith.index_cast %get3A_971 : i32 to index
      %get3A_973 = arith.constant 608 : index
      %get3A_974 = tpu.vector_load %arg4[%get3A_972, %get3A_973] {strides = array<i32>} : memref<2x800xi32, #tpu.memory_space<vmem>>, vector<16xi32>,
      %get3A_975 = arith.constant 1 : i32
      %get3A_976 = arith.index_cast %get3A_975 : i32 to index
      %get3A_977 = arith.constant 608 : index
      %get3A_978 = tpu.vector_load %arg4[%get3A_976, %get3A_977] {strides = array<i32>} : memref<2x800xi32, #tpu.memory_space<vmem>>, vector<16xi32>,
      %mul3A_979 = arith.constant 56 : i32
      %mul3A_980 = vector.broadcast %mul3A_979 : i32 to vector<16xi32>
      %mul3A_981 = arith.muli %get3A_974, %mul3A_980 : vector<16xi32>
      %add3A_982 = arith.addi %mul3A_981, %get3A_978 : vector<16xi32>
      %ne3A_983 = arith.cmpi ne, %get3A_974, %get3A_978 : vector<16xi32>
      %select_n3A_984 = arith.select %ne3A_983, %broadcast_in_dim3A_5, %broadcast_in_dim3A_3 : vector<16xi1>, vector<16xf32>
      tpu.vector_store_idx %arg6[%add3A_982], %select_n3A_984 {add = true} : memref<3136xf32, #tpu.memory_space<vmem>>[vector<16xi32>], vector<16xf32>,
      %get3A_985 = arith.constant 0 : i32
      %get3A_986 = arith.index_cast %get3A_985 : i32 to index
      %get3A_987 = arith.constant 624 : index
      %get3A_988 = tpu.vector_load %arg4[%get3A_986, %get3A_987] {strides = array<i32>} : memref<2x800xi32, #tpu.memory_space<vmem>>, vector<16xi32>,
      %get3A_989 = arith.constant 1 : i32
      %get3A_990 = arith.index_cast %get3A_989 : i32 to index
      %get3A_991 = arith.constant 624 : index
      %get3A_992 = tpu.vector_load %arg4[%get3A_990, %get3A_991] {strides = array<i32>} : memref<2x800xi32, #tpu.memory_space<vmem>>, vector<16xi32>,
      %mul3A_993 = arith.constant 56 : i32
      %mul3A_994 = vector.broadcast %mul3A_993 : i32 to vector<16xi32>
      %mul3A_995 = arith.muli %get3A_988, %mul3A_994 : vector<16xi32>
      %add3A_996 = arith.addi %mul3A_995, %get3A_992 : vector<16xi32>
      %ne3A_997 = arith.cmpi ne, %get3A_988, %get3A_992 : vector<16xi32>
      %select_n3A_998 = arith.select %ne3A_997, %broadcast_in_dim3A_5, %broadcast_in_dim3A_3 : vector<16xi1>, vector<16xf32>
      tpu.vector_store_idx %arg6[%add3A_996], %select_n3A_998 {add = true} : memref<3136xf32, #tpu.memory_space<vmem>>[vector<16xi32>], vector<16xf32>,
      %get3A_999 = arith.constant 0 : i32
      %get3A_1000 = arith.index_cast %get3A_999 : i32 to index
      %get3A_1001 = arith.constant 640 : index
      %get3A_1002 = tpu.vector_load %arg4[%get3A_1000, %get3A_1001] {strides = array<i32>} : memref<2x800xi32, #tpu.memory_space<vmem>>, vector<16xi32>,
      %get3A_1003 = arith.constant 1 : i32
      %get3A_1004 = arith.index_cast %get3A_1003 : i32 to index
      %get3A_1005 = arith.constant 640 : index
      %get3A_1006 = tpu.vector_load %arg4[%get3A_1004, %get3A_1005] {strides = array<i32>} : memref<2x800xi32, #tpu.memory_space<vmem>>, vector<16xi32>,
      %mul3A_1007 = arith.constant 56 : i32
      %mul3A_1008 = vector.broadcast %mul3A_1007 : i32 to vector<16xi32>
      %mul3A_1009 = arith.muli %get3A_1002, %mul3A_1008 : vector<16xi32>
      %add3A_1010 = arith.addi %mul3A_1009, %get3A_1006 : vector<16xi32>
      %ne3A_1011 = arith.cmpi ne, %get3A_1002, %get3A_1006 : vector<16xi32>
      %select_n3A_1012 = arith.select %ne3A_1011, %broadcast_in_dim3A_5, %broadcast_in_dim3A_3 : vector<16xi1>, vector<16xf32>
      tpu.vector_store_idx %arg6[%add3A_1010], %select_n3A_1012 {add = true} : memref<3136xf32, #tpu.memory_space<vmem>>[vector<16xi32>], vector<16xf32>,
      %get3A_1013 = arith.constant 0 : i32
      %get3A_1014 = arith.index_cast %get3A_1013 : i32 to index
      %get3A_1015 = arith.constant 656 : index
      %get3A_1016 = tpu.vector_load %arg4[%get3A_1014, %get3A_1015] {strides = array<i32>} : memref<2x800xi32, #tpu.memory_space<vmem>>, vector<16xi32>,
      %get3A_1017 = arith.constant 1 : i32
      %get3A_1018 = arith.index_cast %get3A_1017 : i32 to index
      %get3A_1019 = arith.constant 656 : index
      %get3A_1020 = tpu.vector_load %arg4[%get3A_1018, %get3A_1019] {strides = array<i32>} : memref<2x800xi32, #tpu.memory_space<vmem>>, vector<16xi32>,
      %mul3A_1021 = arith.constant 56 : i32
      %mul3A_1022 = vector.broadcast %mul3A_1021 : i32 to vector<16xi32>
      %mul3A_1023 = arith.muli %get3A_1016, %mul3A_1022 : vector<16xi32>
      %add3A_1024 = arith.addi %mul3A_1023, %get3A_1020 : vector<16xi32>
      %ne3A_1025 = arith.cmpi ne, %get3A_1016, %get3A_1020 : vector<16xi32>
      %select_n3A_1026 = arith.select %ne3A_1025, %broadcast_in_dim3A_5, %broadcast_in_dim3A_3 : vector<16xi1>, vector<16xf32>
      tpu.vector_store_idx %arg6[%add3A_1024], %select_n3A_1026 {add = true} : memref<3136xf32, #tpu.memory_space<vmem>>[vector<16xi32>], vector<16xf32>,
      %get3A_1027 = arith.constant 0 : i32
      %get3A_1028 = arith.index_cast %get3A_1027 : i32 to index
      %get3A_1029 = arith.constant 672 : index
      %get3A_1030 = tpu.vector_load %arg4[%get3A_1028, %get3A_1029] {strides = array<i32>} : memref<2x800xi32, #tpu.memory_space<vmem>>, vector<16xi32>,
      %get3A_1031 = arith.constant 1 : i32
      %get3A_1032 = arith.index_cast %get3A_1031 : i32 to index
      %get3A_1033 = arith.constant 672 : index
      %get3A_1034 = tpu.vector_load %arg4[%get3A_1032, %get3A_1033] {strides = array<i32>} : memref<2x800xi32, #tpu.memory_space<vmem>>, vector<16xi32>,
      %mul3A_1035 = arith.constant 56 : i32
      %mul3A_1036 = vector.broadcast %mul3A_1035 : i32 to vector<16xi32>
      %mul3A_1037 = arith.muli %get3A_1030, %mul3A_1036 : vector<16xi32>
      %add3A_1038 = arith.addi %mul3A_1037, %get3A_1034 : vector<16xi32>
      %ne3A_1039 = arith.cmpi ne, %get3A_1030, %get3A_1034 : vector<16xi32>
      %select_n3A_1040 = arith.select %ne3A_1039, %broadcast_in_dim3A_5, %broadcast_in_dim3A_3 : vector<16xi1>, vector<16xf32>
      tpu.vector_store_idx %arg6[%add3A_1038], %select_n3A_1040 {add = true} : memref<3136xf32, #tpu.memory_space<vmem>>[vector<16xi32>], vector<16xf32>,
      %get3A_1041 = arith.constant 0 : i32
      %get3A_1042 = arith.index_cast %get3A_1041 : i32 to index
      %get3A_1043 = arith.constant 688 : index
      %get3A_1044 = tpu.vector_load %arg4[%get3A_1042, %get3A_1043] {strides = array<i32>} : memref<2x800xi32, #tpu.memory_space<vmem>>, vector<16xi32>,
      %get3A_1045 = arith.constant 1 : i32
      %get3A_1046 = arith.index_cast %get3A_1045 : i32 to index
      %get3A_1047 = arith.constant 688 : index
      %get3A_1048 = tpu.vector_load %arg4[%get3A_1046, %get3A_1047] {strides = array<i32>} : memref<2x800xi32, #tpu.memory_space<vmem>>, vector<16xi32>,
      %mul3A_1049 = arith.constant 56 : i32
      %mul3A_1050 = vector.broadcast %mul3A_1049 : i32 to vector<16xi32>
      %mul3A_1051 = arith.muli %get3A_1044, %mul3A_1050 : vector<16xi32>
      %add3A_1052 = arith.addi %mul3A_1051, %get3A_1048 : vector<16xi32>
      %ne3A_1053 = arith.cmpi ne, %get3A_1044, %get3A_1048 : vector<16xi32>
      %select_n3A_1054 = arith.select %ne3A_1053, %broadcast_in_dim3A_5, %broadcast_in_dim3A_3 : vector<16xi1>, vector<16xf32>
      tpu.vector_store_idx %arg6[%add3A_1052], %select_n3A_1054 {add = true} : memref<3136xf32, #tpu.memory_space<vmem>>[vector<16xi32>], vector<16xf32>,
      %get3A_1055 = arith.constant 0 : i32
      %get3A_1056 = arith.index_cast %get3A_1055 : i32 to index
      %get3A_1057 = arith.constant 704 : index
      %get3A_1058 = tpu.vector_load %arg4[%get3A_1056, %get3A_1057] {strides = array<i32>} : memref<2x800xi32, #tpu.memory_space<vmem>>, vector<16xi32>,
      %get3A_1059 = arith.constant 1 : i32
      %get3A_1060 = arith.index_cast %get3A_1059 : i32 to index
      %get3A_1061 = arith.constant 704 : index
      %get3A_1062 = tpu.vector_load %arg4[%get3A_1060, %get3A_1061] {strides = array<i32>} : memref<2x800xi32, #tpu.memory_space<vmem>>, vector<16xi32>,
      %mul3A_1063 = arith.constant 56 : i32
      %mul3A_1064 = vector.broadcast %mul3A_1063 : i32 to vector<16xi32>
      %mul3A_1065 = arith.muli %get3A_1058, %mul3A_1064 : vector<16xi32>
      %add3A_1066 = arith.addi %mul3A_1065, %get3A_1062 : vector<16xi32>
      %ne3A_1067 = arith.cmpi ne, %get3A_1058, %get3A_1062 : vector<16xi32>
      %select_n3A_1068 = arith.select %ne3A_1067, %broadcast_in_dim3A_5, %broadcast_in_dim3A_3 : vector<16xi1>, vector<16xf32>
      tpu.vector_store_idx %arg6[%add3A_1066], %select_n3A_1068 {add = true} : memref<3136xf32, #tpu.memory_space<vmem>>[vector<16xi32>], vector<16xf32>,
      %get3A_1069 = arith.constant 0 : i32
      %get3A_1070 = arith.index_cast %get3A_1069 : i32 to index
      %get3A_1071 = arith.constant 720 : index
      %get3A_1072 = tpu.vector_load %arg4[%get3A_1070, %get3A_1071] {strides = array<i32>} : memref<2x800xi32, #tpu.memory_space<vmem>>, vector<16xi32>,
      %get3A_1073 = arith.constant 1 : i32
      %get3A_1074 = arith.index_cast %get3A_1073 : i32 to index
      %get3A_1075 = arith.constant 720 : index
      %get3A_1076 = tpu.vector_load %arg4[%get3A_1074, %get3A_1075] {strides = array<i32>} : memref<2x800xi32, #tpu.memory_space<vmem>>, vector<16xi32>,
      %mul3A_1077 = arith.constant 56 : i32
      %mul3A_1078 = vector.broadcast %mul3A_1077 : i32 to vector<16xi32>
      %mul3A_1079 = arith.muli %get3A_1072, %mul3A_1078 : vector<16xi32>
      %add3A_1080 = arith.addi %mul3A_1079, %get3A_1076 : vector<16xi32>
      %ne3A_1081 = arith.cmpi ne, %get3A_1072, %get3A_1076 : vector<16xi32>
      %select_n3A_1082 = arith.select %ne3A_1081, %broadcast_in_dim3A_5, %broadcast_in_dim3A_3 : vector<16xi1>, vector<16xf32>
      tpu.vector_store_idx %arg6[%add3A_1080], %select_n3A_1082 {add = true} : memref<3136xf32, #tpu.memory_space<vmem>>[vector<16xi32>], vector<16xf32>,
      %get3A_1083 = arith.constant 0 : i32
      %get3A_1084 = arith.index_cast %get3A_1083 : i32 to index
      %get3A_1085 = arith.constant 736 : index
      %get3A_1086 = tpu.vector_load %arg4[%get3A_1084, %get3A_1085] {strides = array<i32>} : memref<2x800xi32, #tpu.memory_space<vmem>>, vector<16xi32>,
      %get3A_1087 = arith.constant 1 : i32
      %get3A_1088 = arith.index_cast %get3A_1087 : i32 to index
      %get3A_1089 = arith.constant 736 : index
      %get3A_1090 = tpu.vector_load %arg4[%get3A_1088, %get3A_1089] {strides = array<i32>} : memref<2x800xi32, #tpu.memory_space<vmem>>, vector<16xi32>,
      %mul3A_1091 = arith.constant 56 : i32
      %mul3A_1092 = vector.broadcast %mul3A_1091 : i32 to vector<16xi32>
      %mul3A_1093 = arith.muli %get3A_1086, %mul3A_1092 : vector<16xi32>
      %add3A_1094 = arith.addi %mul3A_1093, %get3A_1090 : vector<16xi32>
      %ne3A_1095 = arith.cmpi ne, %get3A_1086, %get3A_1090 : vector<16xi32>
      %select_n3A_1096 = arith.select %ne3A_1095, %broadcast_in_dim3A_5, %broadcast_in_dim3A_3 : vector<16xi1>, vector<16xf32>
      tpu.vector_store_idx %arg6[%add3A_1094], %select_n3A_1096 {add = true} : memref<3136xf32, #tpu.memory_space<vmem>>[vector<16xi32>], vector<16xf32>,
      %get3A_1097 = arith.constant 0 : i32
      %get3A_1098 = arith.index_cast %get3A_1097 : i32 to index
      %get3A_1099 = arith.constant 752 : index
      %get3A_1100 = tpu.vector_load %arg4[%get3A_1098, %get3A_1099] {strides = array<i32>} : memref<2x800xi32, #tpu.memory_space<vmem>>, vector<16xi32>,
      %get3A_1101 = arith.constant 1 : i32
      %get3A_1102 = arith.index_cast %get3A_1101 : i32 to index
      %get3A_1103 = arith.constant 752 : index
      %get3A_1104 = tpu.vector_load %arg4[%get3A_1102, %get3A_1103] {strides = array<i32>} : memref<2x800xi32, #tpu.memory_space<vmem>>, vector<16xi32>,
      %mul3A_1105 = arith.constant 56 : i32
      %mul3A_1106 = vector.broadcast %mul3A_1105 : i32 to vector<16xi32>
      %mul3A_1107 = arith.muli %get3A_1100, %mul3A_1106 : vector<16xi32>
      %add3A_1108 = arith.addi %mul3A_1107, %get3A_1104 : vector<16xi32>
      %ne3A_1109 = arith.cmpi ne, %get3A_1100, %get3A_1104 : vector<16xi32>
      %select_n3A_1110 = arith.select %ne3A_1109, %broadcast_in_dim3A_5, %broadcast_in_dim3A_3 : vector<16xi1>, vector<16xf32>
      tpu.vector_store_idx %arg6[%add3A_1108], %select_n3A_1110 {add = true} : memref<3136xf32, #tpu.memory_space<vmem>>[vector<16xi32>], vector<16xf32>,
      %get3A_1111 = arith.constant 0 : i32
      %get3A_1112 = arith.index_cast %get3A_1111 : i32 to index
      %get3A_1113 = arith.constant 768 : index
      %get3A_1114 = tpu.vector_load %arg4[%get3A_1112, %get3A_1113] {strides = array<i32>} : memref<2x800xi32, #tpu.memory_space<vmem>>, vector<16xi32>,
      %get3A_1115 = arith.constant 1 : i32
      %get3A_1116 = arith.index_cast %get3A_1115 : i32 to index
      %get3A_1117 = arith.constant 768 : index
      %get3A_1118 = tpu.vector_load %arg4[%get3A_1116, %get3A_1117] {strides = array<i32>} : memref<2x800xi32, #tpu.memory_space<vmem>>, vector<16xi32>,
      %mul3A_1119 = arith.constant 56 : i32
      %mul3A_1120 = vector.broadcast %mul3A_1119 : i32 to vector<16xi32>
      %mul3A_1121 = arith.muli %get3A_1114, %mul3A_1120 : vector<16xi32>
      %add3A_1122 = arith.addi %mul3A_1121, %get3A_1118 : vector<16xi32>
      %ne3A_1123 = arith.cmpi ne, %get3A_1114, %get3A_1118 : vector<16xi32>
      %select_n3A_1124 = arith.select %ne3A_1123, %broadcast_in_dim3A_5, %broadcast_in_dim3A_3 : vector<16xi1>, vector<16xf32>
      tpu.vector_store_idx %arg6[%add3A_1122], %select_n3A_1124 {add = true} : memref<3136xf32, #tpu.memory_space<vmem>>[vector<16xi32>], vector<16xf32>,
      %get3A_1125 = arith.constant 0 : i32
      %get3A_1126 = arith.index_cast %get3A_1125 : i32 to index
      %get3A_1127 = arith.constant 784 : index
      %get3A_1128 = tpu.vector_load %arg4[%get3A_1126, %get3A_1127] {strides = array<i32>} : memref<2x800xi32, #tpu.memory_space<vmem>>, vector<16xi32>,
      %get3A_1129 = arith.constant 1 : i32
      %get3A_1130 = arith.index_cast %get3A_1129 : i32 to index
      %get3A_1131 = arith.constant 784 : index
      %get3A_1132 = tpu.vector_load %arg4[%get3A_1130, %get3A_1131] {strides = array<i32>} : memref<2x800xi32, #tpu.memory_space<vmem>>, vector<16xi32>,
      %mul3A_1133 = arith.constant 56 : i32
      %mul3A_1134 = vector.broadcast %mul3A_1133 : i32 to vector<16xi32>
      %mul3A_1135 = arith.muli %get3A_1128, %mul3A_1134 : vector<16xi32>
      %add3A_1136 = arith.addi %mul3A_1135, %get3A_1132 : vector<16xi32>
      %ne3A_1137 = arith.cmpi ne, %get3A_1128, %get3A_1132 : vector<16xi32>
      %select_n3A_1138 = arith.select %ne3A_1137, %broadcast_in_dim3A_5, %broadcast_in_dim3A_3 : vector<16xi1>, vector<16xf32>
      tpu.vector_store_idx %arg6[%add3A_1136], %select_n3A_1138 {add = true} : memref<3136xf32, #tpu.memory_space<vmem>>[vector<16xi32>], vector<16xf32>,
      %dma_start3A_1139 = arith.constant 0 : i32
      %dma_start3A_1140 = tpu.memref_slice %arg3[%add3A_32, %dma_start3A_1139] : memref<1216x3136xf32, #tpu.memory_space<hbm>> -> memref<1x3136xf32, #tpu.memory_space<hbm>>
      %dma_start3A_1141 = tpu.memref_squeeze %dma_start3A_1140 : memref<1x3136xf32, #tpu.memory_space<hbm>> -> memref<3136xf32, #tpu.memory_space<hbm>>
      %dma_start3A_1142 = arith.constant 0 : i32
      %dma_start3A_1143 = tpu.memref_slice %arg3[%add3A_32, %dma_start3A_1142] : memref<1216x3136xf32, #tpu.memory_space<hbm>> -> memref<1x3136xf32, #tpu.memory_space<hbm>>
      %dma_start3A_1144 = tpu.memref_squeeze %dma_start3A_1143 : memref<1x3136xf32, #tpu.memory_space<hbm>> -> memref<3136xf32, #tpu.memory_space<hbm>>
      tpu.enqueue_dma source(%arg6 : memref<3136xf32, #tpu.memory_space<vmem>>) target(%dma_start3A_1144 : memref<3136xf32, #tpu.memory_space<hbm>>) target_semaphore(%arg9 : memref<!tpu.dma_semaphore, #tpu.memory_space<semaphore_mem>>)
      %add3A_1145 = arith.constant 1 : i32
      %add3A_1146 = arith.addi %add3A_32, %add3A_1145 : i32
      %eq3A_1147 = arith.constant 0 : i32
      %eq3A_1148 = arith.cmpi eq, %scan3A_29, %eq3A_1147 : i32
      %dma_wait3A_1149 = arith.constant 0 : i32
      %dma_wait3A_1150 = arith.constant 0 : i32
      %dma_wait3A_1151 = tpu.memref_slice %arg2[%add3A_1146, %dma_wait3A_1149, %dma_wait3A_1150] : memref<1216x2x800xi32, #tpu.memory_space<hbm>> -> memref<1x2x800xi32, #tpu.memory_space<hbm>>
      %dma_wait3A_1152 = tpu.memref_squeeze %dma_wait3A_1151 : memref<1x2x800xi32, #tpu.memory_space<hbm>> -> memref<2x800xi32, #tpu.memory_space<hbm>>
      %dma_wait3A_1153 = arith.constant 0 : i32
      %dma_wait3A_1154 = arith.constant 0 : i32
      %dma_wait3A_1155 = tpu.memref_slice %arg2[%add3A_1146, %dma_wait3A_1153, %dma_wait3A_1154] : memref<1216x2x800xi32, #tpu.memory_space<hbm>> -> memref<1x2x800xi32, #tpu.memory_space<hbm>>
      %dma_wait3A_1156 = tpu.memref_squeeze %dma_wait3A_1155 : memref<1x2x800xi32, #tpu.memory_space<hbm>> -> memref<2x800xi32, #tpu.memory_space<hbm>>
      tpu.wait_dma2 semaphore(%arg8 : memref<!tpu.dma_semaphore, #tpu.memory_space<semaphore_mem>>) src(%dma_wait3A_1156 : memref<2x800xi32, #tpu.memory_space<hbm>>) dst(%arg5 : memref<2x800xi32, #tpu.memory_space<vmem>>)
      %add3A_1157 = arith.constant 1 : i32
      %add3A_1158 = arith.addi %add3A_1146, %add3A_1157 : i32
      %add3A_1159 = arith.constant 38 : i32
      %add3A_1160 = arith.addi %mul3A_2, %add3A_1159 : i32
      %lt3A_1161 = arith.cmpi slt, %add3A_1158, %add3A_1160 : i32
      %convert_element_type3A_1162 = arith.extui %lt3A_1161 : i1 to i32
      %cond3A_1163 = arith.constant 0 : i32
      %cond3A_1164 = arith.cmpi ne, %convert_element_type3A_1162, %cond3A_1163 : i32
      scf.if %cond3A_1164 {
        %add3A_2268 = arith.constant 1 : i32
        %add3A_2269 = arith.addi %add3A_1146, %add3A_2268 : i32
        %dma_start3A_2270 = arith.constant 0 : i32
        %dma_start3A_2271 = arith.constant 0 : i32
        %dma_start3A_2272 = tpu.memref_slice %arg2[%add3A_2269, %dma_start3A_2270, %dma_start3A_2271] : memref<1216x2x800xi32, #tpu.memory_space<hbm>> -> memref<1x2x800xi32, #tpu.memory_space<hbm>>
        %dma_start3A_2273 = tpu.memref_squeeze %dma_start3A_2272 : memref<1x2x800xi32, #tpu.memory_space<hbm>> -> memref<2x800xi32, #tpu.memory_space<hbm>>
        %dma_start3A_2274 = arith.constant 0 : i32
        %dma_start3A_2275 = arith.constant 0 : i32
        %dma_start3A_2276 = tpu.memref_slice %arg2[%add3A_2269, %dma_start3A_2274, %dma_start3A_2275] : memref<1216x2x800xi32, #tpu.memory_space<hbm>> -> memref<1x2x800xi32, #tpu.memory_space<hbm>>
        %dma_start3A_2277 = tpu.memref_squeeze %dma_start3A_2276 : memref<1x2x800xi32, #tpu.memory_space<hbm>> -> memref<2x800xi32, #tpu.memory_space<hbm>>
        tpu.enqueue_dma source(%dma_start3A_2277 : memref<2x800xi32, #tpu.memory_space<hbm>>) target(%arg4 : memref<2x800xi32, #tpu.memory_space<vmem>>) target_semaphore(%arg8 : memref<!tpu.dma_semaphore, #tpu.memory_space<semaphore_mem>>)
      } else {
      }
      %not3A_1165 = arith.constant true
      %not3A_1166 = arith.xori %eq3A_1148, %not3A_1165 : i1
      %convert_element_type3A_1167 = arith.extui %not3A_1166 : i1 to i32
      %cond3A_1168 = arith.constant 0 : i32
      %cond3A_1169 = arith.cmpi ne, %convert_element_type3A_1167, %cond3A_1168 : i32
      scf.if %cond3A_1169 {
        %dma_wait3A_2268 = arith.constant 0 : i32
        %dma_wait3A_2269 = tpu.memref_slice %arg3[%add3A_1146, %dma_wait3A_2268] : memref<1216x3136xf32, #tpu.memory_space<hbm>> -> memref<1x3136xf32, #tpu.memory_space<hbm>>
        %dma_wait3A_2270 = tpu.memref_squeeze %dma_wait3A_2269 : memref<1x3136xf32, #tpu.memory_space<hbm>> -> memref<3136xf32, #tpu.memory_space<hbm>>
        %dma_wait3A_2271 = arith.constant 0 : i32
        %dma_wait3A_2272 = tpu.memref_slice %arg3[%add3A_1146, %dma_wait3A_2271] : memref<1216x3136xf32, #tpu.memory_space<hbm>> -> memref<1x3136xf32, #tpu.memory_space<hbm>>
        %dma_wait3A_2273 = tpu.memref_squeeze %dma_wait3A_2272 : memref<1x3136xf32, #tpu.memory_space<hbm>> -> memref<3136xf32, #tpu.memory_space<hbm>>
        tpu.wait_dma2 semaphore(%arg10 : memref<!tpu.dma_semaphore, #tpu.memory_space<semaphore_mem>>) src(%arg7 : memref<3136xf32, #tpu.memory_space<vmem>>) dst(%dma_wait3A_2273 : memref<3136xf32, #tpu.memory_space<hbm>>)
      } else {
      }
      %swap3A_1170 = arith.constant 0 : index
      %swap3A_1171 = tpu.vector_load %arg7[%swap3A_1170] {strides = array<i32>} : memref<3136xf32, #tpu.memory_space<vmem>>, vector<16xf32>,
      tpu.vector_store %arg7[%swap3A_1170], %broadcast_in_dim3A_3 {strides = array<i32>} : memref<3136xf32, #tpu.memory_space<vmem>>, vector<16xf32>,
      %swap3A_1172 = arith.constant 16 : index
      %swap3A_1173 = tpu.vector_load %arg7[%swap3A_1172] {strides = array<i32>} : memref<3136xf32, #tpu.memory_space<vmem>>, vector<16xf32>,
      tpu.vector_store %arg7[%swap3A_1172], %broadcast_in_dim3A_3 {strides = array<i32>} : memref<3136xf32, #tpu.memory_space<vmem>>, vector<16xf32>,
      %swap3A_1174 = arith.constant 32 : index
      %swap3A_1175 = tpu.vector_load %arg7[%swap3A_1174] {strides = array<i32>} : memref<3136xf32, #tpu.memory_space<vmem>>, vector<16xf32>,
      tpu.vector_store %arg7[%swap3A_1174], %broadcast_in_dim3A_3 {strides = array<i32>} : memref<3136xf32, #tpu.memory_space<vmem>>, vector<16xf32>,
      %swap3A_1176 = arith.constant 48 : index
      %swap3A_1177 = tpu.vector_load %arg7[%swap3A_1176] {strides = array<i32>} : memref<3136xf32, #tpu.memory_space<vmem>>, vector<16xf32>,
      tpu.vector_store %arg7[%swap3A_1176], %broadcast_in_dim3A_3 {strides = array<i32>} : memref<3136xf32, #tpu.memory_space<vmem>>, vector<16xf32>,
      %swap3A_1178 = arith.constant 64 : index
      %swap3A_1179 = tpu.vector_load %arg7[%swap3A_1178] {strides = array<i32>} : memref<3136xf32, #tpu.memory_space<vmem>>, vector<16xf32>,
      tpu.vector_store %arg7[%swap3A_1178], %broadcast_in_dim3A_3 {strides = array<i32>} : memref<3136xf32, #tpu.memory_space<vmem>>, vector<16xf32>,
      %swap3A_1180 = arith.constant 80 : index
      %swap3A_1181 = tpu.vector_load %arg7[%swap3A_1180] {strides = array<i32>} : memref<3136xf32, #tpu.memory_space<vmem>>, vector<16xf32>,
      tpu.vector_store %arg7[%swap3A_1180], %broadcast_in_dim3A_3 {strides = array<i32>} : memref<3136xf32, #tpu.memory_space<vmem>>, vector<16xf32>,
      %swap3A_1182 = arith.constant 96 : index
      %swap3A_1183 = tpu.vector_load %arg7[%swap3A_1182] {strides = array<i32>} : memref<3136xf32, #tpu.memory_space<vmem>>, vector<16xf32>,
      tpu.vector_store %arg7[%swap3A_1182], %broadcast_in_dim3A_3 {strides = array<i32>} : memref<3136xf32, #tpu.memory_space<vmem>>, vector<16xf32>,
      %swap3A_1184 = arith.constant 112 : index
      %swap3A_1185 = tpu.vector_load %arg7[%swap3A_1184] {strides = array<i32>} : memref<3136xf32, #tpu.memory_space<vmem>>, vector<16xf32>,
      tpu.vector_store %arg7[%swap3A_1184], %broadcast_in_dim3A_3 {strides = array<i32>} : memref<3136xf32, #tpu.memory_space<vmem>>, vector<16xf32>,
      %swap3A_1186 = arith.constant 128 : index
      %swap3A_1187 = tpu.vector_load %arg7[%swap3A_1186] {strides = array<i32>} : memref<3136xf32, #tpu.memory_space<vmem>>, vector<16xf32>,
      tpu.vector_store %arg7[%swap3A_1186], %broadcast_in_dim3A_3 {strides = array<i32>} : memref<3136xf32, #tpu.memory_space<vmem>>, vector<16xf32>,
      %swap3A_1188 = arith.constant 144 : index
      %swap3A_1189 = tpu.vector_load %arg7[%swap3A_1188] {strides = array<i32>} : memref<3136xf32, #tpu.memory_space<vmem>>, vector<16xf32>,
      tpu.vector_store %arg7[%swap3A_1188], %broadcast_in_dim3A_3 {strides = array<i32>} : memref<3136xf32, #tpu.memory_space<vmem>>, vector<16xf32>,
      %swap3A_1190 = arith.constant 160 : index
      %swap3A_1191 = tpu.vector_load %arg7[%swap3A_1190] {strides = array<i32>} : memref<3136xf32, #tpu.memory_space<vmem>>, vector<16xf32>,
      tpu.vector_store %arg7[%swap3A_1190], %broadcast_in_dim3A_3 {strides = array<i32>} : memref<3136xf32, #tpu.memory_space<vmem>>, vector<16xf32>,
      %swap3A_1192 = arith.constant 176 : index
      %swap3A_1193 = tpu.vector_load %arg7[%swap3A_1192] {strides = array<i32>} : memref<3136xf32, #tpu.memory_space<vmem>>, vector<16xf32>,
      tpu.vector_store %arg7[%swap3A_1192], %broadcast_in_dim3A_3 {strides = array<i32>} : memref<3136xf32, #tpu.memory_space<vmem>>, vector<16xf32>,
      %swap3A_1194 = arith.constant 192 : index
      %swap3A_1195 = tpu.vector_load %arg7[%swap3A_1194] {strides = array<i32>} : memref<3136xf32, #tpu.memory_space<vmem>>, vector<16xf32>,
      tpu.vector_store %arg7[%swap3A_1194], %broadcast_in_dim3A_3 {strides = array<i32>} : memref<3136xf32, #tpu.memory_space<vmem>>, vector<16xf32>,
      %swap3A_1196 = arith.constant 208 : index
      %swap3A_1197 = tpu.vector_load %arg7[%swap3A_1196] {strides = array<i32>} : memref<3136xf32, #tpu.memory_space<vmem>>, vector<16xf32>,
      tpu.vector_store %arg7[%swap3A_1196], %broadcast_in_dim3A_3 {strides = array<i32>} : memref<3136xf32, #tpu.memory_space<vmem>>, vector<16xf32>,
      %swap3A_1198 = arith.constant 224 : index
      %swap3A_1199 = tpu.vector_load %arg7[%swap3A_1198] {strides = array<i32>} : memref<3136xf32, #tpu.memory_space<vmem>>, vector<16xf32>,
      tpu.vector_store %arg7[%swap3A_1198], %broadcast_in_dim3A_3 {strides = array<i32>} : memref<3136xf32, #tpu.memory_space<vmem>>, vector<16xf32>,
      %swap3A_1200 = arith.constant 240 : index
      %swap3A_1201 = tpu.vector_load %arg7[%swap3A_1200] {strides = array<i32>} : memref<3136xf32, #tpu.memory_space<vmem>>, vector<16xf32>,
      tpu.vector_store %arg7[%swap3A_1200], %broadcast_in_dim3A_3 {strides = array<i32>} : memref<3136xf32, #tpu.memory_space<vmem>>, vector<16xf32>,
      %swap3A_1202 = arith.constant 256 : index
      %swap3A_1203 = tpu.vector_load %arg7[%swap3A_1202] {strides = array<i32>} : memref<3136xf32, #tpu.memory_space<vmem>>, vector<16xf32>,
      tpu.vector_store %arg7[%swap3A_1202], %broadcast_in_dim3A_3 {strides = array<i32>} : memref<3136xf32, #tpu.memory_space<vmem>>, vector<16xf32>,
      %swap3A_1204 = arith.constant 272 : index
      %swap3A_1205 = tpu.vector_load %arg7[%swap3A_1204] {strides = array<i32>} : memref<3136xf32, #tpu.memory_space<vmem>>, vector<16xf32>,
      tpu.vector_store %arg7[%swap3A_1204], %broadcast_in_dim3A_3 {strides = array<i32>} : memref<3136xf32, #tpu.memory_space<vmem>>, vector<16xf32>,
      %swap3A_1206 = arith.constant 288 : index
      %swap3A_1207 = tpu.vector_load %arg7[%swap3A_1206] {strides = array<i32>} : memref<3136xf32, #tpu.memory_space<vmem>>, vector<16xf32>,
      tpu.vector_store %arg7[%swap3A_1206], %broadcast_in_dim3A_3 {strides = array<i32>} : memref<3136xf32, #tpu.memory_space<vmem>>, vector<16xf32>,
      %swap3A_1208 = arith.constant 304 : index
      %swap3A_1209 = tpu.vector_load %arg7[%swap3A_1208] {strides = array<i32>} : memref<3136xf32, #tpu.memory_space<vmem>>, vector<16xf32>,
      tpu.vector_store %arg7[%swap3A_1208], %broadcast_in_dim3A_3 {strides = array<i32>} : memref<3136xf32, #tpu.memory_space<vmem>>, vector<16xf32>,
      %swap3A_1210 = arith.constant 320 : index
      %swap3A_1211 = tpu.vector_load %arg7[%swap3A_1210] {strides = array<i32>} : memref<3136xf32, #tpu.memory_space<vmem>>, vector<16xf32>,
      tpu.vector_store %arg7[%swap3A_1210], %broadcast_in_dim3A_3 {strides = array<i32>} : memref<3136xf32, #tpu.memory_space<vmem>>, vector<16xf32>,
      %swap3A_1212 = arith.constant 336 : index
      %swap3A_1213 = tpu.vector_load %arg7[%swap3A_1212] {strides = array<i32>} : memref<3136xf32, #tpu.memory_space<vmem>>, vector<16xf32>,
      tpu.vector_store %arg7[%swap3A_1212], %broadcast_in_dim3A_3 {strides = array<i32>} : memref<3136xf32, #tpu.memory_space<vmem>>, vector<16xf32>,
      %swap3A_1214 = arith.constant 352 : index
      %swap3A_1215 = tpu.vector_load %arg7[%swap3A_1214] {strides = array<i32>} : memref<3136xf32, #tpu.memory_space<vmem>>, vector<16xf32>,
      tpu.vector_store %arg7[%swap3A_1214], %broadcast_in_dim3A_3 {strides = array<i32>} : memref<3136xf32, #tpu.memory_space<vmem>>, vector<16xf32>,
      %swap3A_1216 = arith.constant 368 : index
      %swap3A_1217 = tpu.vector_load %arg7[%swap3A_1216] {strides = array<i32>} : memref<3136xf32, #tpu.memory_space<vmem>>, vector<16xf32>,
      tpu.vector_store %arg7[%swap3A_1216], %broadcast_in_dim3A_3 {strides = array<i32>} : memref<3136xf32, #tpu.memory_space<vmem>>, vector<16xf32>,
      %swap3A_1218 = arith.constant 384 : index
      %swap3A_1219 = tpu.vector_load %arg7[%swap3A_1218] {strides = array<i32>} : memref<3136xf32, #tpu.memory_space<vmem>>, vector<16xf32>,
      tpu.vector_store %arg7[%swap3A_1218], %broadcast_in_dim3A_3 {strides = array<i32>} : memref<3136xf32, #tpu.memory_space<vmem>>, vector<16xf32>,
      %swap3A_1220 = arith.constant 400 : index
      %swap3A_1221 = tpu.vector_load %arg7[%swap3A_1220] {strides = array<i32>} : memref<3136xf32, #tpu.memory_space<vmem>>, vector<16xf32>,
      tpu.vector_store %arg7[%swap3A_1220], %broadcast_in_dim3A_3 {strides = array<i32>} : memref<3136xf32, #tpu.memory_space<vmem>>, vector<16xf32>,
      %swap3A_1222 = arith.constant 416 : index
      %swap3A_1223 = tpu.vector_load %arg7[%swap3A_1222] {strides = array<i32>} : memref<3136xf32, #tpu.memory_space<vmem>>, vector<16xf32>,
      tpu.vector_store %arg7[%swap3A_1222], %broadcast_in_dim3A_3 {strides = array<i32>} : memref<3136xf32, #tpu.memory_space<vmem>>, vector<16xf32>,
      %swap3A_1224 = arith.constant 432 : index
      %swap3A_1225 = tpu.vector_load %arg7[%swap3A_1224] {strides = array<i32>} : memref<3136xf32, #tpu.memory_space<vmem>>, vector<16xf32>,
      tpu.vector_store %arg7[%swap3A_1224], %broadcast_in_dim3A_3 {strides = array<i32>} : memref<3136xf32, #tpu.memory_space<vmem>>, vector<16xf32>,
      %swap3A_1226 = arith.constant 448 : index
      %swap3A_1227 = tpu.vector_load %arg7[%swap3A_1226] {strides = array<i32>} : memref<3136xf32, #tpu.memory_space<vmem>>, vector<16xf32>,
      tpu.vector_store %arg7[%swap3A_1226], %broadcast_in_dim3A_3 {strides = array<i32>} : memref<3136xf32, #tpu.memory_space<vmem>>, vector<16xf32>,
      %swap3A_1228 = arith.constant 464 : index
      %swap3A_1229 = tpu.vector_load %arg7[%swap3A_1228] {strides = array<i32>} : memref<3136xf32, #tpu.memory_space<vmem>>, vector<16xf32>,
      tpu.vector_store %arg7[%swap3A_1228], %broadcast_in_dim3A_3 {strides = array<i32>} : memref<3136xf32, #tpu.memory_space<vmem>>, vector<16xf32>,
      %swap3A_1230 = arith.constant 480 : index
      %swap3A_1231 = tpu.vector_load %arg7[%swap3A_1230] {strides = array<i32>} : memref<3136xf32, #tpu.memory_space<vmem>>, vector<16xf32>,
      tpu.vector_store %arg7[%swap3A_1230], %broadcast_in_dim3A_3 {strides = array<i32>} : memref<3136xf32, #tpu.memory_space<vmem>>, vector<16xf32>,
      %swap3A_1232 = arith.constant 496 : index
      %swap3A_1233 = tpu.vector_load %arg7[%swap3A_1232] {strides = array<i32>} : memref<3136xf32, #tpu.memory_space<vmem>>, vector<16xf32>,
      tpu.vector_store %arg7[%swap3A_1232], %broadcast_in_dim3A_3 {strides = array<i32>} : memref<3136xf32, #tpu.memory_space<vmem>>, vector<16xf32>,
      %swap3A_1234 = arith.constant 512 : index
      %swap3A_1235 = tpu.vector_load %arg7[%swap3A_1234] {strides = array<i32>} : memref<3136xf32, #tpu.memory_space<vmem>>, vector<16xf32>,
      tpu.vector_store %arg7[%swap3A_1234], %broadcast_in_dim3A_3 {strides = array<i32>} : memref<3136xf32, #tpu.memory_space<vmem>>, vector<16xf32>,
      %swap3A_1236 = arith.constant 528 : index
      %swap3A_1237 = tpu.vector_load %arg7[%swap3A_1236] {strides = array<i32>} : memref<3136xf32, #tpu.memory_space<vmem>>, vector<16xf32>,
      tpu.vector_store %arg7[%swap3A_1236], %broadcast_in_dim3A_3 {strides = array<i32>} : memref<3136xf32, #tpu.memory_space<vmem>>, vector<16xf32>,
      %swap3A_1238 = arith.constant 544 : index
      %swap3A_1239 = tpu.vector_load %arg7[%swap3A_1238] {strides = array<i32>} : memref<3136xf32, #tpu.memory_space<vmem>>, vector<16xf32>,
      tpu.vector_store %arg7[%swap3A_1238], %broadcast_in_dim3A_3 {strides = array<i32>} : memref<3136xf32, #tpu.memory_space<vmem>>, vector<16xf32>,
      %swap3A_1240 = arith.constant 560 : index
      %swap3A_1241 = tpu.vector_load %arg7[%swap3A_1240] {strides = array<i32>} : memref<3136xf32, #tpu.memory_space<vmem>>, vector<16xf32>,
      tpu.vector_store %arg7[%swap3A_1240], %broadcast_in_dim3A_3 {strides = array<i32>} : memref<3136xf32, #tpu.memory_space<vmem>>, vector<16xf32>,
      %swap3A_1242 = arith.constant 576 : index
      %swap3A_1243 = tpu.vector_load %arg7[%swap3A_1242] {strides = array<i32>} : memref<3136xf32, #tpu.memory_space<vmem>>, vector<16xf32>,
      tpu.vector_store %arg7[%swap3A_1242], %broadcast_in_dim3A_3 {strides = array<i32>} : memref<3136xf32, #tpu.memory_space<vmem>>, vector<16xf32>,
      %swap3A_1244 = arith.constant 592 : index
      %swap3A_1245 = tpu.vector_load %arg7[%swap3A_1244] {strides = array<i32>} : memref<3136xf32, #tpu.memory_space<vmem>>, vector<16xf32>,
      tpu.vector_store %arg7[%swap3A_1244], %broadcast_in_dim3A_3 {strides = array<i32>} : memref<3136xf32, #tpu.memory_space<vmem>>, vector<16xf32>,
      %swap3A_1246 = arith.constant 608 : index
      %swap3A_1247 = tpu.vector_load %arg7[%swap3A_1246] {strides = array<i32>} : memref<3136xf32, #tpu.memory_space<vmem>>, vector<16xf32>,
      tpu.vector_store %arg7[%swap3A_1246], %broadcast_in_dim3A_3 {strides = array<i32>} : memref<3136xf32, #tpu.memory_space<vmem>>, vector<16xf32>,
      %swap3A_1248 = arith.constant 624 : index
      %swap3A_1249 = tpu.vector_load %arg7[%swap3A_1248] {strides = array<i32>} : memref<3136xf32, #tpu.memory_space<vmem>>, vector<16xf32>,
      tpu.vector_store %arg7[%swap3A_1248], %broadcast_in_dim3A_3 {strides = array<i32>} : memref<3136xf32, #tpu.memory_space<vmem>>, vector<16xf32>,
      %swap3A_1250 = arith.constant 640 : index
      %swap3A_1251 = tpu.vector_load %arg7[%swap3A_1250] {strides = array<i32>} : memref<3136xf32, #tpu.memory_space<vmem>>, vector<16xf32>,
      tpu.vector_store %arg7[%swap3A_1250], %broadcast_in_dim3A_3 {strides = array<i32>} : memref<3136xf32, #tpu.memory_space<vmem>>, vector<16xf32>,
      %swap3A_1252 = arith.constant 656 : index
      %swap3A_1253 = tpu.vector_load %arg7[%swap3A_1252] {strides = array<i32>} : memref<3136xf32, #tpu.memory_space<vmem>>, vector<16xf32>,
      tpu.vector_store %arg7[%swap3A_1252], %broadcast_in_dim3A_3 {strides = array<i32>} : memref<3136xf32, #tpu.memory_space<vmem>>, vector<16xf32>,
      %swap3A_1254 = arith.constant 672 : index
      %swap3A_1255 = tpu.vector_load %arg7[%swap3A_1254] {strides = array<i32>} : memref<3136xf32, #tpu.memory_space<vmem>>, vector<16xf32>,
      tpu.vector_store %arg7[%swap3A_1254], %broadcast_in_dim3A_3 {strides = array<i32>} : memref<3136xf32, #tpu.memory_space<vmem>>, vector<16xf32>,
      %swap3A_1256 = arith.constant 688 : index
      %swap3A_1257 = tpu.vector_load %arg7[%swap3A_1256] {strides = array<i32>} : memref<3136xf32, #tpu.memory_space<vmem>>, vector<16xf32>,
      tpu.vector_store %arg7[%swap3A_1256], %broadcast_in_dim3A_3 {strides = array<i32>} : memref<3136xf32, #tpu.memory_space<vmem>>, vector<16xf32>,
      %swap3A_1258 = arith.constant 704 : index
      %swap3A_1259 = tpu.vector_load %arg7[%swap3A_1258] {strides = array<i32>} : memref<3136xf32, #tpu.memory_space<vmem>>, vector<16xf32>,
      tpu.vector_store %arg7[%swap3A_1258], %broadcast_in_dim3A_3 {strides = array<i32>} : memref<3136xf32, #tpu.memory_space<vmem>>, vector<16xf32>,
      %swap3A_1260 = arith.constant 720 : index
      %swap3A_1261 = tpu.vector_load %arg7[%swap3A_1260] {strides = array<i32>} : memref<3136xf32, #tpu.memory_space<vmem>>, vector<16xf32>,
      tpu.vector_store %arg7[%swap3A_1260], %broadcast_in_dim3A_3 {strides = array<i32>} : memref<3136xf32, #tpu.memory_space<vmem>>, vector<16xf32>,
      %swap3A_1262 = arith.constant 736 : index
      %swap3A_1263 = tpu.vector_load %arg7[%swap3A_1262] {strides = array<i32>} : memref<3136xf32, #tpu.memory_space<vmem>>, vector<16xf32>,
      tpu.vector_store %arg7[%swap3A_1262], %broadcast_in_dim3A_3 {strides = array<i32>} : memref<3136xf32, #tpu.memory_space<vmem>>, vector<16xf32>,
      %swap3A_1264 = arith.constant 752 : index
      %swap3A_1265 = tpu.vector_load %arg7[%swap3A_1264] {strides = array<i32>} : memref<3136xf32, #tpu.memory_space<vmem>>, vector<16xf32>,
      tpu.vector_store %arg7[%swap3A_1264], %broadcast_in_dim3A_3 {strides = array<i32>} : memref<3136xf32, #tpu.memory_space<vmem>>, vector<16xf32>,
      %swap3A_1266 = arith.constant 768 : index
      %swap3A_1267 = tpu.vector_load %arg7[%swap3A_1266] {strides = array<i32>} : memref<3136xf32, #tpu.memory_space<vmem>>, vector<16xf32>,
      tpu.vector_store %arg7[%swap3A_1266], %broadcast_in_dim3A_3 {strides = array<i32>} : memref<3136xf32, #tpu.memory_space<vmem>>, vector<16xf32>,
      %swap3A_1268 = arith.constant 784 : index
      %swap3A_1269 = tpu.vector_load %arg7[%swap3A_1268] {strides = array<i32>} : memref<3136xf32, #tpu.memory_space<vmem>>, vector<16xf32>,
      tpu.vector_store %arg7[%swap3A_1268], %broadcast_in_dim3A_3 {strides = array<i32>} : memref<3136xf32, #tpu.memory_space<vmem>>, vector<16xf32>,
      %swap3A_1270 = arith.constant 800 : index
      %swap3A_1271 = tpu.vector_load %arg7[%swap3A_1270] {strides = array<i32>} : memref<3136xf32, #tpu.memory_space<vmem>>, vector<16xf32>,
      tpu.vector_store %arg7[%swap3A_1270], %broadcast_in_dim3A_3 {strides = array<i32>} : memref<3136xf32, #tpu.memory_space<vmem>>, vector<16xf32>,
      %swap3A_1272 = arith.constant 816 : index
      %swap3A_1273 = tpu.vector_load %arg7[%swap3A_1272] {strides = array<i32>} : memref<3136xf32, #tpu.memory_space<vmem>>, vector<16xf32>,
      tpu.vector_store %arg7[%swap3A_1272], %broadcast_in_dim3A_3 {strides = array<i32>} : memref<3136xf32, #tpu.memory_space<vmem>>, vector<16xf32>,
      %swap3A_1274 = arith.constant 832 : index
      %swap3A_1275 = tpu.vector_load %arg7[%swap3A_1274] {strides = array<i32>} : memref<3136xf32, #tpu.memory_space<vmem>>, vector<16xf32>,
      tpu.vector_store %arg7[%swap3A_1274], %broadcast_in_dim3A_3 {strides = array<i32>} : memref<3136xf32, #tpu.memory_space<vmem>>, vector<16xf32>,
      %swap3A_1276 = arith.constant 848 : index
      %swap3A_1277 = tpu.vector_load %arg7[%swap3A_1276] {strides = array<i32>} : memref<3136xf32, #tpu.memory_space<vmem>>, vector<16xf32>,
      tpu.vector_store %arg7[%swap3A_1276], %broadcast_in_dim3A_3 {strides = array<i32>} : memref<3136xf32, #tpu.memory_space<vmem>>, vector<16xf32>,
      %swap3A_1278 = arith.constant 864 : index
      %swap3A_1279 = tpu.vector_load %arg7[%swap3A_1278] {strides = array<i32>} : memref<3136xf32, #tpu.memory_space<vmem>>, vector<16xf32>,
      tpu.vector_store %arg7[%swap3A_1278], %broadcast_in_dim3A_3 {strides = array<i32>} : memref<3136xf32, #tpu.memory_space<vmem>>, vector<16xf32>,
      %swap3A_1280 = arith.constant 880 : index
      %swap3A_1281 = tpu.vector_load %arg7[%swap3A_1280] {strides = array<i32>} : memref<3136xf32, #tpu.memory_space<vmem>>, vector<16xf32>,
      tpu.vector_store %arg7[%swap3A_1280], %broadcast_in_dim3A_3 {strides = array<i32>} : memref<3136xf32, #tpu.memory_space<vmem>>, vector<16xf32>,
      %swap3A_1282 = arith.constant 896 : index
      %swap3A_1283 = tpu.vector_load %arg7[%swap3A_1282] {strides = array<i32>} : memref<3136xf32, #tpu.memory_space<vmem>>, vector<16xf32>,
      tpu.vector_store %arg7[%swap3A_1282], %broadcast_in_dim3A_3 {strides = array<i32>} : memref<3136xf32, #tpu.memory_space<vmem>>, vector<16xf32>,
      %swap3A_1284 = arith.constant 912 : index
      %swap3A_1285 = tpu.vector_load %arg7[%swap3A_1284] {strides = array<i32>} : memref<3136xf32, #tpu.memory_space<vmem>>, vector<16xf32>,
      tpu.vector_store %arg7[%swap3A_1284], %broadcast_in_dim3A_3 {strides = array<i32>} : memref<3136xf32, #tpu.memory_space<vmem>>, vector<16xf32>,
      %swap3A_1286 = arith.constant 928 : index
      %swap3A_1287 = tpu.vector_load %arg7[%swap3A_1286] {strides = array<i32>} : memref<3136xf32, #tpu.memory_space<vmem>>, vector<16xf32>,
      tpu.vector_store %arg7[%swap3A_1286], %broadcast_in_dim3A_3 {strides = array<i32>} : memref<3136xf32, #tpu.memory_space<vmem>>, vector<16xf32>,
      %swap3A_1288 = arith.constant 944 : index
      %swap3A_1289 = tpu.vector_load %arg7[%swap3A_1288] {strides = array<i32>} : memref<3136xf32, #tpu.memory_space<vmem>>, vector<16xf32>,
      tpu.vector_store %arg7[%swap3A_1288], %broadcast_in_dim3A_3 {strides = array<i32>} : memref<3136xf32, #tpu.memory_space<vmem>>, vector<16xf32>,
      %swap3A_1290 = arith.constant 960 : index
      %swap3A_1291 = tpu.vector_load %arg7[%swap3A_1290] {strides = array<i32>} : memref<3136xf32, #tpu.memory_space<vmem>>, vector<16xf32>,
      tpu.vector_store %arg7[%swap3A_1290], %broadcast_in_dim3A_3 {strides = array<i32>} : memref<3136xf32, #tpu.memory_space<vmem>>, vector<16xf32>,
      %swap3A_1292 = arith.constant 976 : index
      %swap3A_1293 = tpu.vector_load %arg7[%swap3A_1292] {strides = array<i32>} : memref<3136xf32, #tpu.memory_space<vmem>>, vector<16xf32>,
      tpu.vector_store %arg7[%swap3A_1292], %broadcast_in_dim3A_3 {strides = array<i32>} : memref<3136xf32, #tpu.memory_space<vmem>>, vector<16xf32>,
      %swap3A_1294 = arith.constant 992 : index
      %swap3A_1295 = tpu.vector_load %arg7[%swap3A_1294] {strides = array<i32>} : memref<3136xf32, #tpu.memory_space<vmem>>, vector<16xf32>,
      tpu.vector_store %arg7[%swap3A_1294], %broadcast_in_dim3A_3 {strides = array<i32>} : memref<3136xf32, #tpu.memory_space<vmem>>, vector<16xf32>,
      %swap3A_1296 = arith.constant 1008 : index
      %swap3A_1297 = tpu.vector_load %arg7[%swap3A_1296] {strides = array<i32>} : memref<3136xf32, #tpu.memory_space<vmem>>, vector<16xf32>,
      tpu.vector_store %arg7[%swap3A_1296], %broadcast_in_dim3A_3 {strides = array<i32>} : memref<3136xf32, #tpu.memory_space<vmem>>, vector<16xf32>,
      %swap3A_1298 = arith.constant 1024 : index
      %swap3A_1299 = tpu.vector_load %arg7[%swap3A_1298] {strides = array<i32>} : memref<3136xf32, #tpu.memory_space<vmem>>, vector<16xf32>,
      tpu.vector_store %arg7[%swap3A_1298], %broadcast_in_dim3A_3 {strides = array<i32>} : memref<3136xf32, #tpu.memory_space<vmem>>, vector<16xf32>,
      %swap3A_1300 = arith.constant 1040 : index
      %swap3A_1301 = tpu.vector_load %arg7[%swap3A_1300] {strides = array<i32>} : memref<3136xf32, #tpu.memory_space<vmem>>, vector<16xf32>,
      tpu.vector_store %arg7[%swap3A_1300], %broadcast_in_dim3A_3 {strides = array<i32>} : memref<3136xf32, #tpu.memory_space<vmem>>, vector<16xf32>,
      %swap3A_1302 = arith.constant 1056 : index
      %swap3A_1303 = tpu.vector_load %arg7[%swap3A_1302] {strides = array<i32>} : memref<3136xf32, #tpu.memory_space<vmem>>, vector<16xf32>,
      tpu.vector_store %arg7[%swap3A_1302], %broadcast_in_dim3A_3 {strides = array<i32>} : memref<3136xf32, #tpu.memory_space<vmem>>, vector<16xf32>,
      %swap3A_1304 = arith.constant 1072 : index
      %swap3A_1305 = tpu.vector_load %arg7[%swap3A_1304] {strides = array<i32>} : memref<3136xf32, #tpu.memory_space<vmem>>, vector<16xf32>,
      tpu.vector_store %arg7[%swap3A_1304], %broadcast_in_dim3A_3 {strides = array<i32>} : memref<3136xf32, #tpu.memory_space<vmem>>, vector<16xf32>,
      %swap3A_1306 = arith.constant 1088 : index
      %swap3A_1307 = tpu.vector_load %arg7[%swap3A_1306] {strides = array<i32>} : memref<3136xf32, #tpu.memory_space<vmem>>, vector<16xf32>,
      tpu.vector_store %arg7[%swap3A_1306], %broadcast_in_dim3A_3 {strides = array<i32>} : memref<3136xf32, #tpu.memory_space<vmem>>, vector<16xf32>,
      %swap3A_1308 = arith.constant 1104 : index
      %swap3A_1309 = tpu.vector_load %arg7[%swap3A_1308] {strides = array<i32>} : memref<3136xf32, #tpu.memory_space<vmem>>, vector<16xf32>,
      tpu.vector_store %arg7[%swap3A_1308], %broadcast_in_dim3A_3 {strides = array<i32>} : memref<3136xf32, #tpu.memory_space<vmem>>, vector<16xf32>,
      %swap3A_1310 = arith.constant 1120 : index
      %swap3A_1311 = tpu.vector_load %arg7[%swap3A_1310] {strides = array<i32>} : memref<3136xf32, #tpu.memory_space<vmem>>, vector<16xf32>,
      tpu.vector_store %arg7[%swap3A_1310], %broadcast_in_dim3A_3 {strides = array<i32>} : memref<3136xf32, #tpu.memory_space<vmem>>, vector<16xf32>,
      %swap3A_1312 = arith.constant 1136 : index
      %swap3A_1313 = tpu.vector_load %arg7[%swap3A_1312] {strides = array<i32>} : memref<3136xf32, #tpu.memory_space<vmem>>, vector<16xf32>,
      tpu.vector_store %arg7[%swap3A_1312], %broadcast_in_dim3A_3 {strides = array<i32>} : memref<3136xf32, #tpu.memory_space<vmem>>, vector<16xf32>,
      %swap3A_1314 = arith.constant 1152 : index
      %swap3A_1315 = tpu.vector_load %arg7[%swap3A_1314] {strides = array<i32>} : memref<3136xf32, #tpu.memory_space<vmem>>, vector<16xf32>,
      tpu.vector_store %arg7[%swap3A_1314], %broadcast_in_dim3A_3 {strides = array<i32>} : memref<3136xf32, #tpu.memory_space<vmem>>, vector<16xf32>,
      %swap3A_1316 = arith.constant 1168 : index
      %swap3A_1317 = tpu.vector_load %arg7[%swap3A_1316] {strides = array<i32>} : memref<3136xf32, #tpu.memory_space<vmem>>, vector<16xf32>,
      tpu.vector_store %arg7[%swap3A_1316], %broadcast_in_dim3A_3 {strides = array<i32>} : memref<3136xf32, #tpu.memory_space<vmem>>, vector<16xf32>,
      %swap3A_1318 = arith.constant 1184 : index
      %swap3A_1319 = tpu.vector_load %arg7[%swap3A_1318] {strides = array<i32>} : memref<3136xf32, #tpu.memory_space<vmem>>, vector<16xf32>,
      tpu.vector_store %arg7[%swap3A_1318], %broadcast_in_dim3A_3 {strides = array<i32>} : memref<3136xf32, #tpu.memory_space<vmem>>, vector<16xf32>,
      %swap3A_1320 = arith.constant 1200 : index
      %swap3A_1321 = tpu.vector_load %arg7[%swap3A_1320] {strides = array<i32>} : memref<3136xf32, #tpu.memory_space<vmem>>, vector<16xf32>,
      tpu.vector_store %arg7[%swap3A_1320], %broadcast_in_dim3A_3 {strides = array<i32>} : memref<3136xf32, #tpu.memory_space<vmem>>, vector<16xf32>,
      %swap3A_1322 = arith.constant 1216 : index
      %swap3A_1323 = tpu.vector_load %arg7[%swap3A_1322] {strides = array<i32>} : memref<3136xf32, #tpu.memory_space<vmem>>, vector<16xf32>,
      tpu.vector_store %arg7[%swap3A_1322], %broadcast_in_dim3A_3 {strides = array<i32>} : memref<3136xf32, #tpu.memory_space<vmem>>, vector<16xf32>,
      %swap3A_1324 = arith.constant 1232 : index
      %swap3A_1325 = tpu.vector_load %arg7[%swap3A_1324] {strides = array<i32>} : memref<3136xf32, #tpu.memory_space<vmem>>, vector<16xf32>,
      tpu.vector_store %arg7[%swap3A_1324], %broadcast_in_dim3A_3 {strides = array<i32>} : memref<3136xf32, #tpu.memory_space<vmem>>, vector<16xf32>,
      %swap3A_1326 = arith.constant 1248 : index
      %swap3A_1327 = tpu.vector_load %arg7[%swap3A_1326] {strides = array<i32>} : memref<3136xf32, #tpu.memory_space<vmem>>, vector<16xf32>,
      tpu.vector_store %arg7[%swap3A_1326], %broadcast_in_dim3A_3 {strides = array<i32>} : memref<3136xf32, #tpu.memory_space<vmem>>, vector<16xf32>,
      %swap3A_1328 = arith.constant 1264 : index
      %swap3A_1329 = tpu.vector_load %arg7[%swap3A_1328] {strides = array<i32>} : memref<3136xf32, #tpu.memory_space<vmem>>, vector<16xf32>,
      tpu.vector_store %arg7[%swap3A_1328], %broadcast_in_dim3A_3 {strides = array<i32>} : memref<3136xf32, #tpu.memory_space<vmem>>, vector<16xf32>,
      %swap3A_1330 = arith.constant 1280 : index
      %swap3A_1331 = tpu.vector_load %arg7[%swap3A_1330] {strides = array<i32>} : memref<3136xf32, #tpu.memory_space<vmem>>, vector<16xf32>,
      tpu.vector_store %arg7[%swap3A_1330], %broadcast_in_dim3A_3 {strides = array<i32>} : memref<3136xf32, #tpu.memory_space<vmem>>, vector<16xf32>,
      %swap3A_1332 = arith.constant 1296 : index
      %swap3A_1333 = tpu.vector_load %arg7[%swap3A_1332] {strides = array<i32>} : memref<3136xf32, #tpu.memory_space<vmem>>, vector<16xf32>,
      tpu.vector_store %arg7[%swap3A_1332], %broadcast_in_dim3A_3 {strides = array<i32>} : memref<3136xf32, #tpu.memory_space<vmem>>, vector<16xf32>,
      %swap3A_1334 = arith.constant 1312 : index
      %swap3A_1335 = tpu.vector_load %arg7[%swap3A_1334] {strides = array<i32>} : memref<3136xf32, #tpu.memory_space<vmem>>, vector<16xf32>,
      tpu.vector_store %arg7[%swap3A_1334], %broadcast_in_dim3A_3 {strides = array<i32>} : memref<3136xf32, #tpu.memory_space<vmem>>, vector<16xf32>,
      %swap3A_1336 = arith.constant 1328 : index
      %swap3A_1337 = tpu.vector_load %arg7[%swap3A_1336] {strides = array<i32>} : memref<3136xf32, #tpu.memory_space<vmem>>, vector<16xf32>,
      tpu.vector_store %arg7[%swap3A_1336], %broadcast_in_dim3A_3 {strides = array<i32>} : memref<3136xf32, #tpu.memory_space<vmem>>, vector<16xf32>,
      %swap3A_1338 = arith.constant 1344 : index
      %swap3A_1339 = tpu.vector_load %arg7[%swap3A_1338] {strides = array<i32>} : memref<3136xf32, #tpu.memory_space<vmem>>, vector<16xf32>,
      tpu.vector_store %arg7[%swap3A_1338], %broadcast_in_dim3A_3 {strides = array<i32>} : memref<3136xf32, #tpu.memory_space<vmem>>, vector<16xf32>,
      %swap3A_1340 = arith.constant 1360 : index
      %swap3A_1341 = tpu.vector_load %arg7[%swap3A_1340] {strides = array<i32>} : memref<3136xf32, #tpu.memory_space<vmem>>, vector<16xf32>,
      tpu.vector_store %arg7[%swap3A_1340], %broadcast_in_dim3A_3 {strides = array<i32>} : memref<3136xf32, #tpu.memory_space<vmem>>, vector<16xf32>,
      %swap3A_1342 = arith.constant 1376 : index
      %swap3A_1343 = tpu.vector_load %arg7[%swap3A_1342] {strides = array<i32>} : memref<3136xf32, #tpu.memory_space<vmem>>, vector<16xf32>,
      tpu.vector_store %arg7[%swap3A_1342], %broadcast_in_dim3A_3 {strides = array<i32>} : memref<3136xf32, #tpu.memory_space<vmem>>, vector<16xf32>,
      %swap3A_1344 = arith.constant 1392 : index
      %swap3A_1345 = tpu.vector_load %arg7[%swap3A_1344] {strides = array<i32>} : memref<3136xf32, #tpu.memory_space<vmem>>, vector<16xf32>,
      tpu.vector_store %arg7[%swap3A_1344], %broadcast_in_dim3A_3 {strides = array<i32>} : memref<3136xf32, #tpu.memory_space<vmem>>, vector<16xf32>,
      %swap3A_1346 = arith.constant 1408 : index
      %swap3A_1347 = tpu.vector_load %arg7[%swap3A_1346] {strides = array<i32>} : memref<3136xf32, #tpu.memory_space<vmem>>, vector<16xf32>,
      tpu.vector_store %arg7[%swap3A_1346], %broadcast_in_dim3A_3 {strides = array<i32>} : memref<3136xf32, #tpu.memory_space<vmem>>, vector<16xf32>,
      %swap3A_1348 = arith.constant 1424 : index
      %swap3A_1349 = tpu.vector_load %arg7[%swap3A_1348] {strides = array<i32>} : memref<3136xf32, #tpu.memory_space<vmem>>, vector<16xf32>,
      tpu.vector_store %arg7[%swap3A_1348], %broadcast_in_dim3A_3 {strides = array<i32>} : memref<3136xf32, #tpu.memory_space<vmem>>, vector<16xf32>,
      %swap3A_1350 = arith.constant 1440 : index
      %swap3A_1351 = tpu.vector_load %arg7[%swap3A_1350] {strides = array<i32>} : memref<3136xf32, #tpu.memory_space<vmem>>, vector<16xf32>,
      tpu.vector_store %arg7[%swap3A_1350], %broadcast_in_dim3A_3 {strides = array<i32>} : memref<3136xf32, #tpu.memory_space<vmem>>, vector<16xf32>,
      %swap3A_1352 = arith.constant 1456 : index
      %swap3A_1353 = tpu.vector_load %arg7[%swap3A_1352] {strides = array<i32>} : memref<3136xf32, #tpu.memory_space<vmem>>, vector<16xf32>,
      tpu.vector_store %arg7[%swap3A_1352], %broadcast_in_dim3A_3 {strides = array<i32>} : memref<3136xf32, #tpu.memory_space<vmem>>, vector<16xf32>,
      %swap3A_1354 = arith.constant 1472 : index
      %swap3A_1355 = tpu.vector_load %arg7[%swap3A_1354] {strides = array<i32>} : memref<3136xf32, #tpu.memory_space<vmem>>, vector<16xf32>,
      tpu.vector_store %arg7[%swap3A_1354], %broadcast_in_dim3A_3 {strides = array<i32>} : memref<3136xf32, #tpu.memory_space<vmem>>, vector<16xf32>,
      %swap3A_1356 = arith.constant 1488 : index
      %swap3A_1357 = tpu.vector_load %arg7[%swap3A_1356] {strides = array<i32>} : memref<3136xf32, #tpu.memory_space<vmem>>, vector<16xf32>,
      tpu.vector_store %arg7[%swap3A_1356], %broadcast_in_dim3A_3 {strides = array<i32>} : memref<3136xf32, #tpu.memory_space<vmem>>, vector<16xf32>,
      %swap3A_1358 = arith.constant 1504 : index
      %swap3A_1359 = tpu.vector_load %arg7[%swap3A_1358] {strides = array<i32>} : memref<3136xf32, #tpu.memory_space<vmem>>, vector<16xf32>,
      tpu.vector_store %arg7[%swap3A_1358], %broadcast_in_dim3A_3 {strides = array<i32>} : memref<3136xf32, #tpu.memory_space<vmem>>, vector<16xf32>,
      %swap3A_1360 = arith.constant 1520 : index
      %swap3A_1361 = tpu.vector_load %arg7[%swap3A_1360] {strides = array<i32>} : memref<3136xf32, #tpu.memory_space<vmem>>, vector<16xf32>,
      tpu.vector_store %arg7[%swap3A_1360], %broadcast_in_dim3A_3 {strides = array<i32>} : memref<3136xf32, #tpu.memory_space<vmem>>, vector<16xf32>,
      %swap3A_1362 = arith.constant 1536 : index
      %swap3A_1363 = tpu.vector_load %arg7[%swap3A_1362] {strides = array<i32>} : memref<3136xf32, #tpu.memory_space<vmem>>, vector<16xf32>,
      tpu.vector_store %arg7[%swap3A_1362], %broadcast_in_dim3A_3 {strides = array<i32>} : memref<3136xf32, #tpu.memory_space<vmem>>, vector<16xf32>,
      %swap3A_1364 = arith.constant 1552 : index
      %swap3A_1365 = tpu.vector_load %arg7[%swap3A_1364] {strides = array<i32>} : memref<3136xf32, #tpu.memory_space<vmem>>, vector<16xf32>,
      tpu.vector_store %arg7[%swap3A_1364], %broadcast_in_dim3A_3 {strides = array<i32>} : memref<3136xf32, #tpu.memory_space<vmem>>, vector<16xf32>,
      %swap3A_1366 = arith.constant 1568 : index
      %swap3A_1367 = tpu.vector_load %arg7[%swap3A_1366] {strides = array<i32>} : memref<3136xf32, #tpu.memory_space<vmem>>, vector<16xf32>,
      tpu.vector_store %arg7[%swap3A_1366], %broadcast_in_dim3A_3 {strides = array<i32>} : memref<3136xf32, #tpu.memory_space<vmem>>, vector<16xf32>,
      %swap3A_1368 = arith.constant 1584 : index
      %swap3A_1369 = tpu.vector_load %arg7[%swap3A_1368] {strides = array<i32>} : memref<3136xf32, #tpu.memory_space<vmem>>, vector<16xf32>,
      tpu.vector_store %arg7[%swap3A_1368], %broadcast_in_dim3A_3 {strides = array<i32>} : memref<3136xf32, #tpu.memory_space<vmem>>, vector<16xf32>,
      %swap3A_1370 = arith.constant 1600 : index
      %swap3A_1371 = tpu.vector_load %arg7[%swap3A_1370] {strides = array<i32>} : memref<3136xf32, #tpu.memory_space<vmem>>, vector<16xf32>,
      tpu.vector_store %arg7[%swap3A_1370], %broadcast_in_dim3A_3 {strides = array<i32>} : memref<3136xf32, #tpu.memory_space<vmem>>, vector<16xf32>,
      %swap3A_1372 = arith.constant 1616 : index
      %swap3A_1373 = tpu.vector_load %arg7[%swap3A_1372] {strides = array<i32>} : memref<3136xf32, #tpu.memory_space<vmem>>, vector<16xf32>,
      tpu.vector_store %arg7[%swap3A_1372], %broadcast_in_dim3A_3 {strides = array<i32>} : memref<3136xf32, #tpu.memory_space<vmem>>, vector<16xf32>,
      %swap3A_1374 = arith.constant 1632 : index
      %swap3A_1375 = tpu.vector_load %arg7[%swap3A_1374] {strides = array<i32>} : memref<3136xf32, #tpu.memory_space<vmem>>, vector<16xf32>,
      tpu.vector_store %arg7[%swap3A_1374], %broadcast_in_dim3A_3 {strides = array<i32>} : memref<3136xf32, #tpu.memory_space<vmem>>, vector<16xf32>,
      %swap3A_1376 = arith.constant 1648 : index
      %swap3A_1377 = tpu.vector_load %arg7[%swap3A_1376] {strides = array<i32>} : memref<3136xf32, #tpu.memory_space<vmem>>, vector<16xf32>,
      tpu.vector_store %arg7[%swap3A_1376], %broadcast_in_dim3A_3 {strides = array<i32>} : memref<3136xf32, #tpu.memory_space<vmem>>, vector<16xf32>,
      %swap3A_1378 = arith.constant 1664 : index
      %swap3A_1379 = tpu.vector_load %arg7[%swap3A_1378] {strides = array<i32>} : memref<3136xf32, #tpu.memory_space<vmem>>, vector<16xf32>,
      tpu.vector_store %arg7[%swap3A_1378], %broadcast_in_dim3A_3 {strides = array<i32>} : memref<3136xf32, #tpu.memory_space<vmem>>, vector<16xf32>,
      %swap3A_1380 = arith.constant 1680 : index
      %swap3A_1381 = tpu.vector_load %arg7[%swap3A_1380] {strides = array<i32>} : memref<3136xf32, #tpu.memory_space<vmem>>, vector<16xf32>,
      tpu.vector_store %arg7[%swap3A_1380], %broadcast_in_dim3A_3 {strides = array<i32>} : memref<3136xf32, #tpu.memory_space<vmem>>, vector<16xf32>,
      %swap3A_1382 = arith.constant 1696 : index
      %swap3A_1383 = tpu.vector_load %arg7[%swap3A_1382] {strides = array<i32>} : memref<3136xf32, #tpu.memory_space<vmem>>, vector<16xf32>,
      tpu.vector_store %arg7[%swap3A_1382], %broadcast_in_dim3A_3 {strides = array<i32>} : memref<3136xf32, #tpu.memory_space<vmem>>, vector<16xf32>,
      %swap3A_1384 = arith.constant 1712 : index
      %swap3A_1385 = tpu.vector_load %arg7[%swap3A_1384] {strides = array<i32>} : memref<3136xf32, #tpu.memory_space<vmem>>, vector<16xf32>,
      tpu.vector_store %arg7[%swap3A_1384], %broadcast_in_dim3A_3 {strides = array<i32>} : memref<3136xf32, #tpu.memory_space<vmem>>, vector<16xf32>,
      %swap3A_1386 = arith.constant 1728 : index
      %swap3A_1387 = tpu.vector_load %arg7[%swap3A_1386] {strides = array<i32>} : memref<3136xf32, #tpu.memory_space<vmem>>, vector<16xf32>,
      tpu.vector_store %arg7[%swap3A_1386], %broadcast_in_dim3A_3 {strides = array<i32>} : memref<3136xf32, #tpu.memory_space<vmem>>, vector<16xf32>,
      %swap3A_1388 = arith.constant 1744 : index
      %swap3A_1389 = tpu.vector_load %arg7[%swap3A_1388] {strides = array<i32>} : memref<3136xf32, #tpu.memory_space<vmem>>, vector<16xf32>,
      tpu.vector_store %arg7[%swap3A_1388], %broadcast_in_dim3A_3 {strides = array<i32>} : memref<3136xf32, #tpu.memory_space<vmem>>, vector<16xf32>,
      %swap3A_1390 = arith.constant 1760 : index
      %swap3A_1391 = tpu.vector_load %arg7[%swap3A_1390] {strides = array<i32>} : memref<3136xf32, #tpu.memory_space<vmem>>, vector<16xf32>,
      tpu.vector_store %arg7[%swap3A_1390], %broadcast_in_dim3A_3 {strides = array<i32>} : memref<3136xf32, #tpu.memory_space<vmem>>, vector<16xf32>,
      %swap3A_1392 = arith.constant 1776 : index
      %swap3A_1393 = tpu.vector_load %arg7[%swap3A_1392] {strides = array<i32>} : memref<3136xf32, #tpu.memory_space<vmem>>, vector<16xf32>,
      tpu.vector_store %arg7[%swap3A_1392], %broadcast_in_dim3A_3 {strides = array<i32>} : memref<3136xf32, #tpu.memory_space<vmem>>, vector<16xf32>,
      %swap3A_1394 = arith.constant 1792 : index
      %swap3A_1395 = tpu.vector_load %arg7[%swap3A_1394] {strides = array<i32>} : memref<3136xf32, #tpu.memory_space<vmem>>, vector<16xf32>,
      tpu.vector_store %arg7[%swap3A_1394], %broadcast_in_dim3A_3 {strides = array<i32>} : memref<3136xf32, #tpu.memory_space<vmem>>, vector<16xf32>,
      %swap3A_1396 = arith.constant 1808 : index
      %swap3A_1397 = tpu.vector_load %arg7[%swap3A_1396] {strides = array<i32>} : memref<3136xf32, #tpu.memory_space<vmem>>, vector<16xf32>,
      tpu.vector_store %arg7[%swap3A_1396], %broadcast_in_dim3A_3 {strides = array<i32>} : memref<3136xf32, #tpu.memory_space<vmem>>, vector<16xf32>,
      %swap3A_1398 = arith.constant 1824 : index
      %swap3A_1399 = tpu.vector_load %arg7[%swap3A_1398] {strides = array<i32>} : memref<3136xf32, #tpu.memory_space<vmem>>, vector<16xf32>,
      tpu.vector_store %arg7[%swap3A_1398], %broadcast_in_dim3A_3 {strides = array<i32>} : memref<3136xf32, #tpu.memory_space<vmem>>, vector<16xf32>,
      %swap3A_1400 = arith.constant 1840 : index
      %swap3A_1401 = tpu.vector_load %arg7[%swap3A_1400] {strides = array<i32>} : memref<3136xf32, #tpu.memory_space<vmem>>, vector<16xf32>,
      tpu.vector_store %arg7[%swap3A_1400], %broadcast_in_dim3A_3 {strides = array<i32>} : memref<3136xf32, #tpu.memory_space<vmem>>, vector<16xf32>,
      %swap3A_1402 = arith.constant 1856 : index
      %swap3A_1403 = tpu.vector_load %arg7[%swap3A_1402] {strides = array<i32>} : memref<3136xf32, #tpu.memory_space<vmem>>, vector<16xf32>,
      tpu.vector_store %arg7[%swap3A_1402], %broadcast_in_dim3A_3 {strides = array<i32>} : memref<3136xf32, #tpu.memory_space<vmem>>, vector<16xf32>,
      %swap3A_1404 = arith.constant 1872 : index
      %swap3A_1405 = tpu.vector_load %arg7[%swap3A_1404] {strides = array<i32>} : memref<3136xf32, #tpu.memory_space<vmem>>, vector<16xf32>,
      tpu.vector_store %arg7[%swap3A_1404], %broadcast_in_dim3A_3 {strides = array<i32>} : memref<3136xf32, #tpu.memory_space<vmem>>, vector<16xf32>,
      %swap3A_1406 = arith.constant 1888 : index
      %swap3A_1407 = tpu.vector_load %arg7[%swap3A_1406] {strides = array<i32>} : memref<3136xf32, #tpu.memory_space<vmem>>, vector<16xf32>,
      tpu.vector_store %arg7[%swap3A_1406], %broadcast_in_dim3A_3 {strides = array<i32>} : memref<3136xf32, #tpu.memory_space<vmem>>, vector<16xf32>,
      %swap3A_1408 = arith.constant 1904 : index
      %swap3A_1409 = tpu.vector_load %arg7[%swap3A_1408] {strides = array<i32>} : memref<3136xf32, #tpu.memory_space<vmem>>, vector<16xf32>,
      tpu.vector_store %arg7[%swap3A_1408], %broadcast_in_dim3A_3 {strides = array<i32>} : memref<3136xf32, #tpu.memory_space<vmem>>, vector<16xf32>,
      %swap3A_1410 = arith.constant 1920 : index
      %swap3A_1411 = tpu.vector_load %arg7[%swap3A_1410] {strides = array<i32>} : memref<3136xf32, #tpu.memory_space<vmem>>, vector<16xf32>,
      tpu.vector_store %arg7[%swap3A_1410], %broadcast_in_dim3A_3 {strides = array<i32>} : memref<3136xf32, #tpu.memory_space<vmem>>, vector<16xf32>,
      %swap3A_1412 = arith.constant 1936 : index
      %swap3A_1413 = tpu.vector_load %arg7[%swap3A_1412] {strides = array<i32>} : memref<3136xf32, #tpu.memory_space<vmem>>, vector<16xf32>,
      tpu.vector_store %arg7[%swap3A_1412], %broadcast_in_dim3A_3 {strides = array<i32>} : memref<3136xf32, #tpu.memory_space<vmem>>, vector<16xf32>,
      %swap3A_1414 = arith.constant 1952 : index
      %swap3A_1415 = tpu.vector_load %arg7[%swap3A_1414] {strides = array<i32>} : memref<3136xf32, #tpu.memory_space<vmem>>, vector<16xf32>,
      tpu.vector_store %arg7[%swap3A_1414], %broadcast_in_dim3A_3 {strides = array<i32>} : memref<3136xf32, #tpu.memory_space<vmem>>, vector<16xf32>,
      %swap3A_1416 = arith.constant 1968 : index
      %swap3A_1417 = tpu.vector_load %arg7[%swap3A_1416] {strides = array<i32>} : memref<3136xf32, #tpu.memory_space<vmem>>, vector<16xf32>,
      tpu.vector_store %arg7[%swap3A_1416], %broadcast_in_dim3A_3 {strides = array<i32>} : memref<3136xf32, #tpu.memory_space<vmem>>, vector<16xf32>,
      %swap3A_1418 = arith.constant 1984 : index
      %swap3A_1419 = tpu.vector_load %arg7[%swap3A_1418] {strides = array<i32>} : memref<3136xf32, #tpu.memory_space<vmem>>, vector<16xf32>,
      tpu.vector_store %arg7[%swap3A_1418], %broadcast_in_dim3A_3 {strides = array<i32>} : memref<3136xf32, #tpu.memory_space<vmem>>, vector<16xf32>,
      %swap3A_1420 = arith.constant 2000 : index
      %swap3A_1421 = tpu.vector_load %arg7[%swap3A_1420] {strides = array<i32>} : memref<3136xf32, #tpu.memory_space<vmem>>, vector<16xf32>,
      tpu.vector_store %arg7[%swap3A_1420], %broadcast_in_dim3A_3 {strides = array<i32>} : memref<3136xf32, #tpu.memory_space<vmem>>, vector<16xf32>,
      %swap3A_1422 = arith.constant 2016 : index
      %swap3A_1423 = tpu.vector_load %arg7[%swap3A_1422] {strides = array<i32>} : memref<3136xf32, #tpu.memory_space<vmem>>, vector<16xf32>,
      tpu.vector_store %arg7[%swap3A_1422], %broadcast_in_dim3A_3 {strides = array<i32>} : memref<3136xf32, #tpu.memory_space<vmem>>, vector<16xf32>,
      %swap3A_1424 = arith.constant 2032 : index
      %swap3A_1425 = tpu.vector_load %arg7[%swap3A_1424] {strides = array<i32>} : memref<3136xf32, #tpu.memory_space<vmem>>, vector<16xf32>,
      tpu.vector_store %arg7[%swap3A_1424], %broadcast_in_dim3A_3 {strides = array<i32>} : memref<3136xf32, #tpu.memory_space<vmem>>, vector<16xf32>,
      %swap3A_1426 = arith.constant 2048 : index
      %swap3A_1427 = tpu.vector_load %arg7[%swap3A_1426] {strides = array<i32>} : memref<3136xf32, #tpu.memory_space<vmem>>, vector<16xf32>,
      tpu.vector_store %arg7[%swap3A_1426], %broadcast_in_dim3A_3 {strides = array<i32>} : memref<3136xf32, #tpu.memory_space<vmem>>, vector<16xf32>,
      %swap3A_1428 = arith.constant 2064 : index
      %swap3A_1429 = tpu.vector_load %arg7[%swap3A_1428] {strides = array<i32>} : memref<3136xf32, #tpu.memory_space<vmem>>, vector<16xf32>,
      tpu.vector_store %arg7[%swap3A_1428], %broadcast_in_dim3A_3 {strides = array<i32>} : memref<3136xf32, #tpu.memory_space<vmem>>, vector<16xf32>,
      %swap3A_1430 = arith.constant 2080 : index
      %swap3A_1431 = tpu.vector_load %arg7[%swap3A_1430] {strides = array<i32>} : memref<3136xf32, #tpu.memory_space<vmem>>, vector<16xf32>,
      tpu.vector_store %arg7[%swap3A_1430], %broadcast_in_dim3A_3 {strides = array<i32>} : memref<3136xf32, #tpu.memory_space<vmem>>, vector<16xf32>,
      %swap3A_1432 = arith.constant 2096 : index
      %swap3A_1433 = tpu.vector_load %arg7[%swap3A_1432] {strides = array<i32>} : memref<3136xf32, #tpu.memory_space<vmem>>, vector<16xf32>,
      tpu.vector_store %arg7[%swap3A_1432], %broadcast_in_dim3A_3 {strides = array<i32>} : memref<3136xf32, #tpu.memory_space<vmem>>, vector<16xf32>,
      %swap3A_1434 = arith.constant 2112 : index
      %swap3A_1435 = tpu.vector_load %arg7[%swap3A_1434] {strides = array<i32>} : memref<3136xf32, #tpu.memory_space<vmem>>, vector<16xf32>,
      tpu.vector_store %arg7[%swap3A_1434], %broadcast_in_dim3A_3 {strides = array<i32>} : memref<3136xf32, #tpu.memory_space<vmem>>, vector<16xf32>,
      %swap3A_1436 = arith.constant 2128 : index
      %swap3A_1437 = tpu.vector_load %arg7[%swap3A_1436] {strides = array<i32>} : memref<3136xf32, #tpu.memory_space<vmem>>, vector<16xf32>,
      tpu.vector_store %arg7[%swap3A_1436], %broadcast_in_dim3A_3 {strides = array<i32>} : memref<3136xf32, #tpu.memory_space<vmem>>, vector<16xf32>,
      %swap3A_1438 = arith.constant 2144 : index
      %swap3A_1439 = tpu.vector_load %arg7[%swap3A_1438] {strides = array<i32>} : memref<3136xf32, #tpu.memory_space<vmem>>, vector<16xf32>,
      tpu.vector_store %arg7[%swap3A_1438], %broadcast_in_dim3A_3 {strides = array<i32>} : memref<3136xf32, #tpu.memory_space<vmem>>, vector<16xf32>,
      %swap3A_1440 = arith.constant 2160 : index
      %swap3A_1441 = tpu.vector_load %arg7[%swap3A_1440] {strides = array<i32>} : memref<3136xf32, #tpu.memory_space<vmem>>, vector<16xf32>,
      tpu.vector_store %arg7[%swap3A_1440], %broadcast_in_dim3A_3 {strides = array<i32>} : memref<3136xf32, #tpu.memory_space<vmem>>, vector<16xf32>,
      %swap3A_1442 = arith.constant 2176 : index
      %swap3A_1443 = tpu.vector_load %arg7[%swap3A_1442] {strides = array<i32>} : memref<3136xf32, #tpu.memory_space<vmem>>, vector<16xf32>,
      tpu.vector_store %arg7[%swap3A_1442], %broadcast_in_dim3A_3 {strides = array<i32>} : memref<3136xf32, #tpu.memory_space<vmem>>, vector<16xf32>,
      %swap3A_1444 = arith.constant 2192 : index
      %swap3A_1445 = tpu.vector_load %arg7[%swap3A_1444] {strides = array<i32>} : memref<3136xf32, #tpu.memory_space<vmem>>, vector<16xf32>,
      tpu.vector_store %arg7[%swap3A_1444], %broadcast_in_dim3A_3 {strides = array<i32>} : memref<3136xf32, #tpu.memory_space<vmem>>, vector<16xf32>,
      %swap3A_1446 = arith.constant 2208 : index
      %swap3A_1447 = tpu.vector_load %arg7[%swap3A_1446] {strides = array<i32>} : memref<3136xf32, #tpu.memory_space<vmem>>, vector<16xf32>,
      tpu.vector_store %arg7[%swap3A_1446], %broadcast_in_dim3A_3 {strides = array<i32>} : memref<3136xf32, #tpu.memory_space<vmem>>, vector<16xf32>,
      %swap3A_1448 = arith.constant 2224 : index
      %swap3A_1449 = tpu.vector_load %arg7[%swap3A_1448] {strides = array<i32>} : memref<3136xf32, #tpu.memory_space<vmem>>, vector<16xf32>,
      tpu.vector_store %arg7[%swap3A_1448], %broadcast_in_dim3A_3 {strides = array<i32>} : memref<3136xf32, #tpu.memory_space<vmem>>, vector<16xf32>,
      %swap3A_1450 = arith.constant 2240 : index
      %swap3A_1451 = tpu.vector_load %arg7[%swap3A_1450] {strides = array<i32>} : memref<3136xf32, #tpu.memory_space<vmem>>, vector<16xf32>,
      tpu.vector_store %arg7[%swap3A_1450], %broadcast_in_dim3A_3 {strides = array<i32>} : memref<3136xf32, #tpu.memory_space<vmem>>, vector<16xf32>,
      %swap3A_1452 = arith.constant 2256 : index
      %swap3A_1453 = tpu.vector_load %arg7[%swap3A_1452] {strides = array<i32>} : memref<3136xf32, #tpu.memory_space<vmem>>, vector<16xf32>,
      tpu.vector_store %arg7[%swap3A_1452], %broadcast_in_dim3A_3 {strides = array<i32>} : memref<3136xf32, #tpu.memory_space<vmem>>, vector<16xf32>,
      %swap3A_1454 = arith.constant 2272 : index
      %swap3A_1455 = tpu.vector_load %arg7[%swap3A_1454] {strides = array<i32>} : memref<3136xf32, #tpu.memory_space<vmem>>, vector<16xf32>,
      tpu.vector_store %arg7[%swap3A_1454], %broadcast_in_dim3A_3 {strides = array<i32>} : memref<3136xf32, #tpu.memory_space<vmem>>, vector<16xf32>,
      %swap3A_1456 = arith.constant 2288 : index
      %swap3A_1457 = tpu.vector_load %arg7[%swap3A_1456] {strides = array<i32>} : memref<3136xf32, #tpu.memory_space<vmem>>, vector<16xf32>,
      tpu.vector_store %arg7[%swap3A_1456], %broadcast_in_dim3A_3 {strides = array<i32>} : memref<3136xf32, #tpu.memory_space<vmem>>, vector<16xf32>,
      %swap3A_1458 = arith.constant 2304 : index
      %swap3A_1459 = tpu.vector_load %arg7[%swap3A_1458] {strides = array<i32>} : memref<3136xf32, #tpu.memory_space<vmem>>, vector<16xf32>,
      tpu.vector_store %arg7[%swap3A_1458], %broadcast_in_dim3A_3 {strides = array<i32>} : memref<3136xf32, #tpu.memory_space<vmem>>, vector<16xf32>,
      %swap3A_1460 = arith.constant 2320 : index
      %swap3A_1461 = tpu.vector_load %arg7[%swap3A_1460] {strides = array<i32>} : memref<3136xf32, #tpu.memory_space<vmem>>, vector<16xf32>,
      tpu.vector_store %arg7[%swap3A_1460], %broadcast_in_dim3A_3 {strides = array<i32>} : memref<3136xf32, #tpu.memory_space<vmem>>, vector<16xf32>,
      %swap3A_1462 = arith.constant 2336 : index
      %swap3A_1463 = tpu.vector_load %arg7[%swap3A_1462] {strides = array<i32>} : memref<3136xf32, #tpu.memory_space<vmem>>, vector<16xf32>,
      tpu.vector_store %arg7[%swap3A_1462], %broadcast_in_dim3A_3 {strides = array<i32>} : memref<3136xf32, #tpu.memory_space<vmem>>, vector<16xf32>,
      %swap3A_1464 = arith.constant 2352 : index
      %swap3A_1465 = tpu.vector_load %arg7[%swap3A_1464] {strides = array<i32>} : memref<3136xf32, #tpu.memory_space<vmem>>, vector<16xf32>,
      tpu.vector_store %arg7[%swap3A_1464], %broadcast_in_dim3A_3 {strides = array<i32>} : memref<3136xf32, #tpu.memory_space<vmem>>, vector<16xf32>,
      %swap3A_1466 = arith.constant 2368 : index
      %swap3A_1467 = tpu.vector_load %arg7[%swap3A_1466] {strides = array<i32>} : memref<3136xf32, #tpu.memory_space<vmem>>, vector<16xf32>,
      tpu.vector_store %arg7[%swap3A_1466], %broadcast_in_dim3A_3 {strides = array<i32>} : memref<3136xf32, #tpu.memory_space<vmem>>, vector<16xf32>,
      %swap3A_1468 = arith.constant 2384 : index
      %swap3A_1469 = tpu.vector_load %arg7[%swap3A_1468] {strides = array<i32>} : memref<3136xf32, #tpu.memory_space<vmem>>, vector<16xf32>,
      tpu.vector_store %arg7[%swap3A_1468], %broadcast_in_dim3A_3 {strides = array<i32>} : memref<3136xf32, #tpu.memory_space<vmem>>, vector<16xf32>,
      %swap3A_1470 = arith.constant 2400 : index
      %swap3A_1471 = tpu.vector_load %arg7[%swap3A_1470] {strides = array<i32>} : memref<3136xf32, #tpu.memory_space<vmem>>, vector<16xf32>,
      tpu.vector_store %arg7[%swap3A_1470], %broadcast_in_dim3A_3 {strides = array<i32>} : memref<3136xf32, #tpu.memory_space<vmem>>, vector<16xf32>,
      %swap3A_1472 = arith.constant 2416 : index
      %swap3A_1473 = tpu.vector_load %arg7[%swap3A_1472] {strides = array<i32>} : memref<3136xf32, #tpu.memory_space<vmem>>, vector<16xf32>,
      tpu.vector_store %arg7[%swap3A_1472], %broadcast_in_dim3A_3 {strides = array<i32>} : memref<3136xf32, #tpu.memory_space<vmem>>, vector<16xf32>,
      %swap3A_1474 = arith.constant 2432 : index
      %swap3A_1475 = tpu.vector_load %arg7[%swap3A_1474] {strides = array<i32>} : memref<3136xf32, #tpu.memory_space<vmem>>, vector<16xf32>,
      tpu.vector_store %arg7[%swap3A_1474], %broadcast_in_dim3A_3 {strides = array<i32>} : memref<3136xf32, #tpu.memory_space<vmem>>, vector<16xf32>,
      %swap3A_1476 = arith.constant 2448 : index
      %swap3A_1477 = tpu.vector_load %arg7[%swap3A_1476] {strides = array<i32>} : memref<3136xf32, #tpu.memory_space<vmem>>, vector<16xf32>,
      tpu.vector_store %arg7[%swap3A_1476], %broadcast_in_dim3A_3 {strides = array<i32>} : memref<3136xf32, #tpu.memory_space<vmem>>, vector<16xf32>,
      %swap3A_1478 = arith.constant 2464 : index
      %swap3A_1479 = tpu.vector_load %arg7[%swap3A_1478] {strides = array<i32>} : memref<3136xf32, #tpu.memory_space<vmem>>, vector<16xf32>,
      tpu.vector_store %arg7[%swap3A_1478], %broadcast_in_dim3A_3 {strides = array<i32>} : memref<3136xf32, #tpu.memory_space<vmem>>, vector<16xf32>,
      %swap3A_1480 = arith.constant 2480 : index
      %swap3A_1481 = tpu.vector_load %arg7[%swap3A_1480] {strides = array<i32>} : memref<3136xf32, #tpu.memory_space<vmem>>, vector<16xf32>,
      tpu.vector_store %arg7[%swap3A_1480], %broadcast_in_dim3A_3 {strides = array<i32>} : memref<3136xf32, #tpu.memory_space<vmem>>, vector<16xf32>,
      %swap3A_1482 = arith.constant 2496 : index
      %swap3A_1483 = tpu.vector_load %arg7[%swap3A_1482] {strides = array<i32>} : memref<3136xf32, #tpu.memory_space<vmem>>, vector<16xf32>,
      tpu.vector_store %arg7[%swap3A_1482], %broadcast_in_dim3A_3 {strides = array<i32>} : memref<3136xf32, #tpu.memory_space<vmem>>, vector<16xf32>,
      %swap3A_1484 = arith.constant 2512 : index
      %swap3A_1485 = tpu.vector_load %arg7[%swap3A_1484] {strides = array<i32>} : memref<3136xf32, #tpu.memory_space<vmem>>, vector<16xf32>,
      tpu.vector_store %arg7[%swap3A_1484], %broadcast_in_dim3A_3 {strides = array<i32>} : memref<3136xf32, #tpu.memory_space<vmem>>, vector<16xf32>,
      %swap3A_1486 = arith.constant 2528 : index
      %swap3A_1487 = tpu.vector_load %arg7[%swap3A_1486] {strides = array<i32>} : memref<3136xf32, #tpu.memory_space<vmem>>, vector<16xf32>,
      tpu.vector_store %arg7[%swap3A_1486], %broadcast_in_dim3A_3 {strides = array<i32>} : memref<3136xf32, #tpu.memory_space<vmem>>, vector<16xf32>,
      %swap3A_1488 = arith.constant 2544 : index
      %swap3A_1489 = tpu.vector_load %arg7[%swap3A_1488] {strides = array<i32>} : memref<3136xf32, #tpu.memory_space<vmem>>, vector<16xf32>,
      tpu.vector_store %arg7[%swap3A_1488], %broadcast_in_dim3A_3 {strides = array<i32>} : memref<3136xf32, #tpu.memory_space<vmem>>, vector<16xf32>,
      %swap3A_1490 = arith.constant 2560 : index
      %swap3A_1491 = tpu.vector_load %arg7[%swap3A_1490] {strides = array<i32>} : memref<3136xf32, #tpu.memory_space<vmem>>, vector<16xf32>,
      tpu.vector_store %arg7[%swap3A_1490], %broadcast_in_dim3A_3 {strides = array<i32>} : memref<3136xf32, #tpu.memory_space<vmem>>, vector<16xf32>,
      %swap3A_1492 = arith.constant 2576 : index
      %swap3A_1493 = tpu.vector_load %arg7[%swap3A_1492] {strides = array<i32>} : memref<3136xf32, #tpu.memory_space<vmem>>, vector<16xf32>,
      tpu.vector_store %arg7[%swap3A_1492], %broadcast_in_dim3A_3 {strides = array<i32>} : memref<3136xf32, #tpu.memory_space<vmem>>, vector<16xf32>,
      %swap3A_1494 = arith.constant 2592 : index
      %swap3A_1495 = tpu.vector_load %arg7[%swap3A_1494] {strides = array<i32>} : memref<3136xf32, #tpu.memory_space<vmem>>, vector<16xf32>,
      tpu.vector_store %arg7[%swap3A_1494], %broadcast_in_dim3A_3 {strides = array<i32>} : memref<3136xf32, #tpu.memory_space<vmem>>, vector<16xf32>,
      %swap3A_1496 = arith.constant 2608 : index
      %swap3A_1497 = tpu.vector_load %arg7[%swap3A_1496] {strides = array<i32>} : memref<3136xf32, #tpu.memory_space<vmem>>, vector<16xf32>,
      tpu.vector_store %arg7[%swap3A_1496], %broadcast_in_dim3A_3 {strides = array<i32>} : memref<3136xf32, #tpu.memory_space<vmem>>, vector<16xf32>,
      %swap3A_1498 = arith.constant 2624 : index
      %swap3A_1499 = tpu.vector_load %arg7[%swap3A_1498] {strides = array<i32>} : memref<3136xf32, #tpu.memory_space<vmem>>, vector<16xf32>,
      tpu.vector_store %arg7[%swap3A_1498], %broadcast_in_dim3A_3 {strides = array<i32>} : memref<3136xf32, #tpu.memory_space<vmem>>, vector<16xf32>,
      %swap3A_1500 = arith.constant 2640 : index
      %swap3A_1501 = tpu.vector_load %arg7[%swap3A_1500] {strides = array<i32>} : memref<3136xf32, #tpu.memory_space<vmem>>, vector<16xf32>,
      tpu.vector_store %arg7[%swap3A_1500], %broadcast_in_dim3A_3 {strides = array<i32>} : memref<3136xf32, #tpu.memory_space<vmem>>, vector<16xf32>,
      %swap3A_1502 = arith.constant 2656 : index
      %swap3A_1503 = tpu.vector_load %arg7[%swap3A_1502] {strides = array<i32>} : memref<3136xf32, #tpu.memory_space<vmem>>, vector<16xf32>,
      tpu.vector_store %arg7[%swap3A_1502], %broadcast_in_dim3A_3 {strides = array<i32>} : memref<3136xf32, #tpu.memory_space<vmem>>, vector<16xf32>,
      %swap3A_1504 = arith.constant 2672 : index
      %swap3A_1505 = tpu.vector_load %arg7[%swap3A_1504] {strides = array<i32>} : memref<3136xf32, #tpu.memory_space<vmem>>, vector<16xf32>,
      tpu.vector_store %arg7[%swap3A_1504], %broadcast_in_dim3A_3 {strides = array<i32>} : memref<3136xf32, #tpu.memory_space<vmem>>, vector<16xf32>,
      %swap3A_1506 = arith.constant 2688 : index
      %swap3A_1507 = tpu.vector_load %arg7[%swap3A_1506] {strides = array<i32>} : memref<3136xf32, #tpu.memory_space<vmem>>, vector<16xf32>,
      tpu.vector_store %arg7[%swap3A_1506], %broadcast_in_dim3A_3 {strides = array<i32>} : memref<3136xf32, #tpu.memory_space<vmem>>, vector<16xf32>,
      %swap3A_1508 = arith.constant 2704 : index
      %swap3A_1509 = tpu.vector_load %arg7[%swap3A_1508] {strides = array<i32>} : memref<3136xf32, #tpu.memory_space<vmem>>, vector<16xf32>,
      tpu.vector_store %arg7[%swap3A_1508], %broadcast_in_dim3A_3 {strides = array<i32>} : memref<3136xf32, #tpu.memory_space<vmem>>, vector<16xf32>,
      %swap3A_1510 = arith.constant 2720 : index
      %swap3A_1511 = tpu.vector_load %arg7[%swap3A_1510] {strides = array<i32>} : memref<3136xf32, #tpu.memory_space<vmem>>, vector<16xf32>,
      tpu.vector_store %arg7[%swap3A_1510], %broadcast_in_dim3A_3 {strides = array<i32>} : memref<3136xf32, #tpu.memory_space<vmem>>, vector<16xf32>,
      %swap3A_1512 = arith.constant 2736 : index
      %swap3A_1513 = tpu.vector_load %arg7[%swap3A_1512] {strides = array<i32>} : memref<3136xf32, #tpu.memory_space<vmem>>, vector<16xf32>,
      tpu.vector_store %arg7[%swap3A_1512], %broadcast_in_dim3A_3 {strides = array<i32>} : memref<3136xf32, #tpu.memory_space<vmem>>, vector<16xf32>,
      %swap3A_1514 = arith.constant 2752 : index
      %swap3A_1515 = tpu.vector_load %arg7[%swap3A_1514] {strides = array<i32>} : memref<3136xf32, #tpu.memory_space<vmem>>, vector<16xf32>,
      tpu.vector_store %arg7[%swap3A_1514], %broadcast_in_dim3A_3 {strides = array<i32>} : memref<3136xf32, #tpu.memory_space<vmem>>, vector<16xf32>,
      %swap3A_1516 = arith.constant 2768 : index
      %swap3A_1517 = tpu.vector_load %arg7[%swap3A_1516] {strides = array<i32>} : memref<3136xf32, #tpu.memory_space<vmem>>, vector<16xf32>,
      tpu.vector_store %arg7[%swap3A_1516], %broadcast_in_dim3A_3 {strides = array<i32>} : memref<3136xf32, #tpu.memory_space<vmem>>, vector<16xf32>,
      %swap3A_1518 = arith.constant 2784 : index
      %swap3A_1519 = tpu.vector_load %arg7[%swap3A_1518] {strides = array<i32>} : memref<3136xf32, #tpu.memory_space<vmem>>, vector<16xf32>,
      tpu.vector_store %arg7[%swap3A_1518], %broadcast_in_dim3A_3 {strides = array<i32>} : memref<3136xf32, #tpu.memory_space<vmem>>, vector<16xf32>,
      %swap3A_1520 = arith.constant 2800 : index
      %swap3A_1521 = tpu.vector_load %arg7[%swap3A_1520] {strides = array<i32>} : memref<3136xf32, #tpu.memory_space<vmem>>, vector<16xf32>,
      tpu.vector_store %arg7[%swap3A_1520], %broadcast_in_dim3A_3 {strides = array<i32>} : memref<3136xf32, #tpu.memory_space<vmem>>, vector<16xf32>,
      %swap3A_1522 = arith.constant 2816 : index
      %swap3A_1523 = tpu.vector_load %arg7[%swap3A_1522] {strides = array<i32>} : memref<3136xf32, #tpu.memory_space<vmem>>, vector<16xf32>,
      tpu.vector_store %arg7[%swap3A_1522], %broadcast_in_dim3A_3 {strides = array<i32>} : memref<3136xf32, #tpu.memory_space<vmem>>, vector<16xf32>,
      %swap3A_1524 = arith.constant 2832 : index
      %swap3A_1525 = tpu.vector_load %arg7[%swap3A_1524] {strides = array<i32>} : memref<3136xf32, #tpu.memory_space<vmem>>, vector<16xf32>,
      tpu.vector_store %arg7[%swap3A_1524], %broadcast_in_dim3A_3 {strides = array<i32>} : memref<3136xf32, #tpu.memory_space<vmem>>, vector<16xf32>,
      %swap3A_1526 = arith.constant 2848 : index
      %swap3A_1527 = tpu.vector_load %arg7[%swap3A_1526] {strides = array<i32>} : memref<3136xf32, #tpu.memory_space<vmem>>, vector<16xf32>,
      tpu.vector_store %arg7[%swap3A_1526], %broadcast_in_dim3A_3 {strides = array<i32>} : memref<3136xf32, #tpu.memory_space<vmem>>, vector<16xf32>,
      %swap3A_1528 = arith.constant 2864 : index
      %swap3A_1529 = tpu.vector_load %arg7[%swap3A_1528] {strides = array<i32>} : memref<3136xf32, #tpu.memory_space<vmem>>, vector<16xf32>,
      tpu.vector_store %arg7[%swap3A_1528], %broadcast_in_dim3A_3 {strides = array<i32>} : memref<3136xf32, #tpu.memory_space<vmem>>, vector<16xf32>,
      %swap3A_1530 = arith.constant 2880 : index
      %swap3A_1531 = tpu.vector_load %arg7[%swap3A_1530] {strides = array<i32>} : memref<3136xf32, #tpu.memory_space<vmem>>, vector<16xf32>,
      tpu.vector_store %arg7[%swap3A_1530], %broadcast_in_dim3A_3 {strides = array<i32>} : memref<3136xf32, #tpu.memory_space<vmem>>, vector<16xf32>,
      %swap3A_1532 = arith.constant 2896 : index
      %swap3A_1533 = tpu.vector_load %arg7[%swap3A_1532] {strides = array<i32>} : memref<3136xf32, #tpu.memory_space<vmem>>, vector<16xf32>,
      tpu.vector_store %arg7[%swap3A_1532], %broadcast_in_dim3A_3 {strides = array<i32>} : memref<3136xf32, #tpu.memory_space<vmem>>, vector<16xf32>,
      %swap3A_1534 = arith.constant 2912 : index
      %swap3A_1535 = tpu.vector_load %arg7[%swap3A_1534] {strides = array<i32>} : memref<3136xf32, #tpu.memory_space<vmem>>, vector<16xf32>,
      tpu.vector_store %arg7[%swap3A_1534], %broadcast_in_dim3A_3 {strides = array<i32>} : memref<3136xf32, #tpu.memory_space<vmem>>, vector<16xf32>,
      %swap3A_1536 = arith.constant 2928 : index
      %swap3A_1537 = tpu.vector_load %arg7[%swap3A_1536] {strides = array<i32>} : memref<3136xf32, #tpu.memory_space<vmem>>, vector<16xf32>,
      tpu.vector_store %arg7[%swap3A_1536], %broadcast_in_dim3A_3 {strides = array<i32>} : memref<3136xf32, #tpu.memory_space<vmem>>, vector<16xf32>,
      %swap3A_1538 = arith.constant 2944 : index
      %swap3A_1539 = tpu.vector_load %arg7[%swap3A_1538] {strides = array<i32>} : memref<3136xf32, #tpu.memory_space<vmem>>, vector<16xf32>,
      tpu.vector_store %arg7[%swap3A_1538], %broadcast_in_dim3A_3 {strides = array<i32>} : memref<3136xf32, #tpu.memory_space<vmem>>, vector<16xf32>,
      %swap3A_1540 = arith.constant 2960 : index
      %swap3A_1541 = tpu.vector_load %arg7[%swap3A_1540] {strides = array<i32>} : memref<3136xf32, #tpu.memory_space<vmem>>, vector<16xf32>,
      tpu.vector_store %arg7[%swap3A_1540], %broadcast_in_dim3A_3 {strides = array<i32>} : memref<3136xf32, #tpu.memory_space<vmem>>, vector<16xf32>,
      %swap3A_1542 = arith.constant 2976 : index
      %swap3A_1543 = tpu.vector_load %arg7[%swap3A_1542] {strides = array<i32>} : memref<3136xf32, #tpu.memory_space<vmem>>, vector<16xf32>,
      tpu.vector_store %arg7[%swap3A_1542], %broadcast_in_dim3A_3 {strides = array<i32>} : memref<3136xf32, #tpu.memory_space<vmem>>, vector<16xf32>,
      %swap3A_1544 = arith.constant 2992 : index
      %swap3A_1545 = tpu.vector_load %arg7[%swap3A_1544] {strides = array<i32>} : memref<3136xf32, #tpu.memory_space<vmem>>, vector<16xf32>,
      tpu.vector_store %arg7[%swap3A_1544], %broadcast_in_dim3A_3 {strides = array<i32>} : memref<3136xf32, #tpu.memory_space<vmem>>, vector<16xf32>,
      %swap3A_1546 = arith.constant 3008 : index
      %swap3A_1547 = tpu.vector_load %arg7[%swap3A_1546] {strides = array<i32>} : memref<3136xf32, #tpu.memory_space<vmem>>, vector<16xf32>,
      tpu.vector_store %arg7[%swap3A_1546], %broadcast_in_dim3A_3 {strides = array<i32>} : memref<3136xf32, #tpu.memory_space<vmem>>, vector<16xf32>,
      %swap3A_1548 = arith.constant 3024 : index
      %swap3A_1549 = tpu.vector_load %arg7[%swap3A_1548] {strides = array<i32>} : memref<3136xf32, #tpu.memory_space<vmem>>, vector<16xf32>,
      tpu.vector_store %arg7[%swap3A_1548], %broadcast_in_dim3A_3 {strides = array<i32>} : memref<3136xf32, #tpu.memory_space<vmem>>, vector<16xf32>,
      %swap3A_1550 = arith.constant 3040 : index
      %swap3A_1551 = tpu.vector_load %arg7[%swap3A_1550] {strides = array<i32>} : memref<3136xf32, #tpu.memory_space<vmem>>, vector<16xf32>,
      tpu.vector_store %arg7[%swap3A_1550], %broadcast_in_dim3A_3 {strides = array<i32>} : memref<3136xf32, #tpu.memory_space<vmem>>, vector<16xf32>,
      %swap3A_1552 = arith.constant 3056 : index
      %swap3A_1553 = tpu.vector_load %arg7[%swap3A_1552] {strides = array<i32>} : memref<3136xf32, #tpu.memory_space<vmem>>, vector<16xf32>,
      tpu.vector_store %arg7[%swap3A_1552], %broadcast_in_dim3A_3 {strides = array<i32>} : memref<3136xf32, #tpu.memory_space<vmem>>, vector<16xf32>,
      %swap3A_1554 = arith.constant 3072 : index
      %swap3A_1555 = tpu.vector_load %arg7[%swap3A_1554] {strides = array<i32>} : memref<3136xf32, #tpu.memory_space<vmem>>, vector<16xf32>,
      tpu.vector_store %arg7[%swap3A_1554], %broadcast_in_dim3A_3 {strides = array<i32>} : memref<3136xf32, #tpu.memory_space<vmem>>, vector<16xf32>,
      %swap3A_1556 = arith.constant 3088 : index
      %swap3A_1557 = tpu.vector_load %arg7[%swap3A_1556] {strides = array<i32>} : memref<3136xf32, #tpu.memory_space<vmem>>, vector<16xf32>,
      tpu.vector_store %arg7[%swap3A_1556], %broadcast_in_dim3A_3 {strides = array<i32>} : memref<3136xf32, #tpu.memory_space<vmem>>, vector<16xf32>,
      %swap3A_1558 = arith.constant 3104 : index
      %swap3A_1559 = tpu.vector_load %arg7[%swap3A_1558] {strides = array<i32>} : memref<3136xf32, #tpu.memory_space<vmem>>, vector<16xf32>,
      tpu.vector_store %arg7[%swap3A_1558], %broadcast_in_dim3A_3 {strides = array<i32>} : memref<3136xf32, #tpu.memory_space<vmem>>, vector<16xf32>,
      %swap3A_1560 = arith.constant 3120 : index
      %swap3A_1561 = tpu.vector_load %arg7[%swap3A_1560] {strides = array<i32>} : memref<3136xf32, #tpu.memory_space<vmem>>, vector<16xf32>,
      tpu.vector_store %arg7[%swap3A_1560], %broadcast_in_dim3A_3 {strides = array<i32>} : memref<3136xf32, #tpu.memory_space<vmem>>, vector<16xf32>,
      %get3A_1562 = arith.constant 0 : i32
      %get3A_1563 = arith.index_cast %get3A_1562 : i32 to index
      %get3A_1564 = arith.constant 0 : index
      %get3A_1565 = tpu.vector_load %arg5[%get3A_1563, %get3A_1564] {strides = array<i32>} : memref<2x800xi32, #tpu.memory_space<vmem>>, vector<16xi32>,
      %get3A_1566 = arith.constant 1 : i32
      %get3A_1567 = arith.index_cast %get3A_1566 : i32 to index
      %get3A_1568 = arith.constant 0 : index
      %get3A_1569 = tpu.vector_load %arg5[%get3A_1567, %get3A_1568] {strides = array<i32>} : memref<2x800xi32, #tpu.memory_space<vmem>>, vector<16xi32>,
      %mul3A_1570 = arith.constant 56 : i32
      %mul3A_1571 = vector.broadcast %mul3A_1570 : i32 to vector<16xi32>
      %mul3A_1572 = arith.muli %get3A_1565, %mul3A_1571 : vector<16xi32>
      %add3A_1573 = arith.addi %mul3A_1572, %get3A_1569 : vector<16xi32>
      %ne3A_1574 = arith.cmpi ne, %get3A_1565, %get3A_1569 : vector<16xi32>
      %select_n3A_1575 = arith.select %ne3A_1574, %broadcast_in_dim3A_5, %broadcast_in_dim3A_3 : vector<16xi1>, vector<16xf32>
      tpu.vector_store_idx %arg7[%add3A_1573], %select_n3A_1575 {add = true} : memref<3136xf32, #tpu.memory_space<vmem>>[vector<16xi32>], vector<16xf32>,
      %get3A_1576 = arith.constant 0 : i32
      %get3A_1577 = arith.index_cast %get3A_1576 : i32 to index
      %get3A_1578 = arith.constant 16 : index
      %get3A_1579 = tpu.vector_load %arg5[%get3A_1577, %get3A_1578] {strides = array<i32>} : memref<2x800xi32, #tpu.memory_space<vmem>>, vector<16xi32>,
      %get3A_1580 = arith.constant 1 : i32
      %get3A_1581 = arith.index_cast %get3A_1580 : i32 to index
      %get3A_1582 = arith.constant 16 : index
      %get3A_1583 = tpu.vector_load %arg5[%get3A_1581, %get3A_1582] {strides = array<i32>} : memref<2x800xi32, #tpu.memory_space<vmem>>, vector<16xi32>,
      %mul3A_1584 = arith.constant 56 : i32
      %mul3A_1585 = vector.broadcast %mul3A_1584 : i32 to vector<16xi32>
      %mul3A_1586 = arith.muli %get3A_1579, %mul3A_1585 : vector<16xi32>
      %add3A_1587 = arith.addi %mul3A_1586, %get3A_1583 : vector<16xi32>
      %ne3A_1588 = arith.cmpi ne, %get3A_1579, %get3A_1583 : vector<16xi32>
      %select_n3A_1589 = arith.select %ne3A_1588, %broadcast_in_dim3A_5, %broadcast_in_dim3A_3 : vector<16xi1>, vector<16xf32>
      tpu.vector_store_idx %arg7[%add3A_1587], %select_n3A_1589 {add = true} : memref<3136xf32, #tpu.memory_space<vmem>>[vector<16xi32>], vector<16xf32>,
      %get3A_1590 = arith.constant 0 : i32
      %get3A_1591 = arith.index_cast %get3A_1590 : i32 to index
      %get3A_1592 = arith.constant 32 : index
      %get3A_1593 = tpu.vector_load %arg5[%get3A_1591, %get3A_1592] {strides = array<i32>} : memref<2x800xi32, #tpu.memory_space<vmem>>, vector<16xi32>,
      %get3A_1594 = arith.constant 1 : i32
      %get3A_1595 = arith.index_cast %get3A_1594 : i32 to index
      %get3A_1596 = arith.constant 32 : index
      %get3A_1597 = tpu.vector_load %arg5[%get3A_1595, %get3A_1596] {strides = array<i32>} : memref<2x800xi32, #tpu.memory_space<vmem>>, vector<16xi32>,
      %mul3A_1598 = arith.constant 56 : i32
      %mul3A_1599 = vector.broadcast %mul3A_1598 : i32 to vector<16xi32>
      %mul3A_1600 = arith.muli %get3A_1593, %mul3A_1599 : vector<16xi32>
      %add3A_1601 = arith.addi %mul3A_1600, %get3A_1597 : vector<16xi32>
      %ne3A_1602 = arith.cmpi ne, %get3A_1593, %get3A_1597 : vector<16xi32>
      %select_n3A_1603 = arith.select %ne3A_1602, %broadcast_in_dim3A_5, %broadcast_in_dim3A_3 : vector<16xi1>, vector<16xf32>
      tpu.vector_store_idx %arg7[%add3A_1601], %select_n3A_1603 {add = true} : memref<3136xf32, #tpu.memory_space<vmem>>[vector<16xi32>], vector<16xf32>,
      %get3A_1604 = arith.constant 0 : i32
      %get3A_1605 = arith.index_cast %get3A_1604 : i32 to index
      %get3A_1606 = arith.constant 48 : index
      %get3A_1607 = tpu.vector_load %arg5[%get3A_1605, %get3A_1606] {strides = array<i32>} : memref<2x800xi32, #tpu.memory_space<vmem>>, vector<16xi32>,
      %get3A_1608 = arith.constant 1 : i32
      %get3A_1609 = arith.index_cast %get3A_1608 : i32 to index
      %get3A_1610 = arith.constant 48 : index
      %get3A_1611 = tpu.vector_load %arg5[%get3A_1609, %get3A_1610] {strides = array<i32>} : memref<2x800xi32, #tpu.memory_space<vmem>>, vector<16xi32>,
      %mul3A_1612 = arith.constant 56 : i32
      %mul3A_1613 = vector.broadcast %mul3A_1612 : i32 to vector<16xi32>
      %mul3A_1614 = arith.muli %get3A_1607, %mul3A_1613 : vector<16xi32>
      %add3A_1615 = arith.addi %mul3A_1614, %get3A_1611 : vector<16xi32>
      %ne3A_1616 = arith.cmpi ne, %get3A_1607, %get3A_1611 : vector<16xi32>
      %select_n3A_1617 = arith.select %ne3A_1616, %broadcast_in_dim3A_5, %broadcast_in_dim3A_3 : vector<16xi1>, vector<16xf32>
      tpu.vector_store_idx %arg7[%add3A_1615], %select_n3A_1617 {add = true} : memref<3136xf32, #tpu.memory_space<vmem>>[vector<16xi32>], vector<16xf32>,
      %get3A_1618 = arith.constant 0 : i32
      %get3A_1619 = arith.index_cast %get3A_1618 : i32 to index
      %get3A_1620 = arith.constant 64 : index
      %get3A_1621 = tpu.vector_load %arg5[%get3A_1619, %get3A_1620] {strides = array<i32>} : memref<2x800xi32, #tpu.memory_space<vmem>>, vector<16xi32>,
      %get3A_1622 = arith.constant 1 : i32
      %get3A_1623 = arith.index_cast %get3A_1622 : i32 to index
      %get3A_1624 = arith.constant 64 : index
      %get3A_1625 = tpu.vector_load %arg5[%get3A_1623, %get3A_1624] {strides = array<i32>} : memref<2x800xi32, #tpu.memory_space<vmem>>, vector<16xi32>,
      %mul3A_1626 = arith.constant 56 : i32
      %mul3A_1627 = vector.broadcast %mul3A_1626 : i32 to vector<16xi32>
      %mul3A_1628 = arith.muli %get3A_1621, %mul3A_1627 : vector<16xi32>
      %add3A_1629 = arith.addi %mul3A_1628, %get3A_1625 : vector<16xi32>
      %ne3A_1630 = arith.cmpi ne, %get3A_1621, %get3A_1625 : vector<16xi32>
      %select_n3A_1631 = arith.select %ne3A_1630, %broadcast_in_dim3A_5, %broadcast_in_dim3A_3 : vector<16xi1>, vector<16xf32>
      tpu.vector_store_idx %arg7[%add3A_1629], %select_n3A_1631 {add = true} : memref<3136xf32, #tpu.memory_space<vmem>>[vector<16xi32>], vector<16xf32>,
      %get3A_1632 = arith.constant 0 : i32
      %get3A_1633 = arith.index_cast %get3A_1632 : i32 to index
      %get3A_1634 = arith.constant 80 : index
      %get3A_1635 = tpu.vector_load %arg5[%get3A_1633, %get3A_1634] {strides = array<i32>} : memref<2x800xi32, #tpu.memory_space<vmem>>, vector<16xi32>,
      %get3A_1636 = arith.constant 1 : i32
      %get3A_1637 = arith.index_cast %get3A_1636 : i32 to index
      %get3A_1638 = arith.constant 80 : index
      %get3A_1639 = tpu.vector_load %arg5[%get3A_1637, %get3A_1638] {strides = array<i32>} : memref<2x800xi32, #tpu.memory_space<vmem>>, vector<16xi32>,
      %mul3A_1640 = arith.constant 56 : i32
      %mul3A_1641 = vector.broadcast %mul3A_1640 : i32 to vector<16xi32>
      %mul3A_1642 = arith.muli %get3A_1635, %mul3A_1641 : vector<16xi32>
      %add3A_1643 = arith.addi %mul3A_1642, %get3A_1639 : vector<16xi32>
      %ne3A_1644 = arith.cmpi ne, %get3A_1635, %get3A_1639 : vector<16xi32>
      %select_n3A_1645 = arith.select %ne3A_1644, %broadcast_in_dim3A_5, %broadcast_in_dim3A_3 : vector<16xi1>, vector<16xf32>
      tpu.vector_store_idx %arg7[%add3A_1643], %select_n3A_1645 {add = true} : memref<3136xf32, #tpu.memory_space<vmem>>[vector<16xi32>], vector<16xf32>,
      %get3A_1646 = arith.constant 0 : i32
      %get3A_1647 = arith.index_cast %get3A_1646 : i32 to index
      %get3A_1648 = arith.constant 96 : index
      %get3A_1649 = tpu.vector_load %arg5[%get3A_1647, %get3A_1648] {strides = array<i32>} : memref<2x800xi32, #tpu.memory_space<vmem>>, vector<16xi32>,
      %get3A_1650 = arith.constant 1 : i32
      %get3A_1651 = arith.index_cast %get3A_1650 : i32 to index
      %get3A_1652 = arith.constant 96 : index
      %get3A_1653 = tpu.vector_load %arg5[%get3A_1651, %get3A_1652] {strides = array<i32>} : memref<2x800xi32, #tpu.memory_space<vmem>>, vector<16xi32>,
      %mul3A_1654 = arith.constant 56 : i32
      %mul3A_1655 = vector.broadcast %mul3A_1654 : i32 to vector<16xi32>
      %mul3A_1656 = arith.muli %get3A_1649, %mul3A_1655 : vector<16xi32>
      %add3A_1657 = arith.addi %mul3A_1656, %get3A_1653 : vector<16xi32>
      %ne3A_1658 = arith.cmpi ne, %get3A_1649, %get3A_1653 : vector<16xi32>
      %select_n3A_1659 = arith.select %ne3A_1658, %broadcast_in_dim3A_5, %broadcast_in_dim3A_3 : vector<16xi1>, vector<16xf32>
      tpu.vector_store_idx %arg7[%add3A_1657], %select_n3A_1659 {add = true} : memref<3136xf32, #tpu.memory_space<vmem>>[vector<16xi32>], vector<16xf32>,
      %get3A_1660 = arith.constant 0 : i32
      %get3A_1661 = arith.index_cast %get3A_1660 : i32 to index
      %get3A_1662 = arith.constant 112 : index
      %get3A_1663 = tpu.vector_load %arg5[%get3A_1661, %get3A_1662] {strides = array<i32>} : memref<2x800xi32, #tpu.memory_space<vmem>>, vector<16xi32>,
      %get3A_1664 = arith.constant 1 : i32
      %get3A_1665 = arith.index_cast %get3A_1664 : i32 to index
      %get3A_1666 = arith.constant 112 : index
      %get3A_1667 = tpu.vector_load %arg5[%get3A_1665, %get3A_1666] {strides = array<i32>} : memref<2x800xi32, #tpu.memory_space<vmem>>, vector<16xi32>,
      %mul3A_1668 = arith.constant 56 : i32
      %mul3A_1669 = vector.broadcast %mul3A_1668 : i32 to vector<16xi32>
      %mul3A_1670 = arith.muli %get3A_1663, %mul3A_1669 : vector<16xi32>
      %add3A_1671 = arith.addi %mul3A_1670, %get3A_1667 : vector<16xi32>
      %ne3A_1672 = arith.cmpi ne, %get3A_1663, %get3A_1667 : vector<16xi32>
      %select_n3A_1673 = arith.select %ne3A_1672, %broadcast_in_dim3A_5, %broadcast_in_dim3A_3 : vector<16xi1>, vector<16xf32>
      tpu.vector_store_idx %arg7[%add3A_1671], %select_n3A_1673 {add = true} : memref<3136xf32, #tpu.memory_space<vmem>>[vector<16xi32>], vector<16xf32>,
      %get3A_1674 = arith.constant 0 : i32
      %get3A_1675 = arith.index_cast %get3A_1674 : i32 to index
      %get3A_1676 = arith.constant 128 : index
      %get3A_1677 = tpu.vector_load %arg5[%get3A_1675, %get3A_1676] {strides = array<i32>} : memref<2x800xi32, #tpu.memory_space<vmem>>, vector<16xi32>,
      %get3A_1678 = arith.constant 1 : i32
      %get3A_1679 = arith.index_cast %get3A_1678 : i32 to index
      %get3A_1680 = arith.constant 128 : index
      %get3A_1681 = tpu.vector_load %arg5[%get3A_1679, %get3A_1680] {strides = array<i32>} : memref<2x800xi32, #tpu.memory_space<vmem>>, vector<16xi32>,
      %mul3A_1682 = arith.constant 56 : i32
      %mul3A_1683 = vector.broadcast %mul3A_1682 : i32 to vector<16xi32>
      %mul3A_1684 = arith.muli %get3A_1677, %mul3A_1683 : vector<16xi32>
      %add3A_1685 = arith.addi %mul3A_1684, %get3A_1681 : vector<16xi32>
      %ne3A_1686 = arith.cmpi ne, %get3A_1677, %get3A_1681 : vector<16xi32>
      %select_n3A_1687 = arith.select %ne3A_1686, %broadcast_in_dim3A_5, %broadcast_in_dim3A_3 : vector<16xi1>, vector<16xf32>
      tpu.vector_store_idx %arg7[%add3A_1685], %select_n3A_1687 {add = true} : memref<3136xf32, #tpu.memory_space<vmem>>[vector<16xi32>], vector<16xf32>,
      %get3A_1688 = arith.constant 0 : i32
      %get3A_1689 = arith.index_cast %get3A_1688 : i32 to index
      %get3A_1690 = arith.constant 144 : index
      %get3A_1691 = tpu.vector_load %arg5[%get3A_1689, %get3A_1690] {strides = array<i32>} : memref<2x800xi32, #tpu.memory_space<vmem>>, vector<16xi32>,
      %get3A_1692 = arith.constant 1 : i32
      %get3A_1693 = arith.index_cast %get3A_1692 : i32 to index
      %get3A_1694 = arith.constant 144 : index
      %get3A_1695 = tpu.vector_load %arg5[%get3A_1693, %get3A_1694] {strides = array<i32>} : memref<2x800xi32, #tpu.memory_space<vmem>>, vector<16xi32>,
      %mul3A_1696 = arith.constant 56 : i32
      %mul3A_1697 = vector.broadcast %mul3A_1696 : i32 to vector<16xi32>
      %mul3A_1698 = arith.muli %get3A_1691, %mul3A_1697 : vector<16xi32>
      %add3A_1699 = arith.addi %mul3A_1698, %get3A_1695 : vector<16xi32>
      %ne3A_1700 = arith.cmpi ne, %get3A_1691, %get3A_1695 : vector<16xi32>
      %select_n3A_1701 = arith.select %ne3A_1700, %broadcast_in_dim3A_5, %broadcast_in_dim3A_3 : vector<16xi1>, vector<16xf32>
      tpu.vector_store_idx %arg7[%add3A_1699], %select_n3A_1701 {add = true} : memref<3136xf32, #tpu.memory_space<vmem>>[vector<16xi32>], vector<16xf32>,
      %get3A_1702 = arith.constant 0 : i32
      %get3A_1703 = arith.index_cast %get3A_1702 : i32 to index
      %get3A_1704 = arith.constant 160 : index
      %get3A_1705 = tpu.vector_load %arg5[%get3A_1703, %get3A_1704] {strides = array<i32>} : memref<2x800xi32, #tpu.memory_space<vmem>>, vector<16xi32>,
      %get3A_1706 = arith.constant 1 : i32
      %get3A_1707 = arith.index_cast %get3A_1706 : i32 to index
      %get3A_1708 = arith.constant 160 : index
      %get3A_1709 = tpu.vector_load %arg5[%get3A_1707, %get3A_1708] {strides = array<i32>} : memref<2x800xi32, #tpu.memory_space<vmem>>, vector<16xi32>,
      %mul3A_1710 = arith.constant 56 : i32
      %mul3A_1711 = vector.broadcast %mul3A_1710 : i32 to vector<16xi32>
      %mul3A_1712 = arith.muli %get3A_1705, %mul3A_1711 : vector<16xi32>
      %add3A_1713 = arith.addi %mul3A_1712, %get3A_1709 : vector<16xi32>
      %ne3A_1714 = arith.cmpi ne, %get3A_1705, %get3A_1709 : vector<16xi32>
      %select_n3A_1715 = arith.select %ne3A_1714, %broadcast_in_dim3A_5, %broadcast_in_dim3A_3 : vector<16xi1>, vector<16xf32>
      tpu.vector_store_idx %arg7[%add3A_1713], %select_n3A_1715 {add = true} : memref<3136xf32, #tpu.memory_space<vmem>>[vector<16xi32>], vector<16xf32>,
      %get3A_1716 = arith.constant 0 : i32
      %get3A_1717 = arith.index_cast %get3A_1716 : i32 to index
      %get3A_1718 = arith.constant 176 : index
      %get3A_1719 = tpu.vector_load %arg5[%get3A_1717, %get3A_1718] {strides = array<i32>} : memref<2x800xi32, #tpu.memory_space<vmem>>, vector<16xi32>,
      %get3A_1720 = arith.constant 1 : i32
      %get3A_1721 = arith.index_cast %get3A_1720 : i32 to index
      %get3A_1722 = arith.constant 176 : index
      %get3A_1723 = tpu.vector_load %arg5[%get3A_1721, %get3A_1722] {strides = array<i32>} : memref<2x800xi32, #tpu.memory_space<vmem>>, vector<16xi32>,
      %mul3A_1724 = arith.constant 56 : i32
      %mul3A_1725 = vector.broadcast %mul3A_1724 : i32 to vector<16xi32>
      %mul3A_1726 = arith.muli %get3A_1719, %mul3A_1725 : vector<16xi32>
      %add3A_1727 = arith.addi %mul3A_1726, %get3A_1723 : vector<16xi32>
      %ne3A_1728 = arith.cmpi ne, %get3A_1719, %get3A_1723 : vector<16xi32>
      %select_n3A_1729 = arith.select %ne3A_1728, %broadcast_in_dim3A_5, %broadcast_in_dim3A_3 : vector<16xi1>, vector<16xf32>
      tpu.vector_store_idx %arg7[%add3A_1727], %select_n3A_1729 {add = true} : memref<3136xf32, #tpu.memory_space<vmem>>[vector<16xi32>], vector<16xf32>,
      %get3A_1730 = arith.constant 0 : i32
      %get3A_1731 = arith.index_cast %get3A_1730 : i32 to index
      %get3A_1732 = arith.constant 192 : index
      %get3A_1733 = tpu.vector_load %arg5[%get3A_1731, %get3A_1732] {strides = array<i32>} : memref<2x800xi32, #tpu.memory_space<vmem>>, vector<16xi32>,
      %get3A_1734 = arith.constant 1 : i32
      %get3A_1735 = arith.index_cast %get3A_1734 : i32 to index
      %get3A_1736 = arith.constant 192 : index
      %get3A_1737 = tpu.vector_load %arg5[%get3A_1735, %get3A_1736] {strides = array<i32>} : memref<2x800xi32, #tpu.memory_space<vmem>>, vector<16xi32>,
      %mul3A_1738 = arith.constant 56 : i32
      %mul3A_1739 = vector.broadcast %mul3A_1738 : i32 to vector<16xi32>
      %mul3A_1740 = arith.muli %get3A_1733, %mul3A_1739 : vector<16xi32>
      %add3A_1741 = arith.addi %mul3A_1740, %get3A_1737 : vector<16xi32>
      %ne3A_1742 = arith.cmpi ne, %get3A_1733, %get3A_1737 : vector<16xi32>
      %select_n3A_1743 = arith.select %ne3A_1742, %broadcast_in_dim3A_5, %broadcast_in_dim3A_3 : vector<16xi1>, vector<16xf32>
      tpu.vector_store_idx %arg7[%add3A_1741], %select_n3A_1743 {add = true} : memref<3136xf32, #tpu.memory_space<vmem>>[vector<16xi32>], vector<16xf32>,
      %get3A_1744 = arith.constant 0 : i32
      %get3A_1745 = arith.index_cast %get3A_1744 : i32 to index
      %get3A_1746 = arith.constant 208 : index
      %get3A_1747 = tpu.vector_load %arg5[%get3A_1745, %get3A_1746] {strides = array<i32>} : memref<2x800xi32, #tpu.memory_space<vmem>>, vector<16xi32>,
      %get3A_1748 = arith.constant 1 : i32
      %get3A_1749 = arith.index_cast %get3A_1748 : i32 to index
      %get3A_1750 = arith.constant 208 : index
      %get3A_1751 = tpu.vector_load %arg5[%get3A_1749, %get3A_1750] {strides = array<i32>} : memref<2x800xi32, #tpu.memory_space<vmem>>, vector<16xi32>,
      %mul3A_1752 = arith.constant 56 : i32
      %mul3A_1753 = vector.broadcast %mul3A_1752 : i32 to vector<16xi32>
      %mul3A_1754 = arith.muli %get3A_1747, %mul3A_1753 : vector<16xi32>
      %add3A_1755 = arith.addi %mul3A_1754, %get3A_1751 : vector<16xi32>
      %ne3A_1756 = arith.cmpi ne, %get3A_1747, %get3A_1751 : vector<16xi32>
      %select_n3A_1757 = arith.select %ne3A_1756, %broadcast_in_dim3A_5, %broadcast_in_dim3A_3 : vector<16xi1>, vector<16xf32>
      tpu.vector_store_idx %arg7[%add3A_1755], %select_n3A_1757 {add = true} : memref<3136xf32, #tpu.memory_space<vmem>>[vector<16xi32>], vector<16xf32>,
      %get3A_1758 = arith.constant 0 : i32
      %get3A_1759 = arith.index_cast %get3A_1758 : i32 to index
      %get3A_1760 = arith.constant 224 : index
      %get3A_1761 = tpu.vector_load %arg5[%get3A_1759, %get3A_1760] {strides = array<i32>} : memref<2x800xi32, #tpu.memory_space<vmem>>, vector<16xi32>,
      %get3A_1762 = arith.constant 1 : i32
      %get3A_1763 = arith.index_cast %get3A_1762 : i32 to index
      %get3A_1764 = arith.constant 224 : index
      %get3A_1765 = tpu.vector_load %arg5[%get3A_1763, %get3A_1764] {strides = array<i32>} : memref<2x800xi32, #tpu.memory_space<vmem>>, vector<16xi32>,
      %mul3A_1766 = arith.constant 56 : i32
      %mul3A_1767 = vector.broadcast %mul3A_1766 : i32 to vector<16xi32>
      %mul3A_1768 = arith.muli %get3A_1761, %mul3A_1767 : vector<16xi32>
      %add3A_1769 = arith.addi %mul3A_1768, %get3A_1765 : vector<16xi32>
      %ne3A_1770 = arith.cmpi ne, %get3A_1761, %get3A_1765 : vector<16xi32>
      %select_n3A_1771 = arith.select %ne3A_1770, %broadcast_in_dim3A_5, %broadcast_in_dim3A_3 : vector<16xi1>, vector<16xf32>
      tpu.vector_store_idx %arg7[%add3A_1769], %select_n3A_1771 {add = true} : memref<3136xf32, #tpu.memory_space<vmem>>[vector<16xi32>], vector<16xf32>,
      %get3A_1772 = arith.constant 0 : i32
      %get3A_1773 = arith.index_cast %get3A_1772 : i32 to index
      %get3A_1774 = arith.constant 240 : index
      %get3A_1775 = tpu.vector_load %arg5[%get3A_1773, %get3A_1774] {strides = array<i32>} : memref<2x800xi32, #tpu.memory_space<vmem>>, vector<16xi32>,
      %get3A_1776 = arith.constant 1 : i32
      %get3A_1777 = arith.index_cast %get3A_1776 : i32 to index
      %get3A_1778 = arith.constant 240 : index
      %get3A_1779 = tpu.vector_load %arg5[%get3A_1777, %get3A_1778] {strides = array<i32>} : memref<2x800xi32, #tpu.memory_space<vmem>>, vector<16xi32>,
      %mul3A_1780 = arith.constant 56 : i32
      %mul3A_1781 = vector.broadcast %mul3A_1780 : i32 to vector<16xi32>
      %mul3A_1782 = arith.muli %get3A_1775, %mul3A_1781 : vector<16xi32>
      %add3A_1783 = arith.addi %mul3A_1782, %get3A_1779 : vector<16xi32>
      %ne3A_1784 = arith.cmpi ne, %get3A_1775, %get3A_1779 : vector<16xi32>
      %select_n3A_1785 = arith.select %ne3A_1784, %broadcast_in_dim3A_5, %broadcast_in_dim3A_3 : vector<16xi1>, vector<16xf32>
      tpu.vector_store_idx %arg7[%add3A_1783], %select_n3A_1785 {add = true} : memref<3136xf32, #tpu.memory_space<vmem>>[vector<16xi32>], vector<16xf32>,
      %get3A_1786 = arith.constant 0 : i32
      %get3A_1787 = arith.index_cast %get3A_1786 : i32 to index
      %get3A_1788 = arith.constant 256 : index
      %get3A_1789 = tpu.vector_load %arg5[%get3A_1787, %get3A_1788] {strides = array<i32>} : memref<2x800xi32, #tpu.memory_space<vmem>>, vector<16xi32>,
      %get3A_1790 = arith.constant 1 : i32
      %get3A_1791 = arith.index_cast %get3A_1790 : i32 to index
      %get3A_1792 = arith.constant 256 : index
      %get3A_1793 = tpu.vector_load %arg5[%get3A_1791, %get3A_1792] {strides = array<i32>} : memref<2x800xi32, #tpu.memory_space<vmem>>, vector<16xi32>,
      %mul3A_1794 = arith.constant 56 : i32
      %mul3A_1795 = vector.broadcast %mul3A_1794 : i32 to vector<16xi32>
      %mul3A_1796 = arith.muli %get3A_1789, %mul3A_1795 : vector<16xi32>
      %add3A_1797 = arith.addi %mul3A_1796, %get3A_1793 : vector<16xi32>
      %ne3A_1798 = arith.cmpi ne, %get3A_1789, %get3A_1793 : vector<16xi32>
      %select_n3A_1799 = arith.select %ne3A_1798, %broadcast_in_dim3A_5, %broadcast_in_dim3A_3 : vector<16xi1>, vector<16xf32>
      tpu.vector_store_idx %arg7[%add3A_1797], %select_n3A_1799 {add = true} : memref<3136xf32, #tpu.memory_space<vmem>>[vector<16xi32>], vector<16xf32>,
      %get3A_1800 = arith.constant 0 : i32
      %get3A_1801 = arith.index_cast %get3A_1800 : i32 to index
      %get3A_1802 = arith.constant 272 : index
      %get3A_1803 = tpu.vector_load %arg5[%get3A_1801, %get3A_1802] {strides = array<i32>} : memref<2x800xi32, #tpu.memory_space<vmem>>, vector<16xi32>,
      %get3A_1804 = arith.constant 1 : i32
      %get3A_1805 = arith.index_cast %get3A_1804 : i32 to index
      %get3A_1806 = arith.constant 272 : index
      %get3A_1807 = tpu.vector_load %arg5[%get3A_1805, %get3A_1806] {strides = array<i32>} : memref<2x800xi32, #tpu.memory_space<vmem>>, vector<16xi32>,
      %mul3A_1808 = arith.constant 56 : i32
      %mul3A_1809 = vector.broadcast %mul3A_1808 : i32 to vector<16xi32>
      %mul3A_1810 = arith.muli %get3A_1803, %mul3A_1809 : vector<16xi32>
      %add3A_1811 = arith.addi %mul3A_1810, %get3A_1807 : vector<16xi32>
      %ne3A_1812 = arith.cmpi ne, %get3A_1803, %get3A_1807 : vector<16xi32>
      %select_n3A_1813 = arith.select %ne3A_1812, %broadcast_in_dim3A_5, %broadcast_in_dim3A_3 : vector<16xi1>, vector<16xf32>
      tpu.vector_store_idx %arg7[%add3A_1811], %select_n3A_1813 {add = true} : memref<3136xf32, #tpu.memory_space<vmem>>[vector<16xi32>], vector<16xf32>,
      %get3A_1814 = arith.constant 0 : i32
      %get3A_1815 = arith.index_cast %get3A_1814 : i32 to index
      %get3A_1816 = arith.constant 288 : index
      %get3A_1817 = tpu.vector_load %arg5[%get3A_1815, %get3A_1816] {strides = array<i32>} : memref<2x800xi32, #tpu.memory_space<vmem>>, vector<16xi32>,
      %get3A_1818 = arith.constant 1 : i32
      %get3A_1819 = arith.index_cast %get3A_1818 : i32 to index
      %get3A_1820 = arith.constant 288 : index
      %get3A_1821 = tpu.vector_load %arg5[%get3A_1819, %get3A_1820] {strides = array<i32>} : memref<2x800xi32, #tpu.memory_space<vmem>>, vector<16xi32>,
      %mul3A_1822 = arith.constant 56 : i32
      %mul3A_1823 = vector.broadcast %mul3A_1822 : i32 to vector<16xi32>
      %mul3A_1824 = arith.muli %get3A_1817, %mul3A_1823 : vector<16xi32>
      %add3A_1825 = arith.addi %mul3A_1824, %get3A_1821 : vector<16xi32>
      %ne3A_1826 = arith.cmpi ne, %get3A_1817, %get3A_1821 : vector<16xi32>
      %select_n3A_1827 = arith.select %ne3A_1826, %broadcast_in_dim3A_5, %broadcast_in_dim3A_3 : vector<16xi1>, vector<16xf32>
      tpu.vector_store_idx %arg7[%add3A_1825], %select_n3A_1827 {add = true} : memref<3136xf32, #tpu.memory_space<vmem>>[vector<16xi32>], vector<16xf32>,
      %get3A_1828 = arith.constant 0 : i32
      %get3A_1829 = arith.index_cast %get3A_1828 : i32 to index
      %get3A_1830 = arith.constant 304 : index
      %get3A_1831 = tpu.vector_load %arg5[%get3A_1829, %get3A_1830] {strides = array<i32>} : memref<2x800xi32, #tpu.memory_space<vmem>>, vector<16xi32>,
      %get3A_1832 = arith.constant 1 : i32
      %get3A_1833 = arith.index_cast %get3A_1832 : i32 to index
      %get3A_1834 = arith.constant 304 : index
      %get3A_1835 = tpu.vector_load %arg5[%get3A_1833, %get3A_1834] {strides = array<i32>} : memref<2x800xi32, #tpu.memory_space<vmem>>, vector<16xi32>,
      %mul3A_1836 = arith.constant 56 : i32
      %mul3A_1837 = vector.broadcast %mul3A_1836 : i32 to vector<16xi32>
      %mul3A_1838 = arith.muli %get3A_1831, %mul3A_1837 : vector<16xi32>
      %add3A_1839 = arith.addi %mul3A_1838, %get3A_1835 : vector<16xi32>
      %ne3A_1840 = arith.cmpi ne, %get3A_1831, %get3A_1835 : vector<16xi32>
      %select_n3A_1841 = arith.select %ne3A_1840, %broadcast_in_dim3A_5, %broadcast_in_dim3A_3 : vector<16xi1>, vector<16xf32>
      tpu.vector_store_idx %arg7[%add3A_1839], %select_n3A_1841 {add = true} : memref<3136xf32, #tpu.memory_space<vmem>>[vector<16xi32>], vector<16xf32>,
      %get3A_1842 = arith.constant 0 : i32
      %get3A_1843 = arith.index_cast %get3A_1842 : i32 to index
      %get3A_1844 = arith.constant 320 : index
      %get3A_1845 = tpu.vector_load %arg5[%get3A_1843, %get3A_1844] {strides = array<i32>} : memref<2x800xi32, #tpu.memory_space<vmem>>, vector<16xi32>,
      %get3A_1846 = arith.constant 1 : i32
      %get3A_1847 = arith.index_cast %get3A_1846 : i32 to index
      %get3A_1848 = arith.constant 320 : index
      %get3A_1849 = tpu.vector_load %arg5[%get3A_1847, %get3A_1848] {strides = array<i32>} : memref<2x800xi32, #tpu.memory_space<vmem>>, vector<16xi32>,
      %mul3A_1850 = arith.constant 56 : i32
      %mul3A_1851 = vector.broadcast %mul3A_1850 : i32 to vector<16xi32>
      %mul3A_1852 = arith.muli %get3A_1845, %mul3A_1851 : vector<16xi32>
      %add3A_1853 = arith.addi %mul3A_1852, %get3A_1849 : vector<16xi32>
      %ne3A_1854 = arith.cmpi ne, %get3A_1845, %get3A_1849 : vector<16xi32>
      %select_n3A_1855 = arith.select %ne3A_1854, %broadcast_in_dim3A_5, %broadcast_in_dim3A_3 : vector<16xi1>, vector<16xf32>
      tpu.vector_store_idx %arg7[%add3A_1853], %select_n3A_1855 {add = true} : memref<3136xf32, #tpu.memory_space<vmem>>[vector<16xi32>], vector<16xf32>,
      %get3A_1856 = arith.constant 0 : i32
      %get3A_1857 = arith.index_cast %get3A_1856 : i32 to index
      %get3A_1858 = arith.constant 336 : index
      %get3A_1859 = tpu.vector_load %arg5[%get3A_1857, %get3A_1858] {strides = array<i32>} : memref<2x800xi32, #tpu.memory_space<vmem>>, vector<16xi32>,
      %get3A_1860 = arith.constant 1 : i32
      %get3A_1861 = arith.index_cast %get3A_1860 : i32 to index
      %get3A_1862 = arith.constant 336 : index
      %get3A_1863 = tpu.vector_load %arg5[%get3A_1861, %get3A_1862] {strides = array<i32>} : memref<2x800xi32, #tpu.memory_space<vmem>>, vector<16xi32>,
      %mul3A_1864 = arith.constant 56 : i32
      %mul3A_1865 = vector.broadcast %mul3A_1864 : i32 to vector<16xi32>
      %mul3A_1866 = arith.muli %get3A_1859, %mul3A_1865 : vector<16xi32>
      %add3A_1867 = arith.addi %mul3A_1866, %get3A_1863 : vector<16xi32>
      %ne3A_1868 = arith.cmpi ne, %get3A_1859, %get3A_1863 : vector<16xi32>
      %select_n3A_1869 = arith.select %ne3A_1868, %broadcast_in_dim3A_5, %broadcast_in_dim3A_3 : vector<16xi1>, vector<16xf32>
      tpu.vector_store_idx %arg7[%add3A_1867], %select_n3A_1869 {add = true} : memref<3136xf32, #tpu.memory_space<vmem>>[vector<16xi32>], vector<16xf32>,
      %get3A_1870 = arith.constant 0 : i32
      %get3A_1871 = arith.index_cast %get3A_1870 : i32 to index
      %get3A_1872 = arith.constant 352 : index
      %get3A_1873 = tpu.vector_load %arg5[%get3A_1871, %get3A_1872] {strides = array<i32>} : memref<2x800xi32, #tpu.memory_space<vmem>>, vector<16xi32>,
      %get3A_1874 = arith.constant 1 : i32
      %get3A_1875 = arith.index_cast %get3A_1874 : i32 to index
      %get3A_1876 = arith.constant 352 : index
      %get3A_1877 = tpu.vector_load %arg5[%get3A_1875, %get3A_1876] {strides = array<i32>} : memref<2x800xi32, #tpu.memory_space<vmem>>, vector<16xi32>,
      %mul3A_1878 = arith.constant 56 : i32
      %mul3A_1879 = vector.broadcast %mul3A_1878 : i32 to vector<16xi32>
      %mul3A_1880 = arith.muli %get3A_1873, %mul3A_1879 : vector<16xi32>
      %add3A_1881 = arith.addi %mul3A_1880, %get3A_1877 : vector<16xi32>
      %ne3A_1882 = arith.cmpi ne, %get3A_1873, %get3A_1877 : vector<16xi32>
      %select_n3A_1883 = arith.select %ne3A_1882, %broadcast_in_dim3A_5, %broadcast_in_dim3A_3 : vector<16xi1>, vector<16xf32>
      tpu.vector_store_idx %arg7[%add3A_1881], %select_n3A_1883 {add = true} : memref<3136xf32, #tpu.memory_space<vmem>>[vector<16xi32>], vector<16xf32>,
      %get3A_1884 = arith.constant 0 : i32
      %get3A_1885 = arith.index_cast %get3A_1884 : i32 to index
      %get3A_1886 = arith.constant 368 : index
      %get3A_1887 = tpu.vector_load %arg5[%get3A_1885, %get3A_1886] {strides = array<i32>} : memref<2x800xi32, #tpu.memory_space<vmem>>, vector<16xi32>,
      %get3A_1888 = arith.constant 1 : i32
      %get3A_1889 = arith.index_cast %get3A_1888 : i32 to index
      %get3A_1890 = arith.constant 368 : index
      %get3A_1891 = tpu.vector_load %arg5[%get3A_1889, %get3A_1890] {strides = array<i32>} : memref<2x800xi32, #tpu.memory_space<vmem>>, vector<16xi32>,
      %mul3A_1892 = arith.constant 56 : i32
      %mul3A_1893 = vector.broadcast %mul3A_1892 : i32 to vector<16xi32>
      %mul3A_1894 = arith.muli %get3A_1887, %mul3A_1893 : vector<16xi32>
      %add3A_1895 = arith.addi %mul3A_1894, %get3A_1891 : vector<16xi32>
      %ne3A_1896 = arith.cmpi ne, %get3A_1887, %get3A_1891 : vector<16xi32>
      %select_n3A_1897 = arith.select %ne3A_1896, %broadcast_in_dim3A_5, %broadcast_in_dim3A_3 : vector<16xi1>, vector<16xf32>
      tpu.vector_store_idx %arg7[%add3A_1895], %select_n3A_1897 {add = true} : memref<3136xf32, #tpu.memory_space<vmem>>[vector<16xi32>], vector<16xf32>,
      %get3A_1898 = arith.constant 0 : i32
      %get3A_1899 = arith.index_cast %get3A_1898 : i32 to index
      %get3A_1900 = arith.constant 384 : index
      %get3A_1901 = tpu.vector_load %arg5[%get3A_1899, %get3A_1900] {strides = array<i32>} : memref<2x800xi32, #tpu.memory_space<vmem>>, vector<16xi32>,
      %get3A_1902 = arith.constant 1 : i32
      %get3A_1903 = arith.index_cast %get3A_1902 : i32 to index
      %get3A_1904 = arith.constant 384 : index
      %get3A_1905 = tpu.vector_load %arg5[%get3A_1903, %get3A_1904] {strides = array<i32>} : memref<2x800xi32, #tpu.memory_space<vmem>>, vector<16xi32>,
      %mul3A_1906 = arith.constant 56 : i32
      %mul3A_1907 = vector.broadcast %mul3A_1906 : i32 to vector<16xi32>
      %mul3A_1908 = arith.muli %get3A_1901, %mul3A_1907 : vector<16xi32>
      %add3A_1909 = arith.addi %mul3A_1908, %get3A_1905 : vector<16xi32>
      %ne3A_1910 = arith.cmpi ne, %get3A_1901, %get3A_1905 : vector<16xi32>
      %select_n3A_1911 = arith.select %ne3A_1910, %broadcast_in_dim3A_5, %broadcast_in_dim3A_3 : vector<16xi1>, vector<16xf32>
      tpu.vector_store_idx %arg7[%add3A_1909], %select_n3A_1911 {add = true} : memref<3136xf32, #tpu.memory_space<vmem>>[vector<16xi32>], vector<16xf32>,
      %get3A_1912 = arith.constant 0 : i32
      %get3A_1913 = arith.index_cast %get3A_1912 : i32 to index
      %get3A_1914 = arith.constant 400 : index
      %get3A_1915 = tpu.vector_load %arg5[%get3A_1913, %get3A_1914] {strides = array<i32>} : memref<2x800xi32, #tpu.memory_space<vmem>>, vector<16xi32>,
      %get3A_1916 = arith.constant 1 : i32
      %get3A_1917 = arith.index_cast %get3A_1916 : i32 to index
      %get3A_1918 = arith.constant 400 : index
      %get3A_1919 = tpu.vector_load %arg5[%get3A_1917, %get3A_1918] {strides = array<i32>} : memref<2x800xi32, #tpu.memory_space<vmem>>, vector<16xi32>,
      %mul3A_1920 = arith.constant 56 : i32
      %mul3A_1921 = vector.broadcast %mul3A_1920 : i32 to vector<16xi32>
      %mul3A_1922 = arith.muli %get3A_1915, %mul3A_1921 : vector<16xi32>
      %add3A_1923 = arith.addi %mul3A_1922, %get3A_1919 : vector<16xi32>
      %ne3A_1924 = arith.cmpi ne, %get3A_1915, %get3A_1919 : vector<16xi32>
      %select_n3A_1925 = arith.select %ne3A_1924, %broadcast_in_dim3A_5, %broadcast_in_dim3A_3 : vector<16xi1>, vector<16xf32>
      tpu.vector_store_idx %arg7[%add3A_1923], %select_n3A_1925 {add = true} : memref<3136xf32, #tpu.memory_space<vmem>>[vector<16xi32>], vector<16xf32>,
      %get3A_1926 = arith.constant 0 : i32
      %get3A_1927 = arith.index_cast %get3A_1926 : i32 to index
      %get3A_1928 = arith.constant 416 : index
      %get3A_1929 = tpu.vector_load %arg5[%get3A_1927, %get3A_1928] {strides = array<i32>} : memref<2x800xi32, #tpu.memory_space<vmem>>, vector<16xi32>,
      %get3A_1930 = arith.constant 1 : i32
      %get3A_1931 = arith.index_cast %get3A_1930 : i32 to index
      %get3A_1932 = arith.constant 416 : index
      %get3A_1933 = tpu.vector_load %arg5[%get3A_1931, %get3A_1932] {strides = array<i32>} : memref<2x800xi32, #tpu.memory_space<vmem>>, vector<16xi32>,
      %mul3A_1934 = arith.constant 56 : i32
      %mul3A_1935 = vector.broadcast %mul3A_1934 : i32 to vector<16xi32>
      %mul3A_1936 = arith.muli %get3A_1929, %mul3A_1935 : vector<16xi32>
      %add3A_1937 = arith.addi %mul3A_1936, %get3A_1933 : vector<16xi32>
      %ne3A_1938 = arith.cmpi ne, %get3A_1929, %get3A_1933 : vector<16xi32>
      %select_n3A_1939 = arith.select %ne3A_1938, %broadcast_in_dim3A_5, %broadcast_in_dim3A_3 : vector<16xi1>, vector<16xf32>
      tpu.vector_store_idx %arg7[%add3A_1937], %select_n3A_1939 {add = true} : memref<3136xf32, #tpu.memory_space<vmem>>[vector<16xi32>], vector<16xf32>,
      %get3A_1940 = arith.constant 0 : i32
      %get3A_1941 = arith.index_cast %get3A_1940 : i32 to index
      %get3A_1942 = arith.constant 432 : index
      %get3A_1943 = tpu.vector_load %arg5[%get3A_1941, %get3A_1942] {strides = array<i32>} : memref<2x800xi32, #tpu.memory_space<vmem>>, vector<16xi32>,
      %get3A_1944 = arith.constant 1 : i32
      %get3A_1945 = arith.index_cast %get3A_1944 : i32 to index
      %get3A_1946 = arith.constant 432 : index
      %get3A_1947 = tpu.vector_load %arg5[%get3A_1945, %get3A_1946] {strides = array<i32>} : memref<2x800xi32, #tpu.memory_space<vmem>>, vector<16xi32>,
      %mul3A_1948 = arith.constant 56 : i32
      %mul3A_1949 = vector.broadcast %mul3A_1948 : i32 to vector<16xi32>
      %mul3A_1950 = arith.muli %get3A_1943, %mul3A_1949 : vector<16xi32>
      %add3A_1951 = arith.addi %mul3A_1950, %get3A_1947 : vector<16xi32>
      %ne3A_1952 = arith.cmpi ne, %get3A_1943, %get3A_1947 : vector<16xi32>
      %select_n3A_1953 = arith.select %ne3A_1952, %broadcast_in_dim3A_5, %broadcast_in_dim3A_3 : vector<16xi1>, vector<16xf32>
      tpu.vector_store_idx %arg7[%add3A_1951], %select_n3A_1953 {add = true} : memref<3136xf32, #tpu.memory_space<vmem>>[vector<16xi32>], vector<16xf32>,
      %get3A_1954 = arith.constant 0 : i32
      %get3A_1955 = arith.index_cast %get3A_1954 : i32 to index
      %get3A_1956 = arith.constant 448 : index
      %get3A_1957 = tpu.vector_load %arg5[%get3A_1955, %get3A_1956] {strides = array<i32>} : memref<2x800xi32, #tpu.memory_space<vmem>>, vector<16xi32>,
      %get3A_1958 = arith.constant 1 : i32
      %get3A_1959 = arith.index_cast %get3A_1958 : i32 to index
      %get3A_1960 = arith.constant 448 : index
      %get3A_1961 = tpu.vector_load %arg5[%get3A_1959, %get3A_1960] {strides = array<i32>} : memref<2x800xi32, #tpu.memory_space<vmem>>, vector<16xi32>,
      %mul3A_1962 = arith.constant 56 : i32
      %mul3A_1963 = vector.broadcast %mul3A_1962 : i32 to vector<16xi32>
      %mul3A_1964 = arith.muli %get3A_1957, %mul3A_1963 : vector<16xi32>
      %add3A_1965 = arith.addi %mul3A_1964, %get3A_1961 : vector<16xi32>
      %ne3A_1966 = arith.cmpi ne, %get3A_1957, %get3A_1961 : vector<16xi32>
      %select_n3A_1967 = arith.select %ne3A_1966, %broadcast_in_dim3A_5, %broadcast_in_dim3A_3 : vector<16xi1>, vector<16xf32>
      tpu.vector_store_idx %arg7[%add3A_1965], %select_n3A_1967 {add = true} : memref<3136xf32, #tpu.memory_space<vmem>>[vector<16xi32>], vector<16xf32>,
      %get3A_1968 = arith.constant 0 : i32
      %get3A_1969 = arith.index_cast %get3A_1968 : i32 to index
      %get3A_1970 = arith.constant 464 : index
      %get3A_1971 = tpu.vector_load %arg5[%get3A_1969, %get3A_1970] {strides = array<i32>} : memref<2x800xi32, #tpu.memory_space<vmem>>, vector<16xi32>,
      %get3A_1972 = arith.constant 1 : i32
      %get3A_1973 = arith.index_cast %get3A_1972 : i32 to index
      %get3A_1974 = arith.constant 464 : index
      %get3A_1975 = tpu.vector_load %arg5[%get3A_1973, %get3A_1974] {strides = array<i32>} : memref<2x800xi32, #tpu.memory_space<vmem>>, vector<16xi32>,
      %mul3A_1976 = arith.constant 56 : i32
      %mul3A_1977 = vector.broadcast %mul3A_1976 : i32 to vector<16xi32>
      %mul3A_1978 = arith.muli %get3A_1971, %mul3A_1977 : vector<16xi32>
      %add3A_1979 = arith.addi %mul3A_1978, %get3A_1975 : vector<16xi32>
      %ne3A_1980 = arith.cmpi ne, %get3A_1971, %get3A_1975 : vector<16xi32>
      %select_n3A_1981 = arith.select %ne3A_1980, %broadcast_in_dim3A_5, %broadcast_in_dim3A_3 : vector<16xi1>, vector<16xf32>
      tpu.vector_store_idx %arg7[%add3A_1979], %select_n3A_1981 {add = true} : memref<3136xf32, #tpu.memory_space<vmem>>[vector<16xi32>], vector<16xf32>,
      %get3A_1982 = arith.constant 0 : i32
      %get3A_1983 = arith.index_cast %get3A_1982 : i32 to index
      %get3A_1984 = arith.constant 480 : index
      %get3A_1985 = tpu.vector_load %arg5[%get3A_1983, %get3A_1984] {strides = array<i32>} : memref<2x800xi32, #tpu.memory_space<vmem>>, vector<16xi32>,
      %get3A_1986 = arith.constant 1 : i32
      %get3A_1987 = arith.index_cast %get3A_1986 : i32 to index
      %get3A_1988 = arith.constant 480 : index
      %get3A_1989 = tpu.vector_load %arg5[%get3A_1987, %get3A_1988] {strides = array<i32>} : memref<2x800xi32, #tpu.memory_space<vmem>>, vector<16xi32>,
      %mul3A_1990 = arith.constant 56 : i32
      %mul3A_1991 = vector.broadcast %mul3A_1990 : i32 to vector<16xi32>
      %mul3A_1992 = arith.muli %get3A_1985, %mul3A_1991 : vector<16xi32>
      %add3A_1993 = arith.addi %mul3A_1992, %get3A_1989 : vector<16xi32>
      %ne3A_1994 = arith.cmpi ne, %get3A_1985, %get3A_1989 : vector<16xi32>
      %select_n3A_1995 = arith.select %ne3A_1994, %broadcast_in_dim3A_5, %broadcast_in_dim3A_3 : vector<16xi1>, vector<16xf32>
      tpu.vector_store_idx %arg7[%add3A_1993], %select_n3A_1995 {add = true} : memref<3136xf32, #tpu.memory_space<vmem>>[vector<16xi32>], vector<16xf32>,
      %get3A_1996 = arith.constant 0 : i32
      %get3A_1997 = arith.index_cast %get3A_1996 : i32 to index
      %get3A_1998 = arith.constant 496 : index
      %get3A_1999 = tpu.vector_load %arg5[%get3A_1997, %get3A_1998] {strides = array<i32>} : memref<2x800xi32, #tpu.memory_space<vmem>>, vector<16xi32>,
      %get3A_2000 = arith.constant 1 : i32
      %get3A_2001 = arith.index_cast %get3A_2000 : i32 to index
      %get3A_2002 = arith.constant 496 : index
      %get3A_2003 = tpu.vector_load %arg5[%get3A_2001, %get3A_2002] {strides = array<i32>} : memref<2x800xi32, #tpu.memory_space<vmem>>, vector<16xi32>,
      %mul3A_2004 = arith.constant 56 : i32
      %mul3A_2005 = vector.broadcast %mul3A_2004 : i32 to vector<16xi32>
      %mul3A_2006 = arith.muli %get3A_1999, %mul3A_2005 : vector<16xi32>
      %add3A_2007 = arith.addi %mul3A_2006, %get3A_2003 : vector<16xi32>
      %ne3A_2008 = arith.cmpi ne, %get3A_1999, %get3A_2003 : vector<16xi32>
      %select_n3A_2009 = arith.select %ne3A_2008, %broadcast_in_dim3A_5, %broadcast_in_dim3A_3 : vector<16xi1>, vector<16xf32>
      tpu.vector_store_idx %arg7[%add3A_2007], %select_n3A_2009 {add = true} : memref<3136xf32, #tpu.memory_space<vmem>>[vector<16xi32>], vector<16xf32>,
      %get3A_2010 = arith.constant 0 : i32
      %get3A_2011 = arith.index_cast %get3A_2010 : i32 to index
      %get3A_2012 = arith.constant 512 : index
      %get3A_2013 = tpu.vector_load %arg5[%get3A_2011, %get3A_2012] {strides = array<i32>} : memref<2x800xi32, #tpu.memory_space<vmem>>, vector<16xi32>,
      %get3A_2014 = arith.constant 1 : i32
      %get3A_2015 = arith.index_cast %get3A_2014 : i32 to index
      %get3A_2016 = arith.constant 512 : index
      %get3A_2017 = tpu.vector_load %arg5[%get3A_2015, %get3A_2016] {strides = array<i32>} : memref<2x800xi32, #tpu.memory_space<vmem>>, vector<16xi32>,
      %mul3A_2018 = arith.constant 56 : i32
      %mul3A_2019 = vector.broadcast %mul3A_2018 : i32 to vector<16xi32>
      %mul3A_2020 = arith.muli %get3A_2013, %mul3A_2019 : vector<16xi32>
      %add3A_2021 = arith.addi %mul3A_2020, %get3A_2017 : vector<16xi32>
      %ne3A_2022 = arith.cmpi ne, %get3A_2013, %get3A_2017 : vector<16xi32>
      %select_n3A_2023 = arith.select %ne3A_2022, %broadcast_in_dim3A_5, %broadcast_in_dim3A_3 : vector<16xi1>, vector<16xf32>
      tpu.vector_store_idx %arg7[%add3A_2021], %select_n3A_2023 {add = true} : memref<3136xf32, #tpu.memory_space<vmem>>[vector<16xi32>], vector<16xf32>,
      %get3A_2024 = arith.constant 0 : i32
      %get3A_2025 = arith.index_cast %get3A_2024 : i32 to index
      %get3A_2026 = arith.constant 528 : index
      %get3A_2027 = tpu.vector_load %arg5[%get3A_2025, %get3A_2026] {strides = array<i32>} : memref<2x800xi32, #tpu.memory_space<vmem>>, vector<16xi32>,
      %get3A_2028 = arith.constant 1 : i32
      %get3A_2029 = arith.index_cast %get3A_2028 : i32 to index
      %get3A_2030 = arith.constant 528 : index
      %get3A_2031 = tpu.vector_load %arg5[%get3A_2029, %get3A_2030] {strides = array<i32>} : memref<2x800xi32, #tpu.memory_space<vmem>>, vector<16xi32>,
      %mul3A_2032 = arith.constant 56 : i32
      %mul3A_2033 = vector.broadcast %mul3A_2032 : i32 to vector<16xi32>
      %mul3A_2034 = arith.muli %get3A_2027, %mul3A_2033 : vector<16xi32>
      %add3A_2035 = arith.addi %mul3A_2034, %get3A_2031 : vector<16xi32>
      %ne3A_2036 = arith.cmpi ne, %get3A_2027, %get3A_2031 : vector<16xi32>
      %select_n3A_2037 = arith.select %ne3A_2036, %broadcast_in_dim3A_5, %broadcast_in_dim3A_3 : vector<16xi1>, vector<16xf32>
      tpu.vector_store_idx %arg7[%add3A_2035], %select_n3A_2037 {add = true} : memref<3136xf32, #tpu.memory_space<vmem>>[vector<16xi32>], vector<16xf32>,
      %get3A_2038 = arith.constant 0 : i32
      %get3A_2039 = arith.index_cast %get3A_2038 : i32 to index
      %get3A_2040 = arith.constant 544 : index
      %get3A_2041 = tpu.vector_load %arg5[%get3A_2039, %get3A_2040] {strides = array<i32>} : memref<2x800xi32, #tpu.memory_space<vmem>>, vector<16xi32>,
      %get3A_2042 = arith.constant 1 : i32
      %get3A_2043 = arith.index_cast %get3A_2042 : i32 to index
      %get3A_2044 = arith.constant 544 : index
      %get3A_2045 = tpu.vector_load %arg5[%get3A_2043, %get3A_2044] {strides = array<i32>} : memref<2x800xi32, #tpu.memory_space<vmem>>, vector<16xi32>,
      %mul3A_2046 = arith.constant 56 : i32
      %mul3A_2047 = vector.broadcast %mul3A_2046 : i32 to vector<16xi32>
      %mul3A_2048 = arith.muli %get3A_2041, %mul3A_2047 : vector<16xi32>
      %add3A_2049 = arith.addi %mul3A_2048, %get3A_2045 : vector<16xi32>
      %ne3A_2050 = arith.cmpi ne, %get3A_2041, %get3A_2045 : vector<16xi32>
      %select_n3A_2051 = arith.select %ne3A_2050, %broadcast_in_dim3A_5, %broadcast_in_dim3A_3 : vector<16xi1>, vector<16xf32>
      tpu.vector_store_idx %arg7[%add3A_2049], %select_n3A_2051 {add = true} : memref<3136xf32, #tpu.memory_space<vmem>>[vector<16xi32>], vector<16xf32>,
      %get3A_2052 = arith.constant 0 : i32
      %get3A_2053 = arith.index_cast %get3A_2052 : i32 to index
      %get3A_2054 = arith.constant 560 : index
      %get3A_2055 = tpu.vector_load %arg5[%get3A_2053, %get3A_2054] {strides = array<i32>} : memref<2x800xi32, #tpu.memory_space<vmem>>, vector<16xi32>,
      %get3A_2056 = arith.constant 1 : i32
      %get3A_2057 = arith.index_cast %get3A_2056 : i32 to index
      %get3A_2058 = arith.constant 560 : index
      %get3A_2059 = tpu.vector_load %arg5[%get3A_2057, %get3A_2058] {strides = array<i32>} : memref<2x800xi32, #tpu.memory_space<vmem>>, vector<16xi32>,
      %mul3A_2060 = arith.constant 56 : i32
      %mul3A_2061 = vector.broadcast %mul3A_2060 : i32 to vector<16xi32>
      %mul3A_2062 = arith.muli %get3A_2055, %mul3A_2061 : vector<16xi32>
      %add3A_2063 = arith.addi %mul3A_2062, %get3A_2059 : vector<16xi32>
      %ne3A_2064 = arith.cmpi ne, %get3A_2055, %get3A_2059 : vector<16xi32>
      %select_n3A_2065 = arith.select %ne3A_2064, %broadcast_in_dim3A_5, %broadcast_in_dim3A_3 : vector<16xi1>, vector<16xf32>
      tpu.vector_store_idx %arg7[%add3A_2063], %select_n3A_2065 {add = true} : memref<3136xf32, #tpu.memory_space<vmem>>[vector<16xi32>], vector<16xf32>,
      %get3A_2066 = arith.constant 0 : i32
      %get3A_2067 = arith.index_cast %get3A_2066 : i32 to index
      %get3A_2068 = arith.constant 576 : index
      %get3A_2069 = tpu.vector_load %arg5[%get3A_2067, %get3A_2068] {strides = array<i32>} : memref<2x800xi32, #tpu.memory_space<vmem>>, vector<16xi32>,
      %get3A_2070 = arith.constant 1 : i32
      %get3A_2071 = arith.index_cast %get3A_2070 : i32 to index
      %get3A_2072 = arith.constant 576 : index
      %get3A_2073 = tpu.vector_load %arg5[%get3A_2071, %get3A_2072] {strides = array<i32>} : memref<2x800xi32, #tpu.memory_space<vmem>>, vector<16xi32>,
      %mul3A_2074 = arith.constant 56 : i32
      %mul3A_2075 = vector.broadcast %mul3A_2074 : i32 to vector<16xi32>
      %mul3A_2076 = arith.muli %get3A_2069, %mul3A_2075 : vector<16xi32>
      %add3A_2077 = arith.addi %mul3A_2076, %get3A_2073 : vector<16xi32>
      %ne3A_2078 = arith.cmpi ne, %get3A_2069, %get3A_2073 : vector<16xi32>
      %select_n3A_2079 = arith.select %ne3A_2078, %broadcast_in_dim3A_5, %broadcast_in_dim3A_3 : vector<16xi1>, vector<16xf32>
      tpu.vector_store_idx %arg7[%add3A_2077], %select_n3A_2079 {add = true} : memref<3136xf32, #tpu.memory_space<vmem>>[vector<16xi32>], vector<16xf32>,
      %get3A_2080 = arith.constant 0 : i32
      %get3A_2081 = arith.index_cast %get3A_2080 : i32 to index
      %get3A_2082 = arith.constant 592 : index
      %get3A_2083 = tpu.vector_load %arg5[%get3A_2081, %get3A_2082] {strides = array<i32>} : memref<2x800xi32, #tpu.memory_space<vmem>>, vector<16xi32>,
      %get3A_2084 = arith.constant 1 : i32
      %get3A_2085 = arith.index_cast %get3A_2084 : i32 to index
      %get3A_2086 = arith.constant 592 : index
      %get3A_2087 = tpu.vector_load %arg5[%get3A_2085, %get3A_2086] {strides = array<i32>} : memref<2x800xi32, #tpu.memory_space<vmem>>, vector<16xi32>,
      %mul3A_2088 = arith.constant 56 : i32
      %mul3A_2089 = vector.broadcast %mul3A_2088 : i32 to vector<16xi32>
      %mul3A_2090 = arith.muli %get3A_2083, %mul3A_2089 : vector<16xi32>
      %add3A_2091 = arith.addi %mul3A_2090, %get3A_2087 : vector<16xi32>
      %ne3A_2092 = arith.cmpi ne, %get3A_2083, %get3A_2087 : vector<16xi32>
      %select_n3A_2093 = arith.select %ne3A_2092, %broadcast_in_dim3A_5, %broadcast_in_dim3A_3 : vector<16xi1>, vector<16xf32>
      tpu.vector_store_idx %arg7[%add3A_2091], %select_n3A_2093 {add = true} : memref<3136xf32, #tpu.memory_space<vmem>>[vector<16xi32>], vector<16xf32>,
      %get3A_2094 = arith.constant 0 : i32
      %get3A_2095 = arith.index_cast %get3A_2094 : i32 to index
      %get3A_2096 = arith.constant 608 : index
      %get3A_2097 = tpu.vector_load %arg5[%get3A_2095, %get3A_2096] {strides = array<i32>} : memref<2x800xi32, #tpu.memory_space<vmem>>, vector<16xi32>,
      %get3A_2098 = arith.constant 1 : i32
      %get3A_2099 = arith.index_cast %get3A_2098 : i32 to index
      %get3A_2100 = arith.constant 608 : index
      %get3A_2101 = tpu.vector_load %arg5[%get3A_2099, %get3A_2100] {strides = array<i32>} : memref<2x800xi32, #tpu.memory_space<vmem>>, vector<16xi32>,
      %mul3A_2102 = arith.constant 56 : i32
      %mul3A_2103 = vector.broadcast %mul3A_2102 : i32 to vector<16xi32>
      %mul3A_2104 = arith.muli %get3A_2097, %mul3A_2103 : vector<16xi32>
      %add3A_2105 = arith.addi %mul3A_2104, %get3A_2101 : vector<16xi32>
      %ne3A_2106 = arith.cmpi ne, %get3A_2097, %get3A_2101 : vector<16xi32>
      %select_n3A_2107 = arith.select %ne3A_2106, %broadcast_in_dim3A_5, %broadcast_in_dim3A_3 : vector<16xi1>, vector<16xf32>
      tpu.vector_store_idx %arg7[%add3A_2105], %select_n3A_2107 {add = true} : memref<3136xf32, #tpu.memory_space<vmem>>[vector<16xi32>], vector<16xf32>,
      %get3A_2108 = arith.constant 0 : i32
      %get3A_2109 = arith.index_cast %get3A_2108 : i32 to index
      %get3A_2110 = arith.constant 624 : index
      %get3A_2111 = tpu.vector_load %arg5[%get3A_2109, %get3A_2110] {strides = array<i32>} : memref<2x800xi32, #tpu.memory_space<vmem>>, vector<16xi32>,
      %get3A_2112 = arith.constant 1 : i32
      %get3A_2113 = arith.index_cast %get3A_2112 : i32 to index
      %get3A_2114 = arith.constant 624 : index
      %get3A_2115 = tpu.vector_load %arg5[%get3A_2113, %get3A_2114] {strides = array<i32>} : memref<2x800xi32, #tpu.memory_space<vmem>>, vector<16xi32>,
      %mul3A_2116 = arith.constant 56 : i32
      %mul3A_2117 = vector.broadcast %mul3A_2116 : i32 to vector<16xi32>
      %mul3A_2118 = arith.muli %get3A_2111, %mul3A_2117 : vector<16xi32>
      %add3A_2119 = arith.addi %mul3A_2118, %get3A_2115 : vector<16xi32>
      %ne3A_2120 = arith.cmpi ne, %get3A_2111, %get3A_2115 : vector<16xi32>
      %select_n3A_2121 = arith.select %ne3A_2120, %broadcast_in_dim3A_5, %broadcast_in_dim3A_3 : vector<16xi1>, vector<16xf32>
      tpu.vector_store_idx %arg7[%add3A_2119], %select_n3A_2121 {add = true} : memref<3136xf32, #tpu.memory_space<vmem>>[vector<16xi32>], vector<16xf32>,
      %get3A_2122 = arith.constant 0 : i32
      %get3A_2123 = arith.index_cast %get3A_2122 : i32 to index
      %get3A_2124 = arith.constant 640 : index
      %get3A_2125 = tpu.vector_load %arg5[%get3A_2123, %get3A_2124] {strides = array<i32>} : memref<2x800xi32, #tpu.memory_space<vmem>>, vector<16xi32>,
      %get3A_2126 = arith.constant 1 : i32
      %get3A_2127 = arith.index_cast %get3A_2126 : i32 to index
      %get3A_2128 = arith.constant 640 : index
      %get3A_2129 = tpu.vector_load %arg5[%get3A_2127, %get3A_2128] {strides = array<i32>} : memref<2x800xi32, #tpu.memory_space<vmem>>, vector<16xi32>,
      %mul3A_2130 = arith.constant 56 : i32
      %mul3A_2131 = vector.broadcast %mul3A_2130 : i32 to vector<16xi32>
      %mul3A_2132 = arith.muli %get3A_2125, %mul3A_2131 : vector<16xi32>
      %add3A_2133 = arith.addi %mul3A_2132, %get3A_2129 : vector<16xi32>
      %ne3A_2134 = arith.cmpi ne, %get3A_2125, %get3A_2129 : vector<16xi32>
      %select_n3A_2135 = arith.select %ne3A_2134, %broadcast_in_dim3A_5, %broadcast_in_dim3A_3 : vector<16xi1>, vector<16xf32>
      tpu.vector_store_idx %arg7[%add3A_2133], %select_n3A_2135 {add = true} : memref<3136xf32, #tpu.memory_space<vmem>>[vector<16xi32>], vector<16xf32>,
      %get3A_2136 = arith.constant 0 : i32
      %get3A_2137 = arith.index_cast %get3A_2136 : i32 to index
      %get3A_2138 = arith.constant 656 : index
      %get3A_2139 = tpu.vector_load %arg5[%get3A_2137, %get3A_2138] {strides = array<i32>} : memref<2x800xi32, #tpu.memory_space<vmem>>, vector<16xi32>,
      %get3A_2140 = arith.constant 1 : i32
      %get3A_2141 = arith.index_cast %get3A_2140 : i32 to index
      %get3A_2142 = arith.constant 656 : index
      %get3A_2143 = tpu.vector_load %arg5[%get3A_2141, %get3A_2142] {strides = array<i32>} : memref<2x800xi32, #tpu.memory_space<vmem>>, vector<16xi32>,
      %mul3A_2144 = arith.constant 56 : i32
      %mul3A_2145 = vector.broadcast %mul3A_2144 : i32 to vector<16xi32>
      %mul3A_2146 = arith.muli %get3A_2139, %mul3A_2145 : vector<16xi32>
      %add3A_2147 = arith.addi %mul3A_2146, %get3A_2143 : vector<16xi32>
      %ne3A_2148 = arith.cmpi ne, %get3A_2139, %get3A_2143 : vector<16xi32>
      %select_n3A_2149 = arith.select %ne3A_2148, %broadcast_in_dim3A_5, %broadcast_in_dim3A_3 : vector<16xi1>, vector<16xf32>
      tpu.vector_store_idx %arg7[%add3A_2147], %select_n3A_2149 {add = true} : memref<3136xf32, #tpu.memory_space<vmem>>[vector<16xi32>], vector<16xf32>,
      %get3A_2150 = arith.constant 0 : i32
      %get3A_2151 = arith.index_cast %get3A_2150 : i32 to index
      %get3A_2152 = arith.constant 672 : index
      %get3A_2153 = tpu.vector_load %arg5[%get3A_2151, %get3A_2152] {strides = array<i32>} : memref<2x800xi32, #tpu.memory_space<vmem>>, vector<16xi32>,
      %get3A_2154 = arith.constant 1 : i32
      %get3A_2155 = arith.index_cast %get3A_2154 : i32 to index
      %get3A_2156 = arith.constant 672 : index
      %get3A_2157 = tpu.vector_load %arg5[%get3A_2155, %get3A_2156] {strides = array<i32>} : memref<2x800xi32, #tpu.memory_space<vmem>>, vector<16xi32>,
      %mul3A_2158 = arith.constant 56 : i32
      %mul3A_2159 = vector.broadcast %mul3A_2158 : i32 to vector<16xi32>
      %mul3A_2160 = arith.muli %get3A_2153, %mul3A_2159 : vector<16xi32>
      %add3A_2161 = arith.addi %mul3A_2160, %get3A_2157 : vector<16xi32>
      %ne3A_2162 = arith.cmpi ne, %get3A_2153, %get3A_2157 : vector<16xi32>
      %select_n3A_2163 = arith.select %ne3A_2162, %broadcast_in_dim3A_5, %broadcast_in_dim3A_3 : vector<16xi1>, vector<16xf32>
      tpu.vector_store_idx %arg7[%add3A_2161], %select_n3A_2163 {add = true} : memref<3136xf32, #tpu.memory_space<vmem>>[vector<16xi32>], vector<16xf32>,
      %get3A_2164 = arith.constant 0 : i32
      %get3A_2165 = arith.index_cast %get3A_2164 : i32 to index
      %get3A_2166 = arith.constant 688 : index
      %get3A_2167 = tpu.vector_load %arg5[%get3A_2165, %get3A_2166] {strides = array<i32>} : memref<2x800xi32, #tpu.memory_space<vmem>>, vector<16xi32>,
      %get3A_2168 = arith.constant 1 : i32
      %get3A_2169 = arith.index_cast %get3A_2168 : i32 to index
      %get3A_2170 = arith.constant 688 : index
      %get3A_2171 = tpu.vector_load %arg5[%get3A_2169, %get3A_2170] {strides = array<i32>} : memref<2x800xi32, #tpu.memory_space<vmem>>, vector<16xi32>,
      %mul3A_2172 = arith.constant 56 : i32
      %mul3A_2173 = vector.broadcast %mul3A_2172 : i32 to vector<16xi32>
      %mul3A_2174 = arith.muli %get3A_2167, %mul3A_2173 : vector<16xi32>
      %add3A_2175 = arith.addi %mul3A_2174, %get3A_2171 : vector<16xi32>
      %ne3A_2176 = arith.cmpi ne, %get3A_2167, %get3A_2171 : vector<16xi32>
      %select_n3A_2177 = arith.select %ne3A_2176, %broadcast_in_dim3A_5, %broadcast_in_dim3A_3 : vector<16xi1>, vector<16xf32>
      tpu.vector_store_idx %arg7[%add3A_2175], %select_n3A_2177 {add = true} : memref<3136xf32, #tpu.memory_space<vmem>>[vector<16xi32>], vector<16xf32>,
      %get3A_2178 = arith.constant 0 : i32
      %get3A_2179 = arith.index_cast %get3A_2178 : i32 to index
      %get3A_2180 = arith.constant 704 : index
      %get3A_2181 = tpu.vector_load %arg5[%get3A_2179, %get3A_2180] {strides = array<i32>} : memref<2x800xi32, #tpu.memory_space<vmem>>, vector<16xi32>,
      %get3A_2182 = arith.constant 1 : i32
      %get3A_2183 = arith.index_cast %get3A_2182 : i32 to index
      %get3A_2184 = arith.constant 704 : index
      %get3A_2185 = tpu.vector_load %arg5[%get3A_2183, %get3A_2184] {strides = array<i32>} : memref<2x800xi32, #tpu.memory_space<vmem>>, vector<16xi32>,
      %mul3A_2186 = arith.constant 56 : i32
      %mul3A_2187 = vector.broadcast %mul3A_2186 : i32 to vector<16xi32>
      %mul3A_2188 = arith.muli %get3A_2181, %mul3A_2187 : vector<16xi32>
      %add3A_2189 = arith.addi %mul3A_2188, %get3A_2185 : vector<16xi32>
      %ne3A_2190 = arith.cmpi ne, %get3A_2181, %get3A_2185 : vector<16xi32>
      %select_n3A_2191 = arith.select %ne3A_2190, %broadcast_in_dim3A_5, %broadcast_in_dim3A_3 : vector<16xi1>, vector<16xf32>
      tpu.vector_store_idx %arg7[%add3A_2189], %select_n3A_2191 {add = true} : memref<3136xf32, #tpu.memory_space<vmem>>[vector<16xi32>], vector<16xf32>,
      %get3A_2192 = arith.constant 0 : i32
      %get3A_2193 = arith.index_cast %get3A_2192 : i32 to index
      %get3A_2194 = arith.constant 720 : index
      %get3A_2195 = tpu.vector_load %arg5[%get3A_2193, %get3A_2194] {strides = array<i32>} : memref<2x800xi32, #tpu.memory_space<vmem>>, vector<16xi32>,
      %get3A_2196 = arith.constant 1 : i32
      %get3A_2197 = arith.index_cast %get3A_2196 : i32 to index
      %get3A_2198 = arith.constant 720 : index
      %get3A_2199 = tpu.vector_load %arg5[%get3A_2197, %get3A_2198] {strides = array<i32>} : memref<2x800xi32, #tpu.memory_space<vmem>>, vector<16xi32>,
      %mul3A_2200 = arith.constant 56 : i32
      %mul3A_2201 = vector.broadcast %mul3A_2200 : i32 to vector<16xi32>
      %mul3A_2202 = arith.muli %get3A_2195, %mul3A_2201 : vector<16xi32>
      %add3A_2203 = arith.addi %mul3A_2202, %get3A_2199 : vector<16xi32>
      %ne3A_2204 = arith.cmpi ne, %get3A_2195, %get3A_2199 : vector<16xi32>
      %select_n3A_2205 = arith.select %ne3A_2204, %broadcast_in_dim3A_5, %broadcast_in_dim3A_3 : vector<16xi1>, vector<16xf32>
      tpu.vector_store_idx %arg7[%add3A_2203], %select_n3A_2205 {add = true} : memref<3136xf32, #tpu.memory_space<vmem>>[vector<16xi32>], vector<16xf32>,
      %get3A_2206 = arith.constant 0 : i32
      %get3A_2207 = arith.index_cast %get3A_2206 : i32 to index
      %get3A_2208 = arith.constant 736 : index
      %get3A_2209 = tpu.vector_load %arg5[%get3A_2207, %get3A_2208] {strides = array<i32>} : memref<2x800xi32, #tpu.memory_space<vmem>>, vector<16xi32>,
      %get3A_2210 = arith.constant 1 : i32
      %get3A_2211 = arith.index_cast %get3A_2210 : i32 to index
      %get3A_2212 = arith.constant 736 : index
      %get3A_2213 = tpu.vector_load %arg5[%get3A_2211, %get3A_2212] {strides = array<i32>} : memref<2x800xi32, #tpu.memory_space<vmem>>, vector<16xi32>,
      %mul3A_2214 = arith.constant 56 : i32
      %mul3A_2215 = vector.broadcast %mul3A_2214 : i32 to vector<16xi32>
      %mul3A_2216 = arith.muli %get3A_2209, %mul3A_2215 : vector<16xi32>
      %add3A_2217 = arith.addi %mul3A_2216, %get3A_2213 : vector<16xi32>
      %ne3A_2218 = arith.cmpi ne, %get3A_2209, %get3A_2213 : vector<16xi32>
      %select_n3A_2219 = arith.select %ne3A_2218, %broadcast_in_dim3A_5, %broadcast_in_dim3A_3 : vector<16xi1>, vector<16xf32>
      tpu.vector_store_idx %arg7[%add3A_2217], %select_n3A_2219 {add = true} : memref<3136xf32, #tpu.memory_space<vmem>>[vector<16xi32>], vector<16xf32>,
      %get3A_2220 = arith.constant 0 : i32
      %get3A_2221 = arith.index_cast %get3A_2220 : i32 to index
      %get3A_2222 = arith.constant 752 : index
      %get3A_2223 = tpu.vector_load %arg5[%get3A_2221, %get3A_2222] {strides = array<i32>} : memref<2x800xi32, #tpu.memory_space<vmem>>, vector<16xi32>,
      %get3A_2224 = arith.constant 1 : i32
      %get3A_2225 = arith.index_cast %get3A_2224 : i32 to index
      %get3A_2226 = arith.constant 752 : index
      %get3A_2227 = tpu.vector_load %arg5[%get3A_2225, %get3A_2226] {strides = array<i32>} : memref<2x800xi32, #tpu.memory_space<vmem>>, vector<16xi32>,
      %mul3A_2228 = arith.constant 56 : i32
      %mul3A_2229 = vector.broadcast %mul3A_2228 : i32 to vector<16xi32>
      %mul3A_2230 = arith.muli %get3A_2223, %mul3A_2229 : vector<16xi32>
      %add3A_2231 = arith.addi %mul3A_2230, %get3A_2227 : vector<16xi32>
      %ne3A_2232 = arith.cmpi ne, %get3A_2223, %get3A_2227 : vector<16xi32>
      %select_n3A_2233 = arith.select %ne3A_2232, %broadcast_in_dim3A_5, %broadcast_in_dim3A_3 : vector<16xi1>, vector<16xf32>
      tpu.vector_store_idx %arg7[%add3A_2231], %select_n3A_2233 {add = true} : memref<3136xf32, #tpu.memory_space<vmem>>[vector<16xi32>], vector<16xf32>,
      %get3A_2234 = arith.constant 0 : i32
      %get3A_2235 = arith.index_cast %get3A_2234 : i32 to index
      %get3A_2236 = arith.constant 768 : index
      %get3A_2237 = tpu.vector_load %arg5[%get3A_2235, %get3A_2236] {strides = array<i32>} : memref<2x800xi32, #tpu.memory_space<vmem>>, vector<16xi32>,
      %get3A_2238 = arith.constant 1 : i32
      %get3A_2239 = arith.index_cast %get3A_2238 : i32 to index
      %get3A_2240 = arith.constant 768 : index
      %get3A_2241 = tpu.vector_load %arg5[%get3A_2239, %get3A_2240] {strides = array<i32>} : memref<2x800xi32, #tpu.memory_space<vmem>>, vector<16xi32>,
      %mul3A_2242 = arith.constant 56 : i32
      %mul3A_2243 = vector.broadcast %mul3A_2242 : i32 to vector<16xi32>
      %mul3A_2244 = arith.muli %get3A_2237, %mul3A_2243 : vector<16xi32>
      %add3A_2245 = arith.addi %mul3A_2244, %get3A_2241 : vector<16xi32>
      %ne3A_2246 = arith.cmpi ne, %get3A_2237, %get3A_2241 : vector<16xi32>
      %select_n3A_2247 = arith.select %ne3A_2246, %broadcast_in_dim3A_5, %broadcast_in_dim3A_3 : vector<16xi1>, vector<16xf32>
      tpu.vector_store_idx %arg7[%add3A_2245], %select_n3A_2247 {add = true} : memref<3136xf32, #tpu.memory_space<vmem>>[vector<16xi32>], vector<16xf32>,
      %get3A_2248 = arith.constant 0 : i32
      %get3A_2249 = arith.index_cast %get3A_2248 : i32 to index
      %get3A_2250 = arith.constant 784 : index
      %get3A_2251 = tpu.vector_load %arg5[%get3A_2249, %get3A_2250] {strides = array<i32>} : memref<2x800xi32, #tpu.memory_space<vmem>>, vector<16xi32>,
      %get3A_2252 = arith.constant 1 : i32
      %get3A_2253 = arith.index_cast %get3A_2252 : i32 to index
      %get3A_2254 = arith.constant 784 : index
      %get3A_2255 = tpu.vector_load %arg5[%get3A_2253, %get3A_2254] {strides = array<i32>} : memref<2x800xi32, #tpu.memory_space<vmem>>, vector<16xi32>,
      %mul3A_2256 = arith.constant 56 : i32
      %mul3A_2257 = vector.broadcast %mul3A_2256 : i32 to vector<16xi32>
      %mul3A_2258 = arith.muli %get3A_2251, %mul3A_2257 : vector<16xi32>
      %add3A_2259 = arith.addi %mul3A_2258, %get3A_2255 : vector<16xi32>
      %ne3A_2260 = arith.cmpi ne, %get3A_2251, %get3A_2255 : vector<16xi32>
      %select_n3A_2261 = arith.select %ne3A_2260, %broadcast_in_dim3A_5, %broadcast_in_dim3A_3 : vector<16xi1>, vector<16xf32>
      tpu.vector_store_idx %arg7[%add3A_2259], %select_n3A_2261 {add = true} : memref<3136xf32, #tpu.memory_space<vmem>>[vector<16xi32>], vector<16xf32>,
      %dma_start3A_2262 = arith.constant 0 : i32
      %dma_start3A_2263 = tpu.memref_slice %arg3[%add3A_1146, %dma_start3A_2262] : memref<1216x3136xf32, #tpu.memory_space<hbm>> -> memref<1x3136xf32, #tpu.memory_space<hbm>>
      %dma_start3A_2264 = tpu.memref_squeeze %dma_start3A_2263 : memref<1x3136xf32, #tpu.memory_space<hbm>> -> memref<3136xf32, #tpu.memory_space<hbm>>
      %dma_start3A_2265 = arith.constant 0 : i32
      %dma_start3A_2266 = tpu.memref_slice %arg3[%add3A_1146, %dma_start3A_2265] : memref<1216x3136xf32, #tpu.memory_space<hbm>> -> memref<1x3136xf32, #tpu.memory_space<hbm>>
      %dma_start3A_2267 = tpu.memref_squeeze %dma_start3A_2266 : memref<1x3136xf32, #tpu.memory_space<hbm>> -> memref<3136xf32, #tpu.memory_space<hbm>>
      tpu.enqueue_dma source(%arg7 : memref<3136xf32, #tpu.memory_space<vmem>>) target(%dma_start3A_2267 : memref<3136xf32, #tpu.memory_space<hbm>>) target_semaphore(%arg10 : memref<!tpu.dma_semaphore, #tpu.memory_space<semaphore_mem>>)
    }
    %scan3A_17 = arith.constant 19 : i32
    %dma_wait3A = arith.constant 0 : i32
    %dma_wait3A_18 = tpu.memref_slice %arg3[%mul3A_2, %dma_wait3A] : memref<1216x3136xf32, #tpu.memory_space<hbm>> -> memref<1x3136xf32, #tpu.memory_space<hbm>>
    %dma_wait3A_19 = tpu.memref_squeeze %dma_wait3A_18 : memref<1x3136xf32, #tpu.memory_space<hbm>> -> memref<3136xf32, #tpu.memory_space<hbm>>
    %dma_wait3A_20 = arith.constant 0 : i32
    %dma_wait3A_21 = tpu.memref_slice %arg3[%mul3A_2, %dma_wait3A_20] : memref<1216x3136xf32, #tpu.memory_space<hbm>> -> memref<1x3136xf32, #tpu.memory_space<hbm>>
    %dma_wait3A_22 = tpu.memref_squeeze %dma_wait3A_21 : memref<1x3136xf32, #tpu.memory_space<hbm>> -> memref<3136xf32, #tpu.memory_space<hbm>>
    tpu.wait_dma2 semaphore(%arg9 : memref<!tpu.dma_semaphore, #tpu.memory_space<semaphore_mem>>) src(%arg6 : memref<3136xf32, #tpu.memory_space<vmem>>) dst(%dma_wait3A_22 : memref<3136xf32, #tpu.memory_space<hbm>>)
    %dma_wait3A_23 = arith.constant 0 : i32
    %dma_wait3A_24 = tpu.memref_slice %arg3[%mul3A_2, %dma_wait3A_23] : memref<1216x3136xf32, #tpu.memory_space<hbm>> -> memref<1x3136xf32, #tpu.memory_space<hbm>>
    %dma_wait3A_25 = tpu.memref_squeeze %dma_wait3A_24 : memref<1x3136xf32, #tpu.memory_space<hbm>> -> memref<3136xf32, #tpu.memory_space<hbm>>
    %dma_wait3A_26 = arith.constant 0 : i32
    %dma_wait3A_27 = tpu.memref_slice %arg3[%mul3A_2, %dma_wait3A_26] : memref<1216x3136xf32, #tpu.memory_space<hbm>> -> memref<1x3136xf32, #tpu.memory_space<hbm>>
    %dma_wait3A_28 = tpu.memref_squeeze %dma_wait3A_27 : memref<1x3136xf32, #tpu.memory_space<hbm>> -> memref<3136xf32, #tpu.memory_space<hbm>>
    tpu.wait_dma2 semaphore(%arg10 : memref<!tpu.dma_semaphore, #tpu.memory_space<semaphore_mem>>) src(%arg7 : memref<3136xf32, #tpu.memory_space<vmem>>) dst(%dma_wait3A_28 : memref<3136xf32, #tpu.memory_space<hbm>>)
    return
  }
}

module attributes {stable_mosaic.version = 14 : i64} {
  func.func @_tc1_body(%arg0: i32, %arg1: memref<1x40x56xf32, #tpu.memory_space<vmem>>, %arg2: memref<3x3x32xf32, #tpu.memory_space<vmem>>, %arg3: memref<3x32xf32, #tpu.memory_space<vmem>>, %arg4: memref<1x38x56x32xf32, #tpu.memory_space<vmem>>) attributes {dimension_semantics = [#tpu.dimension_semantics<arbitrary>], iteration_bounds = array<i64: 32>, scalar_prefetch = 0 : i64, scratch_operands = 0 : i64, tpu.core_type = #tpu.core_type<tc>, window_params = [{transform_indices = @transform_0, window_bounds = array<i64: 1, 40, 56>}, {pipeline_mode = #tpu.pipeline_mode<synchronous>, transform_indices = @transform_1, window_bounds = array<i64: 3, 3, 32>}, {pipeline_mode = #tpu.pipeline_mode<synchronous>, transform_indices = @transform_2, window_bounds = array<i64: 3, 32>}, {transform_indices = @transform_3, window_bounds = array<i64: 1, 38, 56, 32>}]} {
    %get3A = arith.constant 0 : index
    %get3A_0 = arith.constant 0 : index
    %get3A_1 = arith.constant 0 : index
    %get3A_2 = vector.load %arg1[%get3A, %get3A_0, %get3A_1] : memref<1x40x56xf32, #tpu.memory_space<vmem>>, vector<1x40x56xf32>
    %get3A_3 = vector.shape_cast %get3A_2 : vector<1x40x56xf32> to vector<40x56xf32>
    %slice3A = vector.extract_strided_slice %get3A_3 {offsets = [0, 0], sizes = [38, 56], strides = [1, 1]} : vector<40x56xf32> to vector<38x56xf32>
    %broadcast_in_dim3A = vector.shape_cast %slice3A : vector<38x56xf32> to vector<38x56x1xf32>
    %slice3A_4 = vector.extract_strided_slice %get3A_3 {offsets = [1, 0], sizes = [38, 56], strides = [1, 1]} : vector<40x56xf32> to vector<38x56xf32>
    %broadcast_in_dim3A_5 = vector.shape_cast %slice3A_4 : vector<38x56xf32> to vector<38x56x1xf32>
    %slice3A_6 = vector.extract_strided_slice %get3A_3 {offsets = [2, 0], sizes = [38, 56], strides = [1, 1]} : vector<40x56xf32> to vector<38x56xf32>
    %broadcast_in_dim3A_7 = vector.shape_cast %slice3A_6 : vector<38x56xf32> to vector<38x56x1xf32>
    %get3A_8 = arith.constant 0 : index
    %get3A_9 = arith.constant 0 : index
    %get3A_10 = vector.load %arg3[%get3A_8, %get3A_9] : memref<3x32xf32, #tpu.memory_space<vmem>>, vector<1x32xf32>
    %get3A_11 = vector.shape_cast %get3A_10 : vector<1x32xf32> to vector<32xf32>
    %broadcast_in_dim3A_12 = vector.shape_cast %get3A_11 : vector<32xf32> to vector<1x1x32xf32>
    %get3A_13 = arith.constant 0 : index
    %get3A_14 = arith.constant 0 : index
    %get3A_15 = arith.constant 0 : index
    %get3A_16 = vector.load %arg2[%get3A_13, %get3A_14, %get3A_15] : memref<3x3x32xf32, #tpu.memory_space<vmem>>, vector<1x1x32xf32>
    %get3A_17 = vector.shape_cast %get3A_16 : vector<1x1x32xf32> to vector<32xf32>
    %broadcast_in_dim3A_18 = vector.shape_cast %get3A_17 : vector<32xf32> to vector<1x1x32xf32>
    %mul3A = vector.broadcast %broadcast_in_dim3A : vector<38x56x1xf32> to vector<38x56x32xf32>
    %mul3A_19 = vector.broadcast %broadcast_in_dim3A_18 : vector<1x1x32xf32> to vector<38x56x32xf32>
    %mul3A_20 = arith.mulf %mul3A, %mul3A_19 : vector<38x56x32xf32>
    %add3A = vector.broadcast %broadcast_in_dim3A_12 : vector<1x1x32xf32> to vector<38x56x32xf32>
    %add3A_21 = arith.addf %add3A, %mul3A_20 : vector<38x56x32xf32>
    %get3A_22 = arith.constant 0 : index
    %get3A_23 = arith.constant 1 : index
    %get3A_24 = arith.constant 0 : index
    %get3A_25 = vector.load %arg2[%get3A_22, %get3A_23, %get3A_24] : memref<3x3x32xf32, #tpu.memory_space<vmem>>, vector<1x1x32xf32>
    %get3A_26 = vector.shape_cast %get3A_25 : vector<1x1x32xf32> to vector<32xf32>
    %broadcast_in_dim3A_27 = vector.shape_cast %get3A_26 : vector<32xf32> to vector<1x1x32xf32>
    %mul3A_28 = vector.broadcast %broadcast_in_dim3A_5 : vector<38x56x1xf32> to vector<38x56x32xf32>
    %mul3A_29 = vector.broadcast %broadcast_in_dim3A_27 : vector<1x1x32xf32> to vector<38x56x32xf32>
    %mul3A_30 = arith.mulf %mul3A_28, %mul3A_29 : vector<38x56x32xf32>
    %add3A_31 = arith.addf %add3A_21, %mul3A_30 : vector<38x56x32xf32>
    %get3A_32 = arith.constant 0 : index
    %get3A_33 = arith.constant 2 : index
    %get3A_34 = arith.constant 0 : index
    %get3A_35 = vector.load %arg2[%get3A_32, %get3A_33, %get3A_34] : memref<3x3x32xf32, #tpu.memory_space<vmem>>, vector<1x1x32xf32>
    %get3A_36 = vector.shape_cast %get3A_35 : vector<1x1x32xf32> to vector<32xf32>
    %broadcast_in_dim3A_37 = vector.shape_cast %get3A_36 : vector<32xf32> to vector<1x1x32xf32>
    %mul3A_38 = vector.broadcast %broadcast_in_dim3A_7 : vector<38x56x1xf32> to vector<38x56x32xf32>
    %mul3A_39 = vector.broadcast %broadcast_in_dim3A_37 : vector<1x1x32xf32> to vector<38x56x32xf32>
    %mul3A_40 = arith.mulf %mul3A_38, %mul3A_39 : vector<38x56x32xf32>
    %add3A_41 = arith.addf %add3A_31, %mul3A_40 : vector<38x56x32xf32>
    %get3A_42 = arith.constant 1 : index
    %get3A_43 = arith.constant 0 : index
    %get3A_44 = vector.load %arg3[%get3A_42, %get3A_43] : memref<3x32xf32, #tpu.memory_space<vmem>>, vector<1x32xf32>
    %get3A_45 = vector.shape_cast %get3A_44 : vector<1x32xf32> to vector<32xf32>
    %broadcast_in_dim3A_46 = vector.shape_cast %get3A_45 : vector<32xf32> to vector<1x1x32xf32>
    %get3A_47 = arith.constant 1 : index
    %get3A_48 = arith.constant 0 : index
    %get3A_49 = arith.constant 0 : index
    %get3A_50 = vector.load %arg2[%get3A_47, %get3A_48, %get3A_49] : memref<3x3x32xf32, #tpu.memory_space<vmem>>, vector<1x1x32xf32>
    %get3A_51 = vector.shape_cast %get3A_50 : vector<1x1x32xf32> to vector<32xf32>
    %broadcast_in_dim3A_52 = vector.shape_cast %get3A_51 : vector<32xf32> to vector<1x1x32xf32>
    %mul3A_53 = vector.broadcast %broadcast_in_dim3A : vector<38x56x1xf32> to vector<38x56x32xf32>
    %mul3A_54 = vector.broadcast %broadcast_in_dim3A_52 : vector<1x1x32xf32> to vector<38x56x32xf32>
    %mul3A_55 = arith.mulf %mul3A_53, %mul3A_54 : vector<38x56x32xf32>
    %add3A_56 = vector.broadcast %broadcast_in_dim3A_46 : vector<1x1x32xf32> to vector<38x56x32xf32>
    %add3A_57 = arith.addf %add3A_56, %mul3A_55 : vector<38x56x32xf32>
    %get3A_58 = arith.constant 1 : index
    %get3A_59 = arith.constant 1 : index
    %get3A_60 = arith.constant 0 : index
    %get3A_61 = vector.load %arg2[%get3A_58, %get3A_59, %get3A_60] : memref<3x3x32xf32, #tpu.memory_space<vmem>>, vector<1x1x32xf32>
    %get3A_62 = vector.shape_cast %get3A_61 : vector<1x1x32xf32> to vector<32xf32>
    %broadcast_in_dim3A_63 = vector.shape_cast %get3A_62 : vector<32xf32> to vector<1x1x32xf32>
    %mul3A_64 = vector.broadcast %broadcast_in_dim3A_5 : vector<38x56x1xf32> to vector<38x56x32xf32>
    %mul3A_65 = vector.broadcast %broadcast_in_dim3A_63 : vector<1x1x32xf32> to vector<38x56x32xf32>
    %mul3A_66 = arith.mulf %mul3A_64, %mul3A_65 : vector<38x56x32xf32>
    %add3A_67 = arith.addf %add3A_57, %mul3A_66 : vector<38x56x32xf32>
    %get3A_68 = arith.constant 1 : index
    %get3A_69 = arith.constant 2 : index
    %get3A_70 = arith.constant 0 : index
    %get3A_71 = vector.load %arg2[%get3A_68, %get3A_69, %get3A_70] : memref<3x3x32xf32, #tpu.memory_space<vmem>>, vector<1x1x32xf32>
    %get3A_72 = vector.shape_cast %get3A_71 : vector<1x1x32xf32> to vector<32xf32>
    %broadcast_in_dim3A_73 = vector.shape_cast %get3A_72 : vector<32xf32> to vector<1x1x32xf32>
    %mul3A_74 = vector.broadcast %broadcast_in_dim3A_7 : vector<38x56x1xf32> to vector<38x56x32xf32>
    %mul3A_75 = vector.broadcast %broadcast_in_dim3A_73 : vector<1x1x32xf32> to vector<38x56x32xf32>
    %mul3A_76 = arith.mulf %mul3A_74, %mul3A_75 : vector<38x56x32xf32>
    %add3A_77 = arith.addf %add3A_67, %mul3A_76 : vector<38x56x32xf32>
    %get3A_78 = arith.constant 2 : index
    %get3A_79 = arith.constant 0 : index
    %get3A_80 = vector.load %arg3[%get3A_78, %get3A_79] : memref<3x32xf32, #tpu.memory_space<vmem>>, vector<1x32xf32>
    %get3A_81 = vector.shape_cast %get3A_80 : vector<1x32xf32> to vector<32xf32>
    %broadcast_in_dim3A_82 = vector.shape_cast %get3A_81 : vector<32xf32> to vector<1x1x32xf32>
    %get3A_83 = arith.constant 2 : index
    %get3A_84 = arith.constant 0 : index
    %get3A_85 = arith.constant 0 : index
    %get3A_86 = vector.load %arg2[%get3A_83, %get3A_84, %get3A_85] : memref<3x3x32xf32, #tpu.memory_space<vmem>>, vector<1x1x32xf32>
    %get3A_87 = vector.shape_cast %get3A_86 : vector<1x1x32xf32> to vector<32xf32>
    %broadcast_in_dim3A_88 = vector.shape_cast %get3A_87 : vector<32xf32> to vector<1x1x32xf32>
    %mul3A_89 = vector.broadcast %broadcast_in_dim3A : vector<38x56x1xf32> to vector<38x56x32xf32>
    %mul3A_90 = vector.broadcast %broadcast_in_dim3A_88 : vector<1x1x32xf32> to vector<38x56x32xf32>
    %mul3A_91 = arith.mulf %mul3A_89, %mul3A_90 : vector<38x56x32xf32>
    %add3A_92 = vector.broadcast %broadcast_in_dim3A_82 : vector<1x1x32xf32> to vector<38x56x32xf32>
    %add3A_93 = arith.addf %add3A_92, %mul3A_91 : vector<38x56x32xf32>
    %get3A_94 = arith.constant 2 : index
    %get3A_95 = arith.constant 1 : index
    %get3A_96 = arith.constant 0 : index
    %get3A_97 = vector.load %arg2[%get3A_94, %get3A_95, %get3A_96] : memref<3x3x32xf32, #tpu.memory_space<vmem>>, vector<1x1x32xf32>
    %get3A_98 = vector.shape_cast %get3A_97 : vector<1x1x32xf32> to vector<32xf32>
    %broadcast_in_dim3A_99 = vector.shape_cast %get3A_98 : vector<32xf32> to vector<1x1x32xf32>
    %mul3A_100 = vector.broadcast %broadcast_in_dim3A_5 : vector<38x56x1xf32> to vector<38x56x32xf32>
    %mul3A_101 = vector.broadcast %broadcast_in_dim3A_99 : vector<1x1x32xf32> to vector<38x56x32xf32>
    %mul3A_102 = arith.mulf %mul3A_100, %mul3A_101 : vector<38x56x32xf32>
    %add3A_103 = arith.addf %add3A_93, %mul3A_102 : vector<38x56x32xf32>
    %get3A_104 = arith.constant 2 : index
    %get3A_105 = arith.constant 2 : index
    %get3A_106 = arith.constant 0 : index
    %get3A_107 = vector.load %arg2[%get3A_104, %get3A_105, %get3A_106] : memref<3x3x32xf32, #tpu.memory_space<vmem>>, vector<1x1x32xf32>
    %get3A_108 = vector.shape_cast %get3A_107 : vector<1x1x32xf32> to vector<32xf32>
    %broadcast_in_dim3A_109 = vector.shape_cast %get3A_108 : vector<32xf32> to vector<1x1x32xf32>
    %mul3A_110 = vector.broadcast %broadcast_in_dim3A_7 : vector<38x56x1xf32> to vector<38x56x32xf32>
    %mul3A_111 = vector.broadcast %broadcast_in_dim3A_109 : vector<1x1x32xf32> to vector<38x56x32xf32>
    %mul3A_112 = arith.mulf %mul3A_110, %mul3A_111 : vector<38x56x32xf32>
    %add3A_113 = arith.addf %add3A_103, %mul3A_112 : vector<38x56x32xf32>
    %neg3A = arith.constant 0.000000e+00 : f32
    %neg3A_114 = vector.broadcast %neg3A : f32 to vector<38x56x32xf32>
    %neg3A_115 = arith.subf %neg3A_114, %add3A_77 : vector<38x56x32xf32>
    %exp3A = math.exp %neg3A_115 : vector<38x56x32xf32>
    %add3A_116 = arith.constant 1.000000e+00 : f32
    %add3A_117 = vector.broadcast %add3A_116 : f32 to vector<38x56x32xf32>
    %add3A_118 = arith.addf %add3A_117, %exp3A : vector<38x56x32xf32>
    %div3A = arith.constant 1.000000e+00 : f32
    %div3A_119 = vector.broadcast %div3A : f32 to vector<38x56x32xf32>
    %div3A_120 = arith.divf %div3A_119, %add3A_118 : vector<38x56x32xf32>
    %mul3A_121 = arith.mulf %add3A_41, %div3A_120 : vector<38x56x32xf32>
    %add3A_122 = arith.addf %mul3A_121, %add3A_113 : vector<38x56x32xf32>
    %max3A = arith.constant 0.000000e+00 : f32
    %max3A_123 = vector.broadcast %max3A : f32 to vector<38x56x32xf32>
    %max3A_124 = arith.maximumf %add3A_122, %max3A_123 : vector<38x56x32xf32>
    %swap3A = arith.constant 0 : index
    %swap3A_125 = arith.constant 0 : index
    %swap3A_126 = arith.constant 0 : index
    %swap3A_127 = arith.constant 0 : index
    %swap3A_128 = vector.load %arg4[%swap3A, %swap3A_125, %swap3A_126, %swap3A_127] : memref<1x38x56x32xf32, #tpu.memory_space<vmem>>, vector<1x38x56x32xf32>
    %swap3A_129 = vector.shape_cast %swap3A_128 : vector<1x38x56x32xf32> to vector<38x56x32xf32>
    %swap3A_130 = vector.shape_cast %max3A_124 : vector<38x56x32xf32> to vector<1x38x56x32xf32>
    tpu.vector_store %arg4[%swap3A, %swap3A_125, %swap3A_126, %swap3A_127], %swap3A_130 {strides = array<i32>} : memref<1x38x56x32xf32, #tpu.memory_space<vmem>>, vector<1x38x56x32xf32>,
    return
  }
  func.func @transform_0(%arg0: i32) -> (i32, i32, i32) {
    %c0_i32 = arith.constant 0 : i32
    %c0_i32_0 = arith.constant 0 : i32
    %c0_i32_1 = arith.constant 0 : i32
    return %arg0, %c0_i32, %c0_i32_0 : i32, i32, i32
  }
  func.func @transform_1(%arg0: i32) -> (i32, i32, i32) {
    %c0_i32 = arith.constant 0 : i32
    %c0_i32_0 = arith.constant 0 : i32
    %c0_i32_1 = arith.constant 0 : i32
    %c0_i32_2 = arith.constant 0 : i32
    return %c0_i32, %c0_i32_0, %c0_i32_1 : i32, i32, i32
  }
  func.func @transform_2(%arg0: i32) -> (i32, i32) {
    %c0_i32 = arith.constant 0 : i32
    %c0_i32_0 = arith.constant 0 : i32
    %c0_i32_1 = arith.constant 0 : i32
    return %c0_i32, %c0_i32_0 : i32, i32
  }
  func.func @transform_3(%arg0: i32) -> (i32, i32, i32, i32) {
    %c0_i32 = arith.constant 0 : i32
    %c0_i32_0 = arith.constant 0 : i32
    %c0_i32_1 = arith.constant 0 : i32
    %c0_i32_2 = arith.constant 0 : i32
    return %arg0, %c0_i32, %c0_i32_0, %c0_i32_1 : i32, i32, i32, i32
  }
}

module attributes {stable_mosaic.version = 14 : i64} {
  func.func @_cheb_tc2_body(%arg0: i32, %arg1: memref<1x38x56x56xf32, #tpu.memory_space<vmem>>, %arg2: memref<1x2128x32xf32, #tpu.memory_space<vmem>>, %arg3: memref<3x32x32xf32, #tpu.memory_space<vmem>>, %arg4: memref<1x32xf32, #tpu.memory_space<vmem>>, %arg5: memref<96x192xf32, #tpu.memory_space<vmem>>, %arg6: memref<1x192xf32, #tpu.memory_space<vmem>>, %arg7: memref<56x2016xf32, #tpu.memory_space<vmem>>, %arg8: memref<1x3x56x64xf32, #tpu.memory_space<vmem>>, %arg9: memref<56x2xf32, #tpu.memory_space<vmem>>) attributes {dimension_semantics = [#tpu.dimension_semantics<arbitrary>], iteration_bounds = array<i64: 32>, scalar_prefetch = 0 : i64, scratch_operands = 0 : i64, tpu.core_type = #tpu.core_type<tc>, window_params = [{transform_indices = @transform_0, window_bounds = array<i64: 1, 38, 56, 56>}, {transform_indices = @transform_1, window_bounds = array<i64: 1, 2128, 32>}, {pipeline_mode = #tpu.pipeline_mode<synchronous>, transform_indices = @transform_2, window_bounds = array<i64: 3, 32, 32>}, {pipeline_mode = #tpu.pipeline_mode<synchronous>, transform_indices = @transform_3, window_bounds = array<i64: 1, 32>}, {pipeline_mode = #tpu.pipeline_mode<synchronous>, transform_indices = @transform_4, window_bounds = array<i64: 96, 192>}, {pipeline_mode = #tpu.pipeline_mode<synchronous>, transform_indices = @transform_5, window_bounds = array<i64: 1, 192>}, {pipeline_mode = #tpu.pipeline_mode<synchronous>, transform_indices = @transform_6, window_bounds = array<i64: 56, 2016>}, {transform_indices = @transform_7, window_bounds = array<i64: 1, 3, 56, 64>}, {pipeline_mode = #tpu.pipeline_mode<synchronous>, transform_indices = @transform_8, window_bounds = array<i64: 56, 2>}]} {
    %get3A = arith.constant 0 : index
    %get3A_0 = arith.constant 0 : index
    %get3A_1 = arith.constant 0 : index
    %get3A_2 = vector.load %arg3[%get3A, %get3A_0, %get3A_1] : memref<3x32x32xf32, #tpu.memory_space<vmem>>, vector<1x32x32xf32>
    %get3A_3 = vector.shape_cast %get3A_2 : vector<1x32x32xf32> to vector<32x32xf32>
    %get3A_4 = arith.constant 1 : index
    %get3A_5 = arith.constant 0 : index
    %get3A_6 = arith.constant 0 : index
    %get3A_7 = vector.load %arg3[%get3A_4, %get3A_5, %get3A_6] : memref<3x32x32xf32, #tpu.memory_space<vmem>>, vector<1x32x32xf32>
    %get3A_8 = vector.shape_cast %get3A_7 : vector<1x32x32xf32> to vector<32x32xf32>
    %get3A_9 = arith.constant 2 : index
    %get3A_10 = arith.constant 0 : index
    %get3A_11 = arith.constant 0 : index
    %get3A_12 = vector.load %arg3[%get3A_9, %get3A_10, %get3A_11] : memref<3x32x32xf32, #tpu.memory_space<vmem>>, vector<1x32x32xf32>
    %get3A_13 = vector.shape_cast %get3A_12 : vector<1x32x32xf32> to vector<32x32xf32>
    %get3A_14 = arith.constant 0 : index
    %get3A_15 = arith.constant 0 : index
    %get3A_16 = vector.load %arg4[%get3A_14, %get3A_15] : memref<1x32xf32, #tpu.memory_space<vmem>>, vector<1x32xf32>
    %get3A_17 = arith.constant 0 : index
    %get3A_18 = arith.constant 0 : index
    %get3A_19 = arith.constant 0 : index
    %get3A_20 = vector.load %arg2[%get3A_17, %get3A_18, %get3A_19] : memref<1x2128x32xf32, #tpu.memory_space<vmem>>, vector<1x2128x32xf32>
    %get3A_21 = vector.shape_cast %get3A_20 : vector<1x2128x32xf32> to vector<2128x32xf32>
    %get3A_22 = arith.constant 0 : index
    %get3A_23 = arith.constant 0 : index
    %get3A_24 = arith.constant 0 : index
    %get3A_25 = arith.constant 0 : index
    %get3A_26 = vector.load %arg1[%get3A_22, %get3A_23, %get3A_24, %get3A_25] : memref<1x38x56x56xf32, #tpu.memory_space<vmem>>, vector<1x38x56x56xf32>
    %get3A_27 = vector.shape_cast %get3A_26 : vector<1x38x56x56xf32> to vector<38x56x56xf32>
    %reshape3A = vector.shape_cast %get3A_27 : vector<38x56x56xf32> to vector<2128x56xf32>
    %reduce_sum3A = arith.constant dense<0.000000e+00> : vector<2128xf32>
    %reduce_sum3A_28 = vector.multi_reduction <add>, %reshape3A, %reduce_sum3A [1] : vector<2128x56xf32> to vector<2128xf32>
    %broadcast_in_dim3A = vector.shape_cast %reduce_sum3A_28 : vector<2128xf32> to vector<2128x1xf32>
    %gt3A = arith.constant 0.000000e+00 : f32
    %gt3A_29 = vector.broadcast %gt3A : f32 to vector<2128x1xf32>
    %gt3A_30 = arith.cmpf ogt, %broadcast_in_dim3A, %gt3A_29 : vector<2128x1xf32>
    %jit3A = arith.constant 1.000000e+00 : f32
    %broadcast_in_dim3A_31 = vector.broadcast %jit3A : f32 to vector<2128x1xf32>
    %select_n3A = arith.select %gt3A_30, %broadcast_in_dim3A, %broadcast_in_dim3A_31 : vector<2128x1xi1>, vector<2128x1xf32>
    %gt3A_32 = arith.constant 0.000000e+00 : f32
    %gt3A_33 = vector.broadcast %gt3A_32 : f32 to vector<2128x1xf32>
    %gt3A_34 = arith.cmpf ogt, %broadcast_in_dim3A, %gt3A_33 : vector<2128x1xf32>
    %rsqrt3A = math.rsqrt %select_n3A : vector<2128x1xf32>
    %jit3A_35 = arith.constant 0.000000e+00 : f32
    %broadcast_in_dim3A_36 = vector.broadcast %jit3A_35 : f32 to vector<2128x1xf32>
    %select_n3A_37 = arith.select %gt3A_34, %rsqrt3A, %broadcast_in_dim3A_36 : vector<2128x1xi1>, vector<2128x1xf32>
    %neg3A = arith.constant 0.000000e+00 : f32
    %neg3A_38 = vector.broadcast %neg3A : f32 to vector<2128x1xf32>
    %neg3A_39 = arith.subf %neg3A_38, %select_n3A_37 : vector<2128x1xf32>
    %mul3A = vector.broadcast %select_n3A_37 : vector<2128x1xf32> to vector<2128x32xf32>
    %mul3A_40 = arith.mulf %mul3A, %get3A_21 : vector<2128x32xf32>
    %get3A_41 = arith.constant 0 : index
    %get3A_42 = arith.constant 0 : index
    %get3A_43 = arith.constant 0 : index
    %get3A_44 = arith.constant 0 : index
    %get3A_45 = vector.load %arg1[%get3A_41, %get3A_42, %get3A_43, %get3A_44] : memref<1x38x56x56xf32, #tpu.memory_space<vmem>>, vector<1x1x56x56xf32>
    %get3A_46 = vector.shape_cast %get3A_45 : vector<1x1x56x56xf32> to vector<56x56xf32>
    %slice3A = vector.extract_strided_slice %mul3A_40 {offsets = [0, 0], sizes = [56, 32], strides = [1, 1]} : vector<2128x32xf32> to vector<56x32xf32>
    %dot_general3A = arith.constant dense<0.000000e+00> : vector<56x32xf32>
    %dot_general3A_47 = tpu.matmul %get3A_46, %slice3A, %dot_general3A {dimension_numbers = #tpu.dot_dimension_numbers<[1], [0], [0], [1], [0, 0, 1, 1], [], []>, transpose_lhs_hint = false} : vector<56x56xf32>, vector<56x32xf32>, vector<56x32xf32> -> vector<56x32xf32>
    %get3A_48 = arith.constant 0 : index
    %get3A_49 = arith.constant 1 : index
    %get3A_50 = arith.constant 0 : index
    %get3A_51 = arith.constant 0 : index
    %get3A_52 = vector.load %arg1[%get3A_48, %get3A_49, %get3A_50, %get3A_51] : memref<1x38x56x56xf32, #tpu.memory_space<vmem>>, vector<1x1x56x56xf32>
    %get3A_53 = vector.shape_cast %get3A_52 : vector<1x1x56x56xf32> to vector<56x56xf32>
    %slice3A_54 = vector.extract_strided_slice %mul3A_40 {offsets = [56, 0], sizes = [56, 32], strides = [1, 1]} : vector<2128x32xf32> to vector<56x32xf32>
    %dot_general3A_55 = arith.constant dense<0.000000e+00> : vector<56x32xf32>
    %dot_general3A_56 = tpu.matmul %get3A_53, %slice3A_54, %dot_general3A_55 {dimension_numbers = #tpu.dot_dimension_numbers<[1], [0], [0], [1], [0, 0, 1, 1], [], []>, transpose_lhs_hint = false} : vector<56x56xf32>, vector<56x32xf32>, vector<56x32xf32> -> vector<56x32xf32>
    %get3A_57 = arith.constant 0 : index
    %get3A_58 = arith.constant 2 : index
    %get3A_59 = arith.constant 0 : index
    %get3A_60 = arith.constant 0 : index
    %get3A_61 = vector.load %arg1[%get3A_57, %get3A_58, %get3A_59, %get3A_60] : memref<1x38x56x56xf32, #tpu.memory_space<vmem>>, vector<1x1x56x56xf32>
    %get3A_62 = vector.shape_cast %get3A_61 : vector<1x1x56x56xf32> to vector<56x56xf32>
    %slice3A_63 = vector.extract_strided_slice %mul3A_40 {offsets = [112, 0], sizes = [56, 32], strides = [1, 1]} : vector<2128x32xf32> to vector<56x32xf32>
    %dot_general3A_64 = arith.constant dense<0.000000e+00> : vector<56x32xf32>
    %dot_general3A_65 = tpu.matmul %get3A_62, %slice3A_63, %dot_general3A_64 {dimension_numbers = #tpu.dot_dimension_numbers<[1], [0], [0], [1], [0, 0, 1, 1], [], []>, transpose_lhs_hint = false} : vector<56x56xf32>, vector<56x32xf32>, vector<56x32xf32> -> vector<56x32xf32>
    %get3A_66 = arith.constant 0 : index
    %get3A_67 = arith.constant 3 : index
    %get3A_68 = arith.constant 0 : index
    %get3A_69 = arith.constant 0 : index
    %get3A_70 = vector.load %arg1[%get3A_66, %get3A_67, %get3A_68, %get3A_69] : memref<1x38x56x56xf32, #tpu.memory_space<vmem>>, vector<1x1x56x56xf32>
    %get3A_71 = vector.shape_cast %get3A_70 : vector<1x1x56x56xf32> to vector<56x56xf32>
    %slice3A_72 = vector.extract_strided_slice %mul3A_40 {offsets = [168, 0], sizes = [56, 32], strides = [1, 1]} : vector<2128x32xf32> to vector<56x32xf32>
    %dot_general3A_73 = arith.constant dense<0.000000e+00> : vector<56x32xf32>
    %dot_general3A_74 = tpu.matmul %get3A_71, %slice3A_72, %dot_general3A_73 {dimension_numbers = #tpu.dot_dimension_numbers<[1], [0], [0], [1], [0, 0, 1, 1], [], []>, transpose_lhs_hint = false} : vector<56x56xf32>, vector<56x32xf32>, vector<56x32xf32> -> vector<56x32xf32>
    %get3A_75 = arith.constant 0 : index
    %get3A_76 = arith.constant 4 : index
    %get3A_77 = arith.constant 0 : index
    %get3A_78 = arith.constant 0 : index
    %get3A_79 = vector.load %arg1[%get3A_75, %get3A_76, %get3A_77, %get3A_78] : memref<1x38x56x56xf32, #tpu.memory_space<vmem>>, vector<1x1x56x56xf32>
    %get3A_80 = vector.shape_cast %get3A_79 : vector<1x1x56x56xf32> to vector<56x56xf32>
    %slice3A_81 = vector.extract_strided_slice %mul3A_40 {offsets = [224, 0], sizes = [56, 32], strides = [1, 1]} : vector<2128x32xf32> to vector<56x32xf32>
    %dot_general3A_82 = arith.constant dense<0.000000e+00> : vector<56x32xf32>
    %dot_general3A_83 = tpu.matmul %get3A_80, %slice3A_81, %dot_general3A_82 {dimension_numbers = #tpu.dot_dimension_numbers<[1], [0], [0], [1], [0, 0, 1, 1], [], []>, transpose_lhs_hint = false} : vector<56x56xf32>, vector<56x32xf32>, vector<56x32xf32> -> vector<56x32xf32>
    %get3A_84 = arith.constant 0 : index
    %get3A_85 = arith.constant 5 : index
    %get3A_86 = arith.constant 0 : index
    %get3A_87 = arith.constant 0 : index
    %get3A_88 = vector.load %arg1[%get3A_84, %get3A_85, %get3A_86, %get3A_87] : memref<1x38x56x56xf32, #tpu.memory_space<vmem>>, vector<1x1x56x56xf32>
    %get3A_89 = vector.shape_cast %get3A_88 : vector<1x1x56x56xf32> to vector<56x56xf32>
    %slice3A_90 = vector.extract_strided_slice %mul3A_40 {offsets = [280, 0], sizes = [56, 32], strides = [1, 1]} : vector<2128x32xf32> to vector<56x32xf32>
    %dot_general3A_91 = arith.constant dense<0.000000e+00> : vector<56x32xf32>
    %dot_general3A_92 = tpu.matmul %get3A_89, %slice3A_90, %dot_general3A_91 {dimension_numbers = #tpu.dot_dimension_numbers<[1], [0], [0], [1], [0, 0, 1, 1], [], []>, transpose_lhs_hint = false} : vector<56x56xf32>, vector<56x32xf32>, vector<56x32xf32> -> vector<56x32xf32>
    %get3A_93 = arith.constant 0 : index
    %get3A_94 = arith.constant 6 : index
    %get3A_95 = arith.constant 0 : index
    %get3A_96 = arith.constant 0 : index
    %get3A_97 = vector.load %arg1[%get3A_93, %get3A_94, %get3A_95, %get3A_96] : memref<1x38x56x56xf32, #tpu.memory_space<vmem>>, vector<1x1x56x56xf32>
    %get3A_98 = vector.shape_cast %get3A_97 : vector<1x1x56x56xf32> to vector<56x56xf32>
    %slice3A_99 = vector.extract_strided_slice %mul3A_40 {offsets = [336, 0], sizes = [56, 32], strides = [1, 1]} : vector<2128x32xf32> to vector<56x32xf32>
    %dot_general3A_100 = arith.constant dense<0.000000e+00> : vector<56x32xf32>
    %dot_general3A_101 = tpu.matmul %get3A_98, %slice3A_99, %dot_general3A_100 {dimension_numbers = #tpu.dot_dimension_numbers<[1], [0], [0], [1], [0, 0, 1, 1], [], []>, transpose_lhs_hint = false} : vector<56x56xf32>, vector<56x32xf32>, vector<56x32xf32> -> vector<56x32xf32>
    %get3A_102 = arith.constant 0 : index
    %get3A_103 = arith.constant 7 : index
    %get3A_104 = arith.constant 0 : index
    %get3A_105 = arith.constant 0 : index
    %get3A_106 = vector.load %arg1[%get3A_102, %get3A_103, %get3A_104, %get3A_105] : memref<1x38x56x56xf32, #tpu.memory_space<vmem>>, vector<1x1x56x56xf32>
    %get3A_107 = vector.shape_cast %get3A_106 : vector<1x1x56x56xf32> to vector<56x56xf32>
    %slice3A_108 = vector.extract_strided_slice %mul3A_40 {offsets = [392, 0], sizes = [56, 32], strides = [1, 1]} : vector<2128x32xf32> to vector<56x32xf32>
    %dot_general3A_109 = arith.constant dense<0.000000e+00> : vector<56x32xf32>
    %dot_general3A_110 = tpu.matmul %get3A_107, %slice3A_108, %dot_general3A_109 {dimension_numbers = #tpu.dot_dimension_numbers<[1], [0], [0], [1], [0, 0, 1, 1], [], []>, transpose_lhs_hint = false} : vector<56x56xf32>, vector<56x32xf32>, vector<56x32xf32> -> vector<56x32xf32>
    %get3A_111 = arith.constant 0 : index
    %get3A_112 = arith.constant 8 : index
    %get3A_113 = arith.constant 0 : index
    %get3A_114 = arith.constant 0 : index
    %get3A_115 = vector.load %arg1[%get3A_111, %get3A_112, %get3A_113, %get3A_114] : memref<1x38x56x56xf32, #tpu.memory_space<vmem>>, vector<1x1x56x56xf32>
    %get3A_116 = vector.shape_cast %get3A_115 : vector<1x1x56x56xf32> to vector<56x56xf32>
    %slice3A_117 = vector.extract_strided_slice %mul3A_40 {offsets = [448, 0], sizes = [56, 32], strides = [1, 1]} : vector<2128x32xf32> to vector<56x32xf32>
    %dot_general3A_118 = arith.constant dense<0.000000e+00> : vector<56x32xf32>
    %dot_general3A_119 = tpu.matmul %get3A_116, %slice3A_117, %dot_general3A_118 {dimension_numbers = #tpu.dot_dimension_numbers<[1], [0], [0], [1], [0, 0, 1, 1], [], []>, transpose_lhs_hint = false} : vector<56x56xf32>, vector<56x32xf32>, vector<56x32xf32> -> vector<56x32xf32>
    %get3A_120 = arith.constant 0 : index
    %get3A_121 = arith.constant 9 : index
    %get3A_122 = arith.constant 0 : index
    %get3A_123 = arith.constant 0 : index
    %get3A_124 = vector.load %arg1[%get3A_120, %get3A_121, %get3A_122, %get3A_123] : memref<1x38x56x56xf32, #tpu.memory_space<vmem>>, vector<1x1x56x56xf32>
    %get3A_125 = vector.shape_cast %get3A_124 : vector<1x1x56x56xf32> to vector<56x56xf32>
    %slice3A_126 = vector.extract_strided_slice %mul3A_40 {offsets = [504, 0], sizes = [56, 32], strides = [1, 1]} : vector<2128x32xf32> to vector<56x32xf32>
    %dot_general3A_127 = arith.constant dense<0.000000e+00> : vector<56x32xf32>
    %dot_general3A_128 = tpu.matmul %get3A_125, %slice3A_126, %dot_general3A_127 {dimension_numbers = #tpu.dot_dimension_numbers<[1], [0], [0], [1], [0, 0, 1, 1], [], []>, transpose_lhs_hint = false} : vector<56x56xf32>, vector<56x32xf32>, vector<56x32xf32> -> vector<56x32xf32>
    %get3A_129 = arith.constant 0 : index
    %get3A_130 = arith.constant 10 : index
    %get3A_131 = arith.constant 0 : index
    %get3A_132 = arith.constant 0 : index
    %get3A_133 = vector.load %arg1[%get3A_129, %get3A_130, %get3A_131, %get3A_132] : memref<1x38x56x56xf32, #tpu.memory_space<vmem>>, vector<1x1x56x56xf32>
    %get3A_134 = vector.shape_cast %get3A_133 : vector<1x1x56x56xf32> to vector<56x56xf32>
    %slice3A_135 = vector.extract_strided_slice %mul3A_40 {offsets = [560, 0], sizes = [56, 32], strides = [1, 1]} : vector<2128x32xf32> to vector<56x32xf32>
    %dot_general3A_136 = arith.constant dense<0.000000e+00> : vector<56x32xf32>
    %dot_general3A_137 = tpu.matmul %get3A_134, %slice3A_135, %dot_general3A_136 {dimension_numbers = #tpu.dot_dimension_numbers<[1], [0], [0], [1], [0, 0, 1, 1], [], []>, transpose_lhs_hint = false} : vector<56x56xf32>, vector<56x32xf32>, vector<56x32xf32> -> vector<56x32xf32>
    %get3A_138 = arith.constant 0 : index
    %get3A_139 = arith.constant 11 : index
    %get3A_140 = arith.constant 0 : index
    %get3A_141 = arith.constant 0 : index
    %get3A_142 = vector.load %arg1[%get3A_138, %get3A_139, %get3A_140, %get3A_141] : memref<1x38x56x56xf32, #tpu.memory_space<vmem>>, vector<1x1x56x56xf32>
    %get3A_143 = vector.shape_cast %get3A_142 : vector<1x1x56x56xf32> to vector<56x56xf32>
    %slice3A_144 = vector.extract_strided_slice %mul3A_40 {offsets = [616, 0], sizes = [56, 32], strides = [1, 1]} : vector<2128x32xf32> to vector<56x32xf32>
    %dot_general3A_145 = arith.constant dense<0.000000e+00> : vector<56x32xf32>
    %dot_general3A_146 = tpu.matmul %get3A_143, %slice3A_144, %dot_general3A_145 {dimension_numbers = #tpu.dot_dimension_numbers<[1], [0], [0], [1], [0, 0, 1, 1], [], []>, transpose_lhs_hint = false} : vector<56x56xf32>, vector<56x32xf32>, vector<56x32xf32> -> vector<56x32xf32>
    %get3A_147 = arith.constant 0 : index
    %get3A_148 = arith.constant 12 : index
    %get3A_149 = arith.constant 0 : index
    %get3A_150 = arith.constant 0 : index
    %get3A_151 = vector.load %arg1[%get3A_147, %get3A_148, %get3A_149, %get3A_150] : memref<1x38x56x56xf32, #tpu.memory_space<vmem>>, vector<1x1x56x56xf32>
    %get3A_152 = vector.shape_cast %get3A_151 : vector<1x1x56x56xf32> to vector<56x56xf32>
    %slice3A_153 = vector.extract_strided_slice %mul3A_40 {offsets = [672, 0], sizes = [56, 32], strides = [1, 1]} : vector<2128x32xf32> to vector<56x32xf32>
    %dot_general3A_154 = arith.constant dense<0.000000e+00> : vector<56x32xf32>
    %dot_general3A_155 = tpu.matmul %get3A_152, %slice3A_153, %dot_general3A_154 {dimension_numbers = #tpu.dot_dimension_numbers<[1], [0], [0], [1], [0, 0, 1, 1], [], []>, transpose_lhs_hint = false} : vector<56x56xf32>, vector<56x32xf32>, vector<56x32xf32> -> vector<56x32xf32>
    %get3A_156 = arith.constant 0 : index
    %get3A_157 = arith.constant 13 : index
    %get3A_158 = arith.constant 0 : index
    %get3A_159 = arith.constant 0 : index
    %get3A_160 = vector.load %arg1[%get3A_156, %get3A_157, %get3A_158, %get3A_159] : memref<1x38x56x56xf32, #tpu.memory_space<vmem>>, vector<1x1x56x56xf32>
    %get3A_161 = vector.shape_cast %get3A_160 : vector<1x1x56x56xf32> to vector<56x56xf32>
    %slice3A_162 = vector.extract_strided_slice %mul3A_40 {offsets = [728, 0], sizes = [56, 32], strides = [1, 1]} : vector<2128x32xf32> to vector<56x32xf32>
    %dot_general3A_163 = arith.constant dense<0.000000e+00> : vector<56x32xf32>
    %dot_general3A_164 = tpu.matmul %get3A_161, %slice3A_162, %dot_general3A_163 {dimension_numbers = #tpu.dot_dimension_numbers<[1], [0], [0], [1], [0, 0, 1, 1], [], []>, transpose_lhs_hint = false} : vector<56x56xf32>, vector<56x32xf32>, vector<56x32xf32> -> vector<56x32xf32>
    %get3A_165 = arith.constant 0 : index
    %get3A_166 = arith.constant 14 : index
    %get3A_167 = arith.constant 0 : index
    %get3A_168 = arith.constant 0 : index
    %get3A_169 = vector.load %arg1[%get3A_165, %get3A_166, %get3A_167, %get3A_168] : memref<1x38x56x56xf32, #tpu.memory_space<vmem>>, vector<1x1x56x56xf32>
    %get3A_170 = vector.shape_cast %get3A_169 : vector<1x1x56x56xf32> to vector<56x56xf32>
    %slice3A_171 = vector.extract_strided_slice %mul3A_40 {offsets = [784, 0], sizes = [56, 32], strides = [1, 1]} : vector<2128x32xf32> to vector<56x32xf32>
    %dot_general3A_172 = arith.constant dense<0.000000e+00> : vector<56x32xf32>
    %dot_general3A_173 = tpu.matmul %get3A_170, %slice3A_171, %dot_general3A_172 {dimension_numbers = #tpu.dot_dimension_numbers<[1], [0], [0], [1], [0, 0, 1, 1], [], []>, transpose_lhs_hint = false} : vector<56x56xf32>, vector<56x32xf32>, vector<56x32xf32> -> vector<56x32xf32>
    %get3A_174 = arith.constant 0 : index
    %get3A_175 = arith.constant 15 : index
    %get3A_176 = arith.constant 0 : index
    %get3A_177 = arith.constant 0 : index
    %get3A_178 = vector.load %arg1[%get3A_174, %get3A_175, %get3A_176, %get3A_177] : memref<1x38x56x56xf32, #tpu.memory_space<vmem>>, vector<1x1x56x56xf32>
    %get3A_179 = vector.shape_cast %get3A_178 : vector<1x1x56x56xf32> to vector<56x56xf32>
    %slice3A_180 = vector.extract_strided_slice %mul3A_40 {offsets = [840, 0], sizes = [56, 32], strides = [1, 1]} : vector<2128x32xf32> to vector<56x32xf32>
    %dot_general3A_181 = arith.constant dense<0.000000e+00> : vector<56x32xf32>
    %dot_general3A_182 = tpu.matmul %get3A_179, %slice3A_180, %dot_general3A_181 {dimension_numbers = #tpu.dot_dimension_numbers<[1], [0], [0], [1], [0, 0, 1, 1], [], []>, transpose_lhs_hint = false} : vector<56x56xf32>, vector<56x32xf32>, vector<56x32xf32> -> vector<56x32xf32>
    %get3A_183 = arith.constant 0 : index
    %get3A_184 = arith.constant 16 : index
    %get3A_185 = arith.constant 0 : index
    %get3A_186 = arith.constant 0 : index
    %get3A_187 = vector.load %arg1[%get3A_183, %get3A_184, %get3A_185, %get3A_186] : memref<1x38x56x56xf32, #tpu.memory_space<vmem>>, vector<1x1x56x56xf32>
    %get3A_188 = vector.shape_cast %get3A_187 : vector<1x1x56x56xf32> to vector<56x56xf32>
    %slice3A_189 = vector.extract_strided_slice %mul3A_40 {offsets = [896, 0], sizes = [56, 32], strides = [1, 1]} : vector<2128x32xf32> to vector<56x32xf32>
    %dot_general3A_190 = arith.constant dense<0.000000e+00> : vector<56x32xf32>
    %dot_general3A_191 = tpu.matmul %get3A_188, %slice3A_189, %dot_general3A_190 {dimension_numbers = #tpu.dot_dimension_numbers<[1], [0], [0], [1], [0, 0, 1, 1], [], []>, transpose_lhs_hint = false} : vector<56x56xf32>, vector<56x32xf32>, vector<56x32xf32> -> vector<56x32xf32>
    %get3A_192 = arith.constant 0 : index
    %get3A_193 = arith.constant 17 : index
    %get3A_194 = arith.constant 0 : index
    %get3A_195 = arith.constant 0 : index
    %get3A_196 = vector.load %arg1[%get3A_192, %get3A_193, %get3A_194, %get3A_195] : memref<1x38x56x56xf32, #tpu.memory_space<vmem>>, vector<1x1x56x56xf32>
    %get3A_197 = vector.shape_cast %get3A_196 : vector<1x1x56x56xf32> to vector<56x56xf32>
    %slice3A_198 = vector.extract_strided_slice %mul3A_40 {offsets = [952, 0], sizes = [56, 32], strides = [1, 1]} : vector<2128x32xf32> to vector<56x32xf32>
    %dot_general3A_199 = arith.constant dense<0.000000e+00> : vector<56x32xf32>
    %dot_general3A_200 = tpu.matmul %get3A_197, %slice3A_198, %dot_general3A_199 {dimension_numbers = #tpu.dot_dimension_numbers<[1], [0], [0], [1], [0, 0, 1, 1], [], []>, transpose_lhs_hint = false} : vector<56x56xf32>, vector<56x32xf32>, vector<56x32xf32> -> vector<56x32xf32>
    %get3A_201 = arith.constant 0 : index
    %get3A_202 = arith.constant 18 : index
    %get3A_203 = arith.constant 0 : index
    %get3A_204 = arith.constant 0 : index
    %get3A_205 = vector.load %arg1[%get3A_201, %get3A_202, %get3A_203, %get3A_204] : memref<1x38x56x56xf32, #tpu.memory_space<vmem>>, vector<1x1x56x56xf32>
    %get3A_206 = vector.shape_cast %get3A_205 : vector<1x1x56x56xf32> to vector<56x56xf32>
    %slice3A_207 = vector.extract_strided_slice %mul3A_40 {offsets = [1008, 0], sizes = [56, 32], strides = [1, 1]} : vector<2128x32xf32> to vector<56x32xf32>
    %dot_general3A_208 = arith.constant dense<0.000000e+00> : vector<56x32xf32>
    %dot_general3A_209 = tpu.matmul %get3A_206, %slice3A_207, %dot_general3A_208 {dimension_numbers = #tpu.dot_dimension_numbers<[1], [0], [0], [1], [0, 0, 1, 1], [], []>, transpose_lhs_hint = false} : vector<56x56xf32>, vector<56x32xf32>, vector<56x32xf32> -> vector<56x32xf32>
    %get3A_210 = arith.constant 0 : index
    %get3A_211 = arith.constant 19 : index
    %get3A_212 = arith.constant 0 : index
    %get3A_213 = arith.constant 0 : index
    %get3A_214 = vector.load %arg1[%get3A_210, %get3A_211, %get3A_212, %get3A_213] : memref<1x38x56x56xf32, #tpu.memory_space<vmem>>, vector<1x1x56x56xf32>
    %get3A_215 = vector.shape_cast %get3A_214 : vector<1x1x56x56xf32> to vector<56x56xf32>
    %slice3A_216 = vector.extract_strided_slice %mul3A_40 {offsets = [1064, 0], sizes = [56, 32], strides = [1, 1]} : vector<2128x32xf32> to vector<56x32xf32>
    %dot_general3A_217 = arith.constant dense<0.000000e+00> : vector<56x32xf32>
    %dot_general3A_218 = tpu.matmul %get3A_215, %slice3A_216, %dot_general3A_217 {dimension_numbers = #tpu.dot_dimension_numbers<[1], [0], [0], [1], [0, 0, 1, 1], [], []>, transpose_lhs_hint = false} : vector<56x56xf32>, vector<56x32xf32>, vector<56x32xf32> -> vector<56x32xf32>
    %get3A_219 = arith.constant 0 : index
    %get3A_220 = arith.constant 20 : index
    %get3A_221 = arith.constant 0 : index
    %get3A_222 = arith.constant 0 : index
    %get3A_223 = vector.load %arg1[%get3A_219, %get3A_220, %get3A_221, %get3A_222] : memref<1x38x56x56xf32, #tpu.memory_space<vmem>>, vector<1x1x56x56xf32>
    %get3A_224 = vector.shape_cast %get3A_223 : vector<1x1x56x56xf32> to vector<56x56xf32>
    %slice3A_225 = vector.extract_strided_slice %mul3A_40 {offsets = [1120, 0], sizes = [56, 32], strides = [1, 1]} : vector<2128x32xf32> to vector<56x32xf32>
    %dot_general3A_226 = arith.constant dense<0.000000e+00> : vector<56x32xf32>
    %dot_general3A_227 = tpu.matmul %get3A_224, %slice3A_225, %dot_general3A_226 {dimension_numbers = #tpu.dot_dimension_numbers<[1], [0], [0], [1], [0, 0, 1, 1], [], []>, transpose_lhs_hint = false} : vector<56x56xf32>, vector<56x32xf32>, vector<56x32xf32> -> vector<56x32xf32>
    %get3A_228 = arith.constant 0 : index
    %get3A_229 = arith.constant 21 : index
    %get3A_230 = arith.constant 0 : index
    %get3A_231 = arith.constant 0 : index
    %get3A_232 = vector.load %arg1[%get3A_228, %get3A_229, %get3A_230, %get3A_231] : memref<1x38x56x56xf32, #tpu.memory_space<vmem>>, vector<1x1x56x56xf32>
    %get3A_233 = vector.shape_cast %get3A_232 : vector<1x1x56x56xf32> to vector<56x56xf32>
    %slice3A_234 = vector.extract_strided_slice %mul3A_40 {offsets = [1176, 0], sizes = [56, 32], strides = [1, 1]} : vector<2128x32xf32> to vector<56x32xf32>
    %dot_general3A_235 = arith.constant dense<0.000000e+00> : vector<56x32xf32>
    %dot_general3A_236 = tpu.matmul %get3A_233, %slice3A_234, %dot_general3A_235 {dimension_numbers = #tpu.dot_dimension_numbers<[1], [0], [0], [1], [0, 0, 1, 1], [], []>, transpose_lhs_hint = false} : vector<56x56xf32>, vector<56x32xf32>, vector<56x32xf32> -> vector<56x32xf32>
    %get3A_237 = arith.constant 0 : index
    %get3A_238 = arith.constant 22 : index
    %get3A_239 = arith.constant 0 : index
    %get3A_240 = arith.constant 0 : index
    %get3A_241 = vector.load %arg1[%get3A_237, %get3A_238, %get3A_239, %get3A_240] : memref<1x38x56x56xf32, #tpu.memory_space<vmem>>, vector<1x1x56x56xf32>
    %get3A_242 = vector.shape_cast %get3A_241 : vector<1x1x56x56xf32> to vector<56x56xf32>
    %slice3A_243 = vector.extract_strided_slice %mul3A_40 {offsets = [1232, 0], sizes = [56, 32], strides = [1, 1]} : vector<2128x32xf32> to vector<56x32xf32>
    %dot_general3A_244 = arith.constant dense<0.000000e+00> : vector<56x32xf32>
    %dot_general3A_245 = tpu.matmul %get3A_242, %slice3A_243, %dot_general3A_244 {dimension_numbers = #tpu.dot_dimension_numbers<[1], [0], [0], [1], [0, 0, 1, 1], [], []>, transpose_lhs_hint = false} : vector<56x56xf32>, vector<56x32xf32>, vector<56x32xf32> -> vector<56x32xf32>
    %get3A_246 = arith.constant 0 : index
    %get3A_247 = arith.constant 23 : index
    %get3A_248 = arith.constant 0 : index
    %get3A_249 = arith.constant 0 : index
    %get3A_250 = vector.load %arg1[%get3A_246, %get3A_247, %get3A_248, %get3A_249] : memref<1x38x56x56xf32, #tpu.memory_space<vmem>>, vector<1x1x56x56xf32>
    %get3A_251 = vector.shape_cast %get3A_250 : vector<1x1x56x56xf32> to vector<56x56xf32>
    %slice3A_252 = vector.extract_strided_slice %mul3A_40 {offsets = [1288, 0], sizes = [56, 32], strides = [1, 1]} : vector<2128x32xf32> to vector<56x32xf32>
    %dot_general3A_253 = arith.constant dense<0.000000e+00> : vector<56x32xf32>
    %dot_general3A_254 = tpu.matmul %get3A_251, %slice3A_252, %dot_general3A_253 {dimension_numbers = #tpu.dot_dimension_numbers<[1], [0], [0], [1], [0, 0, 1, 1], [], []>, transpose_lhs_hint = false} : vector<56x56xf32>, vector<56x32xf32>, vector<56x32xf32> -> vector<56x32xf32>
    %get3A_255 = arith.constant 0 : index
    %get3A_256 = arith.constant 24 : index
    %get3A_257 = arith.constant 0 : index
    %get3A_258 = arith.constant 0 : index
    %get3A_259 = vector.load %arg1[%get3A_255, %get3A_256, %get3A_257, %get3A_258] : memref<1x38x56x56xf32, #tpu.memory_space<vmem>>, vector<1x1x56x56xf32>
    %get3A_260 = vector.shape_cast %get3A_259 : vector<1x1x56x56xf32> to vector<56x56xf32>
    %slice3A_261 = vector.extract_strided_slice %mul3A_40 {offsets = [1344, 0], sizes = [56, 32], strides = [1, 1]} : vector<2128x32xf32> to vector<56x32xf32>
    %dot_general3A_262 = arith.constant dense<0.000000e+00> : vector<56x32xf32>
    %dot_general3A_263 = tpu.matmul %get3A_260, %slice3A_261, %dot_general3A_262 {dimension_numbers = #tpu.dot_dimension_numbers<[1], [0], [0], [1], [0, 0, 1, 1], [], []>, transpose_lhs_hint = false} : vector<56x56xf32>, vector<56x32xf32>, vector<56x32xf32> -> vector<56x32xf32>
    %get3A_264 = arith.constant 0 : index
    %get3A_265 = arith.constant 25 : index
    %get3A_266 = arith.constant 0 : index
    %get3A_267 = arith.constant 0 : index
    %get3A_268 = vector.load %arg1[%get3A_264, %get3A_265, %get3A_266, %get3A_267] : memref<1x38x56x56xf32, #tpu.memory_space<vmem>>, vector<1x1x56x56xf32>
    %get3A_269 = vector.shape_cast %get3A_268 : vector<1x1x56x56xf32> to vector<56x56xf32>
    %slice3A_270 = vector.extract_strided_slice %mul3A_40 {offsets = [1400, 0], sizes = [56, 32], strides = [1, 1]} : vector<2128x32xf32> to vector<56x32xf32>
    %dot_general3A_271 = arith.constant dense<0.000000e+00> : vector<56x32xf32>
    %dot_general3A_272 = tpu.matmul %get3A_269, %slice3A_270, %dot_general3A_271 {dimension_numbers = #tpu.dot_dimension_numbers<[1], [0], [0], [1], [0, 0, 1, 1], [], []>, transpose_lhs_hint = false} : vector<56x56xf32>, vector<56x32xf32>, vector<56x32xf32> -> vector<56x32xf32>
    %get3A_273 = arith.constant 0 : index
    %get3A_274 = arith.constant 26 : index
    %get3A_275 = arith.constant 0 : index
    %get3A_276 = arith.constant 0 : index
    %get3A_277 = vector.load %arg1[%get3A_273, %get3A_274, %get3A_275, %get3A_276] : memref<1x38x56x56xf32, #tpu.memory_space<vmem>>, vector<1x1x56x56xf32>
    %get3A_278 = vector.shape_cast %get3A_277 : vector<1x1x56x56xf32> to vector<56x56xf32>
    %slice3A_279 = vector.extract_strided_slice %mul3A_40 {offsets = [1456, 0], sizes = [56, 32], strides = [1, 1]} : vector<2128x32xf32> to vector<56x32xf32>
    %dot_general3A_280 = arith.constant dense<0.000000e+00> : vector<56x32xf32>
    %dot_general3A_281 = tpu.matmul %get3A_278, %slice3A_279, %dot_general3A_280 {dimension_numbers = #tpu.dot_dimension_numbers<[1], [0], [0], [1], [0, 0, 1, 1], [], []>, transpose_lhs_hint = false} : vector<56x56xf32>, vector<56x32xf32>, vector<56x32xf32> -> vector<56x32xf32>
    %get3A_282 = arith.constant 0 : index
    %get3A_283 = arith.constant 27 : index
    %get3A_284 = arith.constant 0 : index
    %get3A_285 = arith.constant 0 : index
    %get3A_286 = vector.load %arg1[%get3A_282, %get3A_283, %get3A_284, %get3A_285] : memref<1x38x56x56xf32, #tpu.memory_space<vmem>>, vector<1x1x56x56xf32>
    %get3A_287 = vector.shape_cast %get3A_286 : vector<1x1x56x56xf32> to vector<56x56xf32>
    %slice3A_288 = vector.extract_strided_slice %mul3A_40 {offsets = [1512, 0], sizes = [56, 32], strides = [1, 1]} : vector<2128x32xf32> to vector<56x32xf32>
    %dot_general3A_289 = arith.constant dense<0.000000e+00> : vector<56x32xf32>
    %dot_general3A_290 = tpu.matmul %get3A_287, %slice3A_288, %dot_general3A_289 {dimension_numbers = #tpu.dot_dimension_numbers<[1], [0], [0], [1], [0, 0, 1, 1], [], []>, transpose_lhs_hint = false} : vector<56x56xf32>, vector<56x32xf32>, vector<56x32xf32> -> vector<56x32xf32>
    %get3A_291 = arith.constant 0 : index
    %get3A_292 = arith.constant 28 : index
    %get3A_293 = arith.constant 0 : index
    %get3A_294 = arith.constant 0 : index
    %get3A_295 = vector.load %arg1[%get3A_291, %get3A_292, %get3A_293, %get3A_294] : memref<1x38x56x56xf32, #tpu.memory_space<vmem>>, vector<1x1x56x56xf32>
    %get3A_296 = vector.shape_cast %get3A_295 : vector<1x1x56x56xf32> to vector<56x56xf32>
    %slice3A_297 = vector.extract_strided_slice %mul3A_40 {offsets = [1568, 0], sizes = [56, 32], strides = [1, 1]} : vector<2128x32xf32> to vector<56x32xf32>
    %dot_general3A_298 = arith.constant dense<0.000000e+00> : vector<56x32xf32>
    %dot_general3A_299 = tpu.matmul %get3A_296, %slice3A_297, %dot_general3A_298 {dimension_numbers = #tpu.dot_dimension_numbers<[1], [0], [0], [1], [0, 0, 1, 1], [], []>, transpose_lhs_hint = false} : vector<56x56xf32>, vector<56x32xf32>, vector<56x32xf32> -> vector<56x32xf32>
    %get3A_300 = arith.constant 0 : index
    %get3A_301 = arith.constant 29 : index
    %get3A_302 = arith.constant 0 : index
    %get3A_303 = arith.constant 0 : index
    %get3A_304 = vector.load %arg1[%get3A_300, %get3A_301, %get3A_302, %get3A_303] : memref<1x38x56x56xf32, #tpu.memory_space<vmem>>, vector<1x1x56x56xf32>
    %get3A_305 = vector.shape_cast %get3A_304 : vector<1x1x56x56xf32> to vector<56x56xf32>
    %slice3A_306 = vector.extract_strided_slice %mul3A_40 {offsets = [1624, 0], sizes = [56, 32], strides = [1, 1]} : vector<2128x32xf32> to vector<56x32xf32>
    %dot_general3A_307 = arith.constant dense<0.000000e+00> : vector<56x32xf32>
    %dot_general3A_308 = tpu.matmul %get3A_305, %slice3A_306, %dot_general3A_307 {dimension_numbers = #tpu.dot_dimension_numbers<[1], [0], [0], [1], [0, 0, 1, 1], [], []>, transpose_lhs_hint = false} : vector<56x56xf32>, vector<56x32xf32>, vector<56x32xf32> -> vector<56x32xf32>
    %get3A_309 = arith.constant 0 : index
    %get3A_310 = arith.constant 30 : index
    %get3A_311 = arith.constant 0 : index
    %get3A_312 = arith.constant 0 : index
    %get3A_313 = vector.load %arg1[%get3A_309, %get3A_310, %get3A_311, %get3A_312] : memref<1x38x56x56xf32, #tpu.memory_space<vmem>>, vector<1x1x56x56xf32>
    %get3A_314 = vector.shape_cast %get3A_313 : vector<1x1x56x56xf32> to vector<56x56xf32>
    %slice3A_315 = vector.extract_strided_slice %mul3A_40 {offsets = [1680, 0], sizes = [56, 32], strides = [1, 1]} : vector<2128x32xf32> to vector<56x32xf32>
    %dot_general3A_316 = arith.constant dense<0.000000e+00> : vector<56x32xf32>
    %dot_general3A_317 = tpu.matmul %get3A_314, %slice3A_315, %dot_general3A_316 {dimension_numbers = #tpu.dot_dimension_numbers<[1], [0], [0], [1], [0, 0, 1, 1], [], []>, transpose_lhs_hint = false} : vector<56x56xf32>, vector<56x32xf32>, vector<56x32xf32> -> vector<56x32xf32>
    %get3A_318 = arith.constant 0 : index
    %get3A_319 = arith.constant 31 : index
    %get3A_320 = arith.constant 0 : index
    %get3A_321 = arith.constant 0 : index
    %get3A_322 = vector.load %arg1[%get3A_318, %get3A_319, %get3A_320, %get3A_321] : memref<1x38x56x56xf32, #tpu.memory_space<vmem>>, vector<1x1x56x56xf32>
    %get3A_323 = vector.shape_cast %get3A_322 : vector<1x1x56x56xf32> to vector<56x56xf32>
    %slice3A_324 = vector.extract_strided_slice %mul3A_40 {offsets = [1736, 0], sizes = [56, 32], strides = [1, 1]} : vector<2128x32xf32> to vector<56x32xf32>
    %dot_general3A_325 = arith.constant dense<0.000000e+00> : vector<56x32xf32>
    %dot_general3A_326 = tpu.matmul %get3A_323, %slice3A_324, %dot_general3A_325 {dimension_numbers = #tpu.dot_dimension_numbers<[1], [0], [0], [1], [0, 0, 1, 1], [], []>, transpose_lhs_hint = false} : vector<56x56xf32>, vector<56x32xf32>, vector<56x32xf32> -> vector<56x32xf32>
    %get3A_327 = arith.constant 0 : index
    %get3A_328 = arith.constant 32 : index
    %get3A_329 = arith.constant 0 : index
    %get3A_330 = arith.constant 0 : index
    %get3A_331 = vector.load %arg1[%get3A_327, %get3A_328, %get3A_329, %get3A_330] : memref<1x38x56x56xf32, #tpu.memory_space<vmem>>, vector<1x1x56x56xf32>
    %get3A_332 = vector.shape_cast %get3A_331 : vector<1x1x56x56xf32> to vector<56x56xf32>
    %slice3A_333 = vector.extract_strided_slice %mul3A_40 {offsets = [1792, 0], sizes = [56, 32], strides = [1, 1]} : vector<2128x32xf32> to vector<56x32xf32>
    %dot_general3A_334 = arith.constant dense<0.000000e+00> : vector<56x32xf32>
    %dot_general3A_335 = tpu.matmul %get3A_332, %slice3A_333, %dot_general3A_334 {dimension_numbers = #tpu.dot_dimension_numbers<[1], [0], [0], [1], [0, 0, 1, 1], [], []>, transpose_lhs_hint = false} : vector<56x56xf32>, vector<56x32xf32>, vector<56x32xf32> -> vector<56x32xf32>
    %get3A_336 = arith.constant 0 : index
    %get3A_337 = arith.constant 33 : index
    %get3A_338 = arith.constant 0 : index
    %get3A_339 = arith.constant 0 : index
    %get3A_340 = vector.load %arg1[%get3A_336, %get3A_337, %get3A_338, %get3A_339] : memref<1x38x56x56xf32, #tpu.memory_space<vmem>>, vector<1x1x56x56xf32>
    %get3A_341 = vector.shape_cast %get3A_340 : vector<1x1x56x56xf32> to vector<56x56xf32>
    %slice3A_342 = vector.extract_strided_slice %mul3A_40 {offsets = [1848, 0], sizes = [56, 32], strides = [1, 1]} : vector<2128x32xf32> to vector<56x32xf32>
    %dot_general3A_343 = arith.constant dense<0.000000e+00> : vector<56x32xf32>
    %dot_general3A_344 = tpu.matmul %get3A_341, %slice3A_342, %dot_general3A_343 {dimension_numbers = #tpu.dot_dimension_numbers<[1], [0], [0], [1], [0, 0, 1, 1], [], []>, transpose_lhs_hint = false} : vector<56x56xf32>, vector<56x32xf32>, vector<56x32xf32> -> vector<56x32xf32>
    %get3A_345 = arith.constant 0 : index
    %get3A_346 = arith.constant 34 : index
    %get3A_347 = arith.constant 0 : index
    %get3A_348 = arith.constant 0 : index
    %get3A_349 = vector.load %arg1[%get3A_345, %get3A_346, %get3A_347, %get3A_348] : memref<1x38x56x56xf32, #tpu.memory_space<vmem>>, vector<1x1x56x56xf32>
    %get3A_350 = vector.shape_cast %get3A_349 : vector<1x1x56x56xf32> to vector<56x56xf32>
    %slice3A_351 = vector.extract_strided_slice %mul3A_40 {offsets = [1904, 0], sizes = [56, 32], strides = [1, 1]} : vector<2128x32xf32> to vector<56x32xf32>
    %dot_general3A_352 = arith.constant dense<0.000000e+00> : vector<56x32xf32>
    %dot_general3A_353 = tpu.matmul %get3A_350, %slice3A_351, %dot_general3A_352 {dimension_numbers = #tpu.dot_dimension_numbers<[1], [0], [0], [1], [0, 0, 1, 1], [], []>, transpose_lhs_hint = false} : vector<56x56xf32>, vector<56x32xf32>, vector<56x32xf32> -> vector<56x32xf32>
    %get3A_354 = arith.constant 0 : index
    %get3A_355 = arith.constant 35 : index
    %get3A_356 = arith.constant 0 : index
    %get3A_357 = arith.constant 0 : index
    %get3A_358 = vector.load %arg1[%get3A_354, %get3A_355, %get3A_356, %get3A_357] : memref<1x38x56x56xf32, #tpu.memory_space<vmem>>, vector<1x1x56x56xf32>
    %get3A_359 = vector.shape_cast %get3A_358 : vector<1x1x56x56xf32> to vector<56x56xf32>
    %slice3A_360 = vector.extract_strided_slice %mul3A_40 {offsets = [1960, 0], sizes = [56, 32], strides = [1, 1]} : vector<2128x32xf32> to vector<56x32xf32>
    %dot_general3A_361 = arith.constant dense<0.000000e+00> : vector<56x32xf32>
    %dot_general3A_362 = tpu.matmul %get3A_359, %slice3A_360, %dot_general3A_361 {dimension_numbers = #tpu.dot_dimension_numbers<[1], [0], [0], [1], [0, 0, 1, 1], [], []>, transpose_lhs_hint = false} : vector<56x56xf32>, vector<56x32xf32>, vector<56x32xf32> -> vector<56x32xf32>
    %get3A_363 = arith.constant 0 : index
    %get3A_364 = arith.constant 36 : index
    %get3A_365 = arith.constant 0 : index
    %get3A_366 = arith.constant 0 : index
    %get3A_367 = vector.load %arg1[%get3A_363, %get3A_364, %get3A_365, %get3A_366] : memref<1x38x56x56xf32, #tpu.memory_space<vmem>>, vector<1x1x56x56xf32>
    %get3A_368 = vector.shape_cast %get3A_367 : vector<1x1x56x56xf32> to vector<56x56xf32>
    %slice3A_369 = vector.extract_strided_slice %mul3A_40 {offsets = [2016, 0], sizes = [56, 32], strides = [1, 1]} : vector<2128x32xf32> to vector<56x32xf32>
    %dot_general3A_370 = arith.constant dense<0.000000e+00> : vector<56x32xf32>
    %dot_general3A_371 = tpu.matmul %get3A_368, %slice3A_369, %dot_general3A_370 {dimension_numbers = #tpu.dot_dimension_numbers<[1], [0], [0], [1], [0, 0, 1, 1], [], []>, transpose_lhs_hint = false} : vector<56x56xf32>, vector<56x32xf32>, vector<56x32xf32> -> vector<56x32xf32>
    %get3A_372 = arith.constant 0 : index
    %get3A_373 = arith.constant 37 : index
    %get3A_374 = arith.constant 0 : index
    %get3A_375 = arith.constant 0 : index
    %get3A_376 = vector.load %arg1[%get3A_372, %get3A_373, %get3A_374, %get3A_375] : memref<1x38x56x56xf32, #tpu.memory_space<vmem>>, vector<1x1x56x56xf32>
    %get3A_377 = vector.shape_cast %get3A_376 : vector<1x1x56x56xf32> to vector<56x56xf32>
    %slice3A_378 = vector.extract_strided_slice %mul3A_40 {offsets = [2072, 0], sizes = [56, 32], strides = [1, 1]} : vector<2128x32xf32> to vector<56x32xf32>
    %dot_general3A_379 = arith.constant dense<0.000000e+00> : vector<56x32xf32>
    %dot_general3A_380 = tpu.matmul %get3A_377, %slice3A_378, %dot_general3A_379 {dimension_numbers = #tpu.dot_dimension_numbers<[1], [0], [0], [1], [0, 0, 1, 1], [], []>, transpose_lhs_hint = false} : vector<56x56xf32>, vector<56x32xf32>, vector<56x32xf32> -> vector<56x32xf32>
    %concatenate3A = tpu.concatenate %dot_general3A_47, %dot_general3A_56, %dot_general3A_65, %dot_general3A_74, %dot_general3A_83, %dot_general3A_92, %dot_general3A_101, %dot_general3A_110, %dot_general3A_119, %dot_general3A_128, %dot_general3A_137, %dot_general3A_146, %dot_general3A_155, %dot_general3A_164, %dot_general3A_173, %dot_general3A_182, %dot_general3A_191, %dot_general3A_200, %dot_general3A_209, %dot_general3A_218, %dot_general3A_227, %dot_general3A_236, %dot_general3A_245, %dot_general3A_254, %dot_general3A_263, %dot_general3A_272, %dot_general3A_281, %dot_general3A_290, %dot_general3A_299, %dot_general3A_308, %dot_general3A_317, %dot_general3A_326, %dot_general3A_335, %dot_general3A_344, %dot_general3A_353, %dot_general3A_362, %dot_general3A_371, %dot_general3A_380 in 0 : vector<56x32xf32>, vector<56x32xf32>, vector<56x32xf32>, vector<56x32xf32>, vector<56x32xf32>, vector<56x32xf32>, vector<56x32xf32>, vector<56x32xf32>, vector<56x32xf32>, vector<56x32xf32>, vector<56x32xf32>, vector<56x32xf32>, vector<56x32xf32>, vector<56x32xf32>, vector<56x32xf32>, vector<56x32xf32>, vector<56x32xf32>, vector<56x32xf32>, vector<56x32xf32>, vector<56x32xf32>, vector<56x32xf32>, vector<56x32xf32>, vector<56x32xf32>, vector<56x32xf32>, vector<56x32xf32>, vector<56x32xf32>, vector<56x32xf32>, vector<56x32xf32>, vector<56x32xf32>, vector<56x32xf32>, vector<56x32xf32>, vector<56x32xf32>, vector<56x32xf32>, vector<56x32xf32>, vector<56x32xf32>, vector<56x32xf32>, vector<56x32xf32>, vector<56x32xf32> -> vector<2128x32xf32>
    %mul3A_381 = vector.broadcast %neg3A_39 : vector<2128x1xf32> to vector<2128x32xf32>
    %mul3A_382 = arith.mulf %mul3A_381, %concatenate3A : vector<2128x32xf32>
    %mul3A_383 = vector.broadcast %select_n3A_37 : vector<2128x1xf32> to vector<2128x32xf32>
    %mul3A_384 = arith.mulf %mul3A_383, %mul3A_382 : vector<2128x32xf32>
    %get3A_385 = arith.constant 0 : index
    %get3A_386 = arith.constant 0 : index
    %get3A_387 = arith.constant 0 : index
    %get3A_388 = arith.constant 0 : index
    %get3A_389 = vector.load %arg1[%get3A_385, %get3A_386, %get3A_387, %get3A_388] : memref<1x38x56x56xf32, #tpu.memory_space<vmem>>, vector<1x1x56x56xf32>
    %get3A_390 = vector.shape_cast %get3A_389 : vector<1x1x56x56xf32> to vector<56x56xf32>
    %slice3A_391 = vector.extract_strided_slice %mul3A_384 {offsets = [0, 0], sizes = [56, 32], strides = [1, 1]} : vector<2128x32xf32> to vector<56x32xf32>
    %dot_general3A_392 = arith.constant dense<0.000000e+00> : vector<56x32xf32>
    %dot_general3A_393 = tpu.matmul %get3A_390, %slice3A_391, %dot_general3A_392 {dimension_numbers = #tpu.dot_dimension_numbers<[1], [0], [0], [1], [0, 0, 1, 1], [], []>, transpose_lhs_hint = false} : vector<56x56xf32>, vector<56x32xf32>, vector<56x32xf32> -> vector<56x32xf32>
    %get3A_394 = arith.constant 0 : index
    %get3A_395 = arith.constant 1 : index
    %get3A_396 = arith.constant 0 : index
    %get3A_397 = arith.constant 0 : index
    %get3A_398 = vector.load %arg1[%get3A_394, %get3A_395, %get3A_396, %get3A_397] : memref<1x38x56x56xf32, #tpu.memory_space<vmem>>, vector<1x1x56x56xf32>
    %get3A_399 = vector.shape_cast %get3A_398 : vector<1x1x56x56xf32> to vector<56x56xf32>
    %slice3A_400 = vector.extract_strided_slice %mul3A_384 {offsets = [56, 0], sizes = [56, 32], strides = [1, 1]} : vector<2128x32xf32> to vector<56x32xf32>
    %dot_general3A_401 = arith.constant dense<0.000000e+00> : vector<56x32xf32>
    %dot_general3A_402 = tpu.matmul %get3A_399, %slice3A_400, %dot_general3A_401 {dimension_numbers = #tpu.dot_dimension_numbers<[1], [0], [0], [1], [0, 0, 1, 1], [], []>, transpose_lhs_hint = false} : vector<56x56xf32>, vector<56x32xf32>, vector<56x32xf32> -> vector<56x32xf32>
    %get3A_403 = arith.constant 0 : index
    %get3A_404 = arith.constant 2 : index
    %get3A_405 = arith.constant 0 : index
    %get3A_406 = arith.constant 0 : index
    %get3A_407 = vector.load %arg1[%get3A_403, %get3A_404, %get3A_405, %get3A_406] : memref<1x38x56x56xf32, #tpu.memory_space<vmem>>, vector<1x1x56x56xf32>
    %get3A_408 = vector.shape_cast %get3A_407 : vector<1x1x56x56xf32> to vector<56x56xf32>
    %slice3A_409 = vector.extract_strided_slice %mul3A_384 {offsets = [112, 0], sizes = [56, 32], strides = [1, 1]} : vector<2128x32xf32> to vector<56x32xf32>
    %dot_general3A_410 = arith.constant dense<0.000000e+00> : vector<56x32xf32>
    %dot_general3A_411 = tpu.matmul %get3A_408, %slice3A_409, %dot_general3A_410 {dimension_numbers = #tpu.dot_dimension_numbers<[1], [0], [0], [1], [0, 0, 1, 1], [], []>, transpose_lhs_hint = false} : vector<56x56xf32>, vector<56x32xf32>, vector<56x32xf32> -> vector<56x32xf32>
    %get3A_412 = arith.constant 0 : index
    %get3A_413 = arith.constant 3 : index
    %get3A_414 = arith.constant 0 : index
    %get3A_415 = arith.constant 0 : index
    %get3A_416 = vector.load %arg1[%get3A_412, %get3A_413, %get3A_414, %get3A_415] : memref<1x38x56x56xf32, #tpu.memory_space<vmem>>, vector<1x1x56x56xf32>
    %get3A_417 = vector.shape_cast %get3A_416 : vector<1x1x56x56xf32> to vector<56x56xf32>
    %slice3A_418 = vector.extract_strided_slice %mul3A_384 {offsets = [168, 0], sizes = [56, 32], strides = [1, 1]} : vector<2128x32xf32> to vector<56x32xf32>
    %dot_general3A_419 = arith.constant dense<0.000000e+00> : vector<56x32xf32>
    %dot_general3A_420 = tpu.matmul %get3A_417, %slice3A_418, %dot_general3A_419 {dimension_numbers = #tpu.dot_dimension_numbers<[1], [0], [0], [1], [0, 0, 1, 1], [], []>, transpose_lhs_hint = false} : vector<56x56xf32>, vector<56x32xf32>, vector<56x32xf32> -> vector<56x32xf32>
    %get3A_421 = arith.constant 0 : index
    %get3A_422 = arith.constant 4 : index
    %get3A_423 = arith.constant 0 : index
    %get3A_424 = arith.constant 0 : index
    %get3A_425 = vector.load %arg1[%get3A_421, %get3A_422, %get3A_423, %get3A_424] : memref<1x38x56x56xf32, #tpu.memory_space<vmem>>, vector<1x1x56x56xf32>
    %get3A_426 = vector.shape_cast %get3A_425 : vector<1x1x56x56xf32> to vector<56x56xf32>
    %slice3A_427 = vector.extract_strided_slice %mul3A_384 {offsets = [224, 0], sizes = [56, 32], strides = [1, 1]} : vector<2128x32xf32> to vector<56x32xf32>
    %dot_general3A_428 = arith.constant dense<0.000000e+00> : vector<56x32xf32>
    %dot_general3A_429 = tpu.matmul %get3A_426, %slice3A_427, %dot_general3A_428 {dimension_numbers = #tpu.dot_dimension_numbers<[1], [0], [0], [1], [0, 0, 1, 1], [], []>, transpose_lhs_hint = false} : vector<56x56xf32>, vector<56x32xf32>, vector<56x32xf32> -> vector<56x32xf32>
    %get3A_430 = arith.constant 0 : index
    %get3A_431 = arith.constant 5 : index
    %get3A_432 = arith.constant 0 : index
    %get3A_433 = arith.constant 0 : index
    %get3A_434 = vector.load %arg1[%get3A_430, %get3A_431, %get3A_432, %get3A_433] : memref<1x38x56x56xf32, #tpu.memory_space<vmem>>, vector<1x1x56x56xf32>
    %get3A_435 = vector.shape_cast %get3A_434 : vector<1x1x56x56xf32> to vector<56x56xf32>
    %slice3A_436 = vector.extract_strided_slice %mul3A_384 {offsets = [280, 0], sizes = [56, 32], strides = [1, 1]} : vector<2128x32xf32> to vector<56x32xf32>
    %dot_general3A_437 = arith.constant dense<0.000000e+00> : vector<56x32xf32>
    %dot_general3A_438 = tpu.matmul %get3A_435, %slice3A_436, %dot_general3A_437 {dimension_numbers = #tpu.dot_dimension_numbers<[1], [0], [0], [1], [0, 0, 1, 1], [], []>, transpose_lhs_hint = false} : vector<56x56xf32>, vector<56x32xf32>, vector<56x32xf32> -> vector<56x32xf32>
    %get3A_439 = arith.constant 0 : index
    %get3A_440 = arith.constant 6 : index
    %get3A_441 = arith.constant 0 : index
    %get3A_442 = arith.constant 0 : index
    %get3A_443 = vector.load %arg1[%get3A_439, %get3A_440, %get3A_441, %get3A_442] : memref<1x38x56x56xf32, #tpu.memory_space<vmem>>, vector<1x1x56x56xf32>
    %get3A_444 = vector.shape_cast %get3A_443 : vector<1x1x56x56xf32> to vector<56x56xf32>
    %slice3A_445 = vector.extract_strided_slice %mul3A_384 {offsets = [336, 0], sizes = [56, 32], strides = [1, 1]} : vector<2128x32xf32> to vector<56x32xf32>
    %dot_general3A_446 = arith.constant dense<0.000000e+00> : vector<56x32xf32>
    %dot_general3A_447 = tpu.matmul %get3A_444, %slice3A_445, %dot_general3A_446 {dimension_numbers = #tpu.dot_dimension_numbers<[1], [0], [0], [1], [0, 0, 1, 1], [], []>, transpose_lhs_hint = false} : vector<56x56xf32>, vector<56x32xf32>, vector<56x32xf32> -> vector<56x32xf32>
    %get3A_448 = arith.constant 0 : index
    %get3A_449 = arith.constant 7 : index
    %get3A_450 = arith.constant 0 : index
    %get3A_451 = arith.constant 0 : index
    %get3A_452 = vector.load %arg1[%get3A_448, %get3A_449, %get3A_450, %get3A_451] : memref<1x38x56x56xf32, #tpu.memory_space<vmem>>, vector<1x1x56x56xf32>
    %get3A_453 = vector.shape_cast %get3A_452 : vector<1x1x56x56xf32> to vector<56x56xf32>
    %slice3A_454 = vector.extract_strided_slice %mul3A_384 {offsets = [392, 0], sizes = [56, 32], strides = [1, 1]} : vector<2128x32xf32> to vector<56x32xf32>
    %dot_general3A_455 = arith.constant dense<0.000000e+00> : vector<56x32xf32>
    %dot_general3A_456 = tpu.matmul %get3A_453, %slice3A_454, %dot_general3A_455 {dimension_numbers = #tpu.dot_dimension_numbers<[1], [0], [0], [1], [0, 0, 1, 1], [], []>, transpose_lhs_hint = false} : vector<56x56xf32>, vector<56x32xf32>, vector<56x32xf32> -> vector<56x32xf32>
    %get3A_457 = arith.constant 0 : index
    %get3A_458 = arith.constant 8 : index
    %get3A_459 = arith.constant 0 : index
    %get3A_460 = arith.constant 0 : index
    %get3A_461 = vector.load %arg1[%get3A_457, %get3A_458, %get3A_459, %get3A_460] : memref<1x38x56x56xf32, #tpu.memory_space<vmem>>, vector<1x1x56x56xf32>
    %get3A_462 = vector.shape_cast %get3A_461 : vector<1x1x56x56xf32> to vector<56x56xf32>
    %slice3A_463 = vector.extract_strided_slice %mul3A_384 {offsets = [448, 0], sizes = [56, 32], strides = [1, 1]} : vector<2128x32xf32> to vector<56x32xf32>
    %dot_general3A_464 = arith.constant dense<0.000000e+00> : vector<56x32xf32>
    %dot_general3A_465 = tpu.matmul %get3A_462, %slice3A_463, %dot_general3A_464 {dimension_numbers = #tpu.dot_dimension_numbers<[1], [0], [0], [1], [0, 0, 1, 1], [], []>, transpose_lhs_hint = false} : vector<56x56xf32>, vector<56x32xf32>, vector<56x32xf32> -> vector<56x32xf32>
    %get3A_466 = arith.constant 0 : index
    %get3A_467 = arith.constant 9 : index
    %get3A_468 = arith.constant 0 : index
    %get3A_469 = arith.constant 0 : index
    %get3A_470 = vector.load %arg1[%get3A_466, %get3A_467, %get3A_468, %get3A_469] : memref<1x38x56x56xf32, #tpu.memory_space<vmem>>, vector<1x1x56x56xf32>
    %get3A_471 = vector.shape_cast %get3A_470 : vector<1x1x56x56xf32> to vector<56x56xf32>
    %slice3A_472 = vector.extract_strided_slice %mul3A_384 {offsets = [504, 0], sizes = [56, 32], strides = [1, 1]} : vector<2128x32xf32> to vector<56x32xf32>
    %dot_general3A_473 = arith.constant dense<0.000000e+00> : vector<56x32xf32>
    %dot_general3A_474 = tpu.matmul %get3A_471, %slice3A_472, %dot_general3A_473 {dimension_numbers = #tpu.dot_dimension_numbers<[1], [0], [0], [1], [0, 0, 1, 1], [], []>, transpose_lhs_hint = false} : vector<56x56xf32>, vector<56x32xf32>, vector<56x32xf32> -> vector<56x32xf32>
    %get3A_475 = arith.constant 0 : index
    %get3A_476 = arith.constant 10 : index
    %get3A_477 = arith.constant 0 : index
    %get3A_478 = arith.constant 0 : index
    %get3A_479 = vector.load %arg1[%get3A_475, %get3A_476, %get3A_477, %get3A_478] : memref<1x38x56x56xf32, #tpu.memory_space<vmem>>, vector<1x1x56x56xf32>
    %get3A_480 = vector.shape_cast %get3A_479 : vector<1x1x56x56xf32> to vector<56x56xf32>
    %slice3A_481 = vector.extract_strided_slice %mul3A_384 {offsets = [560, 0], sizes = [56, 32], strides = [1, 1]} : vector<2128x32xf32> to vector<56x32xf32>
    %dot_general3A_482 = arith.constant dense<0.000000e+00> : vector<56x32xf32>
    %dot_general3A_483 = tpu.matmul %get3A_480, %slice3A_481, %dot_general3A_482 {dimension_numbers = #tpu.dot_dimension_numbers<[1], [0], [0], [1], [0, 0, 1, 1], [], []>, transpose_lhs_hint = false} : vector<56x56xf32>, vector<56x32xf32>, vector<56x32xf32> -> vector<56x32xf32>
    %get3A_484 = arith.constant 0 : index
    %get3A_485 = arith.constant 11 : index
    %get3A_486 = arith.constant 0 : index
    %get3A_487 = arith.constant 0 : index
    %get3A_488 = vector.load %arg1[%get3A_484, %get3A_485, %get3A_486, %get3A_487] : memref<1x38x56x56xf32, #tpu.memory_space<vmem>>, vector<1x1x56x56xf32>
    %get3A_489 = vector.shape_cast %get3A_488 : vector<1x1x56x56xf32> to vector<56x56xf32>
    %slice3A_490 = vector.extract_strided_slice %mul3A_384 {offsets = [616, 0], sizes = [56, 32], strides = [1, 1]} : vector<2128x32xf32> to vector<56x32xf32>
    %dot_general3A_491 = arith.constant dense<0.000000e+00> : vector<56x32xf32>
    %dot_general3A_492 = tpu.matmul %get3A_489, %slice3A_490, %dot_general3A_491 {dimension_numbers = #tpu.dot_dimension_numbers<[1], [0], [0], [1], [0, 0, 1, 1], [], []>, transpose_lhs_hint = false} : vector<56x56xf32>, vector<56x32xf32>, vector<56x32xf32> -> vector<56x32xf32>
    %get3A_493 = arith.constant 0 : index
    %get3A_494 = arith.constant 12 : index
    %get3A_495 = arith.constant 0 : index
    %get3A_496 = arith.constant 0 : index
    %get3A_497 = vector.load %arg1[%get3A_493, %get3A_494, %get3A_495, %get3A_496] : memref<1x38x56x56xf32, #tpu.memory_space<vmem>>, vector<1x1x56x56xf32>
    %get3A_498 = vector.shape_cast %get3A_497 : vector<1x1x56x56xf32> to vector<56x56xf32>
    %slice3A_499 = vector.extract_strided_slice %mul3A_384 {offsets = [672, 0], sizes = [56, 32], strides = [1, 1]} : vector<2128x32xf32> to vector<56x32xf32>
    %dot_general3A_500 = arith.constant dense<0.000000e+00> : vector<56x32xf32>
    %dot_general3A_501 = tpu.matmul %get3A_498, %slice3A_499, %dot_general3A_500 {dimension_numbers = #tpu.dot_dimension_numbers<[1], [0], [0], [1], [0, 0, 1, 1], [], []>, transpose_lhs_hint = false} : vector<56x56xf32>, vector<56x32xf32>, vector<56x32xf32> -> vector<56x32xf32>
    %get3A_502 = arith.constant 0 : index
    %get3A_503 = arith.constant 13 : index
    %get3A_504 = arith.constant 0 : index
    %get3A_505 = arith.constant 0 : index
    %get3A_506 = vector.load %arg1[%get3A_502, %get3A_503, %get3A_504, %get3A_505] : memref<1x38x56x56xf32, #tpu.memory_space<vmem>>, vector<1x1x56x56xf32>
    %get3A_507 = vector.shape_cast %get3A_506 : vector<1x1x56x56xf32> to vector<56x56xf32>
    %slice3A_508 = vector.extract_strided_slice %mul3A_384 {offsets = [728, 0], sizes = [56, 32], strides = [1, 1]} : vector<2128x32xf32> to vector<56x32xf32>
    %dot_general3A_509 = arith.constant dense<0.000000e+00> : vector<56x32xf32>
    %dot_general3A_510 = tpu.matmul %get3A_507, %slice3A_508, %dot_general3A_509 {dimension_numbers = #tpu.dot_dimension_numbers<[1], [0], [0], [1], [0, 0, 1, 1], [], []>, transpose_lhs_hint = false} : vector<56x56xf32>, vector<56x32xf32>, vector<56x32xf32> -> vector<56x32xf32>
    %get3A_511 = arith.constant 0 : index
    %get3A_512 = arith.constant 14 : index
    %get3A_513 = arith.constant 0 : index
    %get3A_514 = arith.constant 0 : index
    %get3A_515 = vector.load %arg1[%get3A_511, %get3A_512, %get3A_513, %get3A_514] : memref<1x38x56x56xf32, #tpu.memory_space<vmem>>, vector<1x1x56x56xf32>
    %get3A_516 = vector.shape_cast %get3A_515 : vector<1x1x56x56xf32> to vector<56x56xf32>
    %slice3A_517 = vector.extract_strided_slice %mul3A_384 {offsets = [784, 0], sizes = [56, 32], strides = [1, 1]} : vector<2128x32xf32> to vector<56x32xf32>
    %dot_general3A_518 = arith.constant dense<0.000000e+00> : vector<56x32xf32>
    %dot_general3A_519 = tpu.matmul %get3A_516, %slice3A_517, %dot_general3A_518 {dimension_numbers = #tpu.dot_dimension_numbers<[1], [0], [0], [1], [0, 0, 1, 1], [], []>, transpose_lhs_hint = false} : vector<56x56xf32>, vector<56x32xf32>, vector<56x32xf32> -> vector<56x32xf32>
    %get3A_520 = arith.constant 0 : index
    %get3A_521 = arith.constant 15 : index
    %get3A_522 = arith.constant 0 : index
    %get3A_523 = arith.constant 0 : index
    %get3A_524 = vector.load %arg1[%get3A_520, %get3A_521, %get3A_522, %get3A_523] : memref<1x38x56x56xf32, #tpu.memory_space<vmem>>, vector<1x1x56x56xf32>
    %get3A_525 = vector.shape_cast %get3A_524 : vector<1x1x56x56xf32> to vector<56x56xf32>
    %slice3A_526 = vector.extract_strided_slice %mul3A_384 {offsets = [840, 0], sizes = [56, 32], strides = [1, 1]} : vector<2128x32xf32> to vector<56x32xf32>
    %dot_general3A_527 = arith.constant dense<0.000000e+00> : vector<56x32xf32>
    %dot_general3A_528 = tpu.matmul %get3A_525, %slice3A_526, %dot_general3A_527 {dimension_numbers = #tpu.dot_dimension_numbers<[1], [0], [0], [1], [0, 0, 1, 1], [], []>, transpose_lhs_hint = false} : vector<56x56xf32>, vector<56x32xf32>, vector<56x32xf32> -> vector<56x32xf32>
    %get3A_529 = arith.constant 0 : index
    %get3A_530 = arith.constant 16 : index
    %get3A_531 = arith.constant 0 : index
    %get3A_532 = arith.constant 0 : index
    %get3A_533 = vector.load %arg1[%get3A_529, %get3A_530, %get3A_531, %get3A_532] : memref<1x38x56x56xf32, #tpu.memory_space<vmem>>, vector<1x1x56x56xf32>
    %get3A_534 = vector.shape_cast %get3A_533 : vector<1x1x56x56xf32> to vector<56x56xf32>
    %slice3A_535 = vector.extract_strided_slice %mul3A_384 {offsets = [896, 0], sizes = [56, 32], strides = [1, 1]} : vector<2128x32xf32> to vector<56x32xf32>
    %dot_general3A_536 = arith.constant dense<0.000000e+00> : vector<56x32xf32>
    %dot_general3A_537 = tpu.matmul %get3A_534, %slice3A_535, %dot_general3A_536 {dimension_numbers = #tpu.dot_dimension_numbers<[1], [0], [0], [1], [0, 0, 1, 1], [], []>, transpose_lhs_hint = false} : vector<56x56xf32>, vector<56x32xf32>, vector<56x32xf32> -> vector<56x32xf32>
    %get3A_538 = arith.constant 0 : index
    %get3A_539 = arith.constant 17 : index
    %get3A_540 = arith.constant 0 : index
    %get3A_541 = arith.constant 0 : index
    %get3A_542 = vector.load %arg1[%get3A_538, %get3A_539, %get3A_540, %get3A_541] : memref<1x38x56x56xf32, #tpu.memory_space<vmem>>, vector<1x1x56x56xf32>
    %get3A_543 = vector.shape_cast %get3A_542 : vector<1x1x56x56xf32> to vector<56x56xf32>
    %slice3A_544 = vector.extract_strided_slice %mul3A_384 {offsets = [952, 0], sizes = [56, 32], strides = [1, 1]} : vector<2128x32xf32> to vector<56x32xf32>
    %dot_general3A_545 = arith.constant dense<0.000000e+00> : vector<56x32xf32>
    %dot_general3A_546 = tpu.matmul %get3A_543, %slice3A_544, %dot_general3A_545 {dimension_numbers = #tpu.dot_dimension_numbers<[1], [0], [0], [1], [0, 0, 1, 1], [], []>, transpose_lhs_hint = false} : vector<56x56xf32>, vector<56x32xf32>, vector<56x32xf32> -> vector<56x32xf32>
    %get3A_547 = arith.constant 0 : index
    %get3A_548 = arith.constant 18 : index
    %get3A_549 = arith.constant 0 : index
    %get3A_550 = arith.constant 0 : index
    %get3A_551 = vector.load %arg1[%get3A_547, %get3A_548, %get3A_549, %get3A_550] : memref<1x38x56x56xf32, #tpu.memory_space<vmem>>, vector<1x1x56x56xf32>
    %get3A_552 = vector.shape_cast %get3A_551 : vector<1x1x56x56xf32> to vector<56x56xf32>
    %slice3A_553 = vector.extract_strided_slice %mul3A_384 {offsets = [1008, 0], sizes = [56, 32], strides = [1, 1]} : vector<2128x32xf32> to vector<56x32xf32>
    %dot_general3A_554 = arith.constant dense<0.000000e+00> : vector<56x32xf32>
    %dot_general3A_555 = tpu.matmul %get3A_552, %slice3A_553, %dot_general3A_554 {dimension_numbers = #tpu.dot_dimension_numbers<[1], [0], [0], [1], [0, 0, 1, 1], [], []>, transpose_lhs_hint = false} : vector<56x56xf32>, vector<56x32xf32>, vector<56x32xf32> -> vector<56x32xf32>
    %get3A_556 = arith.constant 0 : index
    %get3A_557 = arith.constant 19 : index
    %get3A_558 = arith.constant 0 : index
    %get3A_559 = arith.constant 0 : index
    %get3A_560 = vector.load %arg1[%get3A_556, %get3A_557, %get3A_558, %get3A_559] : memref<1x38x56x56xf32, #tpu.memory_space<vmem>>, vector<1x1x56x56xf32>
    %get3A_561 = vector.shape_cast %get3A_560 : vector<1x1x56x56xf32> to vector<56x56xf32>
    %slice3A_562 = vector.extract_strided_slice %mul3A_384 {offsets = [1064, 0], sizes = [56, 32], strides = [1, 1]} : vector<2128x32xf32> to vector<56x32xf32>
    %dot_general3A_563 = arith.constant dense<0.000000e+00> : vector<56x32xf32>
    %dot_general3A_564 = tpu.matmul %get3A_561, %slice3A_562, %dot_general3A_563 {dimension_numbers = #tpu.dot_dimension_numbers<[1], [0], [0], [1], [0, 0, 1, 1], [], []>, transpose_lhs_hint = false} : vector<56x56xf32>, vector<56x32xf32>, vector<56x32xf32> -> vector<56x32xf32>
    %get3A_565 = arith.constant 0 : index
    %get3A_566 = arith.constant 20 : index
    %get3A_567 = arith.constant 0 : index
    %get3A_568 = arith.constant 0 : index
    %get3A_569 = vector.load %arg1[%get3A_565, %get3A_566, %get3A_567, %get3A_568] : memref<1x38x56x56xf32, #tpu.memory_space<vmem>>, vector<1x1x56x56xf32>
    %get3A_570 = vector.shape_cast %get3A_569 : vector<1x1x56x56xf32> to vector<56x56xf32>
    %slice3A_571 = vector.extract_strided_slice %mul3A_384 {offsets = [1120, 0], sizes = [56, 32], strides = [1, 1]} : vector<2128x32xf32> to vector<56x32xf32>
    %dot_general3A_572 = arith.constant dense<0.000000e+00> : vector<56x32xf32>
    %dot_general3A_573 = tpu.matmul %get3A_570, %slice3A_571, %dot_general3A_572 {dimension_numbers = #tpu.dot_dimension_numbers<[1], [0], [0], [1], [0, 0, 1, 1], [], []>, transpose_lhs_hint = false} : vector<56x56xf32>, vector<56x32xf32>, vector<56x32xf32> -> vector<56x32xf32>
    %get3A_574 = arith.constant 0 : index
    %get3A_575 = arith.constant 21 : index
    %get3A_576 = arith.constant 0 : index
    %get3A_577 = arith.constant 0 : index
    %get3A_578 = vector.load %arg1[%get3A_574, %get3A_575, %get3A_576, %get3A_577] : memref<1x38x56x56xf32, #tpu.memory_space<vmem>>, vector<1x1x56x56xf32>
    %get3A_579 = vector.shape_cast %get3A_578 : vector<1x1x56x56xf32> to vector<56x56xf32>
    %slice3A_580 = vector.extract_strided_slice %mul3A_384 {offsets = [1176, 0], sizes = [56, 32], strides = [1, 1]} : vector<2128x32xf32> to vector<56x32xf32>
    %dot_general3A_581 = arith.constant dense<0.000000e+00> : vector<56x32xf32>
    %dot_general3A_582 = tpu.matmul %get3A_579, %slice3A_580, %dot_general3A_581 {dimension_numbers = #tpu.dot_dimension_numbers<[1], [0], [0], [1], [0, 0, 1, 1], [], []>, transpose_lhs_hint = false} : vector<56x56xf32>, vector<56x32xf32>, vector<56x32xf32> -> vector<56x32xf32>
    %get3A_583 = arith.constant 0 : index
    %get3A_584 = arith.constant 22 : index
    %get3A_585 = arith.constant 0 : index
    %get3A_586 = arith.constant 0 : index
    %get3A_587 = vector.load %arg1[%get3A_583, %get3A_584, %get3A_585, %get3A_586] : memref<1x38x56x56xf32, #tpu.memory_space<vmem>>, vector<1x1x56x56xf32>
    %get3A_588 = vector.shape_cast %get3A_587 : vector<1x1x56x56xf32> to vector<56x56xf32>
    %slice3A_589 = vector.extract_strided_slice %mul3A_384 {offsets = [1232, 0], sizes = [56, 32], strides = [1, 1]} : vector<2128x32xf32> to vector<56x32xf32>
    %dot_general3A_590 = arith.constant dense<0.000000e+00> : vector<56x32xf32>
    %dot_general3A_591 = tpu.matmul %get3A_588, %slice3A_589, %dot_general3A_590 {dimension_numbers = #tpu.dot_dimension_numbers<[1], [0], [0], [1], [0, 0, 1, 1], [], []>, transpose_lhs_hint = false} : vector<56x56xf32>, vector<56x32xf32>, vector<56x32xf32> -> vector<56x32xf32>
    %get3A_592 = arith.constant 0 : index
    %get3A_593 = arith.constant 23 : index
    %get3A_594 = arith.constant 0 : index
    %get3A_595 = arith.constant 0 : index
    %get3A_596 = vector.load %arg1[%get3A_592, %get3A_593, %get3A_594, %get3A_595] : memref<1x38x56x56xf32, #tpu.memory_space<vmem>>, vector<1x1x56x56xf32>
    %get3A_597 = vector.shape_cast %get3A_596 : vector<1x1x56x56xf32> to vector<56x56xf32>
    %slice3A_598 = vector.extract_strided_slice %mul3A_384 {offsets = [1288, 0], sizes = [56, 32], strides = [1, 1]} : vector<2128x32xf32> to vector<56x32xf32>
    %dot_general3A_599 = arith.constant dense<0.000000e+00> : vector<56x32xf32>
    %dot_general3A_600 = tpu.matmul %get3A_597, %slice3A_598, %dot_general3A_599 {dimension_numbers = #tpu.dot_dimension_numbers<[1], [0], [0], [1], [0, 0, 1, 1], [], []>, transpose_lhs_hint = false} : vector<56x56xf32>, vector<56x32xf32>, vector<56x32xf32> -> vector<56x32xf32>
    %get3A_601 = arith.constant 0 : index
    %get3A_602 = arith.constant 24 : index
    %get3A_603 = arith.constant 0 : index
    %get3A_604 = arith.constant 0 : index
    %get3A_605 = vector.load %arg1[%get3A_601, %get3A_602, %get3A_603, %get3A_604] : memref<1x38x56x56xf32, #tpu.memory_space<vmem>>, vector<1x1x56x56xf32>
    %get3A_606 = vector.shape_cast %get3A_605 : vector<1x1x56x56xf32> to vector<56x56xf32>
    %slice3A_607 = vector.extract_strided_slice %mul3A_384 {offsets = [1344, 0], sizes = [56, 32], strides = [1, 1]} : vector<2128x32xf32> to vector<56x32xf32>
    %dot_general3A_608 = arith.constant dense<0.000000e+00> : vector<56x32xf32>
    %dot_general3A_609 = tpu.matmul %get3A_606, %slice3A_607, %dot_general3A_608 {dimension_numbers = #tpu.dot_dimension_numbers<[1], [0], [0], [1], [0, 0, 1, 1], [], []>, transpose_lhs_hint = false} : vector<56x56xf32>, vector<56x32xf32>, vector<56x32xf32> -> vector<56x32xf32>
    %get3A_610 = arith.constant 0 : index
    %get3A_611 = arith.constant 25 : index
    %get3A_612 = arith.constant 0 : index
    %get3A_613 = arith.constant 0 : index
    %get3A_614 = vector.load %arg1[%get3A_610, %get3A_611, %get3A_612, %get3A_613] : memref<1x38x56x56xf32, #tpu.memory_space<vmem>>, vector<1x1x56x56xf32>
    %get3A_615 = vector.shape_cast %get3A_614 : vector<1x1x56x56xf32> to vector<56x56xf32>
    %slice3A_616 = vector.extract_strided_slice %mul3A_384 {offsets = [1400, 0], sizes = [56, 32], strides = [1, 1]} : vector<2128x32xf32> to vector<56x32xf32>
    %dot_general3A_617 = arith.constant dense<0.000000e+00> : vector<56x32xf32>
    %dot_general3A_618 = tpu.matmul %get3A_615, %slice3A_616, %dot_general3A_617 {dimension_numbers = #tpu.dot_dimension_numbers<[1], [0], [0], [1], [0, 0, 1, 1], [], []>, transpose_lhs_hint = false} : vector<56x56xf32>, vector<56x32xf32>, vector<56x32xf32> -> vector<56x32xf32>
    %get3A_619 = arith.constant 0 : index
    %get3A_620 = arith.constant 26 : index
    %get3A_621 = arith.constant 0 : index
    %get3A_622 = arith.constant 0 : index
    %get3A_623 = vector.load %arg1[%get3A_619, %get3A_620, %get3A_621, %get3A_622] : memref<1x38x56x56xf32, #tpu.memory_space<vmem>>, vector<1x1x56x56xf32>
    %get3A_624 = vector.shape_cast %get3A_623 : vector<1x1x56x56xf32> to vector<56x56xf32>
    %slice3A_625 = vector.extract_strided_slice %mul3A_384 {offsets = [1456, 0], sizes = [56, 32], strides = [1, 1]} : vector<2128x32xf32> to vector<56x32xf32>
    %dot_general3A_626 = arith.constant dense<0.000000e+00> : vector<56x32xf32>
    %dot_general3A_627 = tpu.matmul %get3A_624, %slice3A_625, %dot_general3A_626 {dimension_numbers = #tpu.dot_dimension_numbers<[1], [0], [0], [1], [0, 0, 1, 1], [], []>, transpose_lhs_hint = false} : vector<56x56xf32>, vector<56x32xf32>, vector<56x32xf32> -> vector<56x32xf32>
    %get3A_628 = arith.constant 0 : index
    %get3A_629 = arith.constant 27 : index
    %get3A_630 = arith.constant 0 : index
    %get3A_631 = arith.constant 0 : index
    %get3A_632 = vector.load %arg1[%get3A_628, %get3A_629, %get3A_630, %get3A_631] : memref<1x38x56x56xf32, #tpu.memory_space<vmem>>, vector<1x1x56x56xf32>
    %get3A_633 = vector.shape_cast %get3A_632 : vector<1x1x56x56xf32> to vector<56x56xf32>
    %slice3A_634 = vector.extract_strided_slice %mul3A_384 {offsets = [1512, 0], sizes = [56, 32], strides = [1, 1]} : vector<2128x32xf32> to vector<56x32xf32>
    %dot_general3A_635 = arith.constant dense<0.000000e+00> : vector<56x32xf32>
    %dot_general3A_636 = tpu.matmul %get3A_633, %slice3A_634, %dot_general3A_635 {dimension_numbers = #tpu.dot_dimension_numbers<[1], [0], [0], [1], [0, 0, 1, 1], [], []>, transpose_lhs_hint = false} : vector<56x56xf32>, vector<56x32xf32>, vector<56x32xf32> -> vector<56x32xf32>
    %get3A_637 = arith.constant 0 : index
    %get3A_638 = arith.constant 28 : index
    %get3A_639 = arith.constant 0 : index
    %get3A_640 = arith.constant 0 : index
    %get3A_641 = vector.load %arg1[%get3A_637, %get3A_638, %get3A_639, %get3A_640] : memref<1x38x56x56xf32, #tpu.memory_space<vmem>>, vector<1x1x56x56xf32>
    %get3A_642 = vector.shape_cast %get3A_641 : vector<1x1x56x56xf32> to vector<56x56xf32>
    %slice3A_643 = vector.extract_strided_slice %mul3A_384 {offsets = [1568, 0], sizes = [56, 32], strides = [1, 1]} : vector<2128x32xf32> to vector<56x32xf32>
    %dot_general3A_644 = arith.constant dense<0.000000e+00> : vector<56x32xf32>
    %dot_general3A_645 = tpu.matmul %get3A_642, %slice3A_643, %dot_general3A_644 {dimension_numbers = #tpu.dot_dimension_numbers<[1], [0], [0], [1], [0, 0, 1, 1], [], []>, transpose_lhs_hint = false} : vector<56x56xf32>, vector<56x32xf32>, vector<56x32xf32> -> vector<56x32xf32>
    %get3A_646 = arith.constant 0 : index
    %get3A_647 = arith.constant 29 : index
    %get3A_648 = arith.constant 0 : index
    %get3A_649 = arith.constant 0 : index
    %get3A_650 = vector.load %arg1[%get3A_646, %get3A_647, %get3A_648, %get3A_649] : memref<1x38x56x56xf32, #tpu.memory_space<vmem>>, vector<1x1x56x56xf32>
    %get3A_651 = vector.shape_cast %get3A_650 : vector<1x1x56x56xf32> to vector<56x56xf32>
    %slice3A_652 = vector.extract_strided_slice %mul3A_384 {offsets = [1624, 0], sizes = [56, 32], strides = [1, 1]} : vector<2128x32xf32> to vector<56x32xf32>
    %dot_general3A_653 = arith.constant dense<0.000000e+00> : vector<56x32xf32>
    %dot_general3A_654 = tpu.matmul %get3A_651, %slice3A_652, %dot_general3A_653 {dimension_numbers = #tpu.dot_dimension_numbers<[1], [0], [0], [1], [0, 0, 1, 1], [], []>, transpose_lhs_hint = false} : vector<56x56xf32>, vector<56x32xf32>, vector<56x32xf32> -> vector<56x32xf32>
    %get3A_655 = arith.constant 0 : index
    %get3A_656 = arith.constant 30 : index
    %get3A_657 = arith.constant 0 : index
    %get3A_658 = arith.constant 0 : index
    %get3A_659 = vector.load %arg1[%get3A_655, %get3A_656, %get3A_657, %get3A_658] : memref<1x38x56x56xf32, #tpu.memory_space<vmem>>, vector<1x1x56x56xf32>
    %get3A_660 = vector.shape_cast %get3A_659 : vector<1x1x56x56xf32> to vector<56x56xf32>
    %slice3A_661 = vector.extract_strided_slice %mul3A_384 {offsets = [1680, 0], sizes = [56, 32], strides = [1, 1]} : vector<2128x32xf32> to vector<56x32xf32>
    %dot_general3A_662 = arith.constant dense<0.000000e+00> : vector<56x32xf32>
    %dot_general3A_663 = tpu.matmul %get3A_660, %slice3A_661, %dot_general3A_662 {dimension_numbers = #tpu.dot_dimension_numbers<[1], [0], [0], [1], [0, 0, 1, 1], [], []>, transpose_lhs_hint = false} : vector<56x56xf32>, vector<56x32xf32>, vector<56x32xf32> -> vector<56x32xf32>
    %get3A_664 = arith.constant 0 : index
    %get3A_665 = arith.constant 31 : index
    %get3A_666 = arith.constant 0 : index
    %get3A_667 = arith.constant 0 : index
    %get3A_668 = vector.load %arg1[%get3A_664, %get3A_665, %get3A_666, %get3A_667] : memref<1x38x56x56xf32, #tpu.memory_space<vmem>>, vector<1x1x56x56xf32>
    %get3A_669 = vector.shape_cast %get3A_668 : vector<1x1x56x56xf32> to vector<56x56xf32>
    %slice3A_670 = vector.extract_strided_slice %mul3A_384 {offsets = [1736, 0], sizes = [56, 32], strides = [1, 1]} : vector<2128x32xf32> to vector<56x32xf32>
    %dot_general3A_671 = arith.constant dense<0.000000e+00> : vector<56x32xf32>
    %dot_general3A_672 = tpu.matmul %get3A_669, %slice3A_670, %dot_general3A_671 {dimension_numbers = #tpu.dot_dimension_numbers<[1], [0], [0], [1], [0, 0, 1, 1], [], []>, transpose_lhs_hint = false} : vector<56x56xf32>, vector<56x32xf32>, vector<56x32xf32> -> vector<56x32xf32>
    %get3A_673 = arith.constant 0 : index
    %get3A_674 = arith.constant 32 : index
    %get3A_675 = arith.constant 0 : index
    %get3A_676 = arith.constant 0 : index
    %get3A_677 = vector.load %arg1[%get3A_673, %get3A_674, %get3A_675, %get3A_676] : memref<1x38x56x56xf32, #tpu.memory_space<vmem>>, vector<1x1x56x56xf32>
    %get3A_678 = vector.shape_cast %get3A_677 : vector<1x1x56x56xf32> to vector<56x56xf32>
    %slice3A_679 = vector.extract_strided_slice %mul3A_384 {offsets = [1792, 0], sizes = [56, 32], strides = [1, 1]} : vector<2128x32xf32> to vector<56x32xf32>
    %dot_general3A_680 = arith.constant dense<0.000000e+00> : vector<56x32xf32>
    %dot_general3A_681 = tpu.matmul %get3A_678, %slice3A_679, %dot_general3A_680 {dimension_numbers = #tpu.dot_dimension_numbers<[1], [0], [0], [1], [0, 0, 1, 1], [], []>, transpose_lhs_hint = false} : vector<56x56xf32>, vector<56x32xf32>, vector<56x32xf32> -> vector<56x32xf32>
    %get3A_682 = arith.constant 0 : index
    %get3A_683 = arith.constant 33 : index
    %get3A_684 = arith.constant 0 : index
    %get3A_685 = arith.constant 0 : index
    %get3A_686 = vector.load %arg1[%get3A_682, %get3A_683, %get3A_684, %get3A_685] : memref<1x38x56x56xf32, #tpu.memory_space<vmem>>, vector<1x1x56x56xf32>
    %get3A_687 = vector.shape_cast %get3A_686 : vector<1x1x56x56xf32> to vector<56x56xf32>
    %slice3A_688 = vector.extract_strided_slice %mul3A_384 {offsets = [1848, 0], sizes = [56, 32], strides = [1, 1]} : vector<2128x32xf32> to vector<56x32xf32>
    %dot_general3A_689 = arith.constant dense<0.000000e+00> : vector<56x32xf32>
    %dot_general3A_690 = tpu.matmul %get3A_687, %slice3A_688, %dot_general3A_689 {dimension_numbers = #tpu.dot_dimension_numbers<[1], [0], [0], [1], [0, 0, 1, 1], [], []>, transpose_lhs_hint = false} : vector<56x56xf32>, vector<56x32xf32>, vector<56x32xf32> -> vector<56x32xf32>
    %get3A_691 = arith.constant 0 : index
    %get3A_692 = arith.constant 34 : index
    %get3A_693 = arith.constant 0 : index
    %get3A_694 = arith.constant 0 : index
    %get3A_695 = vector.load %arg1[%get3A_691, %get3A_692, %get3A_693, %get3A_694] : memref<1x38x56x56xf32, #tpu.memory_space<vmem>>, vector<1x1x56x56xf32>
    %get3A_696 = vector.shape_cast %get3A_695 : vector<1x1x56x56xf32> to vector<56x56xf32>
    %slice3A_697 = vector.extract_strided_slice %mul3A_384 {offsets = [1904, 0], sizes = [56, 32], strides = [1, 1]} : vector<2128x32xf32> to vector<56x32xf32>
    %dot_general3A_698 = arith.constant dense<0.000000e+00> : vector<56x32xf32>
    %dot_general3A_699 = tpu.matmul %get3A_696, %slice3A_697, %dot_general3A_698 {dimension_numbers = #tpu.dot_dimension_numbers<[1], [0], [0], [1], [0, 0, 1, 1], [], []>, transpose_lhs_hint = false} : vector<56x56xf32>, vector<56x32xf32>, vector<56x32xf32> -> vector<56x32xf32>
    %get3A_700 = arith.constant 0 : index
    %get3A_701 = arith.constant 35 : index
    %get3A_702 = arith.constant 0 : index
    %get3A_703 = arith.constant 0 : index
    %get3A_704 = vector.load %arg1[%get3A_700, %get3A_701, %get3A_702, %get3A_703] : memref<1x38x56x56xf32, #tpu.memory_space<vmem>>, vector<1x1x56x56xf32>
    %get3A_705 = vector.shape_cast %get3A_704 : vector<1x1x56x56xf32> to vector<56x56xf32>
    %slice3A_706 = vector.extract_strided_slice %mul3A_384 {offsets = [1960, 0], sizes = [56, 32], strides = [1, 1]} : vector<2128x32xf32> to vector<56x32xf32>
    %dot_general3A_707 = arith.constant dense<0.000000e+00> : vector<56x32xf32>
    %dot_general3A_708 = tpu.matmul %get3A_705, %slice3A_706, %dot_general3A_707 {dimension_numbers = #tpu.dot_dimension_numbers<[1], [0], [0], [1], [0, 0, 1, 1], [], []>, transpose_lhs_hint = false} : vector<56x56xf32>, vector<56x32xf32>, vector<56x32xf32> -> vector<56x32xf32>
    %get3A_709 = arith.constant 0 : index
    %get3A_710 = arith.constant 36 : index
    %get3A_711 = arith.constant 0 : index
    %get3A_712 = arith.constant 0 : index
    %get3A_713 = vector.load %arg1[%get3A_709, %get3A_710, %get3A_711, %get3A_712] : memref<1x38x56x56xf32, #tpu.memory_space<vmem>>, vector<1x1x56x56xf32>
    %get3A_714 = vector.shape_cast %get3A_713 : vector<1x1x56x56xf32> to vector<56x56xf32>
    %slice3A_715 = vector.extract_strided_slice %mul3A_384 {offsets = [2016, 0], sizes = [56, 32], strides = [1, 1]} : vector<2128x32xf32> to vector<56x32xf32>
    %dot_general3A_716 = arith.constant dense<0.000000e+00> : vector<56x32xf32>
    %dot_general3A_717 = tpu.matmul %get3A_714, %slice3A_715, %dot_general3A_716 {dimension_numbers = #tpu.dot_dimension_numbers<[1], [0], [0], [1], [0, 0, 1, 1], [], []>, transpose_lhs_hint = false} : vector<56x56xf32>, vector<56x32xf32>, vector<56x32xf32> -> vector<56x32xf32>
    %get3A_718 = arith.constant 0 : index
    %get3A_719 = arith.constant 37 : index
    %get3A_720 = arith.constant 0 : index
    %get3A_721 = arith.constant 0 : index
    %get3A_722 = vector.load %arg1[%get3A_718, %get3A_719, %get3A_720, %get3A_721] : memref<1x38x56x56xf32, #tpu.memory_space<vmem>>, vector<1x1x56x56xf32>
    %get3A_723 = vector.shape_cast %get3A_722 : vector<1x1x56x56xf32> to vector<56x56xf32>
    %slice3A_724 = vector.extract_strided_slice %mul3A_384 {offsets = [2072, 0], sizes = [56, 32], strides = [1, 1]} : vector<2128x32xf32> to vector<56x32xf32>
    %dot_general3A_725 = arith.constant dense<0.000000e+00> : vector<56x32xf32>
    %dot_general3A_726 = tpu.matmul %get3A_723, %slice3A_724, %dot_general3A_725 {dimension_numbers = #tpu.dot_dimension_numbers<[1], [0], [0], [1], [0, 0, 1, 1], [], []>, transpose_lhs_hint = false} : vector<56x56xf32>, vector<56x32xf32>, vector<56x32xf32> -> vector<56x32xf32>
    %concatenate3A_727 = tpu.concatenate %dot_general3A_393, %dot_general3A_402, %dot_general3A_411, %dot_general3A_420, %dot_general3A_429, %dot_general3A_438, %dot_general3A_447, %dot_general3A_456, %dot_general3A_465, %dot_general3A_474, %dot_general3A_483, %dot_general3A_492, %dot_general3A_501, %dot_general3A_510, %dot_general3A_519, %dot_general3A_528, %dot_general3A_537, %dot_general3A_546, %dot_general3A_555, %dot_general3A_564, %dot_general3A_573, %dot_general3A_582, %dot_general3A_591, %dot_general3A_600, %dot_general3A_609, %dot_general3A_618, %dot_general3A_627, %dot_general3A_636, %dot_general3A_645, %dot_general3A_654, %dot_general3A_663, %dot_general3A_672, %dot_general3A_681, %dot_general3A_690, %dot_general3A_699, %dot_general3A_708, %dot_general3A_717, %dot_general3A_726 in 0 : vector<56x32xf32>, vector<56x32xf32>, vector<56x32xf32>, vector<56x32xf32>, vector<56x32xf32>, vector<56x32xf32>, vector<56x32xf32>, vector<56x32xf32>, vector<56x32xf32>, vector<56x32xf32>, vector<56x32xf32>, vector<56x32xf32>, vector<56x32xf32>, vector<56x32xf32>, vector<56x32xf32>, vector<56x32xf32>, vector<56x32xf32>, vector<56x32xf32>, vector<56x32xf32>, vector<56x32xf32>, vector<56x32xf32>, vector<56x32xf32>, vector<56x32xf32>, vector<56x32xf32>, vector<56x32xf32>, vector<56x32xf32>, vector<56x32xf32>, vector<56x32xf32>, vector<56x32xf32>, vector<56x32xf32>, vector<56x32xf32>, vector<56x32xf32>, vector<56x32xf32>, vector<56x32xf32>, vector<56x32xf32>, vector<56x32xf32>, vector<56x32xf32>, vector<56x32xf32> -> vector<2128x32xf32>
    %mul3A_728 = vector.broadcast %neg3A_39 : vector<2128x1xf32> to vector<2128x32xf32>
    %mul3A_729 = arith.mulf %mul3A_728, %concatenate3A_727 : vector<2128x32xf32>
    %mul3A_730 = arith.constant 2.000000e+00 : f32
    %mul3A_731 = vector.broadcast %mul3A_730 : f32 to vector<2128x32xf32>
    %mul3A_732 = arith.mulf %mul3A_731, %mul3A_729 : vector<2128x32xf32>
    %sub3A = arith.subf %mul3A_732, %get3A_21 : vector<2128x32xf32>
    %dot_general3A_733 = arith.constant dense<0.000000e+00> : vector<2128x32xf32>
    %dot_general3A_734 = tpu.matmul %get3A_21, %get3A_3, %dot_general3A_733 {dimension_numbers = #tpu.dot_dimension_numbers<[1], [0], [0], [1], [0, 0, 1, 1], [], []>, transpose_lhs_hint = false} : vector<2128x32xf32>, vector<32x32xf32>, vector<2128x32xf32> -> vector<2128x32xf32>
    %dot_general3A_735 = arith.constant dense<0.000000e+00> : vector<2128x32xf32>
    %dot_general3A_736 = tpu.matmul %mul3A_382, %get3A_8, %dot_general3A_735 {dimension_numbers = #tpu.dot_dimension_numbers<[1], [0], [0], [1], [0, 0, 1, 1], [], []>, transpose_lhs_hint = false} : vector<2128x32xf32>, vector<32x32xf32>, vector<2128x32xf32> -> vector<2128x32xf32>
    %add3A = arith.addf %dot_general3A_734, %dot_general3A_736 : vector<2128x32xf32>
    %dot_general3A_737 = arith.constant dense<0.000000e+00> : vector<2128x32xf32>
    %dot_general3A_738 = tpu.matmul %sub3A, %get3A_13, %dot_general3A_737 {dimension_numbers = #tpu.dot_dimension_numbers<[1], [0], [0], [1], [0, 0, 1, 1], [], []>, transpose_lhs_hint = false} : vector<2128x32xf32>, vector<32x32xf32>, vector<2128x32xf32> -> vector<2128x32xf32>
    %add3A_739 = arith.addf %add3A, %dot_general3A_738 : vector<2128x32xf32>
    %add3A_740 = vector.broadcast %get3A_16 : vector<1x32xf32> to vector<2128x32xf32>
    %add3A_741 = arith.addf %add3A_739, %add3A_740 : vector<2128x32xf32>
    %max3A = arith.constant 0.000000e+00 : f32
    %max3A_742 = vector.broadcast %max3A : f32 to vector<2128x32xf32>
    %max3A_743 = arith.maximumf %add3A_741, %max3A_742 : vector<2128x32xf32>
    %get3A_744 = arith.constant 0 : index
    %get3A_745 = arith.constant 0 : index
    %get3A_746 = vector.load %arg6[%get3A_744, %get3A_745] : memref<1x192xf32, #tpu.memory_space<vmem>>, vector<1x192xf32>
    %get3A_747 = arith.constant 0 : index
    %get3A_748 = arith.constant 0 : index
    %get3A_749 = vector.load %arg7[%get3A_747, %get3A_748] : memref<56x2016xf32, #tpu.memory_space<vmem>>, vector<56x2016xf32>
    %slice3A_750 = vector.extract_strided_slice %max3A_743 {offsets = [0, 0], sizes = [2016, 32], strides = [1, 1]} : vector<2128x32xf32> to vector<2016x32xf32>
    %slice3A_751 = vector.extract_strided_slice %max3A_743 {offsets = [56, 0], sizes = [2016, 32], strides = [1, 1]} : vector<2128x32xf32> to vector<2016x32xf32>
    %slice3A_752 = vector.extract_strided_slice %max3A_743 {offsets = [112, 0], sizes = [2016, 32], strides = [1, 1]} : vector<2128x32xf32> to vector<2016x32xf32>
    %concatenate3A_753 = tpu.concatenate %slice3A_750, %slice3A_751, %slice3A_752 in 1 : vector<2016x32xf32>, vector<2016x32xf32>, vector<2016x32xf32> -> vector<2016x96xf32>
    %get3A_754 = arith.constant 0 : index
    %get3A_755 = arith.constant 0 : index
    %get3A_756 = vector.load %arg5[%get3A_754, %get3A_755] : memref<96x192xf32, #tpu.memory_space<vmem>>, vector<96x192xf32>
    %dot_general3A_757 = arith.constant dense<0.000000e+00> : vector<2016x192xf32>
    %dot_general3A_758 = tpu.matmul %concatenate3A_753, %get3A_756, %dot_general3A_757 {dimension_numbers = #tpu.dot_dimension_numbers<[1], [0], [0], [1], [0, 0, 1, 1], [], []>, transpose_lhs_hint = false} : vector<2016x96xf32>, vector<96x192xf32>, vector<2016x192xf32> -> vector<2016x192xf32>
    %add3A_759 = vector.broadcast %get3A_746 : vector<1x192xf32> to vector<2016x192xf32>
    %add3A_760 = arith.addf %dot_general3A_758, %add3A_759 : vector<2016x192xf32>
    %slice3A_761 = vector.extract_strided_slice %add3A_760 {offsets = [0, 0], sizes = [2016, 64], strides = [1, 1]} : vector<2016x192xf32> to vector<2016x64xf32>
    %slice3A_762 = vector.extract_strided_slice %add3A_760 {offsets = [0, 64], sizes = [2016, 64], strides = [1, 1]} : vector<2016x192xf32> to vector<2016x64xf32>
    %slice3A_763 = vector.extract_strided_slice %add3A_760 {offsets = [0, 128], sizes = [2016, 64], strides = [1, 1]} : vector<2016x192xf32> to vector<2016x64xf32>
    %neg3A_764 = arith.constant 0.000000e+00 : f32
    %neg3A_765 = vector.broadcast %neg3A_764 : f32 to vector<2016x64xf32>
    %neg3A_766 = arith.subf %neg3A_765, %slice3A_762 : vector<2016x64xf32>
    %exp3A = math.exp %neg3A_766 : vector<2016x64xf32>
    %add3A_767 = arith.constant 1.000000e+00 : f32
    %add3A_768 = vector.broadcast %add3A_767 : f32 to vector<2016x64xf32>
    %add3A_769 = arith.addf %add3A_768, %exp3A : vector<2016x64xf32>
    %div3A = arith.constant 1.000000e+00 : f32
    %div3A_770 = vector.broadcast %div3A : f32 to vector<2016x64xf32>
    %div3A_771 = arith.divf %div3A_770, %add3A_769 : vector<2016x64xf32>
    %mul3A_772 = arith.mulf %slice3A_761, %div3A_771 : vector<2016x64xf32>
    %add3A_773 = arith.addf %mul3A_772, %slice3A_763 : vector<2016x64xf32>
    %max3A_774 = arith.constant 0.000000e+00 : f32
    %max3A_775 = vector.broadcast %max3A_774 : f32 to vector<2016x64xf32>
    %max3A_776 = arith.maximumf %add3A_773, %max3A_775 : vector<2016x64xf32>
    %mul3A_777 = arith.mulf %max3A_776, %max3A_776 : vector<2016x64xf32>
    %concatenate3A_778 = tpu.concatenate %max3A_776, %mul3A_777 in 1 : vector<2016x64xf32>, vector<2016x64xf32> -> vector<2016x128xf32>
    %dot_general3A_779 = arith.constant dense<0.000000e+00> : vector<56x128xf32>
    %dot_general3A_780 = tpu.matmul %get3A_749, %concatenate3A_778, %dot_general3A_779 {dimension_numbers = #tpu.dot_dimension_numbers<[1], [0], [0], [1], [0, 0, 1, 1], [], []>, transpose_lhs_hint = false} : vector<56x2016xf32>, vector<2016x128xf32>, vector<56x128xf32> -> vector<56x128xf32>
    %slice3A_781 = vector.extract_strided_slice %dot_general3A_780 {offsets = [0, 0], sizes = [56, 64], strides = [1, 1]} : vector<56x128xf32> to vector<56x64xf32>
    %slice3A_782 = vector.extract_strided_slice %dot_general3A_780 {offsets = [0, 64], sizes = [56, 64], strides = [1, 1]} : vector<56x128xf32> to vector<56x64xf32>
    %slice3A_783 = vector.extract_strided_slice %max3A_776 {offsets = [0, 0], sizes = [56, 64], strides = [1, 1]} : vector<2016x64xf32> to vector<56x64xf32>
    %slice3A_784 = vector.extract_strided_slice %max3A_776 {offsets = [56, 0], sizes = [56, 64], strides = [1, 1]} : vector<2016x64xf32> to vector<56x64xf32>
    %slice3A_785 = vector.extract_strided_slice %max3A_776 {offsets = [1904, 0], sizes = [56, 64], strides = [1, 1]} : vector<2016x64xf32> to vector<56x64xf32>
    %slice3A_786 = vector.extract_strided_slice %max3A_776 {offsets = [1960, 0], sizes = [56, 64], strides = [1, 1]} : vector<2016x64xf32> to vector<56x64xf32>
    %sub3A_787 = arith.subf %slice3A_781, %slice3A_785 : vector<56x64xf32>
    %sub3A_788 = arith.subf %sub3A_787, %slice3A_786 : vector<56x64xf32>
    %swap3A = arith.constant 0 : index
    %swap3A_789 = arith.constant 0 : index
    %swap3A_790 = arith.constant 0 : index
    %swap3A_791 = arith.constant 0 : index
    %swap3A_792 = vector.load %arg8[%swap3A, %swap3A_789, %swap3A_790, %swap3A_791] : memref<1x3x56x64xf32, #tpu.memory_space<vmem>>, vector<1x1x56x64xf32>
    %swap3A_793 = vector.shape_cast %swap3A_792 : vector<1x1x56x64xf32> to vector<56x64xf32>
    %swap3A_794 = vector.shape_cast %sub3A_788 : vector<56x64xf32> to vector<1x1x56x64xf32>
    tpu.vector_store %arg8[%swap3A, %swap3A_789, %swap3A_790, %swap3A_791], %swap3A_794 {strides = array<i32>} : memref<1x3x56x64xf32, #tpu.memory_space<vmem>>, vector<1x1x56x64xf32>,
    %sub3A_795 = arith.subf %slice3A_781, %slice3A_783 : vector<56x64xf32>
    %sub3A_796 = arith.subf %sub3A_795, %slice3A_786 : vector<56x64xf32>
    %swap3A_797 = arith.constant 0 : index
    %swap3A_798 = arith.constant 1 : index
    %swap3A_799 = arith.constant 0 : index
    %swap3A_800 = arith.constant 0 : index
    %swap3A_801 = vector.load %arg8[%swap3A_797, %swap3A_798, %swap3A_799, %swap3A_800] : memref<1x3x56x64xf32, #tpu.memory_space<vmem>>, vector<1x1x56x64xf32>
    %swap3A_802 = vector.shape_cast %swap3A_801 : vector<1x1x56x64xf32> to vector<56x64xf32>
    %swap3A_803 = vector.shape_cast %sub3A_796 : vector<56x64xf32> to vector<1x1x56x64xf32>
    tpu.vector_store %arg8[%swap3A_797, %swap3A_798, %swap3A_799, %swap3A_800], %swap3A_803 {strides = array<i32>} : memref<1x3x56x64xf32, #tpu.memory_space<vmem>>, vector<1x1x56x64xf32>,
    %sub3A_804 = arith.subf %slice3A_781, %slice3A_783 : vector<56x64xf32>
    %sub3A_805 = arith.subf %sub3A_804, %slice3A_784 : vector<56x64xf32>
    %swap3A_806 = arith.constant 0 : index
    %swap3A_807 = arith.constant 2 : index
    %swap3A_808 = arith.constant 0 : index
    %swap3A_809 = arith.constant 0 : index
    %swap3A_810 = vector.load %arg8[%swap3A_806, %swap3A_807, %swap3A_808, %swap3A_809] : memref<1x3x56x64xf32, #tpu.memory_space<vmem>>, vector<1x1x56x64xf32>
    %swap3A_811 = vector.shape_cast %swap3A_810 : vector<1x1x56x64xf32> to vector<56x64xf32>
    %swap3A_812 = vector.shape_cast %sub3A_805 : vector<56x64xf32> to vector<1x1x56x64xf32>
    tpu.vector_store %arg8[%swap3A_806, %swap3A_807, %swap3A_808, %swap3A_809], %swap3A_812 {strides = array<i32>} : memref<1x3x56x64xf32, #tpu.memory_space<vmem>>, vector<1x1x56x64xf32>,
    %reduce_sum3A_813 = arith.constant dense<0.000000e+00> : vector<56xf32>
    %reduce_sum3A_814 = vector.multi_reduction <add>, %slice3A_781, %reduce_sum3A_813 [1] : vector<56x64xf32> to vector<56xf32>
    %broadcast_in_dim3A_815 = vector.shape_cast %reduce_sum3A_814 : vector<56xf32> to vector<56x1xf32>
    %reduce_sum3A_816 = arith.constant dense<0.000000e+00> : vector<56xf32>
    %reduce_sum3A_817 = vector.multi_reduction <add>, %slice3A_782, %reduce_sum3A_816 [1] : vector<56x64xf32> to vector<56xf32>
    %broadcast_in_dim3A_818 = vector.shape_cast %reduce_sum3A_817 : vector<56xf32> to vector<56x1xf32>
    %concatenate3A_819 = tpu.concatenate %broadcast_in_dim3A_815, %broadcast_in_dim3A_818 in 1 : vector<56x1xf32>, vector<56x1xf32> -> vector<56x2xf32>
    %eq3A = arith.constant 0 : i32
    %eq3A_820 = arith.cmpi eq, %arg0, %eq3A : i32
    %convert_element_type3A = arith.extui %eq3A_820 : i1 to i32
    %cond3A = arith.constant 0 : i32
    %cond3A_821 = arith.cmpi ne, %convert_element_type3A, %cond3A : i32
    scf.if %cond3A_821 {
      %swap3A_827 = arith.constant 0 : index
      %swap3A_828 = arith.constant 0 : index
      %swap3A_829 = vector.load %arg9[%swap3A_827, %swap3A_828] : memref<56x2xf32, #tpu.memory_space<vmem>>, vector<56x2xf32>
      tpu.vector_store %arg9[%swap3A_827, %swap3A_828], %concatenate3A_819 {strides = array<i32>} : memref<56x2xf32, #tpu.memory_space<vmem>>, vector<56x2xf32>,
    } else {
    }
    %gt3A_822 = arith.constant 0 : i32
    %gt3A_823 = arith.cmpi sgt, %arg0, %gt3A_822 : i32
    %convert_element_type3A_824 = arith.extui %gt3A_823 : i1 to i32
    %cond3A_825 = arith.constant 0 : i32
    %cond3A_826 = arith.cmpi ne, %convert_element_type3A_824, %cond3A_825 : i32
    scf.if %cond3A_826 {
      %get3A_827 = arith.constant 0 : index
      %get3A_828 = arith.constant 0 : index
      %get3A_829 = vector.load %arg9[%get3A_827, %get3A_828] : memref<56x2xf32, #tpu.memory_space<vmem>>, vector<56x2xf32>
      %add3A_830 = arith.addf %get3A_829, %concatenate3A_819 : vector<56x2xf32>
      %swap3A_831 = arith.constant 0 : index
      %swap3A_832 = arith.constant 0 : index
      %swap3A_833 = vector.load %arg9[%swap3A_831, %swap3A_832] : memref<56x2xf32, #tpu.memory_space<vmem>>, vector<56x2xf32>
      tpu.vector_store %arg9[%swap3A_831, %swap3A_832], %add3A_830 {strides = array<i32>} : memref<56x2xf32, #tpu.memory_space<vmem>>, vector<56x2xf32>,
    } else {
    }
    return
  }
  func.func @transform_0(%arg0: i32) -> (i32, i32, i32, i32) {
    %c0_i32 = arith.constant 0 : i32
    %c0_i32_0 = arith.constant 0 : i32
    %c0_i32_1 = arith.constant 0 : i32
    %c0_i32_2 = arith.constant 0 : i32
    return %arg0, %c0_i32, %c0_i32_0, %c0_i32_1 : i32, i32, i32, i32
  }
  func.func @transform_1(%arg0: i32) -> (i32, i32, i32) {
    %c0_i32 = arith.constant 0 : i32
    %c0_i32_0 = arith.constant 0 : i32
    %c0_i32_1 = arith.constant 0 : i32
    return %arg0, %c0_i32, %c0_i32_0 : i32, i32, i32
  }
  func.func @transform_2(%arg0: i32) -> (i32, i32, i32) {
    %c0_i32 = arith.constant 0 : i32
    %c0_i32_0 = arith.constant 0 : i32
    %c0_i32_1 = arith.constant 0 : i32
    %c0_i32_2 = arith.constant 0 : i32
    return %c0_i32, %c0_i32_0, %c0_i32_1 : i32, i32, i32
  }
  func.func @transform_3(%arg0: i32) -> (i32, i32) {
    %c0_i32 = arith.constant 0 : i32
    %c0_i32_0 = arith.constant 0 : i32
    %c0_i32_1 = arith.constant 0 : i32
    return %c0_i32, %c0_i32_0 : i32, i32
  }
  func.func @transform_4(%arg0: i32) -> (i32, i32) {
    %c0_i32 = arith.constant 0 : i32
    %c0_i32_0 = arith.constant 0 : i32
    %c0_i32_1 = arith.constant 0 : i32
    return %c0_i32, %c0_i32_0 : i32, i32
  }
  func.func @transform_5(%arg0: i32) -> (i32, i32) {
    %c0_i32 = arith.constant 0 : i32
    %c0_i32_0 = arith.constant 0 : i32
    %c0_i32_1 = arith.constant 0 : i32
    return %c0_i32, %c0_i32_0 : i32, i32
  }
  func.func @transform_6(%arg0: i32) -> (i32, i32) {
    %c0_i32 = arith.constant 0 : i32
    %c0_i32_0 = arith.constant 0 : i32
    %c0_i32_1 = arith.constant 0 : i32
    return %c0_i32, %c0_i32_0 : i32, i32
  }
  func.func @transform_7(%arg0: i32) -> (i32, i32, i32, i32) {
    %c0_i32 = arith.constant 0 : i32
    %c0_i32_0 = arith.constant 0 : i32
    %c0_i32_1 = arith.constant 0 : i32
    %c0_i32_2 = arith.constant 0 : i32
    return %arg0, %c0_i32, %c0_i32_0, %c0_i32_1 : i32, i32, i32, i32
  }
  func.func @transform_8(%arg0: i32) -> (i32, i32) {
    %c0_i32 = arith.constant 0 : i32
    %c0_i32_0 = arith.constant 0 : i32
    %c0_i32_1 = arith.constant 0 : i32
    return %c0_i32, %c0_i32_0 : i32, i32
  }
}

module attributes {stable_mosaic.version = 14 : i64} {
  func.func @_final_body(%arg0: memref<32x3x3200xf32, #tpu.memory_space<vmem>>, %arg1: memref<1x3200xf32, #tpu.memory_space<vmem>>, %arg2: memref<1x3200xf32, #tpu.memory_space<vmem>>, %arg3: memref<3x3200x128xf32, #tpu.memory_space<vmem>>, %arg4: memref<1x128xf32, #tpu.memory_space<vmem>>, %arg5: memref<128x3200xf32, #tpu.memory_space<vmem>>, %arg6: memref<1x3200xf32, #tpu.memory_space<vmem>>, %arg7: memref<32x3200xf32, #tpu.memory_space<vmem>>) attributes {dimension_semantics = [], scalar_prefetch = 0 : i64, scratch_operands = 0 : i64, tpu.core_type = #tpu.core_type<tc>} {
    %get3A = arith.constant 0 : index
    %get3A_0 = arith.constant 0 : index
    %get3A_1 = vector.load %arg1[%get3A, %get3A_0] : memref<1x3200xf32, #tpu.memory_space<vmem>>, vector<1x3200xf32>
    %get3A_2 = arith.constant 0 : index
    %get3A_3 = arith.constant 0 : index
    %get3A_4 = vector.load %arg2[%get3A_2, %get3A_3] : memref<1x3200xf32, #tpu.memory_space<vmem>>, vector<1x3200xf32>
    %get3A_5 = arith.constant 0 : index
    %get3A_6 = arith.constant 0 : index
    %get3A_7 = arith.constant 0 : index
    %get3A_8 = vector.load %arg0[%get3A_5, %get3A_6, %get3A_7] : memref<32x3x3200xf32, #tpu.memory_space<vmem>>, vector<32x1x3200xf32>
    %get3A_9 = vector.shape_cast %get3A_8 : vector<32x1x3200xf32> to vector<32x3200xf32>
    %mul3A = vector.broadcast %get3A_1 : vector<1x3200xf32> to vector<32x3200xf32>
    %mul3A_10 = arith.mulf %get3A_9, %mul3A : vector<32x3200xf32>
    %mul3A_11 = arith.constant 3.400000e+01 : f32
    %mul3A_12 = vector.broadcast %mul3A_11 : f32 to vector<1x3200xf32>
    %mul3A_13 = arith.mulf %mul3A_12, %get3A_4 : vector<1x3200xf32>
    %add3A = vector.broadcast %mul3A_13 : vector<1x3200xf32> to vector<32x3200xf32>
    %add3A_14 = arith.addf %mul3A_10, %add3A : vector<32x3200xf32>
    %get3A_15 = arith.constant 0 : index
    %get3A_16 = arith.constant 0 : index
    %get3A_17 = arith.constant 0 : index
    %get3A_18 = vector.load %arg3[%get3A_15, %get3A_16, %get3A_17] : memref<3x3200x128xf32, #tpu.memory_space<vmem>>, vector<1x3200x128xf32>
    %get3A_19 = vector.shape_cast %get3A_18 : vector<1x3200x128xf32> to vector<3200x128xf32>
    %dot_general3A = arith.constant dense<0.000000e+00> : vector<32x128xf32>
    %dot_general3A_20 = tpu.matmul %add3A_14, %get3A_19, %dot_general3A {dimension_numbers = #tpu.dot_dimension_numbers<[1], [0], [0], [1], [0, 0, 1, 1], [], []>, transpose_lhs_hint = false} : vector<32x3200xf32>, vector<3200x128xf32>, vector<32x128xf32> -> vector<32x128xf32>
    %get3A_21 = arith.constant 0 : index
    %get3A_22 = arith.constant 1 : index
    %get3A_23 = arith.constant 0 : index
    %get3A_24 = vector.load %arg0[%get3A_21, %get3A_22, %get3A_23] : memref<32x3x3200xf32, #tpu.memory_space<vmem>>, vector<32x1x3200xf32>
    %get3A_25 = vector.shape_cast %get3A_24 : vector<32x1x3200xf32> to vector<32x3200xf32>
    %mul3A_26 = vector.broadcast %get3A_1 : vector<1x3200xf32> to vector<32x3200xf32>
    %mul3A_27 = arith.mulf %get3A_25, %mul3A_26 : vector<32x3200xf32>
    %mul3A_28 = arith.constant 3.400000e+01 : f32
    %mul3A_29 = vector.broadcast %mul3A_28 : f32 to vector<1x3200xf32>
    %mul3A_30 = arith.mulf %mul3A_29, %get3A_4 : vector<1x3200xf32>
    %add3A_31 = vector.broadcast %mul3A_30 : vector<1x3200xf32> to vector<32x3200xf32>
    %add3A_32 = arith.addf %mul3A_27, %add3A_31 : vector<32x3200xf32>
    %get3A_33 = arith.constant 1 : index
    %get3A_34 = arith.constant 0 : index
    %get3A_35 = arith.constant 0 : index
    %get3A_36 = vector.load %arg3[%get3A_33, %get3A_34, %get3A_35] : memref<3x3200x128xf32, #tpu.memory_space<vmem>>, vector<1x3200x128xf32>
    %get3A_37 = vector.shape_cast %get3A_36 : vector<1x3200x128xf32> to vector<3200x128xf32>
    %dot_general3A_38 = arith.constant dense<0.000000e+00> : vector<32x128xf32>
    %dot_general3A_39 = tpu.matmul %add3A_32, %get3A_37, %dot_general3A_38 {dimension_numbers = #tpu.dot_dimension_numbers<[1], [0], [0], [1], [0, 0, 1, 1], [], []>, transpose_lhs_hint = false} : vector<32x3200xf32>, vector<3200x128xf32>, vector<32x128xf32> -> vector<32x128xf32>
    %add3A_40 = arith.addf %dot_general3A_20, %dot_general3A_39 : vector<32x128xf32>
    %get3A_41 = arith.constant 0 : index
    %get3A_42 = arith.constant 2 : index
    %get3A_43 = arith.constant 0 : index
    %get3A_44 = vector.load %arg0[%get3A_41, %get3A_42, %get3A_43] : memref<32x3x3200xf32, #tpu.memory_space<vmem>>, vector<32x1x3200xf32>
    %get3A_45 = vector.shape_cast %get3A_44 : vector<32x1x3200xf32> to vector<32x3200xf32>
    %mul3A_46 = vector.broadcast %get3A_1 : vector<1x3200xf32> to vector<32x3200xf32>
    %mul3A_47 = arith.mulf %get3A_45, %mul3A_46 : vector<32x3200xf32>
    %mul3A_48 = arith.constant 3.400000e+01 : f32
    %mul3A_49 = vector.broadcast %mul3A_48 : f32 to vector<1x3200xf32>
    %mul3A_50 = arith.mulf %mul3A_49, %get3A_4 : vector<1x3200xf32>
    %add3A_51 = vector.broadcast %mul3A_50 : vector<1x3200xf32> to vector<32x3200xf32>
    %add3A_52 = arith.addf %mul3A_47, %add3A_51 : vector<32x3200xf32>
    %get3A_53 = arith.constant 2 : index
    %get3A_54 = arith.constant 0 : index
    %get3A_55 = arith.constant 0 : index
    %get3A_56 = vector.load %arg3[%get3A_53, %get3A_54, %get3A_55] : memref<3x3200x128xf32, #tpu.memory_space<vmem>>, vector<1x3200x128xf32>
    %get3A_57 = vector.shape_cast %get3A_56 : vector<1x3200x128xf32> to vector<3200x128xf32>
    %dot_general3A_58 = arith.constant dense<0.000000e+00> : vector<32x128xf32>
    %dot_general3A_59 = tpu.matmul %add3A_52, %get3A_57, %dot_general3A_58 {dimension_numbers = #tpu.dot_dimension_numbers<[1], [0], [0], [1], [0, 0, 1, 1], [], []>, transpose_lhs_hint = false} : vector<32x3200xf32>, vector<3200x128xf32>, vector<32x128xf32> -> vector<32x128xf32>
    %add3A_60 = arith.addf %add3A_40, %dot_general3A_59 : vector<32x128xf32>
    %mul3A_61 = arith.constant 0.0294117648 : f32
    %mul3A_62 = vector.broadcast %mul3A_61 : f32 to vector<32x128xf32>
    %mul3A_63 = arith.mulf %add3A_60, %mul3A_62 : vector<32x128xf32>
    %get3A_64 = arith.constant 0 : index
    %get3A_65 = arith.constant 0 : index
    %get3A_66 = vector.load %arg4[%get3A_64, %get3A_65] : memref<1x128xf32, #tpu.memory_space<vmem>>, vector<1x128xf32>
    %add3A_67 = vector.broadcast %get3A_66 : vector<1x128xf32> to vector<32x128xf32>
    %add3A_68 = arith.addf %mul3A_63, %add3A_67 : vector<32x128xf32>
    %get3A_69 = arith.constant 0 : index
    %get3A_70 = arith.constant 0 : index
    %get3A_71 = vector.load %arg5[%get3A_69, %get3A_70] : memref<128x3200xf32, #tpu.memory_space<vmem>>, vector<128x3200xf32>
    %dot_general3A_72 = arith.constant dense<0.000000e+00> : vector<32x3200xf32>
    %dot_general3A_73 = tpu.matmul %add3A_68, %get3A_71, %dot_general3A_72 {dimension_numbers = #tpu.dot_dimension_numbers<[1], [0], [0], [1], [0, 0, 1, 1], [], []>, transpose_lhs_hint = false} : vector<32x128xf32>, vector<128x3200xf32>, vector<32x3200xf32> -> vector<32x3200xf32>
    %get3A_74 = arith.constant 0 : index
    %get3A_75 = arith.constant 0 : index
    %get3A_76 = vector.load %arg6[%get3A_74, %get3A_75] : memref<1x3200xf32, #tpu.memory_space<vmem>>, vector<1x3200xf32>
    %add3A_77 = vector.broadcast %get3A_76 : vector<1x3200xf32> to vector<32x3200xf32>
    %add3A_78 = arith.addf %dot_general3A_73, %add3A_77 : vector<32x3200xf32>
    %swap3A = arith.constant 0 : index
    %swap3A_79 = arith.constant 0 : index
    %swap3A_80 = vector.load %arg7[%swap3A, %swap3A_79] : memref<32x3200xf32, #tpu.memory_space<vmem>>, vector<32x3200xf32>
    tpu.vector_store %arg7[%swap3A, %swap3A_79], %add3A_78 {strides = array<i32>} : memref<32x3200xf32, #tpu.memory_space<vmem>>, vector<32x3200xf32>,
    return
  }
}

</mosaic_0001>

<sc_bundles>
// kernel: kernel.6.cloned.1.call-start
scs
__scs_entry_jumppad:
0x0: {  	(pc) =	sbr.rel $0x88, $3  }
0x1: {  	(tag) =	ssettag $0x0;
	lr =	simm.s32 $0x1  }
0x2: {  	[smem:$0x3F8B] =	sst lr;
	_ =	strace $0xD0000000  }
0x3: {  	_ = 	snop  }
0x4: {  	_ = 	snop  }
0x5: {  	_ = 	snop  }
0x6: {  	_ = 	snop  }
0x7: {  	_ = 	snop  }
__scs_overlays_trampoline_lowered:
0x8: {  	[smem:$0x3F9A] =	sst s0  }
0x9: {  	[smem:$0x3F9B] =	sst s1  }
0xa: {  	[smem:$0x3F9C] =	sst s2  }
0xb: {  	[smem:$0x3F9D] =	sst s3  }
0xc: {  	[smem:$0x3F9E] =	sst s4  }
0xd: {  	[smem:$0x3F9F] =	sst s5  }
0xe: {  	[smem:$0x3FA0] =	sst s6  }
0xf: {  	[smem:$0x3FA1] =	sst s7  }
0x10: {  	[smem:$0x3FA2] =	sst s8  }
0x11: {  	[smem:$0x3FA3] =	sst s9;
	s0 =	simm.s32 @!p0 $0x0  }
0x12: {  	s1 =	sld [smem:$0x3F89];
	s0 =	simm.s32 @p0 $0x1  }
0x13: {  	[smem:$0x3FA4] =	sst s0;
	s0 =	simm.s32 @!p1 $0x0  }
0x14: {  	s2 =	sld [smem:$0x3F88];
	s0 =	simm.s32 @p1 $0x1  }
0x15: {  	[smem:$0x3FA5] =	sst s0;
	s0 =	simm.s32 @!p2 $0x0  }
0x16: {  	s3 =	sld [smem:$0x3FDB];
	s0 =	simm.s32 @p2 $0x1  }
0x17: {  	s4 =	simm.s32 $0x1BF5;
	[smem:$0x3FA7] =	sst s0  }
0x18: {  	s0 =	sld [smem:$0x3F8A];
	_ =	swait.ge [sflag:s4], $0x0  }
0x19: {  	s7 =	sld [smem:$0x3F8B]  }
0x1a: {  	s8 =	sadd.s32 $0xFFFFE003, lr  }
0x1b: {  	s9 =	sadd.s32 $0xFFFFFEF7, lr;
	s5 =	simm.s32 $0xFFFFFFFF;
	p2 =	slt.u32 s8, $0xFFFFF086  }
0x1c: {  	p1 =	slt.u32 s9, $0xF7A;
	s5 =	simm.s32 @!p2 $0x0  }
0x1d: {  	s5 =	simm.s32 @p1 $0x1;
	p0 =	seq.s32 s7, s2  }
0x1e: {  	s7 =	smul.u32 @!p0 $0xF7A, s2;
	p2 =	seq.s32 @!p0 s5, $0x0  }
0x1f: {  	s9 =	smul.u32 $0xF7A, s1;
	s8 =	simm.s32 @!p0 $0x1BF5;
	p2 =	por !p2, p0  }
0x20: {  	[sflag:s8] =	ssyncset.s32 @!p0 $0xFFFFF086;
	s6 =	sadd.s32 @!p0 s3, s7;
	s7 =	simm.s32 @!p0 $0x108  }
0x21: {  	s3 =	sadd.s32 s3, s9;
	s6 =	sadd.s32 @!p0 $0x88, s6;
	s7 =	simm.s32 @p2 $0x1082  }
0x22: {  	[simem:s7], [sflag:s8] =	dma.local @!p0 [hbm:s6], $0xF7A  }
0x23: {  	s9 =	sor.u32 $0xD0000000, s2;
	s6 =	simm.s32 $0x108;
	_ =	swait.ge @!p0 [sflag:s8], $0x0  }
0x24: {  	s3 =	sadd.s32 $0x88, s3;
	s6 =	simm.s32 @!p1 $0x1082;
	[sflag:s4] =	ssyncset.s32 $0xFFFFF086  }
0x25: {  	[simem:s6], [sflag:s4] =	dma.local [hbm:s3], $0xF7A  }
0x26: {  	[smem:$0x3F8B] =	sst s1;
	(tag) =	ssettag s2;
	_ =	strace s9  }
0x27: {  	s1 =	sld [smem:$0x3F9B]  }
0x28: {  	s2 =	sld [smem:$0x3F9C]  }
0x29: {  	s4 =	sld [smem:$0x3F9E]  }
0x2a: {  	p0 =	seq.s32 s5, $0x0;
	s5 =	sld [smem:$0x3F9F]  }
0x2b: {  	s6 =	sld [smem:$0x3FA0]  }
0x2c: {  	s7 =	sld [smem:$0x3FA1]  }
0x2d: {  	s3 =	simm.s32 $0x108;
	s8 =	sld [smem:$0x3FA2]  }
0x2e: {  	s3 =	simm.s32 @!p0 $0x1082;
	s9 =	sld [smem:$0x3FA3]  }
0x2f: {  	lr =	sadd.s32 s0, s3;
	s0 =	sld [smem:$0x3F9A]  }
0x30: {  	s3 =	sld [smem:$0x3F9D]  }
0x31: {  	[smem:$0x3FA6] =	sst s10  }
0x32: {  	s10 =	sld [smem:$0x3FA4];
	_ =	sdelay $0x3  }
0x33: {  	p0 =	seq.s32 s10, $0x1;
	s10 =	sld [smem:$0x3FA6];
	_ =	sdelay $0x3  }
0x34: {  	[smem:$0x3FA6] =	sst s10  }
0x35: {  	s10 =	sld [smem:$0x3FA5];
	_ =	sdelay $0x3  }
0x36: {  	p1 =	seq.s32 s10, $0x1;
	s10 =	sld [smem:$0x3FA6];
	_ =	sdelay $0x3  }
0x37: {  	[smem:$0x3FA6] =	sst s10  }
0x38: {  	s10 =	sld [smem:$0x3FA7]  }
0x39: {  	_ = 	snop;
	(pc) =	sbr.ind lr, $3  }
0x3a: {  	_ = 	snop  }
0x3b: {  	_ = 	snop  }
0x3c: {  	p2 =	seq.s32 s10, $0x1;
	s10 =	sld [smem:$0x3FA6]  }
0x3d: {  	_ =	shalt  }
0x3e: {  	_ =	shalt  }
0x3f: {  	_ =	shalt  }
0x40: {  	_ =	shalt  }
0x41: {  	_ =	shalt  }
0x42: {  	_ =	shalt  }
0x43: {  	_ =	shalt  }
0x44: {  	_ =	shalt  }
0x45: {  	_ =	shalt  }
0x46: {  	_ =	shalt  }
0x47: {  	_ =	shalt  }
0x48: {  	_ =	shalt  }
0x49: {  	_ =	shalt  }
0x4a: {  	_ =	shalt  }
0x4b: {  	_ =	shalt  }
0x4c: {  	_ =	shalt  }
0x4d: {  	_ =	shalt  }
0x4e: {  	_ =	shalt  }
0x4f: {  	_ =	shalt  }
0x50: {  	_ =	shalt  }
0x51: {  	_ =	shalt  }
0x52: {  	_ =	shalt  }
0x53: {  	_ =	shalt  }
0x54: {  	_ =	shalt  }
0x55: {  	_ =	shalt  }
0x56: {  	_ =	shalt  }
0x57: {  	_ =	shalt  }
0x58: {  	_ =	shalt  }
0x59: {  	_ =	shalt  }
0x5a: {  	_ =	shalt  }
0x5b: {  	_ =	shalt  }
0x5c: {  	_ =	shalt  }
0x5d: {  	_ =	shalt  }
0x5e: {  	_ =	shalt  }
0x5f: {  	_ =	shalt  }
0x60: {  	_ =	shalt  }
0x61: {  	_ =	shalt  }
0x62: {  	_ =	shalt  }
0x63: {  	_ =	shalt  }
0x64: {  	_ =	shalt  }
0x65: {  	_ =	shalt  }
0x66: {  	_ =	shalt  }
0x67: {  	_ =	shalt  }
0x68: {  	_ =	shalt  }
0x69: {  	_ =	shalt  }
0x6a: {  	_ =	shalt  }
0x6b: {  	_ =	shalt  }
0x6c: {  	_ =	shalt  }
0x6d: {  	_ =	shalt  }
0x6e: {  	_ =	shalt  }
0x6f: {  	_ =	shalt  }
0x70: {  	_ =	shalt  }
0x71: {  	_ =	shalt  }
0x72: {  	_ =	shalt  }
0x73: {  	_ =	shalt  }
0x74: {  	_ =	shalt  }
0x75: {  	_ =	shalt  }
0x76: {  	_ =	shalt  }
0x77: {  	_ =	shalt  }
0x78: {  	_ =	shalt  }
0x79: {  	_ =	shalt  }
0x7a: {  	_ =	shalt  }
0x7b: {  	_ =	shalt  }
0x7c: {  	_ =	shalt  }
0x7d: {  	_ =	shalt  }
0x7e: {  	_ =	shalt  }
0x7f: {  	_ =	shalt  }
0x80: {  	_ =	shalt  }
0x81: {  	_ =	shalt  }
0x82: {  	_ =	shalt  }
0x83: {  	_ =	shalt  }
0x84: {  	_ =	shalt  }
0x85: {  	_ =	shalt  }
0x86: {  	_ =	shalt  }
0x87: {  	_ =	shalt  }
.Lfunc_end0:
.L_simem_size_0:
called_computation_lowered:
.L_overlay_start_0:
0x88: {  	s2 =	sld [smem:$0x3FD9]  }
0x89: {  	s3 =	sld [smem:$0x3FFE];
	_ =	sdelay $0x1  }
0x8a: {  	s1 =	srdreg.scid  }
0x8b: {  	s0 =	sand.u32 $0x1, s1  }
0x8c: {  	s17 =	sshll.u32 s0, $0xA;
	s2 =	sadd.s32 s3, s2  }
0x8d: {  	s2 =	sadd.s32 s2, s17  }
0x8e: {  	[smem:$0x3FB2] =	sst s2  }
0x8f: {  	_ = 	snop  }
0x90: {  	s2 =	sld [smem:$0x3FC8];
	(tm) =	ssettm $0x1  }
0x91: {  	s18 =	sld [smem:$0x3FFB];
	_ =	sdelay $0x3  }
0x92: {  	_ =	strace s18  }
0x93: {  	s3 =	sld [smem:$0x3FFC];
	_ =	sdelay $0x3  }
0x94: {  	_ =	strace s3  }
0x95: {  	s3 =	sld [smem:$0x3FFD];
	_ =	sdelay $0x3  }
0x96: {  	_ =	strace s3  }
0x97: {  	_ =	strace $0x8FFFFFFF  }
0x98: {  	s19 =	sld [smem:$0x3FDB];
	_ =	sdelay $0x1  }
0x99: {  	s4 =	simm.s32 $_scs_section_size  }
0x9a: {  	s5 =	simm.s32 $_size__tile_overlayer_lowered;
	s6 =	simm.s32 $_tile_overlayer_lowered  }
0x9b: {  	s22 =	simm.s32 $0x1BFF;
	s21 =	sshll.u32 s6, $0x1;
	s3 =	sadd.s32 s4, s19  }
0x9c: {  	s7 =	simm.s32 $0x0;
	s20 =	sshll.u32 s5, $0x1;
	s5 =	sadd.s32 s21, s3  }
0x9d: {  	[timem:s7], [sflag:s22] =	dma.local [hbm:s5], s20  }
0x9e: {  	_ =	swait.ge [sflag:s22], s20  }
0x9f: {  	s4 =	ssub.s32 $0x0, s20;
	[sflag:s22] =	ssyncset.done $0x0  }
0xa0: {  	[sflag:s22] =	ssyncadd.s32 s4;
	_ =	sdelay $0x1  }
0xa1: {  	s23 =	simm.s32 $0x1B8B  }
0xa2: {  	_ =	swait.ge [sflag:s23], $0x1  }
0xa3: {  	[sflag:s23] =	ssyncset.done $0x0  }
0xa4: {  	s25 =	simm.s32 $0x1B8E;
	s24 =	sld [smem:$0x3FFE];
	[sflag:s23] =	ssyncadd.s32 $0xFFFFFFFF  }
0xa5: {  	s26 =	simm.s32 $execute0_lowered;
	[smem:$0x3FD2] =	sst s25  }
0xa6: {  	s5 =	sshll.u32 s26, $0x1;
	_ =	strace $0x80000046;
	[dreg:$0x1] =	wrdreg $0xFFFFFFFF  }
0xa7: {  	s28 =	simm.s32 $_size_execute0_lowered;
	s3 =	sadd.s32 s3, s5;
	[dreg:$0x0] =	wrdreg $0x0  }
0xa8: {  	s5 =	sshll.u32 s28, $0x1;
	[dreg:$0x2] =	wrdreg s3  }
0xa9: {  	[dreg:$0x3] =	wrdreg s5  }
0xaa: {  	[dreg:$0x4] =	wrdreg $0xC0  }
0xab: {  	_ =	task [dreg:s7], $0x5FFFF  }
0xac: {  	[dreg:$0x1] =	wrdreg $0xFFFFFFFF  }
0xad: {  	[dreg:$0x0] =	wrdreg $0x60  }
0xae: {  	[dreg:$0x2] =	wrdreg s2  }
0xaf: {  	[dreg:$0x3] =	wrdreg s24  }
0xb0: {  	[dreg:$0x4] =	wrdreg $0x9  }
0xb1: {  	_ =	task.clear_ibuf [dreg:s7], $0x5FFFF;
	_ =	strace $0x90000046  }
0xb2: {  	s29 =	simm.s32 $0x9;
	_ =	strace $0x80000048  }
0xb3: {  	_ =	swait.ge [sflag:s29], $0x1  }
0xb4: {  	[sflag:s29] =	ssyncadd.s32 $0xFFFFFFFF  }
0xb5: {  	_ =	strace $0x90000048  }
0xb6: {  	_ =	sfence  }
0xb7: {  	s30 =	sld [smem:$0x0];
	_ =	sdelay $0x2  }
0xb8: {  	s31 =	sshll.u32 s1, $0xD;
	s1 =	sshrl.u32 s1, $0x2  }
0xb9: {  	s3 =	sand.u32 $0x4000, s31;
	s1 =	sadd.s32 s1, s30  }
0xba: {  	s0 =	sor.u32 s3, s0;
	s1 =	sshll.u32 s1, $0x11  }
0xbb: {  	s0 =	sor.u32 s1, s0  }
0xbc: {  	s0 =	sadd.s32 $0x8F2B, s0  }
0xbd: {  	[sflag:s0] =	ssyncadd.remote.s32 $0x1  }
0xbe: {  	_ =	sfence.sel $0xFFFF  }
0xbf: {  	[dreg:$0x0] =	wrdreg $0xFFFFFFFF;
	(pc) =	sbr.abs _section_cstart, $3  }
0xc0: {  	[dreg:$0x1] =	wrdreg $0xFFFFFFFF  }
0xc1: {  	_ =	task.clear_ibuf [dreg:s7], $0x2FFFF;
	_ =	strace $0x9FFFFFFF  }
0xc2: {  	(tm) =	ssettm $0x7FFFFFFF  }
0xc3: {  	_ =	shalt  }
tec
execute0_lowered:
.L_overlay_start_1:
0x0: {  	(tag) =	ssettag $0x1  }
0x1: {  	s1 =	srdreg.scid;
	s0 =	stileid.u32  }
0x2: {  	s7 =	rddreg [dreg:$0x0];
	s8 =	smul.u32 $0x2600, s0  }
0x3: {  	s3 =	rddreg [dreg:$0x1];
	s2 =	simm.s32 $0x0;
	s11 =	smul.u32 $0x4C, s0  }
0x4: {  	s15 =	simm.s32 $0x1A80;
	s5 =	sand.u32 $0x1, s1;
	s13 =	smul.u32 $0x4280, s0  }
0x5: {  	s16 =	simm.s32 $0x2;
	s17 =	simm.s32 $0x3;
	s9 =	smul.u32 $0x1300, s5  }
0x6: {  	s18 =	simm.s32 $0x0;
	s29 =	sshll.u32 s0, $0x1;
	s30 =	smul.u32 $0x2140, s5  }
0x7: {  	[smem:$0x7FF] =	sst s2;
	s1 =	sor.u32 s5, s29;
	s14 =	smul.u32 $0x26, s5  }
0x8: {  	s3 =	sadd.s32 $0x2C00, s3;
	s10 =	ssub.s32 $0x2, s5;
	s6 =	smul.u32 $0x26, s1  }
0x9: {  	s4 =	smul.u32 $0x2140, s1;
	s1 =	rddreg [dreg:$0x2];
	s12 =	sshrl.u32 s10, $0x1  }
0xa: {  	_ =	strace $0x80000047;
	s10 =	ssub.s32 s10, s12;
	s12 =	simm.s32 $0xE00  }
0xb: {  	s4 =	sadd.s32 s7, s4;
	s7 =	sadd.s32 s13, s7;
	s5 =	sadd.s32 $0x26, s6  }
0xc: {  	s6 =	smax.u32 s10, $0x1;
	s10 =	simm.s32 $0x1;
	s13 =	simm.s32 $0x80  }
0xd: {  	s31 =	sadd.s32 s30, s7;
	s7 =	sadd.s32 s9, s8;
	s8 =	sadd.s32 s14, s11  }
0xe: {  	v0 =	vimm.f32 $0.0e+00;
	v1 =	vimm.f32 $1.000000000e+00;
	s11 =	simm.s32 $0x700;
	s14 =	simm.s32 $0x400;
	s9 =	sadd.s32 $0xE0, s31  }
.LBB2_1:
0xf: {  	[tilespmem:s2], [sflag:$0x1] =	stream.linear.gather [hbm4b:s4+s2], $0x700, $0x38;
	[tilespmem:$0x2700] =	vst v63  }
0x10: {  	s19 =	smov.u32 s9;
	s20 =	smov.u32 s8;
	s21 =	simm.s32 $0x0  }
.LBB2_2:
0x11: {  	_ =	swait.ge [sflag:s10], $0x700  }
0x12: {  	p0 =	seq.s32 s21, $0x0;
	[sflag:s10] =	ssyncset.done $0x0  }
0x13: {  	s22 =	simm.s32 @!p0 $0x2;
	[sflag:s10] =	ssyncadd.s32 $0xFFFFF900  }
0x14: {  	[tilespmem:s11], [sflag:$0x1] =	stream.linear.gather [hbm4b:s19+s2], $0x700, $0x38;
	[tilespmem:$0x2700] =	vst v63  }
0x15: {  	_ =	swait.ge @!p0 [sflag:s22], $0xC80  }
0x16: {  	[sflag:s22] =	ssyncset.done @!p0 $0x0  }
0x17: {  	[sflag:s22] =	ssyncadd.s32 @!p0 $0xFFFFF380  }
0x18: {  	[tilespmem:$0xE00] =	vst v0  }
0x19: {  	[tilespmem:$0xE10] =	vst v0  }
0x1a: {  	[tilespmem:$0xE20] =	vst v0  }
0x1b: {  	[tilespmem:$0xE30] =	vst v0  }
0x1c: {  	[tilespmem:$0xE40] =	vst v0  }
0x1d: {  	[tilespmem:$0xE50] =	vst v0  }
0x1e: {  	[tilespmem:$0xE60] =	vst v0  }
0x1f: {  	[tilespmem:$0xE70] =	vst v0  }
0x20: {  	[tilespmem:$0xE80] =	vst v0  }
0x21: {  	[tilespmem:$0xE90] =	vst v0  }
0x22: {  	[tilespmem:$0xEA0] =	vst v0  }
0x23: {  	[tilespmem:$0xEB0] =	vst v0  }
0x24: {  	[tilespmem:$0xEC0] =	vst v0  }
0x25: {  	[tilespmem:$0xED0] =	vst v0  }
0x26: {  	[tilespmem:$0xEE0] =	vst v0  }
0x27: {  	[tilespmem:$0xEF0] =	vst v0  }
0x28: {  	[tilespmem:$0xF00] =	vst v0  }
0x29: {  	[tilespmem:$0xF10] =	vst v0  }
0x2a: {  	[tilespmem:$0xF20] =	vst v0  }
0x2b: {  	[tilespmem:$0xF30] =	vst v0  }
0x2c: {  	[tilespmem:$0xF40] =	vst v0  }
0x2d: {  	[tilespmem:$0xF50] =	vst v0  }
0x2e: {  	[tilespmem:$0xF60] =	vst v0  }
0x2f: {  	[tilespmem:$0xF70] =	vst v0  }
0x30: {  	[tilespmem:$0xF80] =	vst v0  }
0x31: {  	[tilespmem:$0xF90] =	vst v0  }
0x32: {  	[tilespmem:$0xFA0] =	vst v0  }
0x33: {  	[tilespmem:$0xFB0] =	vst v0  }
0x34: {  	[tilespmem:$0xFC0] =	vst v0  }
0x35: {  	[tilespmem:$0xFD0] =	vst v0  }
0x36: {  	[tilespmem:$0xFE0] =	vst v0  }
0x37: {  	[tilespmem:$0xFF0] =	vst v0  }
0x38: {  	[tilespmem:$0x1000] =	vst v0  }
0x39: {  	[tilespmem:$0x1010] =	vst v0  }
0x3a: {  	[tilespmem:$0x1020] =	vst v0  }
0x3b: {  	[tilespmem:$0x1030] =	vst v0  }
0x3c: {  	[tilespmem:$0x1040] =	vst v0  }
0x3d: {  	[tilespmem:$0x1050] =	vst v0  }
0x3e: {  	[tilespmem:$0x1060] =	vst v0  }
0x3f: {  	[tilespmem:$0x1070] =	vst v0  }
0x40: {  	[tilespmem:$0x1080] =	vst v0  }
0x41: {  	[tilespmem:$0x1090] =	vst v0  }
0x42: {  	[tilespmem:$0x10A0] =	vst v0  }
0x43: {  	[tilespmem:$0x10B0] =	vst v0  }
0x44: {  	[tilespmem:$0x10C0] =	vst v0  }
0x45: {  	[tilespmem:$0x10D0] =	vst v0  }
0x46: {  	[tilespmem:$0x10E0] =	vst v0  }
0x47: {  	[tilespmem:$0x10F0] =	vst v0  }
0x48: {  	[tilespmem:$0x1100] =	vst v0  }
0x49: {  	[tilespmem:$0x1110] =	vst v0  }
0x4a: {  	[tilespmem:$0x1120] =	vst v0  }
0x4b: {  	[tilespmem:$0x1130] =	vst v0  }
0x4c: {  	[tilespmem:$0x1140] =	vst v0  }
0x4d: {  	[tilespmem:$0x1150] =	vst v0  }
0x4e: {  	[tilespmem:$0x1160] =	vst v0  }
0x4f: {  	[tilespmem:$0x1170] =	vst v0  }
0x50: {  	[tilespmem:$0x1180] =	vst v0  }
0x51: {  	[tilespmem:$0x1190] =	vst v0  }
0x52: {  	[tilespmem:$0x11A0] =	vst v0  }
0x53: {  	[tilespmem:$0x11B0] =	vst v0  }
0x54: {  	[tilespmem:$0x11C0] =	vst v0  }
0x55: {  	[tilespmem:$0x11D0] =	vst v0  }
0x56: {  	[tilespmem:$0x11E0] =	vst v0  }
0x57: {  	[tilespmem:$0x11F0] =	vst v0  }
0x58: {  	[tilespmem:$0x1200] =	vst v0  }
0x59: {  	[tilespmem:$0x1210] =	vst v0  }
0x5a: {  	[tilespmem:$0x1220] =	vst v0  }
0x5b: {  	[tilespmem:$0x1230] =	vst v0  }
0x5c: {  	[tilespmem:$0x1240] =	vst v0  }
0x5d: {  	[tilespmem:$0x1250] =	vst v0  }
0x5e: {  	[tilespmem:$0x1260] =	vst v0  }
0x5f: {  	[tilespmem:$0x1270] =	vst v0  }
0x60: {  	[tilespmem:$0x1280] =	vst v0  }
0x61: {  	[tilespmem:$0x1290] =	vst v0  }
0x62: {  	[tilespmem:$0x12A0] =	vst v0  }
0x63: {  	[tilespmem:$0x12B0] =	vst v0  }
0x64: {  	[tilespmem:$0x12C0] =	vst v0  }
0x65: {  	[tilespmem:$0x12D0] =	vst v0  }
0x66: {  	[tilespmem:$0x12E0] =	vst v0  }
0x67: {  	[tilespmem:$0x12F0] =	vst v0  }
0x68: {  	[tilespmem:$0x1300] =	vst v0  }
0x69: {  	[tilespmem:$0x1310] =	vst v0  }
0x6a: {  	[tilespmem:$0x1320] =	vst v0  }
0x6b: {  	[tilespmem:$0x1330] =	vst v0  }
0x6c: {  	[tilespmem:$0x1340] =	vst v0  }
0x6d: {  	[tilespmem:$0x1350] =	vst v0  }
0x6e: {  	[tilespmem:$0x1360] =	vst v0  }
0x6f: {  	[tilespmem:$0x1370] =	vst v0  }
0x70: {  	[tilespmem:$0x1380] =	vst v0  }
0x71: {  	[tilespmem:$0x1390] =	vst v0  }
0x72: {  	[tilespmem:$0x13A0] =	vst v0  }
0x73: {  	[tilespmem:$0x13B0] =	vst v0  }
0x74: {  	[tilespmem:$0x13C0] =	vst v0  }
0x75: {  	[tilespmem:$0x13D0] =	vst v0  }
0x76: {  	[tilespmem:$0x13E0] =	vst v0  }
0x77: {  	[tilespmem:$0x13F0] =	vst v0  }
0x78: {  	[tilespmem:$0x1400] =	vst v0  }
0x79: {  	[tilespmem:$0x1410] =	vst v0  }
0x7a: {  	[tilespmem:$0x1420] =	vst v0  }
0x7b: {  	[tilespmem:$0x1430] =	vst v0  }
0x7c: {  	[tilespmem:$0x1440] =	vst v0  }
0x7d: {  	[tilespmem:$0x1450] =	vst v0  }
0x7e: {  	[tilespmem:$0x1460] =	vst v0  }
0x7f: {  	[tilespmem:$0x1470] =	vst v0  }
0x80: {  	[tilespmem:$0x1480] =	vst v0  }
0x81: {  	[tilespmem:$0x1490] =	vst v0  }
0x82: {  	[tilespmem:$0x14A0] =	vst v0  }
0x83: {  	[tilespmem:$0x14B0] =	vst v0  }
0x84: {  	[tilespmem:$0x14C0] =	vst v0  }
0x85: {  	[tilespmem:$0x14D0] =	vst v0  }
0x86: {  	[tilespmem:$0x14E0] =	vst v0  }
0x87: {  	[tilespmem:$0x14F0] =	vst v0  }
0x88: {  	[tilespmem:$0x1500] =	vst v0  }
0x89: {  	[tilespmem:$0x1510] =	vst v0  }
0x8a: {  	[tilespmem:$0x1520] =	vst v0  }
0x8b: {  	[tilespmem:$0x1530] =	vst v0  }
0x8c: {  	[tilespmem:$0x1540] =	vst v0  }
0x8d: {  	[tilespmem:$0x1550] =	vst v0  }
0x8e: {  	[tilespmem:$0x1560] =	vst v0  }
0x8f: {  	[tilespmem:$0x1570] =	vst v0  }
0x90: {  	[tilespmem:$0x1580] =	vst v0  }
0x91: {  	[tilespmem:$0x1590] =	vst v0  }
0x92: {  	[tilespmem:$0x15A0] =	vst v0  }
0x93: {  	[tilespmem:$0x15B0] =	vst v0  }
0x94: {  	[tilespmem:$0x15C0] =	vst v0  }
0x95: {  	[tilespmem:$0x15D0] =	vst v0  }
0x96: {  	[tilespmem:$0x15E0] =	vst v0  }
0x97: {  	[tilespmem:$0x15F0] =	vst v0  }
0x98: {  	[tilespmem:$0x1600] =	vst v0  }
0x99: {  	[tilespmem:$0x1610] =	vst v0  }
0x9a: {  	[tilespmem:$0x1620] =	vst v0  }
0x9b: {  	[tilespmem:$0x1630] =	vst v0  }
0x9c: {  	[tilespmem:$0x1640] =	vst v0  }
0x9d: {  	[tilespmem:$0x1650] =	vst v0  }
0x9e: {  	[tilespmem:$0x1660] =	vst v0  }
0x9f: {  	[tilespmem:$0x1670] =	vst v0  }
0xa0: {  	[tilespmem:$0x1680] =	vst v0  }
0xa1: {  	[tilespmem:$0x1690] =	vst v0  }
0xa2: {  	[tilespmem:$0x16A0] =	vst v0  }
0xa3: {  	[tilespmem:$0x16B0] =	vst v0  }
0xa4: {  	[tilespmem:$0x16C0] =	vst v0  }
0xa5: {  	[tilespmem:$0x16D0] =	vst v0  }
0xa6: {  	[tilespmem:$0x16E0] =	vst v0  }
0xa7: {  	[tilespmem:$0x16F0] =	vst v0  }
0xa8: {  	[tilespmem:$0x1700] =	vst v0  }
0xa9: {  	[tilespmem:$0x1710] =	vst v0  }
0xaa: {  	[tilespmem:$0x1720] =	vst v0  }
0xab: {  	[tilespmem:$0x1730] =	vst v0  }
0xac: {  	[tilespmem:$0x1740] =	vst v0  }
0xad: {  	[tilespmem:$0x1750] =	vst v0  }
0xae: {  	[tilespmem:$0x1760] =	vst v0  }
0xaf: {  	[tilespmem:$0x1770] =	vst v0  }
0xb0: {  	[tilespmem:$0x1780] =	vst v0  }
0xb1: {  	[tilespmem:$0x1790] =	vst v0  }
0xb2: {  	[tilespmem:$0x17A0] =	vst v0  }
0xb3: {  	[tilespmem:$0x17B0] =	vst v0  }
0xb4: {  	[tilespmem:$0x17C0] =	vst v0  }
0xb5: {  	[tilespmem:$0x17D0] =	vst v0  }
0xb6: {  	[tilespmem:$0x17E0] =	vst v0  }
0xb7: {  	[tilespmem:$0x17F0] =	vst v0  }
0xb8: {  	[tilespmem:$0x1800] =	vst v0  }
0xb9: {  	[tilespmem:$0x1810] =	vst v0  }
0xba: {  	[tilespmem:$0x1820] =	vst v0  }
0xbb: {  	[tilespmem:$0x1830] =	vst v0  }
0xbc: {  	[tilespmem:$0x1840] =	vst v0  }
0xbd: {  	[tilespmem:$0x1850] =	vst v0  }
0xbe: {  	[tilespmem:$0x1860] =	vst v0  }
0xbf: {  	[tilespmem:$0x1870] =	vst v0  }
0xc0: {  	[tilespmem:$0x1880] =	vst v0  }
0xc1: {  	[tilespmem:$0x1890] =	vst v0  }
0xc2: {  	[tilespmem:$0x18A0] =	vst v0  }
0xc3: {  	[tilespmem:$0x18B0] =	vst v0  }
0xc4: {  	[tilespmem:$0x18C0] =	vst v0  }
0xc5: {  	[tilespmem:$0x18D0] =	vst v0  }
0xc6: {  	[tilespmem:$0x18E0] =	vst v0  }
0xc7: {  	[tilespmem:$0x18F0] =	vst v0  }
0xc8: {  	[tilespmem:$0x1900] =	vst v0  }
0xc9: {  	[tilespmem:$0x1910] =	vst v0  }
0xca: {  	[tilespmem:$0x1920] =	vst v0  }
0xcb: {  	[tilespmem:$0x1930] =	vst v0  }
0xcc: {  	[tilespmem:$0x1940] =	vst v0  }
0xcd: {  	[tilespmem:$0x1950] =	vst v0  }
0xce: {  	[tilespmem:$0x1960] =	vst v0  }
0xcf: {  	[tilespmem:$0x1970] =	vst v0  }
0xd0: {  	[tilespmem:$0x1980] =	vst v0;
	v2 =	vld [tilespmem:$0x0]  }
0xd1: {  	[tilespmem:$0x1990] =	vst v0  }
0xd2: {  	[tilespmem:$0x19A0] =	vst v0;
	v3 =	vld [tilespmem:$0x80]  }
0xd3: {  	[tilespmem:$0x19B0] =	vst v0  }
0xd4: {  	[tilespmem:$0x19C0] =	vst v0  }
0xd5: {  	[tilespmem:$0x19D0] =	vst v0;
	v4 =	vmul.u32 $0x38, v2  }
0xd6: {  	[tilespmem:$0x19E0] =	vst v0  }
0xd7: {  	[tilespmem:$0x19F0] =	vst v0;
	v4 =	vadd.s32 v3, v4  }
0xd8: {  	[tilespmem:$0x1A00] =	vst v0  }
0xd9: {  	[tilespmem:$0x1A10] =	vst v0  }
0xda: {  	[tilespmem:$0x1A20] =	vst v0;
	vm0 =	veq.s32 v2, v3  }
0xdb: {  	[tilespmem:$0x1A30] =	vst v0;
	v2 =	vsel vm0, $0x0, v1  }
0xdc: {  	[tilespmem:v4+s12+$0x0] =	vst.idx.add.f32.msk $0xffff, v2  }
0xdd: {  	v2 =	vld [tilespmem:$0x10];
	_ =	sdelay $0x1  }
0xde: {  	v3 =	vld [tilespmem:$0x90];
	_ =	sdelay $0x2  }
0xdf: {  	v21 =	vmul.u32 $0x38, v2;
	_ =	sdelay $0x1  }
0xe0: {  	v4 =	vadd.s32 v3, v21;
	_ =	sdelay $0x2  }
0xe1: {  	vm13 =	veq.s32 v2, v3  }
0xe2: {  	v2 =	vsel vm13, $0x0, v1  }
0xe3: {  	[tilespmem:v4+s12+$0x0] =	vst.idx.add.f32.msk $0xffff, v2  }
0xe4: {  	v2 =	vld [tilespmem:$0x20];
	_ =	sdelay $0x1  }
0xe5: {  	v3 =	vld [tilespmem:$0xA0];
	_ =	sdelay $0x2  }
0xe6: {  	v22 =	vmul.u32 $0x38, v2;
	_ =	sdelay $0x1  }
0xe7: {  	v4 =	vadd.s32 v3, v22;
	_ =	sdelay $0x2  }
0xe8: {  	vm14 =	veq.s32 v2, v3  }
0xe9: {  	v2 =	vsel vm14, $0x0, v1  }
0xea: {  	[tilespmem:v4+s12+$0x0] =	vst.idx.add.f32.msk $0xffff, v2  }
0xeb: {  	v2 =	vld [tilespmem:$0x30];
	_ =	sdelay $0x1  }
0xec: {  	v3 =	vld [tilespmem:$0xB0];
	_ =	sdelay $0x2  }
0xed: {  	v23 =	vmul.u32 $0x38, v2;
	_ =	sdelay $0x1  }
0xee: {  	v4 =	vadd.s32 v3, v23;
	_ =	sdelay $0x2  }
0xef: {  	vm15 =	veq.s32 v2, v3  }
0xf0: {  	v2 =	vsel vm15, $0x0, v1  }
0xf1: {  	[tilespmem:v4+s12+$0x0] =	vst.idx.add.f32.msk $0xffff, v2  }
0xf2: {  	v2 =	vld [tilespmem:$0x40];
	_ =	sdelay $0x1  }
0xf3: {  	v3 =	vld [tilespmem:$0xC0];
	_ =	sdelay $0x2  }
0xf4: {  	v24 =	vmul.u32 $0x38, v2;
	_ =	sdelay $0x1  }
0xf5: {  	v4 =	vadd.s32 v3, v24;
	_ =	sdelay $0x2  }
0xf6: {  	vm4 =	veq.s32 v2, v3  }
0xf7: {  	v2 =	vsel vm4, $0x0, v1  }
0xf8: {  	[tilespmem:v4+s12+$0x0] =	vst.idx.add.f32.msk $0xffff, v2  }
0xf9: {  	v2 =	vld [tilespmem:$0x50];
	_ =	sdelay $0x1  }
0xfa: {  	v3 =	vld [tilespmem:$0xD0];
	_ =	sdelay $0x2  }
0xfb: {  	v25 =	vmul.u32 $0x38, v2;
	_ =	sdelay $0x1  }
0xfc: {  	v4 =	vadd.s32 v3, v25;
	_ =	sdelay $0x2  }
0xfd: {  	vm5 =	veq.s32 v2, v3  }
0xfe: {  	v2 =	vsel vm5, $0x0, v1  }
0xff: {  	[tilespmem:v4+s12+$0x0] =	vst.idx.add.f32.msk $0xffff, v2  }
0x100: {  	v2 =	vld [tilespmem:$0x60];
	_ =	sdelay $0x1  }
0x101: {  	v3 =	vld [tilespmem:$0xE0];
	_ =	sdelay $0x2  }
0x102: {  	v26 =	vmul.u32 $0x38, v2;
	_ =	sdelay $0x1  }
0x103: {  	v4 =	vadd.s32 v3, v26;
	_ =	sdelay $0x2  }
0x104: {  	vm6 =	veq.s32 v2, v3  }
0x105: {  	v2 =	vsel vm6, $0x0, v1  }
0x106: {  	[tilespmem:v4+s12+$0x0] =	vst.idx.add.f32.msk $0xffff, v2  }
0x107: {  	v2 =	vld [tilespmem:$0x70];
	_ =	sdelay $0x1  }
0x108: {  	v3 =	vld [tilespmem:$0xF0];
	_ =	sdelay $0x2  }
0x109: {  	v27 =	vmul.u32 $0x38, v2;
	_ =	sdelay $0x1  }
0x10a: {  	v4 =	vadd.s32 v3, v27;
	_ =	sdelay $0x2  }
0x10b: {  	vm7 =	veq.s32 v2, v3  }
0x10c: {  	v2 =	vsel vm7, $0x0, v1  }
0x10d: {  	[tilespmem:v4+s12+$0x0] =	vst.idx.add.f32.msk $0xffff, v2  }
0x10e: {  	v2 =	vld [tilespmem:$0x100];
	_ =	sdelay $0x1  }
0x10f: {  	v3 =	vld [tilespmem:$0x180];
	_ =	sdelay $0x2  }
0x110: {  	v28 =	vmul.u32 $0x38, v2;
	_ =	sdelay $0x1  }
0x111: {  	v4 =	vadd.s32 v3, v28;
	_ =	sdelay $0x2  }
0x112: {  	vm8 =	veq.s32 v2, v3  }
0x113: {  	v2 =	vsel vm8, $0x0, v1  }
0x114: {  	[tilespmem:v4+s12+$0x0] =	vst.idx.add.f32.msk $0xffff, v2  }
0x115: {  	v2 =	vld [tilespmem:$0x110];
	_ =	sdelay $0x1  }
0x116: {  	v3 =	vld [tilespmem:$0x190];
	_ =	sdelay $0x2  }
0x117: {  	v29 =	vmul.u32 $0x38, v2;
	_ =	sdelay $0x1  }
0x118: {  	v4 =	vadd.s32 v3, v29;
	_ =	sdelay $0x2  }
0x119: {  	vm9 =	veq.s32 v2, v3  }
0x11a: {  	v2 =	vsel vm9, $0x0, v1  }
0x11b: {  	[tilespmem:v4+s12+$0x0] =	vst.idx.add.f32.msk $0xffff, v2  }
0x11c: {  	v2 =	vld [tilespmem:$0x120];
	_ =	sdelay $0x1  }
0x11d: {  	v3 =	vld [tilespmem:$0x1A0];
	_ =	sdelay $0x2  }
0x11e: {  	v30 =	vmul.u32 $0x38, v2;
	_ =	sdelay $0x1  }
0x11f: {  	v4 =	vadd.s32 v3, v30;
	_ =	sdelay $0x2  }
0x120: {  	vm10 =	veq.s32 v2, v3  }
0x121: {  	v2 =	vsel vm10, $0x0, v1  }
0x122: {  	[tilespmem:v4+s12+$0x0] =	vst.idx.add.f32.msk $0xffff, v2  }
0x123: {  	v2 =	vld [tilespmem:$0x130];
	_ =	sdelay $0x1  }
0x124: {  	v3 =	vld [tilespmem:$0x1B0];
	_ =	sdelay $0x2  }
0x125: {  	v31 =	vmul.u32 $0x38, v2;
	_ =	sdelay $0x1  }
0x126: {  	v4 =	vadd.s32 v3, v31;
	_ =	sdelay $0x2  }
0x127: {  	vm11 =	veq.s32 v2, v3  }
0x128: {  	v2 =	vsel vm11, $0x0, v1  }
0x129: {  	[tilespmem:v4+s12+$0x0] =	vst.idx.add.f32.msk $0xffff, v2  }
0x12a: {  	v2 =	vld [tilespmem:$0x140];
	_ =	sdelay $0x1  }
0x12b: {  	v3 =	vld [tilespmem:$0x1C0];
	_ =	sdelay $0x2  }
0x12c: {  	v32 =	vmul.u32 $0x38, v2;
	_ =	sdelay $0x1  }
0x12d: {  	v4 =	vadd.s32 v3, v32;
	_ =	sdelay $0x2  }
0x12e: {  	vm12 =	veq.s32 v2, v3  }
0x12f: {  	v2 =	vsel vm12, $0x0, v1  }
0x130: {  	[tilespmem:v4+s12+$0x0] =	vst.idx.add.f32.msk $0xffff, v2  }
0x131: {  	v2 =	vld [tilespmem:$0x150];
	_ =	sdelay $0x1  }
0x132: {  	v3 =	vld [tilespmem:$0x1D0];
	_ =	sdelay $0x2  }
0x133: {  	v33 =	vmul.u32 $0x38, v2;
	_ =	sdelay $0x1  }
0x134: {  	v4 =	vadd.s32 v3, v33;
	_ =	sdelay $0x2  }
0x135: {  	vm13 =	veq.s32 v2, v3  }
0x136: {  	v2 =	vsel vm13, $0x0, v1  }
0x137: {  	[tilespmem:v4+s12+$0x0] =	vst.idx.add.f32.msk $0xffff, v2  }
0x138: {  	v2 =	vld [tilespmem:$0x160];
	_ =	sdelay $0x1  }
0x139: {  	v3 =	vld [tilespmem:$0x1E0];
	_ =	sdelay $0x2  }
0x13a: {  	v34 =	vmul.u32 $0x38, v2;
	_ =	sdelay $0x1  }
0x13b: {  	v4 =	vadd.s32 v3, v34;
	_ =	sdelay $0x2  }
0x13c: {  	vm14 =	veq.s32 v2, v3  }
0x13d: {  	v2 =	vsel vm14, $0x0, v1  }
0x13e: {  	[tilespmem:v4+s12+$0x0] =	vst.idx.add.f32.msk $0xffff, v2  }
0x13f: {  	v2 =	vld [tilespmem:$0x170];
	_ =	sdelay $0x1  }
0x140: {  	v3 =	vld [tilespmem:$0x1F0];
	_ =	sdelay $0x2  }
0x141: {  	v35 =	vmul.u32 $0x38, v2;
	_ =	sdelay $0x1  }
0x142: {  	v4 =	vadd.s32 v3, v35;
	_ =	sdelay $0x2  }
0x143: {  	vm15 =	veq.s32 v2, v3  }
0x144: {  	v2 =	vsel vm15, $0x0, v1  }
0x145: {  	[tilespmem:v4+s12+$0x0] =	vst.idx.add.f32.msk $0xffff, v2  }
0x146: {  	v2 =	vld [tilespmem:$0x200];
	_ =	sdelay $0x1  }
0x147: {  	v3 =	vld [tilespmem:$0x280];
	_ =	sdelay $0x2  }
0x148: {  	v36 =	vmul.u32 $0x38, v2;
	_ =	sdelay $0x1  }
0x149: {  	v4 =	vadd.s32 v3, v36;
	_ =	sdelay $0x2  }
0x14a: {  	vm4 =	veq.s32 v2, v3  }
0x14b: {  	v2 =	vsel vm4, $0x0, v1  }
0x14c: {  	[tilespmem:v4+s12+$0x0] =	vst.idx.add.f32.msk $0xffff, v2  }
0x14d: {  	v2 =	vld [tilespmem:$0x210];
	_ =	sdelay $0x1  }
0x14e: {  	v3 =	vld [tilespmem:$0x290];
	_ =	sdelay $0x2  }
0x14f: {  	v37 =	vmul.u32 $0x38, v2;
	_ =	sdelay $0x1  }
0x150: {  	v4 =	vadd.s32 v3, v37;
	_ =	sdelay $0x2  }
0x151: {  	vm5 =	veq.s32 v2, v3  }
0x152: {  	v2 =	vsel vm5, $0x0, v1  }
0x153: {  	[tilespmem:v4+s12+$0x0] =	vst.idx.add.f32.msk $0xffff, v2  }
0x154: {  	v2 =	vld [tilespmem:$0x220];
	_ =	sdelay $0x1  }
0x155: {  	v3 =	vld [tilespmem:$0x2A0];
	_ =	sdelay $0x2  }
0x156: {  	v38 =	vmul.u32 $0x38, v2;
	_ =	sdelay $0x1  }
0x157: {  	v4 =	vadd.s32 v3, v38;
	_ =	sdelay $0x2  }
0x158: {  	vm6 =	veq.s32 v2, v3  }
0x159: {  	v2 =	vsel vm6, $0x0, v1  }
0x15a: {  	[tilespmem:v4+s12+$0x0] =	vst.idx.add.f32.msk $0xffff, v2  }
0x15b: {  	v2 =	vld [tilespmem:$0x230];
	_ =	sdelay $0x1  }
0x15c: {  	v3 =	vld [tilespmem:$0x2B0];
	_ =	sdelay $0x2  }
0x15d: {  	v39 =	vmul.u32 $0x38, v2;
	_ =	sdelay $0x1  }
0x15e: {  	v4 =	vadd.s32 v3, v39;
	_ =	sdelay $0x2  }
0x15f: {  	vm7 =	veq.s32 v2, v3  }
0x160: {  	v2 =	vsel vm7, $0x0, v1  }
0x161: {  	[tilespmem:v4+s12+$0x0] =	vst.idx.add.f32.msk $0xffff, v2  }
0x162: {  	v2 =	vld [tilespmem:$0x240];
	_ =	sdelay $0x1  }
0x163: {  	v3 =	vld [tilespmem:$0x2C0];
	_ =	sdelay $0x2  }
0x164: {  	v40 =	vmul.u32 $0x38, v2;
	_ =	sdelay $0x1  }
0x165: {  	v4 =	vadd.s32 v3, v40;
	_ =	sdelay $0x2  }
0x166: {  	vm8 =	veq.s32 v2, v3  }
0x167: {  	v2 =	vsel vm8, $0x0, v1  }
0x168: {  	[tilespmem:v4+s12+$0x0] =	vst.idx.add.f32.msk $0xffff, v2  }
0x169: {  	v2 =	vld [tilespmem:$0x250];
	_ =	sdelay $0x1  }
0x16a: {  	v3 =	vld [tilespmem:$0x2D0];
	_ =	sdelay $0x2  }
0x16b: {  	v41 =	vmul.u32 $0x38, v2;
	_ =	sdelay $0x1  }
0x16c: {  	v4 =	vadd.s32 v3, v41;
	_ =	sdelay $0x2  }
0x16d: {  	vm9 =	veq.s32 v2, v3  }
0x16e: {  	v2 =	vsel vm9, $0x0, v1  }
0x16f: {  	[tilespmem:v4+s12+$0x0] =	vst.idx.add.f32.msk $0xffff, v2  }
0x170: {  	v2 =	vld [tilespmem:$0x260];
	_ =	sdelay $0x1  }
0x171: {  	v3 =	vld [tilespmem:$0x2E0];
	_ =	sdelay $0x2  }
0x172: {  	v42 =	vmul.u32 $0x38, v2;
	_ =	sdelay $0x1  }
0x173: {  	v4 =	vadd.s32 v3, v42;
	_ =	sdelay $0x2  }
0x174: {  	vm10 =	veq.s32 v2, v3  }
0x175: {  	v2 =	vsel vm10, $0x0, v1  }
0x176: {  	[tilespmem:v4+s12+$0x0] =	vst.idx.add.f32.msk $0xffff, v2  }
0x177: {  	v2 =	vld [tilespmem:$0x270];
	_ =	sdelay $0x1  }
0x178: {  	v3 =	vld [tilespmem:$0x2F0];
	_ =	sdelay $0x2  }
0x179: {  	v43 =	vmul.u32 $0x38, v2;
	_ =	sdelay $0x1  }
0x17a: {  	v4 =	vadd.s32 v3, v43;
	_ =	sdelay $0x2  }
0x17b: {  	vm11 =	veq.s32 v2, v3  }
0x17c: {  	v2 =	vsel vm11, $0x0, v1  }
0x17d: {  	[tilespmem:v4+s12+$0x0] =	vst.idx.add.f32.msk $0xffff, v2  }
0x17e: {  	v2 =	vld [tilespmem:$0x300];
	_ =	sdelay $0x1  }
0x17f: {  	v3 =	vld [tilespmem:$0x380];
	_ =	sdelay $0x2  }
0x180: {  	v44 =	vmul.u32 $0x38, v2;
	_ =	sdelay $0x1  }
0x181: {  	v4 =	vadd.s32 v3, v44;
	_ =	sdelay $0x2  }
0x182: {  	vm12 =	veq.s32 v2, v3  }
0x183: {  	v2 =	vsel vm12, $0x0, v1  }
0x184: {  	[tilespmem:v4+s12+$0x0] =	vst.idx.add.f32.msk $0xffff, v2  }
0x185: {  	v2 =	vld [tilespmem:$0x310];
	_ =	sdelay $0x1  }
0x186: {  	v3 =	vld [tilespmem:$0x390];
	_ =	sdelay $0x2  }
0x187: {  	v45 =	vmul.u32 $0x38, v2;
	_ =	sdelay $0x1  }
0x188: {  	v4 =	vadd.s32 v3, v45;
	_ =	sdelay $0x2  }
0x189: {  	vm13 =	veq.s32 v2, v3  }
0x18a: {  	v2 =	vsel vm13, $0x0, v1  }
0x18b: {  	[tilespmem:v4+s12+$0x0] =	vst.idx.add.f32.msk $0xffff, v2  }
0x18c: {  	v2 =	vld [tilespmem:$0x320];
	_ =	sdelay $0x1  }
0x18d: {  	v3 =	vld [tilespmem:$0x3A0];
	_ =	sdelay $0x2  }
0x18e: {  	v46 =	vmul.u32 $0x38, v2;
	_ =	sdelay $0x1  }
0x18f: {  	v4 =	vadd.s32 v3, v46;
	_ =	sdelay $0x2  }
0x190: {  	vm14 =	veq.s32 v2, v3  }
0x191: {  	v2 =	vsel vm14, $0x0, v1  }
0x192: {  	[tilespmem:v4+s12+$0x0] =	vst.idx.add.f32.msk $0xffff, v2  }
0x193: {  	v2 =	vld [tilespmem:$0x330];
	_ =	sdelay $0x1  }
0x194: {  	v3 =	vld [tilespmem:$0x3B0];
	_ =	sdelay $0x2  }
0x195: {  	v47 =	vmul.u32 $0x38, v2;
	_ =	sdelay $0x1  }
0x196: {  	v4 =	vadd.s32 v3, v47;
	_ =	sdelay $0x2  }
0x197: {  	vm15 =	veq.s32 v2, v3  }
0x198: {  	v2 =	vsel vm15, $0x0, v1  }
0x199: {  	[tilespmem:v4+s12+$0x0] =	vst.idx.add.f32.msk $0xffff, v2  }
0x19a: {  	v2 =	vld [tilespmem:$0x340];
	_ =	sdelay $0x1  }
0x19b: {  	v3 =	vld [tilespmem:$0x3C0];
	_ =	sdelay $0x2  }
0x19c: {  	v48 =	vmul.u32 $0x38, v2;
	_ =	sdelay $0x1  }
0x19d: {  	v4 =	vadd.s32 v3, v48;
	_ =	sdelay $0x2  }
0x19e: {  	vm4 =	veq.s32 v2, v3  }
0x19f: {  	v2 =	vsel vm4, $0x0, v1  }
0x1a0: {  	[tilespmem:v4+s12+$0x0] =	vst.idx.add.f32.msk $0xffff, v2  }
0x1a1: {  	v2 =	vld [tilespmem:$0x350];
	_ =	sdelay $0x1  }
0x1a2: {  	v3 =	vld [tilespmem:$0x3D0];
	_ =	sdelay $0x2  }
0x1a3: {  	v49 =	vmul.u32 $0x38, v2;
	_ =	sdelay $0x1  }
0x1a4: {  	v4 =	vadd.s32 v3, v49;
	_ =	sdelay $0x2  }
0x1a5: {  	vm5 =	veq.s32 v2, v3  }
0x1a6: {  	v2 =	vsel vm5, $0x0, v1  }
0x1a7: {  	[tilespmem:v4+s12+$0x0] =	vst.idx.add.f32.msk $0xffff, v2  }
0x1a8: {  	v2 =	vld [tilespmem:$0x360];
	_ =	sdelay $0x1  }
0x1a9: {  	v3 =	vld [tilespmem:$0x3E0];
	_ =	sdelay $0x2  }
0x1aa: {  	v50 =	vmul.u32 $0x38, v2;
	_ =	sdelay $0x1  }
0x1ab: {  	v4 =	vadd.s32 v3, v50;
	_ =	sdelay $0x2  }
0x1ac: {  	vm6 =	veq.s32 v2, v3  }
0x1ad: {  	v2 =	vsel vm6, $0x0, v1  }
0x1ae: {  	[tilespmem:v4+s12+$0x0] =	vst.idx.add.f32.msk $0xffff, v2  }
0x1af: {  	v2 =	vld [tilespmem:$0x370];
	_ =	sdelay $0x1  }
0x1b0: {  	v3 =	vld [tilespmem:$0x3F0];
	_ =	sdelay $0x2  }
0x1b1: {  	v51 =	vmul.u32 $0x38, v2;
	_ =	sdelay $0x1  }
0x1b2: {  	v4 =	vadd.s32 v3, v51;
	_ =	sdelay $0x2  }
0x1b3: {  	vm7 =	veq.s32 v2, v3  }
0x1b4: {  	v2 =	vsel vm7, $0x0, v1  }
0x1b5: {  	[tilespmem:v4+s12+$0x0] =	vst.idx.add.f32.msk $0xffff, v2  }
0x1b6: {  	v2 =	vld [tilespmem:$0x400];
	_ =	sdelay $0x1  }
0x1b7: {  	v3 =	vld [tilespmem:$0x480];
	_ =	sdelay $0x2  }
0x1b8: {  	v52 =	vmul.u32 $0x38, v2;
	_ =	sdelay $0x1  }
0x1b9: {  	v4 =	vadd.s32 v3, v52;
	_ =	sdelay $0x2  }
0x1ba: {  	vm8 =	veq.s32 v2, v3  }
0x1bb: {  	v2 =	vsel vm8, $0x0, v1  }
0x1bc: {  	[tilespmem:v4+s12+$0x0] =	vst.idx.add.f32.msk $0xffff, v2  }
0x1bd: {  	v2 =	vld [tilespmem:$0x410];
	_ =	sdelay $0x1  }
0x1be: {  	v3 =	vld [tilespmem:$0x490];
	_ =	sdelay $0x2  }
0x1bf: {  	v53 =	vmul.u32 $0x38, v2;
	_ =	sdelay $0x1  }
0x1c0: {  	v4 =	vadd.s32 v3, v53;
	_ =	sdelay $0x2  }
0x1c1: {  	vm9 =	veq.s32 v2, v3  }
0x1c2: {  	v2 =	vsel vm9, $0x0, v1  }
0x1c3: {  	[tilespmem:v4+s12+$0x0] =	vst.idx.add.f32.msk $0xffff, v2  }
0x1c4: {  	v2 =	vld [tilespmem:$0x420];
	_ =	sdelay $0x1  }
0x1c5: {  	v3 =	vld [tilespmem:$0x4A0];
	_ =	sdelay $0x2  }
0x1c6: {  	v54 =	vmul.u32 $0x38, v2;
	_ =	sdelay $0x1  }
0x1c7: {  	v4 =	vadd.s32 v3, v54;
	_ =	sdelay $0x2  }
0x1c8: {  	vm10 =	veq.s32 v2, v3  }
0x1c9: {  	v2 =	vsel vm10, $0x0, v1  }
0x1ca: {  	[tilespmem:v4+s12+$0x0] =	vst.idx.add.f32.msk $0xffff, v2  }
0x1cb: {  	v2 =	vld [tilespmem:$0x430];
	_ =	sdelay $0x1  }
0x1cc: {  	v3 =	vld [tilespmem:$0x4B0];
	_ =	sdelay $0x2  }
0x1cd: {  	v55 =	vmul.u32 $0x38, v2;
	_ =	sdelay $0x1  }
0x1ce: {  	v4 =	vadd.s32 v3, v55;
	_ =	sdelay $0x2  }
0x1cf: {  	vm11 =	veq.s32 v2, v3  }
0x1d0: {  	v2 =	vsel vm11, $0x0, v1  }
0x1d1: {  	[tilespmem:v4+s12+$0x0] =	vst.idx.add.f32.msk $0xffff, v2  }
0x1d2: {  	v2 =	vld [tilespmem:$0x440];
	_ =	sdelay $0x1  }
0x1d3: {  	v3 =	vld [tilespmem:$0x4C0];
	_ =	sdelay $0x2  }
0x1d4: {  	v56 =	vmul.u32 $0x38, v2;
	_ =	sdelay $0x1  }
0x1d5: {  	v4 =	vadd.s32 v3, v56;
	_ =	sdelay $0x2  }
0x1d6: {  	vm12 =	veq.s32 v2, v3  }
0x1d7: {  	v2 =	vsel vm12, $0x0, v1  }
0x1d8: {  	[tilespmem:v4+s12+$0x0] =	vst.idx.add.f32.msk $0xffff, v2  }
0x1d9: {  	v2 =	vld [tilespmem:$0x450];
	_ =	sdelay $0x1  }
0x1da: {  	v3 =	vld [tilespmem:$0x4D0];
	_ =	sdelay $0x2  }
0x1db: {  	v57 =	vmul.u32 $0x38, v2;
	_ =	sdelay $0x1  }
0x1dc: {  	v4 =	vadd.s32 v3, v57;
	_ =	sdelay $0x2  }
0x1dd: {  	vm13 =	veq.s32 v2, v3  }
0x1de: {  	v2 =	vsel vm13, $0x0, v1  }
0x1df: {  	[tilespmem:v4+s12+$0x0] =	vst.idx.add.f32.msk $0xffff, v2  }
0x1e0: {  	v2 =	vld [tilespmem:$0x460];
	_ =	sdelay $0x1  }
0x1e1: {  	v3 =	vld [tilespmem:$0x4E0];
	_ =	sdelay $0x2  }
0x1e2: {  	v58 =	vmul.u32 $0x38, v2;
	_ =	sdelay $0x1  }
0x1e3: {  	v4 =	vadd.s32 v3, v58;
	_ =	sdelay $0x2  }
0x1e4: {  	vm14 =	veq.s32 v2, v3  }
0x1e5: {  	v2 =	vsel vm14, $0x0, v1  }
0x1e6: {  	[tilespmem:v4+s12+$0x0] =	vst.idx.add.f32.msk $0xffff, v2  }
0x1e7: {  	v2 =	vld [tilespmem:$0x470];
	_ =	sdelay $0x1  }
0x1e8: {  	v3 =	vld [tilespmem:$0x4F0];
	_ =	sdelay $0x2  }
0x1e9: {  	v59 =	vmul.u32 $0x38, v2;
	_ =	sdelay $0x1  }
0x1ea: {  	v4 =	vadd.s32 v3, v59;
	_ =	sdelay $0x2  }
0x1eb: {  	vm15 =	veq.s32 v2, v3  }
0x1ec: {  	v2 =	vsel vm15, $0x0, v1  }
0x1ed: {  	[tilespmem:v4+s12+$0x0] =	vst.idx.add.f32.msk $0xffff, v2  }
0x1ee: {  	v2 =	vld [tilespmem:$0x500];
	_ =	sdelay $0x1  }
0x1ef: {  	v3 =	vld [tilespmem:$0x580];
	_ =	sdelay $0x2  }
0x1f0: {  	v60 =	vmul.u32 $0x38, v2;
	_ =	sdelay $0x1  }
0x1f1: {  	v4 =	vadd.s32 v3, v60;
	_ =	sdelay $0x2  }
0x1f2: {  	vm4 =	veq.s32 v2, v3  }
0x1f3: {  	v2 =	vsel vm4, $0x0, v1  }
0x1f4: {  	[tilespmem:v4+s12+$0x0] =	vst.idx.add.f32.msk $0xffff, v2  }
0x1f5: {  	v2 =	vld [tilespmem:$0x510];
	_ =	sdelay $0x1  }
0x1f6: {  	v3 =	vld [tilespmem:$0x590];
	_ =	sdelay $0x2  }
0x1f7: {  	v61 =	vmul.u32 $0x38, v2;
	_ =	sdelay $0x1  }
0x1f8: {  	v4 =	vadd.s32 v3, v61;
	_ =	sdelay $0x2  }
0x1f9: {  	vm5 =	veq.s32 v2, v3  }
0x1fa: {  	v2 =	vsel vm5, $0x0, v1  }
0x1fb: {  	[tilespmem:v4+s12+$0x0] =	vst.idx.add.f32.msk $0xffff, v2  }
0x1fc: {  	v2 =	vld [tilespmem:$0x520];
	_ =	sdelay $0x1  }
0x1fd: {  	v3 =	vld [tilespmem:$0x5A0];
	_ =	sdelay $0x2  }
0x1fe: {  	v62 =	vmul.u32 $0x38, v2;
	_ =	sdelay $0x1  }
0x1ff: {  	v4 =	vadd.s32 v3, v62;
	_ =	sdelay $0x2  }
0x200: {  	vm6 =	veq.s32 v2, v3  }
0x201: {  	v2 =	vsel vm6, $0x0, v1  }
0x202: {  	[tilespmem:v4+s12+$0x0] =	vst.idx.add.f32.msk $0xffff, v2  }
0x203: {  	v2 =	vld [tilespmem:$0x530];
	_ =	sdelay $0x1  }
0x204: {  	v3 =	vld [tilespmem:$0x5B0];
	_ =	sdelay $0x2  }
0x205: {  	v63 =	vmul.u32 $0x38, v2;
	_ =	sdelay $0x1  }
0x206: {  	v4 =	vadd.s32 v3, v63;
	_ =	sdelay $0x2  }
0x207: {  	vm7 =	veq.s32 v2, v3  }
0x208: {  	v2 =	vsel vm7, $0x0, v1  }
0x209: {  	[tilespmem:v4+s12+$0x0] =	vst.idx.add.f32.msk $0xffff, v2  }
0x20a: {  	v2 =	vld [tilespmem:$0x540];
	_ =	sdelay $0x1  }
0x20b: {  	v3 =	vld [tilespmem:$0x5C0];
	_ =	sdelay $0x2  }
0x20c: {  	v8 =	vmul.u32 $0x38, v2;
	_ =	sdelay $0x1  }
0x20d: {  	v4 =	vadd.s32 v3, v8;
	_ =	sdelay $0x2  }
0x20e: {  	vm8 =	veq.s32 v2, v3  }
0x20f: {  	v2 =	vsel vm8, $0x0, v1  }
0x210: {  	[tilespmem:v4+s12+$0x0] =	vst.idx.add.f32.msk $0xffff, v2  }
0x211: {  	v2 =	vld [tilespmem:$0x550];
	_ =	sdelay $0x1  }
0x212: {  	v3 =	vld [tilespmem:$0x5D0];
	_ =	sdelay $0x2  }
0x213: {  	v9 =	vmul.u32 $0x38, v2;
	_ =	sdelay $0x1  }
0x214: {  	v4 =	vadd.s32 v3, v9;
	_ =	sdelay $0x2  }
0x215: {  	vm9 =	veq.s32 v2, v3  }
0x216: {  	v2 =	vsel vm9, $0x0, v1  }
0x217: {  	[tilespmem:v4+s12+$0x0] =	vst.idx.add.f32.msk $0xffff, v2  }
0x218: {  	v2 =	vld [tilespmem:$0x560];
	_ =	sdelay $0x1  }
0x219: {  	v3 =	vld [tilespmem:$0x5E0];
	_ =	sdelay $0x2  }
0x21a: {  	v10 =	vmul.u32 $0x38, v2;
	_ =	sdelay $0x1  }
0x21b: {  	v4 =	vadd.s32 v3, v10;
	_ =	sdelay $0x2  }
0x21c: {  	vm10 =	veq.s32 v2, v3  }
0x21d: {  	v2 =	vsel vm10, $0x0, v1  }
0x21e: {  	[tilespmem:v4+s12+$0x0] =	vst.idx.add.f32.msk $0xffff, v2  }
0x21f: {  	v2 =	vld [tilespmem:$0x570];
	_ =	sdelay $0x1  }
0x220: {  	v3 =	vld [tilespmem:$0x5F0];
	_ =	sdelay $0x2  }
0x221: {  	v11 =	vmul.u32 $0x38, v2;
	_ =	sdelay $0x1  }
0x222: {  	v4 =	vadd.s32 v3, v11;
	_ =	sdelay $0x2  }
0x223: {  	vm11 =	veq.s32 v2, v3  }
0x224: {  	v2 =	vsel vm11, $0x0, v1  }
0x225: {  	[tilespmem:v4+s12+$0x0] =	vst.idx.add.f32.msk $0xffff, v2  }
0x226: {  	v2 =	vld [tilespmem:$0x600];
	_ =	sdelay $0x1  }
0x227: {  	v3 =	vld [tilespmem:$0x680];
	_ =	sdelay $0x2  }
0x228: {  	v12 =	vmul.u32 $0x38, v2;
	_ =	sdelay $0x1  }
0x229: {  	v4 =	vadd.s32 v3, v12;
	_ =	sdelay $0x2  }
0x22a: {  	vm12 =	veq.s32 v2, v3  }
0x22b: {  	v2 =	vsel vm12, $0x0, v1  }
0x22c: {  	[tilespmem:v4+s12+$0x0] =	vst.idx.add.f32.msk $0xffff, v2  }
0x22d: {  	v2 =	vld [tilespmem:$0x610];
	_ =	sdelay $0x1  }
0x22e: {  	v3 =	vld [tilespmem:$0x690];
	_ =	sdelay $0x2  }
0x22f: {  	v13 =	vmul.u32 $0x38, v2;
	_ =	sdelay $0x1  }
0x230: {  	s31 =	sshrl.u32 s20, $0x3;
	v4 =	vadd.s32 v3, v13  }
0x231: {  	s23 =	sadd.s32 s21, s7;
	s22 =	smul.u32 $0x6400, s31  }
0x232: {  	s24 =	sand.u32 $0x300, s23  }
0x233: {  	s24 =	sor.u32 s24, s22;
	vm13 =	veq.s32 v2, v3  }
0x234: {  	s24 =	sshrl.u32 s24, $0x3;
	v2 =	vsel vm13, $0x0, v1  }
0x235: {  	s24 =	sadd.s32 s3, s24;
	[tilespmem:v4+s12+$0x0] =	vst.idx.add.f32.msk $0xffff, v2  }
0x236: {  	[hbm4b:s24+s13] =	stream.strided.scatter [tilespmem:s12], [sflag:$0x2], $0xC80, s14, s13, $0x38;
	[tilespmem:$0x2700] =	vst v63  }
0x237: {  	s20 =	sadd.s32 $0x2, s20;
	_ =	swait.ge [sflag:s10], $0x700  }
0x238: {  	p1 =	sge.u32 s20, s5;
	[sflag:s10] =	ssyncset.done $0x0  }
0x239: {  	s25 =	simm.s32 @!p1 $0x0;
	s24 =	sadd.s32 @!p1 $0xE0, s19;
	[sflag:s10] =	ssyncadd.s32 $0xFFFFF900  }
0x23a: {  	[tilespmem:s25], [sflag:$0x1] =	stream.linear.gather @!p1 [hbm4b:s24+s25], $0x700, $0x38;
	[tilespmem:$0x2700] =	vst v63  }
0x23b: {  	s24 =	simm.s32 @!p0 $0x3  }
0x23c: {  	_ =	swait.ge @!p0 [sflag:s24], $0xC80  }
0x23d: {  	[sflag:s24] =	ssyncset.done @!p0 $0x0  }
0x23e: {  	[sflag:s24] =	ssyncadd.s32 @!p0 $0xFFFFF380  }
0x23f: {  	[tilespmem:$0x1A80] =	vst v0  }
0x240: {  	[tilespmem:$0x1A90] =	vst v0  }
0x241: {  	[tilespmem:$0x1AA0] =	vst v0  }
0x242: {  	[tilespmem:$0x1AB0] =	vst v0  }
0x243: {  	[tilespmem:$0x1AC0] =	vst v0  }
0x244: {  	[tilespmem:$0x1AD0] =	vst v0  }
0x245: {  	[tilespmem:$0x1AE0] =	vst v0  }
0x246: {  	[tilespmem:$0x1AF0] =	vst v0  }
0x247: {  	[tilespmem:$0x1B00] =	vst v0  }
0x248: {  	[tilespmem:$0x1B10] =	vst v0  }
0x249: {  	[tilespmem:$0x1B20] =	vst v0  }
0x24a: {  	[tilespmem:$0x1B30] =	vst v0  }
0x24b: {  	[tilespmem:$0x1B40] =	vst v0  }
0x24c: {  	[tilespmem:$0x1B50] =	vst v0  }
0x24d: {  	[tilespmem:$0x1B60] =	vst v0  }
0x24e: {  	[tilespmem:$0x1B70] =	vst v0  }
0x24f: {  	[tilespmem:$0x1B80] =	vst v0  }
0x250: {  	[tilespmem:$0x1B90] =	vst v0  }
0x251: {  	[tilespmem:$0x1BA0] =	vst v0  }
0x252: {  	[tilespmem:$0x1BB0] =	vst v0  }
0x253: {  	[tilespmem:$0x1BC0] =	vst v0  }
0x254: {  	[tilespmem:$0x1BD0] =	vst v0  }
0x255: {  	[tilespmem:$0x1BE0] =	vst v0  }
0x256: {  	[tilespmem:$0x1BF0] =	vst v0  }
0x257: {  	[tilespmem:$0x1C00] =	vst v0  }
0x258: {  	[tilespmem:$0x1C10] =	vst v0  }
0x259: {  	[tilespmem:$0x1C20] =	vst v0  }
0x25a: {  	[tilespmem:$0x1C30] =	vst v0  }
0x25b: {  	[tilespmem:$0x1C40] =	vst v0  }
0x25c: {  	[tilespmem:$0x1C50] =	vst v0  }
0x25d: {  	[tilespmem:$0x1C60] =	vst v0  }
0x25e: {  	[tilespmem:$0x1C70] =	vst v0  }
0x25f: {  	[tilespmem:$0x1C80] =	vst v0  }
0x260: {  	[tilespmem:$0x1C90] =	vst v0  }
0x261: {  	[tilespmem:$0x1CA0] =	vst v0  }
0x262: {  	[tilespmem:$0x1CB0] =	vst v0  }
0x263: {  	[tilespmem:$0x1CC0] =	vst v0  }
0x264: {  	[tilespmem:$0x1CD0] =	vst v0  }
0x265: {  	[tilespmem:$0x1CE0] =	vst v0  }
0x266: {  	[tilespmem:$0x1CF0] =	vst v0  }
0x267: {  	[tilespmem:$0x1D00] =	vst v0  }
0x268: {  	[tilespmem:$0x1D10] =	vst v0  }
0x269: {  	[tilespmem:$0x1D20] =	vst v0  }
0x26a: {  	[tilespmem:$0x1D30] =	vst v0  }
0x26b: {  	[tilespmem:$0x1D40] =	vst v0  }
0x26c: {  	[tilespmem:$0x1D50] =	vst v0  }
0x26d: {  	[tilespmem:$0x1D60] =	vst v0  }
0x26e: {  	[tilespmem:$0x1D70] =	vst v0  }
0x26f: {  	[tilespmem:$0x1D80] =	vst v0  }
0x270: {  	[tilespmem:$0x1D90] =	vst v0  }
0x271: {  	[tilespmem:$0x1DA0] =	vst v0  }
0x272: {  	[tilespmem:$0x1DB0] =	vst v0  }
0x273: {  	[tilespmem:$0x1DC0] =	vst v0  }
0x274: {  	[tilespmem:$0x1DD0] =	vst v0  }
0x275: {  	[tilespmem:$0x1DE0] =	vst v0  }
0x276: {  	[tilespmem:$0x1DF0] =	vst v0  }
0x277: {  	[tilespmem:$0x1E00] =	vst v0  }
0x278: {  	[tilespmem:$0x1E10] =	vst v0  }
0x279: {  	[tilespmem:$0x1E20] =	vst v0  }
0x27a: {  	[tilespmem:$0x1E30] =	vst v0  }
0x27b: {  	[tilespmem:$0x1E40] =	vst v0  }
0x27c: {  	[tilespmem:$0x1E50] =	vst v0  }
0x27d: {  	[tilespmem:$0x1E60] =	vst v0  }
0x27e: {  	[tilespmem:$0x1E70] =	vst v0  }
0x27f: {  	[tilespmem:$0x1E80] =	vst v0  }
0x280: {  	[tilespmem:$0x1E90] =	vst v0  }
0x281: {  	[tilespmem:$0x1EA0] =	vst v0  }
0x282: {  	[tilespmem:$0x1EB0] =	vst v0  }
0x283: {  	[tilespmem:$0x1EC0] =	vst v0  }
0x284: {  	[tilespmem:$0x1ED0] =	vst v0  }
0x285: {  	[tilespmem:$0x1EE0] =	vst v0  }
0x286: {  	[tilespmem:$0x1EF0] =	vst v0  }
0x287: {  	[tilespmem:$0x1F00] =	vst v0  }
0x288: {  	[tilespmem:$0x1F10] =	vst v0  }
0x289: {  	[tilespmem:$0x1F20] =	vst v0  }
0x28a: {  	[tilespmem:$0x1F30] =	vst v0  }
0x28b: {  	[tilespmem:$0x1F40] =	vst v0  }
0x28c: {  	[tilespmem:$0x1F50] =	vst v0  }
0x28d: {  	[tilespmem:$0x1F60] =	vst v0  }
0x28e: {  	[tilespmem:$0x1F70] =	vst v0  }
0x28f: {  	[tilespmem:$0x1F80] =	vst v0  }
0x290: {  	[tilespmem:$0x1F90] =	vst v0  }
0x291: {  	[tilespmem:$0x1FA0] =	vst v0  }
0x292: {  	[tilespmem:$0x1FB0] =	vst v0  }
0x293: {  	[tilespmem:$0x1FC0] =	vst v0  }
0x294: {  	[tilespmem:$0x1FD0] =	vst v0  }
0x295: {  	[tilespmem:$0x1FE0] =	vst v0  }
0x296: {  	[tilespmem:$0x1FF0] =	vst v0  }
0x297: {  	[tilespmem:$0x2000] =	vst v0  }
0x298: {  	[tilespmem:$0x2010] =	vst v0  }
0x299: {  	[tilespmem:$0x2020] =	vst v0  }
0x29a: {  	[tilespmem:$0x2030] =	vst v0  }
0x29b: {  	[tilespmem:$0x2040] =	vst v0  }
0x29c: {  	[tilespmem:$0x2050] =	vst v0  }
0x29d: {  	[tilespmem:$0x2060] =	vst v0  }
0x29e: {  	[tilespmem:$0x2070] =	vst v0  }
0x29f: {  	[tilespmem:$0x2080] =	vst v0  }
0x2a0: {  	[tilespmem:$0x2090] =	vst v0  }
0x2a1: {  	[tilespmem:$0x20A0] =	vst v0  }
0x2a2: {  	[tilespmem:$0x20B0] =	vst v0  }
0x2a3: {  	[tilespmem:$0x20C0] =	vst v0  }
0x2a4: {  	[tilespmem:$0x20D0] =	vst v0  }
0x2a5: {  	[tilespmem:$0x20E0] =	vst v0  }
0x2a6: {  	[tilespmem:$0x20F0] =	vst v0  }
0x2a7: {  	[tilespmem:$0x2100] =	vst v0  }
0x2a8: {  	[tilespmem:$0x2110] =	vst v0  }
0x2a9: {  	[tilespmem:$0x2120] =	vst v0  }
0x2aa: {  	[tilespmem:$0x2130] =	vst v0  }
0x2ab: {  	[tilespmem:$0x2140] =	vst v0  }
0x2ac: {  	[tilespmem:$0x2150] =	vst v0  }
0x2ad: {  	[tilespmem:$0x2160] =	vst v0  }
0x2ae: {  	[tilespmem:$0x2170] =	vst v0  }
0x2af: {  	[tilespmem:$0x2180] =	vst v0  }
0x2b0: {  	[tilespmem:$0x2190] =	vst v0  }
0x2b1: {  	[tilespmem:$0x21A0] =	vst v0  }
0x2b2: {  	[tilespmem:$0x21B0] =	vst v0  }
0x2b3: {  	[tilespmem:$0x21C0] =	vst v0  }
0x2b4: {  	[tilespmem:$0x21D0] =	vst v0  }
0x2b5: {  	[tilespmem:$0x21E0] =	vst v0  }
0x2b6: {  	[tilespmem:$0x21F0] =	vst v0  }
0x2b7: {  	[tilespmem:$0x2200] =	vst v0  }
0x2b8: {  	[tilespmem:$0x2210] =	vst v0  }
0x2b9: {  	[tilespmem:$0x2220] =	vst v0  }
0x2ba: {  	[tilespmem:$0x2230] =	vst v0  }
0x2bb: {  	[tilespmem:$0x2240] =	vst v0  }
0x2bc: {  	[tilespmem:$0x2250] =	vst v0  }
0x2bd: {  	[tilespmem:$0x2260] =	vst v0  }
0x2be: {  	[tilespmem:$0x2270] =	vst v0  }
0x2bf: {  	[tilespmem:$0x2280] =	vst v0  }
0x2c0: {  	[tilespmem:$0x2290] =	vst v0  }
0x2c1: {  	[tilespmem:$0x22A0] =	vst v0  }
0x2c2: {  	[tilespmem:$0x22B0] =	vst v0  }
0x2c3: {  	[tilespmem:$0x22C0] =	vst v0  }
0x2c4: {  	[tilespmem:$0x22D0] =	vst v0  }
0x2c5: {  	[tilespmem:$0x22E0] =	vst v0  }
0x2c6: {  	[tilespmem:$0x22F0] =	vst v0  }
0x2c7: {  	[tilespmem:$0x2300] =	vst v0  }
0x2c8: {  	[tilespmem:$0x2310] =	vst v0  }
0x2c9: {  	[tilespmem:$0x2320] =	vst v0  }
0x2ca: {  	[tilespmem:$0x2330] =	vst v0  }
0x2cb: {  	[tilespmem:$0x2340] =	vst v0  }
0x2cc: {  	[tilespmem:$0x2350] =	vst v0  }
0x2cd: {  	[tilespmem:$0x2360] =	vst v0  }
0x2ce: {  	[tilespmem:$0x2370] =	vst v0  }
0x2cf: {  	[tilespmem:$0x2380] =	vst v0  }
0x2d0: {  	[tilespmem:$0x2390] =	vst v0  }
0x2d1: {  	[tilespmem:$0x23A0] =	vst v0  }
0x2d2: {  	[tilespmem:$0x23B0] =	vst v0  }
0x2d3: {  	[tilespmem:$0x23C0] =	vst v0  }
0x2d4: {  	[tilespmem:$0x23D0] =	vst v0  }
0x2d5: {  	[tilespmem:$0x23E0] =	vst v0  }
0x2d6: {  	[tilespmem:$0x23F0] =	vst v0  }
0x2d7: {  	[tilespmem:$0x2400] =	vst v0  }
0x2d8: {  	[tilespmem:$0x2410] =	vst v0  }
0x2d9: {  	[tilespmem:$0x2420] =	vst v0  }
0x2da: {  	[tilespmem:$0x2430] =	vst v0  }
0x2db: {  	[tilespmem:$0x2440] =	vst v0  }
0x2dc: {  	[tilespmem:$0x2450] =	vst v0  }
0x2dd: {  	[tilespmem:$0x2460] =	vst v0  }
0x2de: {  	[tilespmem:$0x2470] =	vst v0  }
0x2df: {  	[tilespmem:$0x2480] =	vst v0  }
0x2e0: {  	[tilespmem:$0x2490] =	vst v0  }
0x2e1: {  	[tilespmem:$0x24A0] =	vst v0  }
0x2e2: {  	[tilespmem:$0x24B0] =	vst v0  }
0x2e3: {  	[tilespmem:$0x24C0] =	vst v0  }
0x2e4: {  	[tilespmem:$0x24D0] =	vst v0  }
0x2e5: {  	[tilespmem:$0x24E0] =	vst v0  }
0x2e6: {  	[tilespmem:$0x24F0] =	vst v0  }
0x2e7: {  	[tilespmem:$0x2500] =	vst v0  }
0x2e8: {  	[tilespmem:$0x2510] =	vst v0  }
0x2e9: {  	[tilespmem:$0x2520] =	vst v0  }
0x2ea: {  	[tilespmem:$0x2530] =	vst v0  }
0x2eb: {  	[tilespmem:$0x2540] =	vst v0  }
0x2ec: {  	[tilespmem:$0x2550] =	vst v0  }
0x2ed: {  	[tilespmem:$0x2560] =	vst v0  }
0x2ee: {  	[tilespmem:$0x2570] =	vst v0  }
0x2ef: {  	[tilespmem:$0x2580] =	vst v0  }
0x2f0: {  	[tilespmem:$0x2590] =	vst v0  }
0x2f1: {  	[tilespmem:$0x25A0] =	vst v0  }
0x2f2: {  	[tilespmem:$0x25B0] =	vst v0  }
0x2f3: {  	[tilespmem:$0x25C0] =	vst v0  }
0x2f4: {  	[tilespmem:$0x25D0] =	vst v0  }
0x2f5: {  	[tilespmem:$0x25E0] =	vst v0  }
0x2f6: {  	[tilespmem:$0x25F0] =	vst v0  }
0x2f7: {  	[tilespmem:$0x2600] =	vst v0;
	v2 =	vld [tilespmem:$0x700]  }
0x2f8: {  	[tilespmem:$0x2610] =	vst v0  }
0x2f9: {  	[tilespmem:$0x2620] =	vst v0;
	v3 =	vld [tilespmem:$0x780]  }
0x2fa: {  	[tilespmem:$0x2630] =	vst v0  }
0x2fb: {  	[tilespmem:$0x2640] =	vst v0  }
0x2fc: {  	[tilespmem:$0x2650] =	vst v0;
	v14 =	vmul.u32 $0x38, v2  }
0x2fd: {  	[tilespmem:$0x2660] =	vst v0  }
0x2fe: {  	[tilespmem:$0x2670] =	vst v0;
	v4 =	vadd.s32 v3, v14  }
0x2ff: {  	[tilespmem:$0x2680] =	vst v0  }
0x300: {  	[tilespmem:$0x2690] =	vst v0  }
0x301: {  	[tilespmem:$0x26A0] =	vst v0;
	vm14 =	veq.s32 v2, v3  }
0x302: {  	[tilespmem:$0x26B0] =	vst v0;
	v2 =	vsel vm14, $0x0, v1  }
0x303: {  	[tilespmem:v4+s15+$0x0] =	vst.idx.add.f32.msk $0xffff, v2  }
0x304: {  	v2 =	vld [tilespmem:$0x710];
	_ =	sdelay $0x1  }
0x305: {  	v3 =	vld [tilespmem:$0x790];
	_ =	sdelay $0x2  }
0x306: {  	v15 =	vmul.u32 $0x38, v2;
	_ =	sdelay $0x1  }
0x307: {  	v4 =	vadd.s32 v3, v15;
	_ =	sdelay $0x2  }
0x308: {  	vm15 =	veq.s32 v2, v3  }
0x309: {  	v2 =	vsel vm15, $0x0, v1  }
0x30a: {  	[tilespmem:v4+s15+$0x0] =	vst.idx.add.f32.msk $0xffff, v2  }
0x30b: {  	v2 =	vld [tilespmem:$0x720];
	_ =	sdelay $0x1  }
0x30c: {  	v3 =	vld [tilespmem:$0x7A0];
	_ =	sdelay $0x2  }
0x30d: {  	v16 =	vmul.u32 $0x38, v2;
	_ =	sdelay $0x1  }
0x30e: {  	v4 =	vadd.s32 v3, v16;
	_ =	sdelay $0x2  }
0x30f: {  	vm4 =	veq.s32 v2, v3  }
0x310: {  	v2 =	vsel vm4, $0x0, v1  }
0x311: {  	[tilespmem:v4+s15+$0x0] =	vst.idx.add.f32.msk $0xffff, v2  }
0x312: {  	v2 =	vld [tilespmem:$0x730];
	_ =	sdelay $0x1  }
0x313: {  	v3 =	vld [tilespmem:$0x7B0];
	_ =	sdelay $0x2  }
0x314: {  	v17 =	vmul.u32 $0x38, v2;
	_ =	sdelay $0x1  }
0x315: {  	v4 =	vadd.s32 v3, v17;
	_ =	sdelay $0x2  }
0x316: {  	vm5 =	veq.s32 v2, v3  }
0x317: {  	v2 =	vsel vm5, $0x0, v1  }
0x318: {  	[tilespmem:v4+s15+$0x0] =	vst.idx.add.f32.msk $0xffff, v2  }
0x319: {  	v2 =	vld [tilespmem:$0x740];
	_ =	sdelay $0x1  }
0x31a: {  	v3 =	vld [tilespmem:$0x7C0];
	_ =	sdelay $0x2  }
0x31b: {  	v18 =	vmul.u32 $0x38, v2;
	_ =	sdelay $0x1  }
0x31c: {  	v4 =	vadd.s32 v3, v18;
	_ =	sdelay $0x2  }
0x31d: {  	vm6 =	veq.s32 v2, v3  }
0x31e: {  	v2 =	vsel vm6, $0x0, v1  }
0x31f: {  	[tilespmem:v4+s15+$0x0] =	vst.idx.add.f32.msk $0xffff, v2  }
0x320: {  	v2 =	vld [tilespmem:$0x750];
	_ =	sdelay $0x1  }
0x321: {  	v3 =	vld [tilespmem:$0x7D0];
	_ =	sdelay $0x2  }
0x322: {  	v19 =	vmul.u32 $0x38, v2;
	_ =	sdelay $0x1  }
0x323: {  	v4 =	vadd.s32 v3, v19;
	_ =	sdelay $0x2  }
0x324: {  	vm7 =	veq.s32 v2, v3  }
0x325: {  	v2 =	vsel vm7, $0x0, v1  }
0x326: {  	[tilespmem:v4+s15+$0x0] =	vst.idx.add.f32.msk $0xffff, v2  }
0x327: {  	v2 =	vld [tilespmem:$0x760];
	_ =	sdelay $0x1  }
0x328: {  	v3 =	vld [tilespmem:$0x7E0];
	_ =	sdelay $0x2  }
0x329: {  	v20 =	vmul.u32 $0x38, v2;
	_ =	sdelay $0x1  }
0x32a: {  	v4 =	vadd.s32 v3, v20;
	_ =	sdelay $0x2  }
0x32b: {  	vm8 =	veq.s32 v2, v3  }
0x32c: {  	v2 =	vsel vm8, $0x0, v1  }
0x32d: {  	[tilespmem:v4+s15+$0x0] =	vst.idx.add.f32.msk $0xffff, v2  }
0x32e: {  	v2 =	vld [tilespmem:$0x770];
	_ =	sdelay $0x1  }
0x32f: {  	v3 =	vld [tilespmem:$0x7F0];
	_ =	sdelay $0x2  }
0x330: {  	v21 =	vmul.u32 $0x38, v2;
	_ =	sdelay $0x1  }
0x331: {  	v4 =	vadd.s32 v3, v21;
	_ =	sdelay $0x2  }
0x332: {  	vm9 =	veq.s32 v2, v3  }
0x333: {  	v2 =	vsel vm9, $0x0, v1  }
0x334: {  	[tilespmem:v4+s15+$0x0] =	vst.idx.add.f32.msk $0xffff, v2  }
0x335: {  	v2 =	vld [tilespmem:$0x800];
	_ =	sdelay $0x1  }
0x336: {  	v3 =	vld [tilespmem:$0x880];
	_ =	sdelay $0x2  }
0x337: {  	v22 =	vmul.u32 $0x38, v2;
	_ =	sdelay $0x1  }
0x338: {  	v4 =	vadd.s32 v3, v22;
	_ =	sdelay $0x2  }
0x339: {  	vm10 =	veq.s32 v2, v3  }
0x33a: {  	v2 =	vsel vm10, $0x0, v1  }
0x33b: {  	[tilespmem:v4+s15+$0x0] =	vst.idx.add.f32.msk $0xffff, v2  }
0x33c: {  	v2 =	vld [tilespmem:$0x810];
	_ =	sdelay $0x1  }
0x33d: {  	v3 =	vld [tilespmem:$0x890];
	_ =	sdelay $0x2  }
0x33e: {  	v23 =	vmul.u32 $0x38, v2;
	_ =	sdelay $0x1  }
0x33f: {  	v4 =	vadd.s32 v3, v23;
	_ =	sdelay $0x2  }
0x340: {  	vm11 =	veq.s32 v2, v3  }
0x341: {  	v2 =	vsel vm11, $0x0, v1  }
0x342: {  	[tilespmem:v4+s15+$0x0] =	vst.idx.add.f32.msk $0xffff, v2  }
0x343: {  	v2 =	vld [tilespmem:$0x820];
	_ =	sdelay $0x1  }
0x344: {  	v3 =	vld [tilespmem:$0x8A0];
	_ =	sdelay $0x2  }
0x345: {  	v24 =	vmul.u32 $0x38, v2;
	_ =	sdelay $0x1  }
0x346: {  	v4 =	vadd.s32 v3, v24;
	_ =	sdelay $0x2  }
0x347: {  	vm12 =	veq.s32 v2, v3  }
0x348: {  	v2 =	vsel vm12, $0x0, v1  }
0x349: {  	[tilespmem:v4+s15+$0x0] =	vst.idx.add.f32.msk $0xffff, v2  }
0x34a: {  	v2 =	vld [tilespmem:$0x830];
	_ =	sdelay $0x1  }
0x34b: {  	v3 =	vld [tilespmem:$0x8B0];
	_ =	sdelay $0x2  }
0x34c: {  	v25 =	vmul.u32 $0x38, v2;
	_ =	sdelay $0x1  }
0x34d: {  	v4 =	vadd.s32 v3, v25;
	_ =	sdelay $0x2  }
0x34e: {  	vm13 =	veq.s32 v2, v3  }
0x34f: {  	v2 =	vsel vm13, $0x0, v1  }
0x350: {  	[tilespmem:v4+s15+$0x0] =	vst.idx.add.f32.msk $0xffff, v2  }
0x351: {  	v2 =	vld [tilespmem:$0x840];
	_ =	sdelay $0x1  }
0x352: {  	v3 =	vld [tilespmem:$0x8C0];
	_ =	sdelay $0x2  }
0x353: {  	v26 =	vmul.u32 $0x38, v2;
	_ =	sdelay $0x1  }
0x354: {  	v4 =	vadd.s32 v3, v26;
	_ =	sdelay $0x2  }
0x355: {  	vm14 =	veq.s32 v2, v3  }
0x356: {  	v2 =	vsel vm14, $0x0, v1  }
0x357: {  	[tilespmem:v4+s15+$0x0] =	vst.idx.add.f32.msk $0xffff, v2  }
0x358: {  	v2 =	vld [tilespmem:$0x850];
	_ =	sdelay $0x1  }
0x359: {  	v3 =	vld [tilespmem:$0x8D0];
	_ =	sdelay $0x2  }
0x35a: {  	v27 =	vmul.u32 $0x38, v2;
	_ =	sdelay $0x1  }
0x35b: {  	v4 =	vadd.s32 v3, v27;
	_ =	sdelay $0x2  }
0x35c: {  	vm15 =	veq.s32 v2, v3  }
0x35d: {  	v2 =	vsel vm15, $0x0, v1  }
0x35e: {  	[tilespmem:v4+s15+$0x0] =	vst.idx.add.f32.msk $0xffff, v2  }
0x35f: {  	v2 =	vld [tilespmem:$0x860];
	_ =	sdelay $0x1  }
0x360: {  	v3 =	vld [tilespmem:$0x8E0];
	_ =	sdelay $0x2  }
0x361: {  	v28 =	vmul.u32 $0x38, v2;
	_ =	sdelay $0x1  }
0x362: {  	v4 =	vadd.s32 v3, v28;
	_ =	sdelay $0x2  }
0x363: {  	vm4 =	veq.s32 v2, v3  }
0x364: {  	v2 =	vsel vm4, $0x0, v1  }
0x365: {  	[tilespmem:v4+s15+$0x0] =	vst.idx.add.f32.msk $0xffff, v2  }
0x366: {  	v2 =	vld [tilespmem:$0x870];
	_ =	sdelay $0x1  }
0x367: {  	v3 =	vld [tilespmem:$0x8F0];
	_ =	sdelay $0x2  }
0x368: {  	v29 =	vmul.u32 $0x38, v2;
	_ =	sdelay $0x1  }
0x369: {  	v4 =	vadd.s32 v3, v29;
	_ =	sdelay $0x2  }
0x36a: {  	vm5 =	veq.s32 v2, v3  }
0x36b: {  	v2 =	vsel vm5, $0x0, v1  }
0x36c: {  	[tilespmem:v4+s15+$0x0] =	vst.idx.add.f32.msk $0xffff, v2  }
0x36d: {  	v2 =	vld [tilespmem:$0x900];
	_ =	sdelay $0x1  }
0x36e: {  	v3 =	vld [tilespmem:$0x980];
	_ =	sdelay $0x2  }
0x36f: {  	v30 =	vmul.u32 $0x38, v2;
	_ =	sdelay $0x1  }
0x370: {  	v4 =	vadd.s32 v3, v30;
	_ =	sdelay $0x2  }
0x371: {  	vm6 =	veq.s32 v2, v3  }
0x372: {  	v2 =	vsel vm6, $0x0, v1  }
0x373: {  	[tilespmem:v4+s15+$0x0] =	vst.idx.add.f32.msk $0xffff, v2  }
0x374: {  	v2 =	vld [tilespmem:$0x910];
	_ =	sdelay $0x1  }
0x375: {  	v3 =	vld [tilespmem:$0x990];
	_ =	sdelay $0x2  }
0x376: {  	v31 =	vmul.u32 $0x38, v2;
	_ =	sdelay $0x1  }
0x377: {  	v4 =	vadd.s32 v3, v31;
	_ =	sdelay $0x2  }
0x378: {  	vm7 =	veq.s32 v2, v3  }
0x379: {  	v2 =	vsel vm7, $0x0, v1  }
0x37a: {  	[tilespmem:v4+s15+$0x0] =	vst.idx.add.f32.msk $0xffff, v2  }
0x37b: {  	v2 =	vld [tilespmem:$0x920];
	_ =	sdelay $0x1  }
0x37c: {  	v3 =	vld [tilespmem:$0x9A0];
	_ =	sdelay $0x2  }
0x37d: {  	v32 =	vmul.u32 $0x38, v2;
	_ =	sdelay $0x1  }
0x37e: {  	v4 =	vadd.s32 v3, v32;
	_ =	sdelay $0x2  }
0x37f: {  	vm8 =	veq.s32 v2, v3  }
0x380: {  	v2 =	vsel vm8, $0x0, v1  }
0x381: {  	[tilespmem:v4+s15+$0x0] =	vst.idx.add.f32.msk $0xffff, v2  }
0x382: {  	v2 =	vld [tilespmem:$0x930];
	_ =	sdelay $0x1  }
0x383: {  	v3 =	vld [tilespmem:$0x9B0];
	_ =	sdelay $0x2  }
0x384: {  	v33 =	vmul.u32 $0x38, v2;
	_ =	sdelay $0x1  }
0x385: {  	v4 =	vadd.s32 v3, v33;
	_ =	sdelay $0x2  }
0x386: {  	vm9 =	veq.s32 v2, v3  }
0x387: {  	v2 =	vsel vm9, $0x0, v1  }
0x388: {  	[tilespmem:v4+s15+$0x0] =	vst.idx.add.f32.msk $0xffff, v2  }
0x389: {  	v2 =	vld [tilespmem:$0x940];
	_ =	sdelay $0x1  }
0x38a: {  	v3 =	vld [tilespmem:$0x9C0];
	_ =	sdelay $0x2  }
0x38b: {  	v34 =	vmul.u32 $0x38, v2;
	_ =	sdelay $0x1  }
0x38c: {  	v4 =	vadd.s32 v3, v34;
	_ =	sdelay $0x2  }
0x38d: {  	vm10 =	veq.s32 v2, v3  }
0x38e: {  	v2 =	vsel vm10, $0x0, v1  }
0x38f: {  	[tilespmem:v4+s15+$0x0] =	vst.idx.add.f32.msk $0xffff, v2  }
0x390: {  	v2 =	vld [tilespmem:$0x950];
	_ =	sdelay $0x1  }
0x391: {  	v3 =	vld [tilespmem:$0x9D0];
	_ =	sdelay $0x2  }
0x392: {  	v35 =	vmul.u32 $0x38, v2;
	_ =	sdelay $0x1  }
0x393: {  	v4 =	vadd.s32 v3, v35;
	_ =	sdelay $0x2  }
0x394: {  	vm11 =	veq.s32 v2, v3  }
0x395: {  	v2 =	vsel vm11, $0x0, v1  }
0x396: {  	[tilespmem:v4+s15+$0x0] =	vst.idx.add.f32.msk $0xffff, v2  }
0x397: {  	v2 =	vld [tilespmem:$0x960];
	_ =	sdelay $0x1  }
0x398: {  	v3 =	vld [tilespmem:$0x9E0];
	_ =	sdelay $0x2  }
0x399: {  	v36 =	vmul.u32 $0x38, v2;
	_ =	sdelay $0x1  }
0x39a: {  	v4 =	vadd.s32 v3, v36;
	_ =	sdelay $0x2  }
0x39b: {  	vm12 =	veq.s32 v2, v3  }
0x39c: {  	v2 =	vsel vm12, $0x0, v1  }
0x39d: {  	[tilespmem:v4+s15+$0x0] =	vst.idx.add.f32.msk $0xffff, v2  }
0x39e: {  	v2 =	vld [tilespmem:$0x970];
	_ =	sdelay $0x1  }
0x39f: {  	v3 =	vld [tilespmem:$0x9F0];
	_ =	sdelay $0x2  }
0x3a0: {  	v37 =	vmul.u32 $0x38, v2;
	_ =	sdelay $0x1  }
0x3a1: {  	v4 =	vadd.s32 v3, v37;
	_ =	sdelay $0x2  }
0x3a2: {  	vm13 =	veq.s32 v2, v3  }
0x3a3: {  	v2 =	vsel vm13, $0x0, v1  }
0x3a4: {  	[tilespmem:v4+s15+$0x0] =	vst.idx.add.f32.msk $0xffff, v2  }
0x3a5: {  	v2 =	vld [tilespmem:$0xA00];
	_ =	sdelay $0x1  }
0x3a6: {  	v3 =	vld [tilespmem:$0xA80];
	_ =	sdelay $0x2  }
0x3a7: {  	v38 =	vmul.u32 $0x38, v2;
	_ =	sdelay $0x1  }
0x3a8: {  	v4 =	vadd.s32 v3, v38;
	_ =	sdelay $0x2  }
0x3a9: {  	vm14 =	veq.s32 v2, v3  }
0x3aa: {  	v2 =	vsel vm14, $0x0, v1  }
0x3ab: {  	[tilespmem:v4+s15+$0x0] =	vst.idx.add.f32.msk $0xffff, v2  }
0x3ac: {  	v2 =	vld [tilespmem:$0xA10];
	_ =	sdelay $0x1  }
0x3ad: {  	v3 =	vld [tilespmem:$0xA90];
	_ =	sdelay $0x2  }
0x3ae: {  	v39 =	vmul.u32 $0x38, v2;
	_ =	sdelay $0x1  }
0x3af: {  	v4 =	vadd.s32 v3, v39;
	_ =	sdelay $0x2  }
0x3b0: {  	vm15 =	veq.s32 v2, v3  }
0x3b1: {  	v2 =	vsel vm15, $0x0, v1  }
0x3b2: {  	[tilespmem:v4+s15+$0x0] =	vst.idx.add.f32.msk $0xffff, v2  }
0x3b3: {  	v2 =	vld [tilespmem:$0xA20];
	_ =	sdelay $0x1  }
0x3b4: {  	v3 =	vld [tilespmem:$0xAA0];
	_ =	sdelay $0x2  }
0x3b5: {  	v40 =	vmul.u32 $0x38, v2;
	_ =	sdelay $0x1  }
0x3b6: {  	v4 =	vadd.s32 v3, v40;
	_ =	sdelay $0x2  }
0x3b7: {  	vm4 =	veq.s32 v2, v3  }
0x3b8: {  	v2 =	vsel vm4, $0x0, v1  }
0x3b9: {  	[tilespmem:v4+s15+$0x0] =	vst.idx.add.f32.msk $0xffff, v2  }
0x3ba: {  	v2 =	vld [tilespmem:$0xA30];
	_ =	sdelay $0x1  }
0x3bb: {  	v3 =	vld [tilespmem:$0xAB0];
	_ =	sdelay $0x2  }
0x3bc: {  	v41 =	vmul.u32 $0x38, v2;
	_ =	sdelay $0x1  }
0x3bd: {  	v4 =	vadd.s32 v3, v41;
	_ =	sdelay $0x2  }
0x3be: {  	vm5 =	veq.s32 v2, v3  }
0x3bf: {  	v2 =	vsel vm5, $0x0, v1  }
0x3c0: {  	[tilespmem:v4+s15+$0x0] =	vst.idx.add.f32.msk $0xffff, v2  }
0x3c1: {  	v2 =	vld [tilespmem:$0xA40];
	_ =	sdelay $0x1  }
0x3c2: {  	v3 =	vld [tilespmem:$0xAC0];
	_ =	sdelay $0x2  }
0x3c3: {  	v42 =	vmul.u32 $0x38, v2;
	_ =	sdelay $0x1  }
0x3c4: {  	v4 =	vadd.s32 v3, v42;
	_ =	sdelay $0x2  }
0x3c5: {  	vm6 =	veq.s32 v2, v3  }
0x3c6: {  	v2 =	vsel vm6, $0x0, v1  }
0x3c7: {  	[tilespmem:v4+s15+$0x0] =	vst.idx.add.f32.msk $0xffff, v2  }
0x3c8: {  	v2 =	vld [tilespmem:$0xA50];
	_ =	sdelay $0x1  }
0x3c9: {  	v3 =	vld [tilespmem:$0xAD0];
	_ =	sdelay $0x2  }
0x3ca: {  	v43 =	vmul.u32 $0x38, v2;
	_ =	sdelay $0x1  }
0x3cb: {  	v4 =	vadd.s32 v3, v43;
	_ =	sdelay $0x2  }
0x3cc: {  	vm7 =	veq.s32 v2, v3  }
0x3cd: {  	v2 =	vsel vm7, $0x0, v1  }
0x3ce: {  	[tilespmem:v4+s15+$0x0] =	vst.idx.add.f32.msk $0xffff, v2  }
0x3cf: {  	v2 =	vld [tilespmem:$0xA60];
	_ =	sdelay $0x1  }
0x3d0: {  	v3 =	vld [tilespmem:$0xAE0];
	_ =	sdelay $0x2  }
0x3d1: {  	v44 =	vmul.u32 $0x38, v2;
	_ =	sdelay $0x1  }
0x3d2: {  	v4 =	vadd.s32 v3, v44;
	_ =	sdelay $0x2  }
0x3d3: {  	vm8 =	veq.s32 v2, v3  }
0x3d4: {  	v2 =	vsel vm8, $0x0, v1  }
0x3d5: {  	[tilespmem:v4+s15+$0x0] =	vst.idx.add.f32.msk $0xffff, v2  }
0x3d6: {  	v2 =	vld [tilespmem:$0xA70];
	_ =	sdelay $0x1  }
0x3d7: {  	v3 =	vld [tilespmem:$0xAF0];
	_ =	sdelay $0x2  }
0x3d8: {  	v45 =	vmul.u32 $0x38, v2;
	_ =	sdelay $0x1  }
0x3d9: {  	v4 =	vadd.s32 v3, v45;
	_ =	sdelay $0x2  }
0x3da: {  	vm9 =	veq.s32 v2, v3  }
0x3db: {  	v2 =	vsel vm9, $0x0, v1  }
0x3dc: {  	[tilespmem:v4+s15+$0x0] =	vst.idx.add.f32.msk $0xffff, v2  }
0x3dd: {  	v2 =	vld [tilespmem:$0xB00];
	_ =	sdelay $0x1  }
0x3de: {  	v3 =	vld [tilespmem:$0xB80];
	_ =	sdelay $0x2  }
0x3df: {  	v46 =	vmul.u32 $0x38, v2;
	_ =	sdelay $0x1  }
0x3e0: {  	v4 =	vadd.s32 v3, v46;
	_ =	sdelay $0x2  }
0x3e1: {  	vm10 =	veq.s32 v2, v3  }
0x3e2: {  	v2 =	vsel vm10, $0x0, v1  }
0x3e3: {  	[tilespmem:v4+s15+$0x0] =	vst.idx.add.f32.msk $0xffff, v2  }
0x3e4: {  	v2 =	vld [tilespmem:$0xB10];
	_ =	sdelay $0x1  }
0x3e5: {  	v3 =	vld [tilespmem:$0xB90];
	_ =	sdelay $0x2  }
0x3e6: {  	v47 =	vmul.u32 $0x38, v2;
	_ =	sdelay $0x1  }
0x3e7: {  	v4 =	vadd.s32 v3, v47;
	_ =	sdelay $0x2  }
0x3e8: {  	vm11 =	veq.s32 v2, v3  }
0x3e9: {  	v2 =	vsel vm11, $0x0, v1  }
0x3ea: {  	[tilespmem:v4+s15+$0x0] =	vst.idx.add.f32.msk $0xffff, v2  }
0x3eb: {  	v2 =	vld [tilespmem:$0xB20];
	_ =	sdelay $0x1  }
0x3ec: {  	v3 =	vld [tilespmem:$0xBA0];
	_ =	sdelay $0x2  }
0x3ed: {  	v48 =	vmul.u32 $0x38, v2;
	_ =	sdelay $0x1  }
0x3ee: {  	v4 =	vadd.s32 v3, v48;
	_ =	sdelay $0x2  }
0x3ef: {  	vm12 =	veq.s32 v2, v3  }
0x3f0: {  	v2 =	vsel vm12, $0x0, v1  }
0x3f1: {  	[tilespmem:v4+s15+$0x0] =	vst.idx.add.f32.msk $0xffff, v2  }
0x3f2: {  	v2 =	vld [tilespmem:$0xB30];
	_ =	sdelay $0x1  }
0x3f3: {  	v3 =	vld [tilespmem:$0xBB0];
	_ =	sdelay $0x2  }
0x3f4: {  	v49 =	vmul.u32 $0x38, v2;
	_ =	sdelay $0x1  }
0x3f5: {  	v4 =	vadd.s32 v3, v49;
	_ =	sdelay $0x2  }
0x3f6: {  	vm13 =	veq.s32 v2, v3  }
0x3f7: {  	v2 =	vsel vm13, $0x0, v1  }
0x3f8: {  	[tilespmem:v4+s15+$0x0] =	vst.idx.add.f32.msk $0xffff, v2  }
0x3f9: {  	v2 =	vld [tilespmem:$0xB40];
	_ =	sdelay $0x1  }
0x3fa: {  	v3 =	vld [tilespmem:$0xBC0];
	_ =	sdelay $0x2  }
0x3fb: {  	v50 =	vmul.u32 $0x38, v2;
	_ =	sdelay $0x1  }
0x3fc: {  	v4 =	vadd.s32 v3, v50;
	_ =	sdelay $0x2  }
0x3fd: {  	vm14 =	veq.s32 v2, v3  }
0x3fe: {  	v2 =	vsel vm14, $0x0, v1  }
0x3ff: {  	[tilespmem:v4+s15+$0x0] =	vst.idx.add.f32.msk $0xffff, v2  }
0x400: {  	v2 =	vld [tilespmem:$0xB50];
	_ =	sdelay $0x1  }
0x401: {  	v3 =	vld [tilespmem:$0xBD0];
	_ =	sdelay $0x2  }
0x402: {  	v51 =	vmul.u32 $0x38, v2;
	_ =	sdelay $0x1  }
0x403: {  	v4 =	vadd.s32 v3, v51;
	_ =	sdelay $0x2  }
0x404: {  	vm15 =	veq.s32 v2, v3  }
0x405: {  	v2 =	vsel vm15, $0x0, v1  }
0x406: {  	[tilespmem:v4+s15+$0x0] =	vst.idx.add.f32.msk $0xffff, v2  }
0x407: {  	v2 =	vld [tilespmem:$0xB60];
	_ =	sdelay $0x1  }
0x408: {  	v3 =	vld [tilespmem:$0xBE0];
	_ =	sdelay $0x2  }
0x409: {  	v52 =	vmul.u32 $0x38, v2;
	_ =	sdelay $0x1  }
0x40a: {  	v4 =	vadd.s32 v3, v52;
	_ =	sdelay $0x2  }
0x40b: {  	vm4 =	veq.s32 v2, v3  }
0x40c: {  	v2 =	vsel vm4, $0x0, v1  }
0x40d: {  	[tilespmem:v4+s15+$0x0] =	vst.idx.add.f32.msk $0xffff, v2  }
0x40e: {  	v2 =	vld [tilespmem:$0xB70];
	_ =	sdelay $0x1  }
0x40f: {  	v3 =	vld [tilespmem:$0xBF0];
	_ =	sdelay $0x2  }
0x410: {  	v53 =	vmul.u32 $0x38, v2;
	_ =	sdelay $0x1  }
0x411: {  	v4 =	vadd.s32 v3, v53;
	_ =	sdelay $0x2  }
0x412: {  	vm5 =	veq.s32 v2, v3  }
0x413: {  	v2 =	vsel vm5, $0x0, v1  }
0x414: {  	[tilespmem:v4+s15+$0x0] =	vst.idx.add.f32.msk $0xffff, v2  }
0x415: {  	v2 =	vld [tilespmem:$0xC00];
	_ =	sdelay $0x1  }
0x416: {  	v3 =	vld [tilespmem:$0xC80];
	_ =	sdelay $0x2  }
0x417: {  	v54 =	vmul.u32 $0x38, v2;
	_ =	sdelay $0x1  }
0x418: {  	v4 =	vadd.s32 v3, v54;
	_ =	sdelay $0x2  }
0x419: {  	vm6 =	veq.s32 v2, v3  }
0x41a: {  	v2 =	vsel vm6, $0x0, v1  }
0x41b: {  	[tilespmem:v4+s15+$0x0] =	vst.idx.add.f32.msk $0xffff, v2  }
0x41c: {  	v2 =	vld [tilespmem:$0xC10];
	_ =	sdelay $0x1  }
0x41d: {  	v3 =	vld [tilespmem:$0xC90];
	_ =	sdelay $0x2  }
0x41e: {  	v55 =	vmul.u32 $0x38, v2;
	_ =	sdelay $0x1  }
0x41f: {  	v4 =	vadd.s32 v3, v55;
	_ =	sdelay $0x2  }
0x420: {  	vm7 =	veq.s32 v2, v3  }
0x421: {  	v2 =	vsel vm7, $0x0, v1  }
0x422: {  	[tilespmem:v4+s15+$0x0] =	vst.idx.add.f32.msk $0xffff, v2  }
0x423: {  	v2 =	vld [tilespmem:$0xC20];
	_ =	sdelay $0x1  }
0x424: {  	v3 =	vld [tilespmem:$0xCA0];
	_ =	sdelay $0x2  }
0x425: {  	v56 =	vmul.u32 $0x38, v2;
	_ =	sdelay $0x1  }
0x426: {  	v4 =	vadd.s32 v3, v56;
	_ =	sdelay $0x2  }
0x427: {  	vm8 =	veq.s32 v2, v3  }
0x428: {  	v2 =	vsel vm8, $0x0, v1  }
0x429: {  	[tilespmem:v4+s15+$0x0] =	vst.idx.add.f32.msk $0xffff, v2  }
0x42a: {  	v2 =	vld [tilespmem:$0xC30];
	_ =	sdelay $0x1  }
0x42b: {  	v3 =	vld [tilespmem:$0xCB0];
	_ =	sdelay $0x2  }
0x42c: {  	v57 =	vmul.u32 $0x38, v2;
	_ =	sdelay $0x1  }
0x42d: {  	v4 =	vadd.s32 v3, v57;
	_ =	sdelay $0x2  }
0x42e: {  	vm9 =	veq.s32 v2, v3  }
0x42f: {  	v2 =	vsel vm9, $0x0, v1  }
0x430: {  	[tilespmem:v4+s15+$0x0] =	vst.idx.add.f32.msk $0xffff, v2  }
0x431: {  	v2 =	vld [tilespmem:$0xC40];
	_ =	sdelay $0x1  }
0x432: {  	v3 =	vld [tilespmem:$0xCC0];
	_ =	sdelay $0x2  }
0x433: {  	v58 =	vmul.u32 $0x38, v2;
	_ =	sdelay $0x1  }
0x434: {  	v4 =	vadd.s32 v3, v58;
	_ =	sdelay $0x2  }
0x435: {  	vm10 =	veq.s32 v2, v3  }
0x436: {  	v2 =	vsel vm10, $0x0, v1  }
0x437: {  	[tilespmem:v4+s15+$0x0] =	vst.idx.add.f32.msk $0xffff, v2  }
0x438: {  	v2 =	vld [tilespmem:$0xC50];
	_ =	sdelay $0x1  }
0x439: {  	v3 =	vld [tilespmem:$0xCD0];
	_ =	sdelay $0x2  }
0x43a: {  	v59 =	vmul.u32 $0x38, v2;
	_ =	sdelay $0x1  }
0x43b: {  	v4 =	vadd.s32 v3, v59;
	_ =	sdelay $0x2  }
0x43c: {  	vm11 =	veq.s32 v2, v3  }
0x43d: {  	v2 =	vsel vm11, $0x0, v1  }
0x43e: {  	[tilespmem:v4+s15+$0x0] =	vst.idx.add.f32.msk $0xffff, v2  }
0x43f: {  	v2 =	vld [tilespmem:$0xC60];
	_ =	sdelay $0x1  }
0x440: {  	v3 =	vld [tilespmem:$0xCE0];
	_ =	sdelay $0x2  }
0x441: {  	v60 =	vmul.u32 $0x38, v2;
	_ =	sdelay $0x1  }
0x442: {  	v4 =	vadd.s32 v3, v60;
	_ =	sdelay $0x2  }
0x443: {  	vm12 =	veq.s32 v2, v3  }
0x444: {  	v2 =	vsel vm12, $0x0, v1  }
0x445: {  	[tilespmem:v4+s15+$0x0] =	vst.idx.add.f32.msk $0xffff, v2  }
0x446: {  	v2 =	vld [tilespmem:$0xC70];
	_ =	sdelay $0x1  }
0x447: {  	v3 =	vld [tilespmem:$0xCF0];
	_ =	sdelay $0x2  }
0x448: {  	v61 =	vmul.u32 $0x38, v2;
	_ =	sdelay $0x1  }
0x449: {  	v4 =	vadd.s32 v3, v61;
	_ =	sdelay $0x2  }
0x44a: {  	vm13 =	veq.s32 v2, v3  }
0x44b: {  	v2 =	vsel vm13, $0x0, v1  }
0x44c: {  	[tilespmem:v4+s15+$0x0] =	vst.idx.add.f32.msk $0xffff, v2  }
0x44d: {  	v2 =	vld [tilespmem:$0xD00];
	_ =	sdelay $0x1  }
0x44e: {  	v3 =	vld [tilespmem:$0xD80];
	_ =	sdelay $0x2  }
0x44f: {  	v62 =	vmul.u32 $0x38, v2;
	_ =	sdelay $0x1  }
0x450: {  	v4 =	vadd.s32 v3, v62;
	_ =	sdelay $0x2  }
0x451: {  	vm14 =	veq.s32 v2, v3  }
0x452: {  	v2 =	vsel vm14, $0x0, v1  }
0x453: {  	[tilespmem:v4+s15+$0x0] =	vst.idx.add.f32.msk $0xffff, v2  }
0x454: {  	v2 =	vld [tilespmem:$0xD10];
	_ =	sdelay $0x1  }
0x455: {  	v3 =	vld [tilespmem:$0xD90];
	_ =	sdelay $0x2  }
0x456: {  	v63 =	vmul.u32 $0x38, v2;
	_ =	sdelay $0x1  }
0x457: {  	s21 =	sadd.s32 $0x100, s21;
	v4 =	vadd.s32 v3, v63  }
0x458: {  	s23 =	sadd.s32 $0x80, s23;
	p0 =	sne.s32 s21, $0x1300  }
.Ltmp0:
0x459: {  	s23 =	sand.u32 $0x380, s23;
	(pc) =	sbr.rel @p0 .LBB2_2-.Ltmp0, $4  }
0x45a: {  	s22 =	sor.u32 s22, s23;
	vm15 =	veq.s32 v2, v3  }
0x45b: {  	s22 =	sshrl.u32 s22, $0x3;
	v2 =	vsel vm15, $0x0, v1  }
0x45c: {  	s22 =	sadd.s32 s3, s22;
	s19 =	sadd.s32 $0x1C0, s19;
	[tilespmem:v4+s15+$0x0] =	vst.idx.add.f32.msk $0xffff, v2  }
0x45d: {  	[hbm4b:s22+s13] =	stream.strided.scatter [tilespmem:s15], [sflag:$0x3], $0xC80, s14, s13, $0x38;
	[tilespmem:$0x2700] =	vst v63  }
0x45e: {  	s18 =	sadd.s32 $0x1, s18  }
0x45f: {  	_ =	swait.ge [sflag:s16], $0xC80;
	p0 =	sne.s32 s18, s6  }
.Ltmp1:
0x460: {  	[sflag:s16] =	ssyncset.done $0x0;
	(pc) =	sbr.rel @p0 .LBB2_1-.Ltmp1, $4  }
0x461: {  	[sflag:s16] =	ssyncadd.s32 $0xFFFFF380  }
0x462: {  	_ =	swait.ge [sflag:s17], $0xC80  }
0x463: {  	[sflag:s17] =	ssyncset.done $0x0  }
0x464: {  	[sflag:s17] =	ssyncadd.s32 $0xFFFFF380  }
0x465: {  	_ =	sfence.sel $0x180000  }
0x466: {  	[bflag:$0x0] =	sbarrier.arrive $0xFFFF  }
0x467: {  	p0 =	sne.s32 s0, $0x0;
	_ =	strace $0x90000047  }
0x468: {  	s0 =	sadd.s32 @!p0 $0x100000, s1;
	[bflag:$0x2] =	sbarrier.arrive $0xFFFF  }
0x469: {  	[sflag:s0] =	ssyncadd.tile.s32 @!p0 $0x1;
	_ =	shalt  }
.Lfunc_end2:
_tile_overlayer_lowered:
.L_overlay_start_2:
0x46a: {  	(tag) =	ssettag $0x2  }
0x46b: {  	s0 =	rddreg [dreg:$0x0];
	s2 =	stileid.u32  }
0x46c: {  	s1 =	rddreg [dreg:$0x1];
	p0 =	sne.s32 s2, $0x0  }
0x46d: {  	s3 =	rddreg [dreg:$0x2];
	[bflag:$0x3] =	sbarrier.arrive $0xFFFF;
	s2 =	simm.s32 @!p0 $0x1C04  }
0x46e: {  	[timem:s3], [sflag:s2] =	dma.local @!p0 [hbm:s0], s1  }
0x46f: {  	s0 =	simm.s32 @!p0 $0x4  }
0x470: {  	_ =	swait.ge @!p0 [sflag:s0], s1  }
0x471: {  	s1 =	ssub.s32 @!p0 $0x0, s1;
	[sflag:s0] =	ssyncset.done @!p0 $0x0  }
0x472: {  	[sflag:s0] =	ssyncadd.s32 @!p0 s1  }
0x473: {  	[bflag:$0x3] =	sbarrier.arrive $0xFFFF  }
0x474: {  	_ =	shalt  }

</sc_bundles>
